<compile_context>
chip_gen: v7x
topology: tpu7x:2x2x1
jax: 0.10.2.dev20260603
libtpu: 0.0.44.dev20260713+nightly
codegen_flags: <defaults>
</compile_context>

<pallas_src>
import jax
import jax.numpy as jnp
from jax import lax
from jax.experimental import pallas as pl
from jax.experimental.pallas import tpu as pltpu
from jax.experimental.pallas import tpu_sc as plsc

N_NODES = 10000
D_FEAT = 128
N_CORES = 2
N_SUBCORES = 16
N_TILES = N_CORES * N_SUBCORES
N_PAD = 10240
CHUNK = 128
EDGES_PER_TILE = 10240
N_CHUNKS = EDGES_PER_TILE // CHUNK
E_PAD = N_TILES * EDGES_PER_TILE
ROWS_PER_TILE = N_PAD // N_SUBCORES
SPLIT = 4


def _make_sc_agg(with_deg: bool):
    mesh = plsc.VectorSubcoreMesh(core_axis_name="c", subcore_axis_name="s")
    out_type = [jax.ShapeDtypeStruct((N_CORES, N_PAD, D_FEAT), jnp.float32)]
    scratch = [
        pltpu.VMEM_SHARED((N_PAD, D_FEAT), jnp.float32),
        pltpu.VMEM((N_CHUNKS // 2, CHUNK), jnp.int32),
        pltpu.VMEM((N_CHUNKS // 2, CHUNK), jnp.int32),
        pltpu.VMEM((CHUNK, D_FEAT), jnp.float32),
        pltpu.VMEM((CHUNK, D_FEAT), jnp.float32),
        pltpu.SemaphoreType.DMA,
        pltpu.SemaphoreType.DMA,
        pltpu.SemaphoreType.DMA,
        pltpu.SemaphoreType.DMA,
        pltpu.SemaphoreType.DMA,
    ]
    if with_deg:
        out_type.append(jax.ShapeDtypeStruct((N_CORES, N_PAD), jnp.float32))
        scratch += [
            pltpu.VMEM_SHARED((N_PAD,), jnp.float32),
            pltpu.VMEM((CHUNK,), jnp.float32),
        ]

    def body(x_hbm, srcp, dstp, z2, z1, ones_hbm, *refs):
        if with_deg:
            (agg_out, deg_out, agg_sh, sidx, didx, rows0, rows1, sem0, sem1,
             ssem0, ssem1, dsem, deg_sh, ones_v) = refs
        else:
            (agg_out, agg_sh, sidx, didx, rows0, rows1, sem0, sem1,
             ssem0, ssem1, dsem) = refs
        rows = (rows0, rows1)
        sems = (sem0, sem1)
        ssems = (ssem0, ssem1)
        c = lax.axis_index("c")
        s = lax.axis_index("s")
        wid = c * N_SUBCORES + s
        row0 = s * ROWS_PER_TILE

        pltpu.sync_copy(z2.at[pl.ds(row0, ROWS_PER_TILE)],
                        agg_sh.at[pl.ds(row0, ROWS_PER_TILE)])
        if with_deg:
            pltpu.sync_copy(z1.at[pl.ds(row0, ROWS_PER_TILE)],
                            deg_sh.at[pl.ds(row0, ROWS_PER_TILE)])
            pltpu.sync_copy(ones_hbm, ones_v)
        plsc.subcore_barrier()

        hc = N_CHUNKS // 2
        for half in range(2):
            pltpu.sync_copy(srcp.at[wid].at[pl.ds(half * hc, hc)], sidx)
            pltpu.sync_copy(dstp.at[wid].at[pl.ds(half * hc, hc)], didx)

            def start_gather(idx, b):
                for k in range(SPLIT):
                    sub = pl.ds(k * (CHUNK // SPLIT), CHUNK // SPLIT)
                    pltpu.async_copy(x_hbm.at[sidx.at[idx].at[sub]],
                                     rows[b].at[sub], sems[b])

            def wait_gather(idx, b):
                for k in range(SPLIT):
                    sub = pl.ds(k * (CHUNK // SPLIT), CHUNK // SPLIT)
                    pltpu.make_async_copy(x_hbm.at[sidx.at[idx].at[sub]],
                                          rows[b].at[sub], sems[b]).wait()

            start_gather(0, 0)
            start_gather(1, 1)

            def chunk_step(i, carry):
                for b in range(2):
                    idx = i * 2 + b
                    wait_gather(idx, b)
                    pltpu.async_copy(rows[b], agg_sh.at[didx.at[idx]],
                                     ssems[b], add=True)
                    if with_deg:
                        pltpu.async_copy(ones_v, deg_sh.at[didx.at[idx]],
                                         dsem, add=True)

                    @pl.when(idx + 2 < hc)
                    def _():
                        pltpu.make_async_copy(rows[b],
                                              agg_sh.at[didx.at[idx]],
                                              ssems[b]).wait()
                        start_gather(idx + 2, b)
                return carry

            lax.fori_loop(0, hc // 2, chunk_step, 0)
            for b in range(2):
                pltpu.make_async_copy(rows[b], agg_sh.at[didx.at[hc - 2 + b]],
                                      ssems[b]).wait()
            if with_deg:
                def deg_drain(i, carry):
                    pltpu.make_async_copy(ones_v, deg_sh.at[didx.at[i]],
                                          dsem).wait()
                    return carry
                lax.fori_loop(0, hc, deg_drain, 0)
        plsc.subcore_barrier()

        pltpu.sync_copy(agg_sh.at[pl.ds(row0, ROWS_PER_TILE)],
                        agg_out.at[c].at[pl.ds(row0, ROWS_PER_TILE)])
        if with_deg:
            pltpu.sync_copy(deg_sh.at[pl.ds(row0, ROWS_PER_TILE)],
                            deg_out.at[c].at[pl.ds(row0, ROWS_PER_TILE)])

    return pl.kernel(body, out_type=out_type, mesh=mesh,
                     scratch_types=scratch)


_sc_agg_deg = _make_sc_agg(True)
_sc_agg = _make_sc_agg(False)

BM = 2000


def _tc_layer1(x, aggp, degp3, w_self, w_neigh, b):
    def body(x_r, a_r, d_r, ws_r, wn_r, b_r, o_r):
        deg = d_r[0] + d_r[1]
        dinv = 1.0 / jnp.maximum(deg, 1.0)
        agg = (a_r[0] + a_r[1]) * dinv
        h = (jnp.dot(x_r[...], ws_r[...], preferred_element_type=jnp.float32)
             + jnp.dot(agg, wn_r[...], preferred_element_type=jnp.float32)
             + b_r[...])
        o_r[...] = jnp.maximum(h, 0.0)

    return pl.pallas_call(
        body,
        grid=(N_NODES // BM,),
        in_specs=[
            pl.BlockSpec((BM, D_FEAT), lambda i: (i, 0)),
            pl.BlockSpec((N_CORES, BM, D_FEAT), lambda i: (0, i, 0)),
            pl.BlockSpec((N_CORES, BM, 1), lambda i: (0, i, 0)),
            pl.BlockSpec((D_FEAT, D_FEAT), lambda i: (0, 0)),
            pl.BlockSpec((D_FEAT, D_FEAT), lambda i: (0, 0)),
            pl.BlockSpec((1, D_FEAT), lambda i: (0, 0)),
        ],
        out_specs=pl.BlockSpec((BM, D_FEAT), lambda i: (i, 0)),
        out_shape=jax.ShapeDtypeStruct((N_NODES, D_FEAT), jnp.float32),
    )(x, aggp, degp3, w_self, w_neigh, b)


def _tc_layer2_out(h1, aggp, degp3, w_self, w_neigh, b, w_out, b_out):
    def body(x_r, a_r, d_r, ws_r, wn_r, b_r, wo_r, bo_r, o_r):
        deg = d_r[0] + d_r[1]
        dinv = 1.0 / jnp.maximum(deg, 1.0)
        agg = (a_r[0] + a_r[1]) * dinv
        h = (jnp.dot(x_r[...], ws_r[...], preferred_element_type=jnp.float32)
             + jnp.dot(agg, wn_r[...], preferred_element_type=jnp.float32)
             + b_r[...])
        h = jnp.maximum(h, 0.0)
        o_r[...] = (jnp.dot(h, wo_r[...], preferred_element_type=jnp.float32)
                    + bo_r[...])

    c = w_out.shape[1]
    return pl.pallas_call(
        body,
        grid=(N_NODES // BM,),
        in_specs=[
            pl.BlockSpec((BM, D_FEAT), lambda i: (i, 0)),
            pl.BlockSpec((N_CORES, BM, D_FEAT), lambda i: (0, i, 0)),
            pl.BlockSpec((N_CORES, BM, 1), lambda i: (0, i, 0)),
            pl.BlockSpec((D_FEAT, D_FEAT), lambda i: (0, 0)),
            pl.BlockSpec((D_FEAT, D_FEAT), lambda i: (0, 0)),
            pl.BlockSpec((1, D_FEAT), lambda i: (0, 0)),
            pl.BlockSpec((D_FEAT, c), lambda i: (0, 0)),
            pl.BlockSpec((1, c), lambda i: (0, 0)),
        ],
        out_specs=pl.BlockSpec((BM, c), lambda i: (i, 0)),
        out_shape=jax.ShapeDtypeStruct((N_NODES, c), jnp.float32),
    )(h1, aggp, degp3, w_self, w_neigh, b, w_out, b_out)


def kernel(features, edge_index, W_self1, W_neigh1, b1,
           W_self2, W_neigh2, b2, W_out, b_out):
    src = edge_index[0]
    dst = edge_index[1]
    e = src.shape[0]
    pad = E_PAD - e
    srcp = jnp.concatenate(
        [src, jnp.zeros((pad,), jnp.int32)]).reshape(
            N_TILES, N_CHUNKS, CHUNK)
    dstp = jnp.concatenate(
        [dst, N_NODES + (jnp.arange(pad, dtype=jnp.int32)
                         % (N_PAD - N_NODES))]).reshape(
            N_TILES, N_CHUNKS, CHUNK)
    z2 = jnp.zeros((N_PAD, D_FEAT), jnp.float32)
    z1 = jnp.zeros((N_PAD,), jnp.float32)
    ones = jnp.ones((CHUNK,), jnp.float32)

    agg1p, degp = _sc_agg_deg(features, srcp, dstp, z2, z1, ones)
    degp3 = degp[:, :N_NODES, None]
    b1r = b1.reshape(1, -1)
    h1 = _tc_layer1(features, agg1p[:, :N_NODES], degp3, W_self1, W_neigh1,
                    b1r)

    (agg2p,) = _sc_agg(h1, srcp, dstp, z2, z1, ones)
    out = _tc_layer2_out(h1, agg2p[:, :N_NODES], degp3, W_self2, W_neigh2,
                         b2.reshape(1, -1), W_out, b_out.reshape(1, -1))
    return out

# --- scband reference (transcript-rebuilt; emitter-appended) ---
"""Pipeline reference for scband-graph-sage-25864293056532 (READ-ONLY COPY).

The authoritative reference and input builder live on the scoring server;
editing this copy changes nothing except your own understanding.
"""

import jax, jax.numpy as jnp
import numpy as np

N = 10000
E = 320000
D = 128
H = 128
C = 64


def setup_inputs(seed: int = 0) -> dict:
    key = jax.random.key(seed)
    ks = jax.random.split(key, 12)
    features = jax.random.normal(ks[0], (N, D), dtype=jnp.float32)
    edge_index = jax.random.randint(ks[1], (2, E), 0, N, dtype=jnp.int32)
    s = 1.0 / np.sqrt(D)
    sh = 1.0 / np.sqrt(H)
    W_self1 = jax.random.normal(ks[2], (D, H), dtype=jnp.float32) * s
    W_neigh1 = jax.random.normal(ks[3], (D, H), dtype=jnp.float32) * s
    b1 = jnp.zeros((H,), dtype=jnp.float32)
    W_self2 = jax.random.normal(ks[4], (H, H), dtype=jnp.float32) * sh
    W_neigh2 = jax.random.normal(ks[5], (H, H), dtype=jnp.float32) * sh
    b2 = jnp.zeros((H,), dtype=jnp.float32)
    W_out = jax.random.normal(ks[6], (H, C), dtype=jnp.float32) * sh
    b_out = jnp.zeros((C,), dtype=jnp.float32)
    return {
        'features': features, 'edge_index': edge_index,
        'W_self1': W_self1, 'W_neigh1': W_neigh1, 'b1': b1,
        'W_self2': W_self2, 'W_neigh2': W_neigh2, 'b2': b2,
        'W_out': W_out, 'b_out': b_out,
    }


def _sage_layer(x, src, dst, deg_inv, W_self, W_neigh, b):
    # DGL SAGEConv with mean aggregator:
    # h_neigh = fc_neigh(mean_{u in N(v)} x_u); rst = fc_self(x_v) + h_neigh + bias
    msg = x[src]
    agg = jnp.zeros((N, x.shape[1]), dtype=x.dtype).at[dst].add(msg)
    agg = agg * deg_inv
    h = x @ W_self + agg @ W_neigh + b
    return jax.nn.relu(h)


def reference(features, edge_index, W_self1, W_neigh1, b1, W_self2, W_neigh2, b2, W_out, b_out):
    src = edge_index[0]
    dst = edge_index[1]
    deg = jnp.zeros((N,), dtype=jnp.float32).at[dst].add(1.0)
    deg_inv = (1.0 / jnp.maximum(deg, 1.0))[:, None]
    h = _sage_layer(features, src, dst, deg_inv, W_self1, W_neigh1, b1)
    h = _sage_layer(h, src, dst, deg_inv, W_self2, W_neigh2, b2)
    out = h @ W_out + b_out
    return out

if __name__ == "__main__":
    import jax
    _d = setup_inputs()
    print(jax.jit(kernel)(*tuple(_d.values())))

</pallas_src>

<mosaic_0001>
#map = affine_map<(d0, d1) -> (0, 0)>
#map1 = affine_map<(d0, d1) -> (0, 0, 0)>
#map2 = affine_map<(d0, d1) -> (0)>
module attributes {stable_mosaic.version = 14 : i64} {
  func.func @body(%arg0: i32, %arg1: i32, %arg2: memref<10000x128xf32, #tpu.memory_space<hbm>>, %arg3: memref<32x80x128xi32, #tpu.memory_space<hbm>>, %arg4: memref<32x80x128xi32, #tpu.memory_space<hbm>>, %arg5: memref<10240x128xf32, #tpu.memory_space<hbm>>, %arg6: memref<10240xf32, #tpu.memory_space<hbm>>, %arg7: memref<128xf32, #tpu.memory_space<hbm>>, %arg8: memref<2x10240x128xf32, #tpu.memory_space<hbm>>, %arg9: memref<2x10240xf32, #tpu.memory_space<hbm>>, %arg10: memref<10240x128xf32, #tpu.memory_space<vmem_shared>>, %arg11: memref<40x128xi32, #tpu.memory_space<vmem>>, %arg12: memref<40x128xi32, #tpu.memory_space<vmem>>, %arg13: memref<128x128xf32, #tpu.memory_space<vmem>>, %arg14: memref<128x128xf32, #tpu.memory_space<vmem>>, %arg15: memref<!tpu.dma_semaphore, #tpu.memory_space<semaphore_mem>>, %arg16: memref<!tpu.dma_semaphore, #tpu.memory_space<semaphore_mem>>, %arg17: memref<!tpu.dma_semaphore, #tpu.memory_space<semaphore_mem>>, %arg18: memref<!tpu.dma_semaphore, #tpu.memory_space<semaphore_mem>>, %arg19: memref<!tpu.dma_semaphore, #tpu.memory_space<semaphore_mem>>, %arg20: memref<10240xf32, #tpu.memory_space<vmem_shared>>, %arg21: memref<128xf32, #tpu.memory_space<vmem>>) attributes {dimension_semantics = [#tpu.dimension_semantics<core_parallel>, #tpu.dimension_semantics<subcore_parallel>], iteration_bounds = array<i64: 2, 16>, scalar_prefetch = 0 : i64, scratch_operands = 12 : i64, tpu.core_type = #tpu.core_type<sc_vector_subcore>, window_params = [{transform_indices = #map}, {transform_indices = #map1}, {transform_indices = #map1}, {transform_indices = #map}, {transform_indices = #map2}, {transform_indices = #map2}, {transform_indices = #map1}, {transform_indices = #map}]} {
    %mul3A = arith.constant 16 : i32
    %mul3A_0 = arith.muli %arg0, %mul3A : i32
    %add3A = arith.addi %mul3A_0, %arg1 : i32
    %mul3A_1 = arith.constant 640 : i32
    %mul3A_2 = arith.muli %arg1, %mul3A_1 : i32
    "tpu.region"() ({
      %run_scoped3A = tpu.sem_alloc : memref<!tpu.dma_semaphore, #tpu.memory_space<semaphore_mem>>
      %dma_start3A_245 = arith.constant 0 : i32
      %dma_start3A_246 = tpu.memref_slice %arg10[%mul3A_2, %dma_start3A_245] : memref<10240x128xf32, #tpu.memory_space<vmem_shared>> -> memref<640x128xf32, #tpu.memory_space<vmem_shared>>
      %dma_start3A_247 = arith.constant 0 : i32
      %dma_start3A_248 = tpu.memref_slice %arg5[%mul3A_2, %dma_start3A_247] : memref<10240x128xf32, #tpu.memory_space<hbm>> -> memref<640x128xf32, #tpu.memory_space<hbm>>
      tpu.enqueue_dma source(%dma_start3A_248 : memref<640x128xf32, #tpu.memory_space<hbm>>) target(%dma_start3A_246 : memref<640x128xf32, #tpu.memory_space<vmem_shared>>) target_semaphore(%run_scoped3A : memref<!tpu.dma_semaphore, #tpu.memory_space<semaphore_mem>>)
      %dma_wait3A_249 = arith.constant 0 : i32
      %dma_wait3A_250 = tpu.memref_slice %arg10[%mul3A_2, %dma_wait3A_249] : memref<10240x128xf32, #tpu.memory_space<vmem_shared>> -> memref<640x128xf32, #tpu.memory_space<vmem_shared>>
      %dma_wait3A_251 = arith.constant 0 : i32
      %dma_wait3A_252 = tpu.memref_slice %arg5[%mul3A_2, %dma_wait3A_251] : memref<10240x128xf32, #tpu.memory_space<hbm>> -> memref<640x128xf32, #tpu.memory_space<hbm>>
      tpu.wait_dma2 semaphore(%run_scoped3A : memref<!tpu.dma_semaphore, #tpu.memory_space<semaphore_mem>>) src(%dma_wait3A_252 : memref<640x128xf32, #tpu.memory_space<hbm>>) dst(%dma_wait3A_250 : memref<640x128xf32, #tpu.memory_space<vmem_shared>>)
      tpu.yield
    }) : () -> ()
    "tpu.region"() ({
      %run_scoped3A = tpu.sem_alloc : memref<!tpu.dma_semaphore, #tpu.memory_space<semaphore_mem>>
      %dma_start3A_245 = tpu.memref_slice %arg20[%mul3A_2] : memref<10240xf32, #tpu.memory_space<vmem_shared>> -> memref<640xf32, #tpu.memory_space<vmem_shared>>
      %dma_start3A_246 = tpu.memref_slice %arg6[%mul3A_2] : memref<10240xf32, #tpu.memory_space<hbm>> -> memref<640xf32, #tpu.memory_space<hbm>>
      tpu.enqueue_dma source(%dma_start3A_246 : memref<640xf32, #tpu.memory_space<hbm>>) target(%dma_start3A_245 : memref<640xf32, #tpu.memory_space<vmem_shared>>) target_semaphore(%run_scoped3A : memref<!tpu.dma_semaphore, #tpu.memory_space<semaphore_mem>>)
      %dma_wait3A_247 = tpu.memref_slice %arg20[%mul3A_2] : memref<10240xf32, #tpu.memory_space<vmem_shared>> -> memref<640xf32, #tpu.memory_space<vmem_shared>>
      %dma_wait3A_248 = tpu.memref_slice %arg6[%mul3A_2] : memref<10240xf32, #tpu.memory_space<hbm>> -> memref<640xf32, #tpu.memory_space<hbm>>
      tpu.wait_dma2 semaphore(%run_scoped3A : memref<!tpu.dma_semaphore, #tpu.memory_space<semaphore_mem>>) src(%dma_wait3A_248 : memref<640xf32, #tpu.memory_space<hbm>>) dst(%dma_wait3A_247 : memref<640xf32, #tpu.memory_space<vmem_shared>>)
      tpu.yield
    }) : () -> ()
    "tpu.region"() ({
      %run_scoped3A = tpu.sem_alloc : memref<!tpu.dma_semaphore, #tpu.memory_space<semaphore_mem>>
      tpu.enqueue_dma source(%arg7 : memref<128xf32, #tpu.memory_space<hbm>>) target(%arg21 : memref<128xf32, #tpu.memory_space<vmem>>) target_semaphore(%run_scoped3A : memref<!tpu.dma_semaphore, #tpu.memory_space<semaphore_mem>>)
      tpu.wait_dma2 semaphore(%run_scoped3A : memref<!tpu.dma_semaphore, #tpu.memory_space<semaphore_mem>>) src(%arg7 : memref<128xf32, #tpu.memory_space<hbm>>) dst(%arg21 : memref<128xf32, #tpu.memory_space<vmem>>)
      tpu.yield
    }) : () -> ()
    %barrier3A = arith.constant 0 : index
    tpu.barrier barrier_id(%barrier3A)
    "tpu.region"() ({
      %run_scoped3A = tpu.sem_alloc : memref<!tpu.dma_semaphore, #tpu.memory_space<semaphore_mem>>
      %dma_start3A_245 = arith.constant 0 : i32
      %dma_start3A_246 = arith.constant 0 : i32
      %dma_start3A_247 = tpu.memref_slice %arg3[%add3A, %dma_start3A_245, %dma_start3A_246] : memref<32x80x128xi32, #tpu.memory_space<hbm>> -> memref<1x80x128xi32, #tpu.memory_space<hbm>>
      %dma_start3A_248 = tpu.memref_squeeze %dma_start3A_247 : memref<1x80x128xi32, #tpu.memory_space<hbm>> -> memref<80x128xi32, #tpu.memory_space<hbm>>
      %dma_start3A_249 = arith.constant 0 : i32
      %dma_start3A_250 = arith.constant 0 : i32
      %dma_start3A_251 = tpu.memref_slice %dma_start3A_248[%dma_start3A_249, %dma_start3A_250] : memref<80x128xi32, #tpu.memory_space<hbm>> -> memref<40x128xi32, #tpu.memory_space<hbm>>
      %dma_start3A_252 = arith.constant 0 : i32
      %dma_start3A_253 = arith.constant 0 : i32
      %dma_start3A_254 = tpu.memref_slice %arg3[%add3A, %dma_start3A_252, %dma_start3A_253] : memref<32x80x128xi32, #tpu.memory_space<hbm>> -> memref<1x80x128xi32, #tpu.memory_space<hbm>>
      %dma_start3A_255 = tpu.memref_squeeze %dma_start3A_254 : memref<1x80x128xi32, #tpu.memory_space<hbm>> -> memref<80x128xi32, #tpu.memory_space<hbm>>
      %dma_start3A_256 = arith.constant 0 : i32
      %dma_start3A_257 = arith.constant 0 : i32
      %dma_start3A_258 = tpu.memref_slice %dma_start3A_255[%dma_start3A_256, %dma_start3A_257] : memref<80x128xi32, #tpu.memory_space<hbm>> -> memref<40x128xi32, #tpu.memory_space<hbm>>
      tpu.enqueue_dma source(%dma_start3A_258 : memref<40x128xi32, #tpu.memory_space<hbm>>) target(%arg11 : memref<40x128xi32, #tpu.memory_space<vmem>>) target_semaphore(%run_scoped3A : memref<!tpu.dma_semaphore, #tpu.memory_space<semaphore_mem>>)
      %dma_wait3A_259 = arith.constant 0 : i32
      %dma_wait3A_260 = arith.constant 0 : i32
      %dma_wait3A_261 = tpu.memref_slice %arg3[%add3A, %dma_wait3A_259, %dma_wait3A_260] : memref<32x80x128xi32, #tpu.memory_space<hbm>> -> memref<1x80x128xi32, #tpu.memory_space<hbm>>
      %dma_wait3A_262 = tpu.memref_squeeze %dma_wait3A_261 : memref<1x80x128xi32, #tpu.memory_space<hbm>> -> memref<80x128xi32, #tpu.memory_space<hbm>>
      %dma_wait3A_263 = arith.constant 0 : i32
      %dma_wait3A_264 = arith.constant 0 : i32
      %dma_wait3A_265 = tpu.memref_slice %dma_wait3A_262[%dma_wait3A_263, %dma_wait3A_264] : memref<80x128xi32, #tpu.memory_space<hbm>> -> memref<40x128xi32, #tpu.memory_space<hbm>>
      %dma_wait3A_266 = arith.constant 0 : i32
      %dma_wait3A_267 = arith.constant 0 : i32
      %dma_wait3A_268 = tpu.memref_slice %arg3[%add3A, %dma_wait3A_266, %dma_wait3A_267] : memref<32x80x128xi32, #tpu.memory_space<hbm>> -> memref<1x80x128xi32, #tpu.memory_space<hbm>>
      %dma_wait3A_269 = tpu.memref_squeeze %dma_wait3A_268 : memref<1x80x128xi32, #tpu.memory_space<hbm>> -> memref<80x128xi32, #tpu.memory_space<hbm>>
      %dma_wait3A_270 = arith.constant 0 : i32
      %dma_wait3A_271 = arith.constant 0 : i32
      %dma_wait3A_272 = tpu.memref_slice %dma_wait3A_269[%dma_wait3A_270, %dma_wait3A_271] : memref<80x128xi32, #tpu.memory_space<hbm>> -> memref<40x128xi32, #tpu.memory_space<hbm>>
      tpu.wait_dma2 semaphore(%run_scoped3A : memref<!tpu.dma_semaphore, #tpu.memory_space<semaphore_mem>>) src(%dma_wait3A_272 : memref<40x128xi32, #tpu.memory_space<hbm>>) dst(%arg11 : memref<40x128xi32, #tpu.memory_space<vmem>>)
      tpu.yield
    }) : () -> ()
    "tpu.region"() ({
      %run_scoped3A = tpu.sem_alloc : memref<!tpu.dma_semaphore, #tpu.memory_space<semaphore_mem>>
      %dma_start3A_245 = arith.constant 0 : i32
      %dma_start3A_246 = arith.constant 0 : i32
      %dma_start3A_247 = tpu.memref_slice %arg4[%add3A, %dma_start3A_245, %dma_start3A_246] : memref<32x80x128xi32, #tpu.memory_space<hbm>> -> memref<1x80x128xi32, #tpu.memory_space<hbm>>
      %dma_start3A_248 = tpu.memref_squeeze %dma_start3A_247 : memref<1x80x128xi32, #tpu.memory_space<hbm>> -> memref<80x128xi32, #tpu.memory_space<hbm>>
      %dma_start3A_249 = arith.constant 0 : i32
      %dma_start3A_250 = arith.constant 0 : i32
      %dma_start3A_251 = tpu.memref_slice %dma_start3A_248[%dma_start3A_249, %dma_start3A_250] : memref<80x128xi32, #tpu.memory_space<hbm>> -> memref<40x128xi32, #tpu.memory_space<hbm>>
      %dma_start3A_252 = arith.constant 0 : i32
      %dma_start3A_253 = arith.constant 0 : i32
      %dma_start3A_254 = tpu.memref_slice %arg4[%add3A, %dma_start3A_252, %dma_start3A_253] : memref<32x80x128xi32, #tpu.memory_space<hbm>> -> memref<1x80x128xi32, #tpu.memory_space<hbm>>
      %dma_start3A_255 = tpu.memref_squeeze %dma_start3A_254 : memref<1x80x128xi32, #tpu.memory_space<hbm>> -> memref<80x128xi32, #tpu.memory_space<hbm>>
      %dma_start3A_256 = arith.constant 0 : i32
      %dma_start3A_257 = arith.constant 0 : i32
      %dma_start3A_258 = tpu.memref_slice %dma_start3A_255[%dma_start3A_256, %dma_start3A_257] : memref<80x128xi32, #tpu.memory_space<hbm>> -> memref<40x128xi32, #tpu.memory_space<hbm>>
      tpu.enqueue_dma source(%dma_start3A_258 : memref<40x128xi32, #tpu.memory_space<hbm>>) target(%arg12 : memref<40x128xi32, #tpu.memory_space<vmem>>) target_semaphore(%run_scoped3A : memref<!tpu.dma_semaphore, #tpu.memory_space<semaphore_mem>>)
      %dma_wait3A_259 = arith.constant 0 : i32
      %dma_wait3A_260 = arith.constant 0 : i32
      %dma_wait3A_261 = tpu.memref_slice %arg4[%add3A, %dma_wait3A_259, %dma_wait3A_260] : memref<32x80x128xi32, #tpu.memory_space<hbm>> -> memref<1x80x128xi32, #tpu.memory_space<hbm>>
      %dma_wait3A_262 = tpu.memref_squeeze %dma_wait3A_261 : memref<1x80x128xi32, #tpu.memory_space<hbm>> -> memref<80x128xi32, #tpu.memory_space<hbm>>
      %dma_wait3A_263 = arith.constant 0 : i32
      %dma_wait3A_264 = arith.constant 0 : i32
      %dma_wait3A_265 = tpu.memref_slice %dma_wait3A_262[%dma_wait3A_263, %dma_wait3A_264] : memref<80x128xi32, #tpu.memory_space<hbm>> -> memref<40x128xi32, #tpu.memory_space<hbm>>
      %dma_wait3A_266 = arith.constant 0 : i32
      %dma_wait3A_267 = arith.constant 0 : i32
      %dma_wait3A_268 = tpu.memref_slice %arg4[%add3A, %dma_wait3A_266, %dma_wait3A_267] : memref<32x80x128xi32, #tpu.memory_space<hbm>> -> memref<1x80x128xi32, #tpu.memory_space<hbm>>
      %dma_wait3A_269 = tpu.memref_squeeze %dma_wait3A_268 : memref<1x80x128xi32, #tpu.memory_space<hbm>> -> memref<80x128xi32, #tpu.memory_space<hbm>>
      %dma_wait3A_270 = arith.constant 0 : i32
      %dma_wait3A_271 = arith.constant 0 : i32
      %dma_wait3A_272 = tpu.memref_slice %dma_wait3A_269[%dma_wait3A_270, %dma_wait3A_271] : memref<80x128xi32, #tpu.memory_space<hbm>> -> memref<40x128xi32, #tpu.memory_space<hbm>>
      tpu.wait_dma2 semaphore(%run_scoped3A : memref<!tpu.dma_semaphore, #tpu.memory_space<semaphore_mem>>) src(%dma_wait3A_272 : memref<40x128xi32, #tpu.memory_space<hbm>>) dst(%arg12 : memref<40x128xi32, #tpu.memory_space<vmem>>)
      tpu.yield
    }) : () -> ()
    %dma_start3A = arith.constant 0 : i32
    %dma_start3A_3 = arith.constant 0 : i32
    %dma_start3A_4 = arith.constant 0 : i32
    %dma_start3A_5 = tpu.memref_slice %arg13[%dma_start3A_3, %dma_start3A_4] : memref<128x128xf32, #tpu.memory_space<vmem>> -> memref<32x128xf32, #tpu.memory_space<vmem>>
    %dma_start3A_6 = arith.constant 0 : i32
    %dma_start3A_7 = tpu.memref_slice %arg11[%dma_start3A, %dma_start3A_6] : memref<40x128xi32, #tpu.memory_space<vmem>> -> memref<1x128xi32, #tpu.memory_space<vmem>>
    %dma_start3A_8 = tpu.memref_squeeze %dma_start3A_7 : memref<1x128xi32, #tpu.memory_space<vmem>> -> memref<128xi32, #tpu.memory_space<vmem>>
    %dma_start3A_9 = arith.constant 0 : i32
    %dma_start3A_10 = tpu.memref_slice %dma_start3A_8[%dma_start3A_9] : memref<128xi32, #tpu.memory_space<vmem>> -> memref<32xi32, #tpu.memory_space<vmem>>
    %dma_start3A_11 = arith.constant 0 : i32
    %dma_start3A_12 = arith.constant 0 : i32
    %dma_start3A_13 = tpu.memref_slice %arg2[%dma_start3A_11, %dma_start3A_12] : memref<10000x128xf32, #tpu.memory_space<hbm>> -> memref<10000x128xf32, #tpu.memory_space<hbm>>
    tpu.enqueue_indirect_dma source(%dma_start3A_13 : memref<10000x128xf32, #tpu.memory_space<hbm>>) target(%dma_start3A_5 : memref<32x128xf32, #tpu.memory_space<vmem>>) offsets(%dma_start3A_10 : memref<32xi32, #tpu.memory_space<vmem>>) semaphore(%arg15 : memref<!tpu.dma_semaphore, #tpu.memory_space<semaphore_mem>>)
    %dma_start3A_14 = arith.constant 0 : i32
    %dma_start3A_15 = arith.constant 32 : i32
    %dma_start3A_16 = arith.constant 0 : i32
    %dma_start3A_17 = tpu.memref_slice %arg13[%dma_start3A_15, %dma_start3A_16] : memref<128x128xf32, #tpu.memory_space<vmem>> -> memref<32x128xf32, #tpu.memory_space<vmem>>
    %dma_start3A_18 = arith.constant 0 : i32
    %dma_start3A_19 = tpu.memref_slice %arg11[%dma_start3A_14, %dma_start3A_18] : memref<40x128xi32, #tpu.memory_space<vmem>> -> memref<1x128xi32, #tpu.memory_space<vmem>>
    %dma_start3A_20 = tpu.memref_squeeze %dma_start3A_19 : memref<1x128xi32, #tpu.memory_space<vmem>> -> memref<128xi32, #tpu.memory_space<vmem>>
    %dma_start3A_21 = arith.constant 32 : i32
    %dma_start3A_22 = tpu.memref_slice %dma_start3A_20[%dma_start3A_21] : memref<128xi32, #tpu.memory_space<vmem>> -> memref<32xi32, #tpu.memory_space<vmem>>
    %dma_start3A_23 = arith.constant 0 : i32
    %dma_start3A_24 = arith.constant 0 : i32
    %dma_start3A_25 = tpu.memref_slice %arg2[%dma_start3A_23, %dma_start3A_24] : memref<10000x128xf32, #tpu.memory_space<hbm>> -> memref<10000x128xf32, #tpu.memory_space<hbm>>
    tpu.enqueue_indirect_dma source(%dma_start3A_25 : memref<10000x128xf32, #tpu.memory_space<hbm>>) target(%dma_start3A_17 : memref<32x128xf32, #tpu.memory_space<vmem>>) offsets(%dma_start3A_22 : memref<32xi32, #tpu.memory_space<vmem>>) semaphore(%arg15 : memref<!tpu.dma_semaphore, #tpu.memory_space<semaphore_mem>>)
    %dma_start3A_26 = arith.constant 0 : i32
    %dma_start3A_27 = arith.constant 64 : i32
    %dma_start3A_28 = arith.constant 0 : i32
    %dma_start3A_29 = tpu.memref_slice %arg13[%dma_start3A_27, %dma_start3A_28] : memref<128x128xf32, #tpu.memory_space<vmem>> -> memref<32x128xf32, #tpu.memory_space<vmem>>
    %dma_start3A_30 = arith.constant 0 : i32
    %dma_start3A_31 = tpu.memref_slice %arg11[%dma_start3A_26, %dma_start3A_30] : memref<40x128xi32, #tpu.memory_space<vmem>> -> memref<1x128xi32, #tpu.memory_space<vmem>>
    %dma_start3A_32 = tpu.memref_squeeze %dma_start3A_31 : memref<1x128xi32, #tpu.memory_space<vmem>> -> memref<128xi32, #tpu.memory_space<vmem>>
    %dma_start3A_33 = arith.constant 64 : i32
    %dma_start3A_34 = tpu.memref_slice %dma_start3A_32[%dma_start3A_33] : memref<128xi32, #tpu.memory_space<vmem>> -> memref<32xi32, #tpu.memory_space<vmem>>
    %dma_start3A_35 = arith.constant 0 : i32
    %dma_start3A_36 = arith.constant 0 : i32
    %dma_start3A_37 = tpu.memref_slice %arg2[%dma_start3A_35, %dma_start3A_36] : memref<10000x128xf32, #tpu.memory_space<hbm>> -> memref<10000x128xf32, #tpu.memory_space<hbm>>
    tpu.enqueue_indirect_dma source(%dma_start3A_37 : memref<10000x128xf32, #tpu.memory_space<hbm>>) target(%dma_start3A_29 : memref<32x128xf32, #tpu.memory_space<vmem>>) offsets(%dma_start3A_34 : memref<32xi32, #tpu.memory_space<vmem>>) semaphore(%arg15 : memref<!tpu.dma_semaphore, #tpu.memory_space<semaphore_mem>>)
    %dma_start3A_38 = arith.constant 0 : i32
    %dma_start3A_39 = arith.constant 96 : i32
    %dma_start3A_40 = arith.constant 0 : i32
    %dma_start3A_41 = tpu.memref_slice %arg13[%dma_start3A_39, %dma_start3A_40] : memref<128x128xf32, #tpu.memory_space<vmem>> -> memref<32x128xf32, #tpu.memory_space<vmem>>
    %dma_start3A_42 = arith.constant 0 : i32
    %dma_start3A_43 = tpu.memref_slice %arg11[%dma_start3A_38, %dma_start3A_42] : memref<40x128xi32, #tpu.memory_space<vmem>> -> memref<1x128xi32, #tpu.memory_space<vmem>>
    %dma_start3A_44 = tpu.memref_squeeze %dma_start3A_43 : memref<1x128xi32, #tpu.memory_space<vmem>> -> memref<128xi32, #tpu.memory_space<vmem>>
    %dma_start3A_45 = arith.constant 96 : i32
    %dma_start3A_46 = tpu.memref_slice %dma_start3A_44[%dma_start3A_45] : memref<128xi32, #tpu.memory_space<vmem>> -> memref<32xi32, #tpu.memory_space<vmem>>
    %dma_start3A_47 = arith.constant 0 : i32
    %dma_start3A_48 = arith.constant 0 : i32
    %dma_start3A_49 = tpu.memref_slice %arg2[%dma_start3A_47, %dma_start3A_48] : memref<10000x128xf32, #tpu.memory_space<hbm>> -> memref<10000x128xf32, #tpu.memory_space<hbm>>
    tpu.enqueue_indirect_dma source(%dma_start3A_49 : memref<10000x128xf32, #tpu.memory_space<hbm>>) target(%dma_start3A_41 : memref<32x128xf32, #tpu.memory_space<vmem>>) offsets(%dma_start3A_46 : memref<32xi32, #tpu.memory_space<vmem>>) semaphore(%arg15 : memref<!tpu.dma_semaphore, #tpu.memory_space<semaphore_mem>>)
    %dma_start3A_50 = arith.constant 1 : i32
    %dma_start3A_51 = arith.constant 0 : i32
    %dma_start3A_52 = arith.constant 0 : i32
    %dma_start3A_53 = tpu.memref_slice %arg14[%dma_start3A_51, %dma_start3A_52] : memref<128x128xf32, #tpu.memory_space<vmem>> -> memref<32x128xf32, #tpu.memory_space<vmem>>
    %dma_start3A_54 = arith.constant 0 : i32
    %dma_start3A_55 = tpu.memref_slice %arg11[%dma_start3A_50, %dma_start3A_54] : memref<40x128xi32, #tpu.memory_space<vmem>> -> memref<1x128xi32, #tpu.memory_space<vmem>>
    %dma_start3A_56 = tpu.memref_squeeze %dma_start3A_55 : memref<1x128xi32, #tpu.memory_space<vmem>> -> memref<128xi32, #tpu.memory_space<vmem>>
    %dma_start3A_57 = arith.constant 0 : i32
    %dma_start3A_58 = tpu.memref_slice %dma_start3A_56[%dma_start3A_57] : memref<128xi32, #tpu.memory_space<vmem>> -> memref<32xi32, #tpu.memory_space<vmem>>
    %dma_start3A_59 = arith.constant 0 : i32
    %dma_start3A_60 = arith.constant 0 : i32
    %dma_start3A_61 = tpu.memref_slice %arg2[%dma_start3A_59, %dma_start3A_60] : memref<10000x128xf32, #tpu.memory_space<hbm>> -> memref<10000x128xf32, #tpu.memory_space<hbm>>
    tpu.enqueue_indirect_dma source(%dma_start3A_61 : memref<10000x128xf32, #tpu.memory_space<hbm>>) target(%dma_start3A_53 : memref<32x128xf32, #tpu.memory_space<vmem>>) offsets(%dma_start3A_58 : memref<32xi32, #tpu.memory_space<vmem>>) semaphore(%arg16 : memref<!tpu.dma_semaphore, #tpu.memory_space<semaphore_mem>>)
    %dma_start3A_62 = arith.constant 1 : i32
    %dma_start3A_63 = arith.constant 32 : i32
    %dma_start3A_64 = arith.constant 0 : i32
    %dma_start3A_65 = tpu.memref_slice %arg14[%dma_start3A_63, %dma_start3A_64] : memref<128x128xf32, #tpu.memory_space<vmem>> -> memref<32x128xf32, #tpu.memory_space<vmem>>
    %dma_start3A_66 = arith.constant 0 : i32
    %dma_start3A_67 = tpu.memref_slice %arg11[%dma_start3A_62, %dma_start3A_66] : memref<40x128xi32, #tpu.memory_space<vmem>> -> memref<1x128xi32, #tpu.memory_space<vmem>>
    %dma_start3A_68 = tpu.memref_squeeze %dma_start3A_67 : memref<1x128xi32, #tpu.memory_space<vmem>> -> memref<128xi32, #tpu.memory_space<vmem>>
    %dma_start3A_69 = arith.constant 32 : i32
    %dma_start3A_70 = tpu.memref_slice %dma_start3A_68[%dma_start3A_69] : memref<128xi32, #tpu.memory_space<vmem>> -> memref<32xi32, #tpu.memory_space<vmem>>
    %dma_start3A_71 = arith.constant 0 : i32
    %dma_start3A_72 = arith.constant 0 : i32
    %dma_start3A_73 = tpu.memref_slice %arg2[%dma_start3A_71, %dma_start3A_72] : memref<10000x128xf32, #tpu.memory_space<hbm>> -> memref<10000x128xf32, #tpu.memory_space<hbm>>
    tpu.enqueue_indirect_dma source(%dma_start3A_73 : memref<10000x128xf32, #tpu.memory_space<hbm>>) target(%dma_start3A_65 : memref<32x128xf32, #tpu.memory_space<vmem>>) offsets(%dma_start3A_70 : memref<32xi32, #tpu.memory_space<vmem>>) semaphore(%arg16 : memref<!tpu.dma_semaphore, #tpu.memory_space<semaphore_mem>>)
    %dma_start3A_74 = arith.constant 1 : i32
    %dma_start3A_75 = arith.constant 64 : i32
    %dma_start3A_76 = arith.constant 0 : i32
    %dma_start3A_77 = tpu.memref_slice %arg14[%dma_start3A_75, %dma_start3A_76] : memref<128x128xf32, #tpu.memory_space<vmem>> -> memref<32x128xf32, #tpu.memory_space<vmem>>
    %dma_start3A_78 = arith.constant 0 : i32
    %dma_start3A_79 = tpu.memref_slice %arg11[%dma_start3A_74, %dma_start3A_78] : memref<40x128xi32, #tpu.memory_space<vmem>> -> memref<1x128xi32, #tpu.memory_space<vmem>>
    %dma_start3A_80 = tpu.memref_squeeze %dma_start3A_79 : memref<1x128xi32, #tpu.memory_space<vmem>> -> memref<128xi32, #tpu.memory_space<vmem>>
    %dma_start3A_81 = arith.constant 64 : i32
    %dma_start3A_82 = tpu.memref_slice %dma_start3A_80[%dma_start3A_81] : memref<128xi32, #tpu.memory_space<vmem>> -> memref<32xi32, #tpu.memory_space<vmem>>
    %dma_start3A_83 = arith.constant 0 : i32
    %dma_start3A_84 = arith.constant 0 : i32
    %dma_start3A_85 = tpu.memref_slice %arg2[%dma_start3A_83, %dma_start3A_84] : memref<10000x128xf32, #tpu.memory_space<hbm>> -> memref<10000x128xf32, #tpu.memory_space<hbm>>
    tpu.enqueue_indirect_dma source(%dma_start3A_85 : memref<10000x128xf32, #tpu.memory_space<hbm>>) target(%dma_start3A_77 : memref<32x128xf32, #tpu.memory_space<vmem>>) offsets(%dma_start3A_82 : memref<32xi32, #tpu.memory_space<vmem>>) semaphore(%arg16 : memref<!tpu.dma_semaphore, #tpu.memory_space<semaphore_mem>>)
    %dma_start3A_86 = arith.constant 1 : i32
    %dma_start3A_87 = arith.constant 96 : i32
    %dma_start3A_88 = arith.constant 0 : i32
    %dma_start3A_89 = tpu.memref_slice %arg14[%dma_start3A_87, %dma_start3A_88] : memref<128x128xf32, #tpu.memory_space<vmem>> -> memref<32x128xf32, #tpu.memory_space<vmem>>
    %dma_start3A_90 = arith.constant 0 : i32
    %dma_start3A_91 = tpu.memref_slice %arg11[%dma_start3A_86, %dma_start3A_90] : memref<40x128xi32, #tpu.memory_space<vmem>> -> memref<1x128xi32, #tpu.memory_space<vmem>>
    %dma_start3A_92 = tpu.memref_squeeze %dma_start3A_91 : memref<1x128xi32, #tpu.memory_space<vmem>> -> memref<128xi32, #tpu.memory_space<vmem>>
    %dma_start3A_93 = arith.constant 96 : i32
    %dma_start3A_94 = tpu.memref_slice %dma_start3A_92[%dma_start3A_93] : memref<128xi32, #tpu.memory_space<vmem>> -> memref<32xi32, #tpu.memory_space<vmem>>
    %dma_start3A_95 = arith.constant 0 : i32
    %dma_start3A_96 = arith.constant 0 : i32
    %dma_start3A_97 = tpu.memref_slice %arg2[%dma_start3A_95, %dma_start3A_96] : memref<10000x128xf32, #tpu.memory_space<hbm>> -> memref<10000x128xf32, #tpu.memory_space<hbm>>
    tpu.enqueue_indirect_dma source(%dma_start3A_97 : memref<10000x128xf32, #tpu.memory_space<hbm>>) target(%dma_start3A_89 : memref<32x128xf32, #tpu.memory_space<vmem>>) offsets(%dma_start3A_94 : memref<32xi32, #tpu.memory_space<vmem>>) semaphore(%arg16 : memref<!tpu.dma_semaphore, #tpu.memory_space<semaphore_mem>>)
    %scan3A = arith.constant 0 : i32
    %scan3A_98 = arith.constant 0 : i32
    %scan3A_99 = arith.constant 20 : i32
    %scan3A_100 = arith.addi %scan3A_98, %scan3A_99 : i32
    %scan3A_101 = arith.constant 1 : i32
    scf.for %scan3A_245 = %scan3A_98 to %scan3A_100 step %scan3A_101  : i32 {
      %mul3A_246 = arith.constant 2 : i32
      %mul3A_247 = arith.muli %scan3A_245, %mul3A_246 : i32
      %add3A_248 = arith.constant 0 : i32
      %add3A_249 = arith.addi %mul3A_247, %add3A_248 : i32
      %dma_wait3A_250 = arith.constant 0 : i32
      %dma_wait3A_251 = arith.constant 0 : i32
      %dma_wait3A_252 = tpu.memref_slice %arg13[%dma_wait3A_250, %dma_wait3A_251] : memref<128x128xf32, #tpu.memory_space<vmem>> -> memref<32x128xf32, #tpu.memory_space<vmem>>
      %dma_wait3A_253 = arith.constant 0 : i32
      %dma_wait3A_254 = tpu.memref_slice %arg11[%add3A_249, %dma_wait3A_253] : memref<40x128xi32, #tpu.memory_space<vmem>> -> memref<1x128xi32, #tpu.memory_space<vmem>>
      %dma_wait3A_255 = tpu.memref_squeeze %dma_wait3A_254 : memref<1x128xi32, #tpu.memory_space<vmem>> -> memref<128xi32, #tpu.memory_space<vmem>>
      %dma_wait3A_256 = arith.constant 0 : i32
      %dma_wait3A_257 = tpu.memref_slice %dma_wait3A_255[%dma_wait3A_256] : memref<128xi32, #tpu.memory_space<vmem>> -> memref<32xi32, #tpu.memory_space<vmem>>
      %dma_wait3A_258 = arith.constant 0 : i32
      %dma_wait3A_259 = arith.constant 0 : i32
      %dma_wait3A_260 = tpu.memref_slice %arg2[%dma_wait3A_258, %dma_wait3A_259] : memref<10000x128xf32, #tpu.memory_space<hbm>> -> memref<10000x128xf32, #tpu.memory_space<hbm>>
      tpu.wait_indirect_dma semaphore(%arg15 : memref<!tpu.dma_semaphore, #tpu.memory_space<semaphore_mem>>) src(%dma_wait3A_260 : memref<10000x128xf32, #tpu.memory_space<hbm>>) dst(%dma_wait3A_252 : memref<32x128xf32, #tpu.memory_space<vmem>>)
      %dma_wait3A_261 = arith.constant 32 : i32
      %dma_wait3A_262 = arith.constant 0 : i32
      %dma_wait3A_263 = tpu.memref_slice %arg13[%dma_wait3A_261, %dma_wait3A_262] : memref<128x128xf32, #tpu.memory_space<vmem>> -> memref<32x128xf32, #tpu.memory_space<vmem>>
      %dma_wait3A_264 = arith.constant 0 : i32
      %dma_wait3A_265 = tpu.memref_slice %arg11[%add3A_249, %dma_wait3A_264] : memref<40x128xi32, #tpu.memory_space<vmem>> -> memref<1x128xi32, #tpu.memory_space<vmem>>
      %dma_wait3A_266 = tpu.memref_squeeze %dma_wait3A_265 : memref<1x128xi32, #tpu.memory_space<vmem>> -> memref<128xi32, #tpu.memory_space<vmem>>
      %dma_wait3A_267 = arith.constant 32 : i32
      %dma_wait3A_268 = tpu.memref_slice %dma_wait3A_266[%dma_wait3A_267] : memref<128xi32, #tpu.memory_space<vmem>> -> memref<32xi32, #tpu.memory_space<vmem>>
      %dma_wait3A_269 = arith.constant 0 : i32
      %dma_wait3A_270 = arith.constant 0 : i32
      %dma_wait3A_271 = tpu.memref_slice %arg2[%dma_wait3A_269, %dma_wait3A_270] : memref<10000x128xf32, #tpu.memory_space<hbm>> -> memref<10000x128xf32, #tpu.memory_space<hbm>>
      tpu.wait_indirect_dma semaphore(%arg15 : memref<!tpu.dma_semaphore, #tpu.memory_space<semaphore_mem>>) src(%dma_wait3A_271 : memref<10000x128xf32, #tpu.memory_space<hbm>>) dst(%dma_wait3A_263 : memref<32x128xf32, #tpu.memory_space<vmem>>)
      %dma_wait3A_272 = arith.constant 64 : i32
      %dma_wait3A_273 = arith.constant 0 : i32
      %dma_wait3A_274 = tpu.memref_slice %arg13[%dma_wait3A_272, %dma_wait3A_273] : memref<128x128xf32, #tpu.memory_space<vmem>> -> memref<32x128xf32, #tpu.memory_space<vmem>>
      %dma_wait3A_275 = arith.constant 0 : i32
      %dma_wait3A_276 = tpu.memref_slice %arg11[%add3A_249, %dma_wait3A_275] : memref<40x128xi32, #tpu.memory_space<vmem>> -> memref<1x128xi32, #tpu.memory_space<vmem>>
      %dma_wait3A_277 = tpu.memref_squeeze %dma_wait3A_276 : memref<1x128xi32, #tpu.memory_space<vmem>> -> memref<128xi32, #tpu.memory_space<vmem>>
      %dma_wait3A_278 = arith.constant 64 : i32
      %dma_wait3A_279 = tpu.memref_slice %dma_wait3A_277[%dma_wait3A_278] : memref<128xi32, #tpu.memory_space<vmem>> -> memref<32xi32, #tpu.memory_space<vmem>>
      %dma_wait3A_280 = arith.constant 0 : i32
      %dma_wait3A_281 = arith.constant 0 : i32
      %dma_wait3A_282 = tpu.memref_slice %arg2[%dma_wait3A_280, %dma_wait3A_281] : memref<10000x128xf32, #tpu.memory_space<hbm>> -> memref<10000x128xf32, #tpu.memory_space<hbm>>
      tpu.wait_indirect_dma semaphore(%arg15 : memref<!tpu.dma_semaphore, #tpu.memory_space<semaphore_mem>>) src(%dma_wait3A_282 : memref<10000x128xf32, #tpu.memory_space<hbm>>) dst(%dma_wait3A_274 : memref<32x128xf32, #tpu.memory_space<vmem>>)
      %dma_wait3A_283 = arith.constant 96 : i32
      %dma_wait3A_284 = arith.constant 0 : i32
      %dma_wait3A_285 = tpu.memref_slice %arg13[%dma_wait3A_283, %dma_wait3A_284] : memref<128x128xf32, #tpu.memory_space<vmem>> -> memref<32x128xf32, #tpu.memory_space<vmem>>
      %dma_wait3A_286 = arith.constant 0 : i32
      %dma_wait3A_287 = tpu.memref_slice %arg11[%add3A_249, %dma_wait3A_286] : memref<40x128xi32, #tpu.memory_space<vmem>> -> memref<1x128xi32, #tpu.memory_space<vmem>>
      %dma_wait3A_288 = tpu.memref_squeeze %dma_wait3A_287 : memref<1x128xi32, #tpu.memory_space<vmem>> -> memref<128xi32, #tpu.memory_space<vmem>>
      %dma_wait3A_289 = arith.constant 96 : i32
      %dma_wait3A_290 = tpu.memref_slice %dma_wait3A_288[%dma_wait3A_289] : memref<128xi32, #tpu.memory_space<vmem>> -> memref<32xi32, #tpu.memory_space<vmem>>
      %dma_wait3A_291 = arith.constant 0 : i32
      %dma_wait3A_292 = arith.constant 0 : i32
      %dma_wait3A_293 = tpu.memref_slice %arg2[%dma_wait3A_291, %dma_wait3A_292] : memref<10000x128xf32, #tpu.memory_space<hbm>> -> memref<10000x128xf32, #tpu.memory_space<hbm>>
      tpu.wait_indirect_dma semaphore(%arg15 : memref<!tpu.dma_semaphore, #tpu.memory_space<semaphore_mem>>) src(%dma_wait3A_293 : memref<10000x128xf32, #tpu.memory_space<hbm>>) dst(%dma_wait3A_285 : memref<32x128xf32, #tpu.memory_space<vmem>>)
      %dma_start3A_294 = arith.constant 0 : i32
      %dma_start3A_295 = tpu.memref_slice %arg12[%add3A_249, %dma_start3A_294] : memref<40x128xi32, #tpu.memory_space<vmem>> -> memref<1x128xi32, #tpu.memory_space<vmem>>
      %dma_start3A_296 = tpu.memref_squeeze %dma_start3A_295 : memref<1x128xi32, #tpu.memory_space<vmem>> -> memref<128xi32, #tpu.memory_space<vmem>>
      %dma_start3A_297 = arith.constant 0 : i32
      %dma_start3A_298 = arith.constant 0 : i32
      %dma_start3A_299 = tpu.memref_slice %arg10[%dma_start3A_297, %dma_start3A_298] : memref<10240x128xf32, #tpu.memory_space<vmem_shared>> -> memref<10240x128xf32, #tpu.memory_space<vmem_shared>>
      tpu.enqueue_indirect_dma source(%arg13 : memref<128x128xf32, #tpu.memory_space<vmem>>) target(%dma_start3A_299 : memref<10240x128xf32, #tpu.memory_space<vmem_shared>>) offsets(%dma_start3A_296 : memref<128xi32, #tpu.memory_space<vmem>>) semaphore(%arg17 : memref<!tpu.dma_semaphore, #tpu.memory_space<semaphore_mem>>) {add = true}
      %dma_start3A_300 = arith.constant 0 : i32
      %dma_start3A_301 = tpu.memref_slice %arg12[%add3A_249, %dma_start3A_300] : memref<40x128xi32, #tpu.memory_space<vmem>> -> memref<1x128xi32, #tpu.memory_space<vmem>>
      %dma_start3A_302 = tpu.memref_squeeze %dma_start3A_301 : memref<1x128xi32, #tpu.memory_space<vmem>> -> memref<128xi32, #tpu.memory_space<vmem>>
      %dma_start3A_303 = arith.constant 0 : i32
      %dma_start3A_304 = tpu.memref_slice %arg20[%dma_start3A_303] : memref<10240xf32, #tpu.memory_space<vmem_shared>> -> memref<10240xf32, #tpu.memory_space<vmem_shared>>
      tpu.enqueue_indirect_dma source(%arg21 : memref<128xf32, #tpu.memory_space<vmem>>) target(%dma_start3A_304 : memref<10240xf32, #tpu.memory_space<vmem_shared>>) offsets(%dma_start3A_302 : memref<128xi32, #tpu.memory_space<vmem>>) semaphore(%arg19 : memref<!tpu.dma_semaphore, #tpu.memory_space<semaphore_mem>>) {add = true}
      %add3A_305 = arith.constant 2 : i32
      %add3A_306 = arith.addi %add3A_249, %add3A_305 : i32
      %lt3A = arith.constant 40 : i32
      %lt3A_307 = arith.cmpi slt, %add3A_306, %lt3A : i32
      %convert_element_type3A = arith.extui %lt3A_307 : i1 to i32
      %cond3A = arith.constant 0 : i32
      %cond3A_308 = arith.cmpi ne, %convert_element_type3A, %cond3A : i32
      scf.if %cond3A_308 {
        %dma_wait3A_375 = arith.constant 0 : i32
        %dma_wait3A_376 = tpu.memref_slice %arg12[%add3A_249, %dma_wait3A_375] : memref<40x128xi32, #tpu.memory_space<vmem>> -> memref<1x128xi32, #tpu.memory_space<vmem>>
        %dma_wait3A_377 = tpu.memref_squeeze %dma_wait3A_376 : memref<1x128xi32, #tpu.memory_space<vmem>> -> memref<128xi32, #tpu.memory_space<vmem>>
        %dma_wait3A_378 = arith.constant 0 : i32
        %dma_wait3A_379 = arith.constant 0 : i32
        %dma_wait3A_380 = tpu.memref_slice %arg10[%dma_wait3A_378, %dma_wait3A_379] : memref<10240x128xf32, #tpu.memory_space<vmem_shared>> -> memref<10240x128xf32, #tpu.memory_space<vmem_shared>>
        tpu.wait_indirect_dma semaphore(%arg17 : memref<!tpu.dma_semaphore, #tpu.memory_space<semaphore_mem>>) src(%arg13 : memref<128x128xf32, #tpu.memory_space<vmem>>) dst(%dma_wait3A_380 : memref<10240x128xf32, #tpu.memory_space<vmem_shared>>)
        %add3A_381 = arith.constant 2 : i32
        %add3A_382 = arith.addi %add3A_249, %add3A_381 : i32
        %dma_start3A_383 = arith.constant 0 : i32
        %dma_start3A_384 = arith.constant 0 : i32
        %dma_start3A_385 = tpu.memref_slice %arg13[%dma_start3A_383, %dma_start3A_384] : memref<128x128xf32, #tpu.memory_space<vmem>> -> memref<32x128xf32, #tpu.memory_space<vmem>>
        %dma_start3A_386 = arith.constant 0 : i32
        %dma_start3A_387 = tpu.memref_slice %arg11[%add3A_382, %dma_start3A_386] : memref<40x128xi32, #tpu.memory_space<vmem>> -> memref<1x128xi32, #tpu.memory_space<vmem>>
        %dma_start3A_388 = tpu.memref_squeeze %dma_start3A_387 : memref<1x128xi32, #tpu.memory_space<vmem>> -> memref<128xi32, #tpu.memory_space<vmem>>
        %dma_start3A_389 = arith.constant 0 : i32
        %dma_start3A_390 = tpu.memref_slice %dma_start3A_388[%dma_start3A_389] : memref<128xi32, #tpu.memory_space<vmem>> -> memref<32xi32, #tpu.memory_space<vmem>>
        %dma_start3A_391 = arith.constant 0 : i32
        %dma_start3A_392 = arith.constant 0 : i32
        %dma_start3A_393 = tpu.memref_slice %arg2[%dma_start3A_391, %dma_start3A_392] : memref<10000x128xf32, #tpu.memory_space<hbm>> -> memref<10000x128xf32, #tpu.memory_space<hbm>>
        tpu.enqueue_indirect_dma source(%dma_start3A_393 : memref<10000x128xf32, #tpu.memory_space<hbm>>) target(%dma_start3A_385 : memref<32x128xf32, #tpu.memory_space<vmem>>) offsets(%dma_start3A_390 : memref<32xi32, #tpu.memory_space<vmem>>) semaphore(%arg15 : memref<!tpu.dma_semaphore, #tpu.memory_space<semaphore_mem>>)
        %dma_start3A_394 = arith.constant 32 : i32
        %dma_start3A_395 = arith.constant 0 : i32
        %dma_start3A_396 = tpu.memref_slice %arg13[%dma_start3A_394, %dma_start3A_395] : memref<128x128xf32, #tpu.memory_space<vmem>> -> memref<32x128xf32, #tpu.memory_space<vmem>>
        %dma_start3A_397 = arith.constant 0 : i32
        %dma_start3A_398 = tpu.memref_slice %arg11[%add3A_382, %dma_start3A_397] : memref<40x128xi32, #tpu.memory_space<vmem>> -> memref<1x128xi32, #tpu.memory_space<vmem>>
        %dma_start3A_399 = tpu.memref_squeeze %dma_start3A_398 : memref<1x128xi32, #tpu.memory_space<vmem>> -> memref<128xi32, #tpu.memory_space<vmem>>
        %dma_start3A_400 = arith.constant 32 : i32
        %dma_start3A_401 = tpu.memref_slice %dma_start3A_399[%dma_start3A_400] : memref<128xi32, #tpu.memory_space<vmem>> -> memref<32xi32, #tpu.memory_space<vmem>>
        %dma_start3A_402 = arith.constant 0 : i32
        %dma_start3A_403 = arith.constant 0 : i32
        %dma_start3A_404 = tpu.memref_slice %arg2[%dma_start3A_402, %dma_start3A_403] : memref<10000x128xf32, #tpu.memory_space<hbm>> -> memref<10000x128xf32, #tpu.memory_space<hbm>>
        tpu.enqueue_indirect_dma source(%dma_start3A_404 : memref<10000x128xf32, #tpu.memory_space<hbm>>) target(%dma_start3A_396 : memref<32x128xf32, #tpu.memory_space<vmem>>) offsets(%dma_start3A_401 : memref<32xi32, #tpu.memory_space<vmem>>) semaphore(%arg15 : memref<!tpu.dma_semaphore, #tpu.memory_space<semaphore_mem>>)
        %dma_start3A_405 = arith.constant 64 : i32
        %dma_start3A_406 = arith.constant 0 : i32
        %dma_start3A_407 = tpu.memref_slice %arg13[%dma_start3A_405, %dma_start3A_406] : memref<128x128xf32, #tpu.memory_space<vmem>> -> memref<32x128xf32, #tpu.memory_space<vmem>>
        %dma_start3A_408 = arith.constant 0 : i32
        %dma_start3A_409 = tpu.memref_slice %arg11[%add3A_382, %dma_start3A_408] : memref<40x128xi32, #tpu.memory_space<vmem>> -> memref<1x128xi32, #tpu.memory_space<vmem>>
        %dma_start3A_410 = tpu.memref_squeeze %dma_start3A_409 : memref<1x128xi32, #tpu.memory_space<vmem>> -> memref<128xi32, #tpu.memory_space<vmem>>
        %dma_start3A_411 = arith.constant 64 : i32
        %dma_start3A_412 = tpu.memref_slice %dma_start3A_410[%dma_start3A_411] : memref<128xi32, #tpu.memory_space<vmem>> -> memref<32xi32, #tpu.memory_space<vmem>>
        %dma_start3A_413 = arith.constant 0 : i32
        %dma_start3A_414 = arith.constant 0 : i32
        %dma_start3A_415 = tpu.memref_slice %arg2[%dma_start3A_413, %dma_start3A_414] : memref<10000x128xf32, #tpu.memory_space<hbm>> -> memref<10000x128xf32, #tpu.memory_space<hbm>>
        tpu.enqueue_indirect_dma source(%dma_start3A_415 : memref<10000x128xf32, #tpu.memory_space<hbm>>) target(%dma_start3A_407 : memref<32x128xf32, #tpu.memory_space<vmem>>) offsets(%dma_start3A_412 : memref<32xi32, #tpu.memory_space<vmem>>) semaphore(%arg15 : memref<!tpu.dma_semaphore, #tpu.memory_space<semaphore_mem>>)
        %dma_start3A_416 = arith.constant 96 : i32
        %dma_start3A_417 = arith.constant 0 : i32
        %dma_start3A_418 = tpu.memref_slice %arg13[%dma_start3A_416, %dma_start3A_417] : memref<128x128xf32, #tpu.memory_space<vmem>> -> memref<32x128xf32, #tpu.memory_space<vmem>>
        %dma_start3A_419 = arith.constant 0 : i32
        %dma_start3A_420 = tpu.memref_slice %arg11[%add3A_382, %dma_start3A_419] : memref<40x128xi32, #tpu.memory_space<vmem>> -> memref<1x128xi32, #tpu.memory_space<vmem>>
        %dma_start3A_421 = tpu.memref_squeeze %dma_start3A_420 : memref<1x128xi32, #tpu.memory_space<vmem>> -> memref<128xi32, #tpu.memory_space<vmem>>
        %dma_start3A_422 = arith.constant 96 : i32
        %dma_start3A_423 = tpu.memref_slice %dma_start3A_421[%dma_start3A_422] : memref<128xi32, #tpu.memory_space<vmem>> -> memref<32xi32, #tpu.memory_space<vmem>>
        %dma_start3A_424 = arith.constant 0 : i32
        %dma_start3A_425 = arith.constant 0 : i32
        %dma_start3A_426 = tpu.memref_slice %arg2[%dma_start3A_424, %dma_start3A_425] : memref<10000x128xf32, #tpu.memory_space<hbm>> -> memref<10000x128xf32, #tpu.memory_space<hbm>>
        tpu.enqueue_indirect_dma source(%dma_start3A_426 : memref<10000x128xf32, #tpu.memory_space<hbm>>) target(%dma_start3A_418 : memref<32x128xf32, #tpu.memory_space<vmem>>) offsets(%dma_start3A_423 : memref<32xi32, #tpu.memory_space<vmem>>) semaphore(%arg15 : memref<!tpu.dma_semaphore, #tpu.memory_space<semaphore_mem>>)
      } else {
      }
      %mul3A_309 = arith.constant 2 : i32
      %mul3A_310 = arith.muli %scan3A_245, %mul3A_309 : i32
      %add3A_311 = arith.constant 1 : i32
      %add3A_312 = arith.addi %mul3A_310, %add3A_311 : i32
      %dma_wait3A_313 = arith.constant 0 : i32
      %dma_wait3A_314 = arith.constant 0 : i32
      %dma_wait3A_315 = tpu.memref_slice %arg14[%dma_wait3A_313, %dma_wait3A_314] : memref<128x128xf32, #tpu.memory_space<vmem>> -> memref<32x128xf32, #tpu.memory_space<vmem>>
      %dma_wait3A_316 = arith.constant 0 : i32
      %dma_wait3A_317 = tpu.memref_slice %arg11[%add3A_312, %dma_wait3A_316] : memref<40x128xi32, #tpu.memory_space<vmem>> -> memref<1x128xi32, #tpu.memory_space<vmem>>
      %dma_wait3A_318 = tpu.memref_squeeze %dma_wait3A_317 : memref<1x128xi32, #tpu.memory_space<vmem>> -> memref<128xi32, #tpu.memory_space<vmem>>
      %dma_wait3A_319 = arith.constant 0 : i32
      %dma_wait3A_320 = tpu.memref_slice %dma_wait3A_318[%dma_wait3A_319] : memref<128xi32, #tpu.memory_space<vmem>> -> memref<32xi32, #tpu.memory_space<vmem>>
      %dma_wait3A_321 = arith.constant 0 : i32
      %dma_wait3A_322 = arith.constant 0 : i32
      %dma_wait3A_323 = tpu.memref_slice %arg2[%dma_wait3A_321, %dma_wait3A_322] : memref<10000x128xf32, #tpu.memory_space<hbm>> -> memref<10000x128xf32, #tpu.memory_space<hbm>>
      tpu.wait_indirect_dma semaphore(%arg16 : memref<!tpu.dma_semaphore, #tpu.memory_space<semaphore_mem>>) src(%dma_wait3A_323 : memref<10000x128xf32, #tpu.memory_space<hbm>>) dst(%dma_wait3A_315 : memref<32x128xf32, #tpu.memory_space<vmem>>)
      %dma_wait3A_324 = arith.constant 32 : i32
      %dma_wait3A_325 = arith.constant 0 : i32
      %dma_wait3A_326 = tpu.memref_slice %arg14[%dma_wait3A_324, %dma_wait3A_325] : memref<128x128xf32, #tpu.memory_space<vmem>> -> memref<32x128xf32, #tpu.memory_space<vmem>>
      %dma_wait3A_327 = arith.constant 0 : i32
      %dma_wait3A_328 = tpu.memref_slice %arg11[%add3A_312, %dma_wait3A_327] : memref<40x128xi32, #tpu.memory_space<vmem>> -> memref<1x128xi32, #tpu.memory_space<vmem>>
      %dma_wait3A_329 = tpu.memref_squeeze %dma_wait3A_328 : memref<1x128xi32, #tpu.memory_space<vmem>> -> memref<128xi32, #tpu.memory_space<vmem>>
      %dma_wait3A_330 = arith.constant 32 : i32
      %dma_wait3A_331 = tpu.memref_slice %dma_wait3A_329[%dma_wait3A_330] : memref<128xi32, #tpu.memory_space<vmem>> -> memref<32xi32, #tpu.memory_space<vmem>>
      %dma_wait3A_332 = arith.constant 0 : i32
      %dma_wait3A_333 = arith.constant 0 : i32
      %dma_wait3A_334 = tpu.memref_slice %arg2[%dma_wait3A_332, %dma_wait3A_333] : memref<10000x128xf32, #tpu.memory_space<hbm>> -> memref<10000x128xf32, #tpu.memory_space<hbm>>
      tpu.wait_indirect_dma semaphore(%arg16 : memref<!tpu.dma_semaphore, #tpu.memory_space<semaphore_mem>>) src(%dma_wait3A_334 : memref<10000x128xf32, #tpu.memory_space<hbm>>) dst(%dma_wait3A_326 : memref<32x128xf32, #tpu.memory_space<vmem>>)
      %dma_wait3A_335 = arith.constant 64 : i32
      %dma_wait3A_336 = arith.constant 0 : i32
      %dma_wait3A_337 = tpu.memref_slice %arg14[%dma_wait3A_335, %dma_wait3A_336] : memref<128x128xf32, #tpu.memory_space<vmem>> -> memref<32x128xf32, #tpu.memory_space<vmem>>
      %dma_wait3A_338 = arith.constant 0 : i32
      %dma_wait3A_339 = tpu.memref_slice %arg11[%add3A_312, %dma_wait3A_338] : memref<40x128xi32, #tpu.memory_space<vmem>> -> memref<1x128xi32, #tpu.memory_space<vmem>>
      %dma_wait3A_340 = tpu.memref_squeeze %dma_wait3A_339 : memref<1x128xi32, #tpu.memory_space<vmem>> -> memref<128xi32, #tpu.memory_space<vmem>>
      %dma_wait3A_341 = arith.constant 64 : i32
      %dma_wait3A_342 = tpu.memref_slice %dma_wait3A_340[%dma_wait3A_341] : memref<128xi32, #tpu.memory_space<vmem>> -> memref<32xi32, #tpu.memory_space<vmem>>
      %dma_wait3A_343 = arith.constant 0 : i32
      %dma_wait3A_344 = arith.constant 0 : i32
      %dma_wait3A_345 = tpu.memref_slice %arg2[%dma_wait3A_343, %dma_wait3A_344] : memref<10000x128xf32, #tpu.memory_space<hbm>> -> memref<10000x128xf32, #tpu.memory_space<hbm>>
      tpu.wait_indirect_dma semaphore(%arg16 : memref<!tpu.dma_semaphore, #tpu.memory_space<semaphore_mem>>) src(%dma_wait3A_345 : memref<10000x128xf32, #tpu.memory_space<hbm>>) dst(%dma_wait3A_337 : memref<32x128xf32, #tpu.memory_space<vmem>>)
      %dma_wait3A_346 = arith.constant 96 : i32
      %dma_wait3A_347 = arith.constant 0 : i32
      %dma_wait3A_348 = tpu.memref_slice %arg14[%dma_wait3A_346, %dma_wait3A_347] : memref<128x128xf32, #tpu.memory_space<vmem>> -> memref<32x128xf32, #tpu.memory_space<vmem>>
      %dma_wait3A_349 = arith.constant 0 : i32
      %dma_wait3A_350 = tpu.memref_slice %arg11[%add3A_312, %dma_wait3A_349] : memref<40x128xi32, #tpu.memory_space<vmem>> -> memref<1x128xi32, #tpu.memory_space<vmem>>
      %dma_wait3A_351 = tpu.memref_squeeze %dma_wait3A_350 : memref<1x128xi32, #tpu.memory_space<vmem>> -> memref<128xi32, #tpu.memory_space<vmem>>
      %dma_wait3A_352 = arith.constant 96 : i32
      %dma_wait3A_353 = tpu.memref_slice %dma_wait3A_351[%dma_wait3A_352] : memref<128xi32, #tpu.memory_space<vmem>> -> memref<32xi32, #tpu.memory_space<vmem>>
      %dma_wait3A_354 = arith.constant 0 : i32
      %dma_wait3A_355 = arith.constant 0 : i32
      %dma_wait3A_356 = tpu.memref_slice %arg2[%dma_wait3A_354, %dma_wait3A_355] : memref<10000x128xf32, #tpu.memory_space<hbm>> -> memref<10000x128xf32, #tpu.memory_space<hbm>>
      tpu.wait_indirect_dma semaphore(%arg16 : memref<!tpu.dma_semaphore, #tpu.memory_space<semaphore_mem>>) src(%dma_wait3A_356 : memref<10000x128xf32, #tpu.memory_space<hbm>>) dst(%dma_wait3A_348 : memref<32x128xf32, #tpu.memory_space<vmem>>)
      %dma_start3A_357 = arith.constant 0 : i32
      %dma_start3A_358 = tpu.memref_slice %arg12[%add3A_312, %dma_start3A_357] : memref<40x128xi32, #tpu.memory_space<vmem>> -> memref<1x128xi32, #tpu.memory_space<vmem>>
      %dma_start3A_359 = tpu.memref_squeeze %dma_start3A_358 : memref<1x128xi32, #tpu.memory_space<vmem>> -> memref<128xi32, #tpu.memory_space<vmem>>
      %dma_start3A_360 = arith.constant 0 : i32
      %dma_start3A_361 = arith.constant 0 : i32
      %dma_start3A_362 = tpu.memref_slice %arg10[%dma_start3A_360, %dma_start3A_361] : memref<10240x128xf32, #tpu.memory_space<vmem_shared>> -> memref<10240x128xf32, #tpu.memory_space<vmem_shared>>
      tpu.enqueue_indirect_dma source(%arg14 : memref<128x128xf32, #tpu.memory_space<vmem>>) target(%dma_start3A_362 : memref<10240x128xf32, #tpu.memory_space<vmem_shared>>) offsets(%dma_start3A_359 : memref<128xi32, #tpu.memory_space<vmem>>) semaphore(%arg18 : memref<!tpu.dma_semaphore, #tpu.memory_space<semaphore_mem>>) {add = true}
      %dma_start3A_363 = arith.constant 0 : i32
      %dma_start3A_364 = tpu.memref_slice %arg12[%add3A_312, %dma_start3A_363] : memref<40x128xi32, #tpu.memory_space<vmem>> -> memref<1x128xi32, #tpu.memory_space<vmem>>
      %dma_start3A_365 = tpu.memref_squeeze %dma_start3A_364 : memref<1x128xi32, #tpu.memory_space<vmem>> -> memref<128xi32, #tpu.memory_space<vmem>>
      %dma_start3A_366 = arith.constant 0 : i32
      %dma_start3A_367 = tpu.memref_slice %arg20[%dma_start3A_366] : memref<10240xf32, #tpu.memory_space<vmem_shared>> -> memref<10240xf32, #tpu.memory_space<vmem_shared>>
      tpu.enqueue_indirect_dma source(%arg21 : memref<128xf32, #tpu.memory_space<vmem>>) target(%dma_start3A_367 : memref<10240xf32, #tpu.memory_space<vmem_shared>>) offsets(%dma_start3A_365 : memref<128xi32, #tpu.memory_space<vmem>>) semaphore(%arg19 : memref<!tpu.dma_semaphore, #tpu.memory_space<semaphore_mem>>) {add = true}
      %add3A_368 = arith.constant 2 : i32
      %add3A_369 = arith.addi %add3A_312, %add3A_368 : i32
      %lt3A_370 = arith.constant 40 : i32
      %lt3A_371 = arith.cmpi slt, %add3A_369, %lt3A_370 : i32
      %convert_element_type3A_372 = arith.extui %lt3A_371 : i1 to i32
      %cond3A_373 = arith.constant 0 : i32
      %cond3A_374 = arith.cmpi ne, %convert_element_type3A_372, %cond3A_373 : i32
      scf.if %cond3A_374 {
        %dma_wait3A_375 = arith.constant 0 : i32
        %dma_wait3A_376 = tpu.memref_slice %arg12[%add3A_312, %dma_wait3A_375] : memref<40x128xi32, #tpu.memory_space<vmem>> -> memref<1x128xi32, #tpu.memory_space<vmem>>
        %dma_wait3A_377 = tpu.memref_squeeze %dma_wait3A_376 : memref<1x128xi32, #tpu.memory_space<vmem>> -> memref<128xi32, #tpu.memory_space<vmem>>
        %dma_wait3A_378 = arith.constant 0 : i32
        %dma_wait3A_379 = arith.constant 0 : i32
        %dma_wait3A_380 = tpu.memref_slice %arg10[%dma_wait3A_378, %dma_wait3A_379] : memref<10240x128xf32, #tpu.memory_space<vmem_shared>> -> memref<10240x128xf32, #tpu.memory_space<vmem_shared>>
        tpu.wait_indirect_dma semaphore(%arg18 : memref<!tpu.dma_semaphore, #tpu.memory_space<semaphore_mem>>) src(%arg14 : memref<128x128xf32, #tpu.memory_space<vmem>>) dst(%dma_wait3A_380 : memref<10240x128xf32, #tpu.memory_space<vmem_shared>>)
        %add3A_381 = arith.constant 2 : i32
        %add3A_382 = arith.addi %add3A_312, %add3A_381 : i32
        %dma_start3A_383 = arith.constant 0 : i32
        %dma_start3A_384 = arith.constant 0 : i32
        %dma_start3A_385 = tpu.memref_slice %arg14[%dma_start3A_383, %dma_start3A_384] : memref<128x128xf32, #tpu.memory_space<vmem>> -> memref<32x128xf32, #tpu.memory_space<vmem>>
        %dma_start3A_386 = arith.constant 0 : i32
        %dma_start3A_387 = tpu.memref_slice %arg11[%add3A_382, %dma_start3A_386] : memref<40x128xi32, #tpu.memory_space<vmem>> -> memref<1x128xi32, #tpu.memory_space<vmem>>
        %dma_start3A_388 = tpu.memref_squeeze %dma_start3A_387 : memref<1x128xi32, #tpu.memory_space<vmem>> -> memref<128xi32, #tpu.memory_space<vmem>>
        %dma_start3A_389 = arith.constant 0 : i32
        %dma_start3A_390 = tpu.memref_slice %dma_start3A_388[%dma_start3A_389] : memref<128xi32, #tpu.memory_space<vmem>> -> memref<32xi32, #tpu.memory_space<vmem>>
        %dma_start3A_391 = arith.constant 0 : i32
        %dma_start3A_392 = arith.constant 0 : i32
        %dma_start3A_393 = tpu.memref_slice %arg2[%dma_start3A_391, %dma_start3A_392] : memref<10000x128xf32, #tpu.memory_space<hbm>> -> memref<10000x128xf32, #tpu.memory_space<hbm>>
        tpu.enqueue_indirect_dma source(%dma_start3A_393 : memref<10000x128xf32, #tpu.memory_space<hbm>>) target(%dma_start3A_385 : memref<32x128xf32, #tpu.memory_space<vmem>>) offsets(%dma_start3A_390 : memref<32xi32, #tpu.memory_space<vmem>>) semaphore(%arg16 : memref<!tpu.dma_semaphore, #tpu.memory_space<semaphore_mem>>)
        %dma_start3A_394 = arith.constant 32 : i32
        %dma_start3A_395 = arith.constant 0 : i32
        %dma_start3A_396 = tpu.memref_slice %arg14[%dma_start3A_394, %dma_start3A_395] : memref<128x128xf32, #tpu.memory_space<vmem>> -> memref<32x128xf32, #tpu.memory_space<vmem>>
        %dma_start3A_397 = arith.constant 0 : i32
        %dma_start3A_398 = tpu.memref_slice %arg11[%add3A_382, %dma_start3A_397] : memref<40x128xi32, #tpu.memory_space<vmem>> -> memref<1x128xi32, #tpu.memory_space<vmem>>
        %dma_start3A_399 = tpu.memref_squeeze %dma_start3A_398 : memref<1x128xi32, #tpu.memory_space<vmem>> -> memref<128xi32, #tpu.memory_space<vmem>>
        %dma_start3A_400 = arith.constant 32 : i32
        %dma_start3A_401 = tpu.memref_slice %dma_start3A_399[%dma_start3A_400] : memref<128xi32, #tpu.memory_space<vmem>> -> memref<32xi32, #tpu.memory_space<vmem>>
        %dma_start3A_402 = arith.constant 0 : i32
        %dma_start3A_403 = arith.constant 0 : i32
        %dma_start3A_404 = tpu.memref_slice %arg2[%dma_start3A_402, %dma_start3A_403] : memref<10000x128xf32, #tpu.memory_space<hbm>> -> memref<10000x128xf32, #tpu.memory_space<hbm>>
        tpu.enqueue_indirect_dma source(%dma_start3A_404 : memref<10000x128xf32, #tpu.memory_space<hbm>>) target(%dma_start3A_396 : memref<32x128xf32, #tpu.memory_space<vmem>>) offsets(%dma_start3A_401 : memref<32xi32, #tpu.memory_space<vmem>>) semaphore(%arg16 : memref<!tpu.dma_semaphore, #tpu.memory_space<semaphore_mem>>)
        %dma_start3A_405 = arith.constant 64 : i32
        %dma_start3A_406 = arith.constant 0 : i32
        %dma_start3A_407 = tpu.memref_slice %arg14[%dma_start3A_405, %dma_start3A_406] : memref<128x128xf32, #tpu.memory_space<vmem>> -> memref<32x128xf32, #tpu.memory_space<vmem>>
        %dma_start3A_408 = arith.constant 0 : i32
        %dma_start3A_409 = tpu.memref_slice %arg11[%add3A_382, %dma_start3A_408] : memref<40x128xi32, #tpu.memory_space<vmem>> -> memref<1x128xi32, #tpu.memory_space<vmem>>
        %dma_start3A_410 = tpu.memref_squeeze %dma_start3A_409 : memref<1x128xi32, #tpu.memory_space<vmem>> -> memref<128xi32, #tpu.memory_space<vmem>>
        %dma_start3A_411 = arith.constant 64 : i32
        %dma_start3A_412 = tpu.memref_slice %dma_start3A_410[%dma_start3A_411] : memref<128xi32, #tpu.memory_space<vmem>> -> memref<32xi32, #tpu.memory_space<vmem>>
        %dma_start3A_413 = arith.constant 0 : i32
        %dma_start3A_414 = arith.constant 0 : i32
        %dma_start3A_415 = tpu.memref_slice %arg2[%dma_start3A_413, %dma_start3A_414] : memref<10000x128xf32, #tpu.memory_space<hbm>> -> memref<10000x128xf32, #tpu.memory_space<hbm>>
        tpu.enqueue_indirect_dma source(%dma_start3A_415 : memref<10000x128xf32, #tpu.memory_space<hbm>>) target(%dma_start3A_407 : memref<32x128xf32, #tpu.memory_space<vmem>>) offsets(%dma_start3A_412 : memref<32xi32, #tpu.memory_space<vmem>>) semaphore(%arg16 : memref<!tpu.dma_semaphore, #tpu.memory_space<semaphore_mem>>)
        %dma_start3A_416 = arith.constant 96 : i32
        %dma_start3A_417 = arith.constant 0 : i32
        %dma_start3A_418 = tpu.memref_slice %arg14[%dma_start3A_416, %dma_start3A_417] : memref<128x128xf32, #tpu.memory_space<vmem>> -> memref<32x128xf32, #tpu.memory_space<vmem>>
        %dma_start3A_419 = arith.constant 0 : i32
        %dma_start3A_420 = tpu.memref_slice %arg11[%add3A_382, %dma_start3A_419] : memref<40x128xi32, #tpu.memory_space<vmem>> -> memref<1x128xi32, #tpu.memory_space<vmem>>
        %dma_start3A_421 = tpu.memref_squeeze %dma_start3A_420 : memref<1x128xi32, #tpu.memory_space<vmem>> -> memref<128xi32, #tpu.memory_space<vmem>>
        %dma_start3A_422 = arith.constant 96 : i32
        %dma_start3A_423 = tpu.memref_slice %dma_start3A_421[%dma_start3A_422] : memref<128xi32, #tpu.memory_space<vmem>> -> memref<32xi32, #tpu.memory_space<vmem>>
        %dma_start3A_424 = arith.constant 0 : i32
        %dma_start3A_425 = arith.constant 0 : i32
        %dma_start3A_426 = tpu.memref_slice %arg2[%dma_start3A_424, %dma_start3A_425] : memref<10000x128xf32, #tpu.memory_space<hbm>> -> memref<10000x128xf32, #tpu.memory_space<hbm>>
        tpu.enqueue_indirect_dma source(%dma_start3A_426 : memref<10000x128xf32, #tpu.memory_space<hbm>>) target(%dma_start3A_418 : memref<32x128xf32, #tpu.memory_space<vmem>>) offsets(%dma_start3A_423 : memref<32xi32, #tpu.memory_space<vmem>>) semaphore(%arg16 : memref<!tpu.dma_semaphore, #tpu.memory_space<semaphore_mem>>)
      } else {
      }
    }
    %scan3A_102 = arith.constant 20 : i32
    %dma_wait3A = arith.constant 38 : i32
    %dma_wait3A_103 = arith.constant 0 : i32
    %dma_wait3A_104 = tpu.memref_slice %arg12[%dma_wait3A, %dma_wait3A_103] : memref<40x128xi32, #tpu.memory_space<vmem>> -> memref<1x128xi32, #tpu.memory_space<vmem>>
    %dma_wait3A_105 = tpu.memref_squeeze %dma_wait3A_104 : memref<1x128xi32, #tpu.memory_space<vmem>> -> memref<128xi32, #tpu.memory_space<vmem>>
    %dma_wait3A_106 = arith.constant 0 : i32
    %dma_wait3A_107 = arith.constant 0 : i32
    %dma_wait3A_108 = tpu.memref_slice %arg10[%dma_wait3A_106, %dma_wait3A_107] : memref<10240x128xf32, #tpu.memory_space<vmem_shared>> -> memref<10240x128xf32, #tpu.memory_space<vmem_shared>>
    tpu.wait_indirect_dma semaphore(%arg17 : memref<!tpu.dma_semaphore, #tpu.memory_space<semaphore_mem>>) src(%arg13 : memref<128x128xf32, #tpu.memory_space<vmem>>) dst(%dma_wait3A_108 : memref<10240x128xf32, #tpu.memory_space<vmem_shared>>)
    %dma_wait3A_109 = arith.constant 39 : i32
    %dma_wait3A_110 = arith.constant 0 : i32
    %dma_wait3A_111 = tpu.memref_slice %arg12[%dma_wait3A_109, %dma_wait3A_110] : memref<40x128xi32, #tpu.memory_space<vmem>> -> memref<1x128xi32, #tpu.memory_space<vmem>>
    %dma_wait3A_112 = tpu.memref_squeeze %dma_wait3A_111 : memref<1x128xi32, #tpu.memory_space<vmem>> -> memref<128xi32, #tpu.memory_space<vmem>>
    %dma_wait3A_113 = arith.constant 0 : i32
    %dma_wait3A_114 = arith.constant 0 : i32
    %dma_wait3A_115 = tpu.memref_slice %arg10[%dma_wait3A_113, %dma_wait3A_114] : memref<10240x128xf32, #tpu.memory_space<vmem_shared>> -> memref<10240x128xf32, #tpu.memory_space<vmem_shared>>
    tpu.wait_indirect_dma semaphore(%arg18 : memref<!tpu.dma_semaphore, #tpu.memory_space<semaphore_mem>>) src(%arg14 : memref<128x128xf32, #tpu.memory_space<vmem>>) dst(%dma_wait3A_115 : memref<10240x128xf32, #tpu.memory_space<vmem_shared>>)
    %scan3A_116 = arith.constant 0 : i32
    %scan3A_117 = arith.constant 0 : i32
    %scan3A_118 = arith.constant 40 : i32
    %scan3A_119 = arith.addi %scan3A_117, %scan3A_118 : i32
    %scan3A_120 = arith.constant 1 : i32
    scf.for %scan3A_245 = %scan3A_117 to %scan3A_119 step %scan3A_120  : i32 {
      %dma_wait3A_246 = arith.constant 0 : i32
      %dma_wait3A_247 = tpu.memref_slice %arg12[%scan3A_245, %dma_wait3A_246] : memref<40x128xi32, #tpu.memory_space<vmem>> -> memref<1x128xi32, #tpu.memory_space<vmem>>
      %dma_wait3A_248 = tpu.memref_squeeze %dma_wait3A_247 : memref<1x128xi32, #tpu.memory_space<vmem>> -> memref<128xi32, #tpu.memory_space<vmem>>
      %dma_wait3A_249 = arith.constant 0 : i32
      %dma_wait3A_250 = tpu.memref_slice %arg20[%dma_wait3A_249] : memref<10240xf32, #tpu.memory_space<vmem_shared>> -> memref<10240xf32, #tpu.memory_space<vmem_shared>>
      tpu.wait_indirect_dma semaphore(%arg19 : memref<!tpu.dma_semaphore, #tpu.memory_space<semaphore_mem>>) src(%arg21 : memref<128xf32, #tpu.memory_space<vmem>>) dst(%dma_wait3A_250 : memref<10240xf32, #tpu.memory_space<vmem_shared>>)
    }
    %scan3A_121 = arith.constant 40 : i32
    "tpu.region"() ({
      %run_scoped3A = tpu.sem_alloc : memref<!tpu.dma_semaphore, #tpu.memory_space<semaphore_mem>>
      %dma_start3A_245 = arith.constant 0 : i32
      %dma_start3A_246 = arith.constant 0 : i32
      %dma_start3A_247 = tpu.memref_slice %arg3[%add3A, %dma_start3A_245, %dma_start3A_246] : memref<32x80x128xi32, #tpu.memory_space<hbm>> -> memref<1x80x128xi32, #tpu.memory_space<hbm>>
      %dma_start3A_248 = tpu.memref_squeeze %dma_start3A_247 : memref<1x80x128xi32, #tpu.memory_space<hbm>> -> memref<80x128xi32, #tpu.memory_space<hbm>>
      %dma_start3A_249 = arith.constant 40 : i32
      %dma_start3A_250 = arith.constant 0 : i32
      %dma_start3A_251 = tpu.memref_slice %dma_start3A_248[%dma_start3A_249, %dma_start3A_250] : memref<80x128xi32, #tpu.memory_space<hbm>> -> memref<40x128xi32, #tpu.memory_space<hbm>>
      %dma_start3A_252 = arith.constant 0 : i32
      %dma_start3A_253 = arith.constant 0 : i32
      %dma_start3A_254 = tpu.memref_slice %arg3[%add3A, %dma_start3A_252, %dma_start3A_253] : memref<32x80x128xi32, #tpu.memory_space<hbm>> -> memref<1x80x128xi32, #tpu.memory_space<hbm>>
      %dma_start3A_255 = tpu.memref_squeeze %dma_start3A_254 : memref<1x80x128xi32, #tpu.memory_space<hbm>> -> memref<80x128xi32, #tpu.memory_space<hbm>>
      %dma_start3A_256 = arith.constant 40 : i32
      %dma_start3A_257 = arith.constant 0 : i32
      %dma_start3A_258 = tpu.memref_slice %dma_start3A_255[%dma_start3A_256, %dma_start3A_257] : memref<80x128xi32, #tpu.memory_space<hbm>> -> memref<40x128xi32, #tpu.memory_space<hbm>>
      tpu.enqueue_dma source(%dma_start3A_258 : memref<40x128xi32, #tpu.memory_space<hbm>>) target(%arg11 : memref<40x128xi32, #tpu.memory_space<vmem>>) target_semaphore(%run_scoped3A : memref<!tpu.dma_semaphore, #tpu.memory_space<semaphore_mem>>)
      %dma_wait3A_259 = arith.constant 0 : i32
      %dma_wait3A_260 = arith.constant 0 : i32
      %dma_wait3A_261 = tpu.memref_slice %arg3[%add3A, %dma_wait3A_259, %dma_wait3A_260] : memref<32x80x128xi32, #tpu.memory_space<hbm>> -> memref<1x80x128xi32, #tpu.memory_space<hbm>>
      %dma_wait3A_262 = tpu.memref_squeeze %dma_wait3A_261 : memref<1x80x128xi32, #tpu.memory_space<hbm>> -> memref<80x128xi32, #tpu.memory_space<hbm>>
      %dma_wait3A_263 = arith.constant 40 : i32
      %dma_wait3A_264 = arith.constant 0 : i32
      %dma_wait3A_265 = tpu.memref_slice %dma_wait3A_262[%dma_wait3A_263, %dma_wait3A_264] : memref<80x128xi32, #tpu.memory_space<hbm>> -> memref<40x128xi32, #tpu.memory_space<hbm>>
      %dma_wait3A_266 = arith.constant 0 : i32
      %dma_wait3A_267 = arith.constant 0 : i32
      %dma_wait3A_268 = tpu.memref_slice %arg3[%add3A, %dma_wait3A_266, %dma_wait3A_267] : memref<32x80x128xi32, #tpu.memory_space<hbm>> -> memref<1x80x128xi32, #tpu.memory_space<hbm>>
      %dma_wait3A_269 = tpu.memref_squeeze %dma_wait3A_268 : memref<1x80x128xi32, #tpu.memory_space<hbm>> -> memref<80x128xi32, #tpu.memory_space<hbm>>
      %dma_wait3A_270 = arith.constant 40 : i32
      %dma_wait3A_271 = arith.constant 0 : i32
      %dma_wait3A_272 = tpu.memref_slice %dma_wait3A_269[%dma_wait3A_270, %dma_wait3A_271] : memref<80x128xi32, #tpu.memory_space<hbm>> -> memref<40x128xi32, #tpu.memory_space<hbm>>
      tpu.wait_dma2 semaphore(%run_scoped3A : memref<!tpu.dma_semaphore, #tpu.memory_space<semaphore_mem>>) src(%dma_wait3A_272 : memref<40x128xi32, #tpu.memory_space<hbm>>) dst(%arg11 : memref<40x128xi32, #tpu.memory_space<vmem>>)
      tpu.yield
    }) : () -> ()
    "tpu.region"() ({
      %run_scoped3A = tpu.sem_alloc : memref<!tpu.dma_semaphore, #tpu.memory_space<semaphore_mem>>
      %dma_start3A_245 = arith.constant 0 : i32
      %dma_start3A_246 = arith.constant 0 : i32
      %dma_start3A_247 = tpu.memref_slice %arg4[%add3A, %dma_start3A_245, %dma_start3A_246] : memref<32x80x128xi32, #tpu.memory_space<hbm>> -> memref<1x80x128xi32, #tpu.memory_space<hbm>>
      %dma_start3A_248 = tpu.memref_squeeze %dma_start3A_247 : memref<1x80x128xi32, #tpu.memory_space<hbm>> -> memref<80x128xi32, #tpu.memory_space<hbm>>
      %dma_start3A_249 = arith.constant 40 : i32
      %dma_start3A_250 = arith.constant 0 : i32
      %dma_start3A_251 = tpu.memref_slice %dma_start3A_248[%dma_start3A_249, %dma_start3A_250] : memref<80x128xi32, #tpu.memory_space<hbm>> -> memref<40x128xi32, #tpu.memory_space<hbm>>
      %dma_start3A_252 = arith.constant 0 : i32
      %dma_start3A_253 = arith.constant 0 : i32
      %dma_start3A_254 = tpu.memref_slice %arg4[%add3A, %dma_start3A_252, %dma_start3A_253] : memref<32x80x128xi32, #tpu.memory_space<hbm>> -> memref<1x80x128xi32, #tpu.memory_space<hbm>>
      %dma_start3A_255 = tpu.memref_squeeze %dma_start3A_254 : memref<1x80x128xi32, #tpu.memory_space<hbm>> -> memref<80x128xi32, #tpu.memory_space<hbm>>
      %dma_start3A_256 = arith.constant 40 : i32
      %dma_start3A_257 = arith.constant 0 : i32
      %dma_start3A_258 = tpu.memref_slice %dma_start3A_255[%dma_start3A_256, %dma_start3A_257] : memref<80x128xi32, #tpu.memory_space<hbm>> -> memref<40x128xi32, #tpu.memory_space<hbm>>
      tpu.enqueue_dma source(%dma_start3A_258 : memref<40x128xi32, #tpu.memory_space<hbm>>) target(%arg12 : memref<40x128xi32, #tpu.memory_space<vmem>>) target_semaphore(%run_scoped3A : memref<!tpu.dma_semaphore, #tpu.memory_space<semaphore_mem>>)
      %dma_wait3A_259 = arith.constant 0 : i32
      %dma_wait3A_260 = arith.constant 0 : i32
      %dma_wait3A_261 = tpu.memref_slice %arg4[%add3A, %dma_wait3A_259, %dma_wait3A_260] : memref<32x80x128xi32, #tpu.memory_space<hbm>> -> memref<1x80x128xi32, #tpu.memory_space<hbm>>
      %dma_wait3A_262 = tpu.memref_squeeze %dma_wait3A_261 : memref<1x80x128xi32, #tpu.memory_space<hbm>> -> memref<80x128xi32, #tpu.memory_space<hbm>>
      %dma_wait3A_263 = arith.constant 40 : i32
      %dma_wait3A_264 = arith.constant 0 : i32
      %dma_wait3A_265 = tpu.memref_slice %dma_wait3A_262[%dma_wait3A_263, %dma_wait3A_264] : memref<80x128xi32, #tpu.memory_space<hbm>> -> memref<40x128xi32, #tpu.memory_space<hbm>>
      %dma_wait3A_266 = arith.constant 0 : i32
      %dma_wait3A_267 = arith.constant 0 : i32
      %dma_wait3A_268 = tpu.memref_slice %arg4[%add3A, %dma_wait3A_266, %dma_wait3A_267] : memref<32x80x128xi32, #tpu.memory_space<hbm>> -> memref<1x80x128xi32, #tpu.memory_space<hbm>>
      %dma_wait3A_269 = tpu.memref_squeeze %dma_wait3A_268 : memref<1x80x128xi32, #tpu.memory_space<hbm>> -> memref<80x128xi32, #tpu.memory_space<hbm>>
      %dma_wait3A_270 = arith.constant 40 : i32
      %dma_wait3A_271 = arith.constant 0 : i32
      %dma_wait3A_272 = tpu.memref_slice %dma_wait3A_269[%dma_wait3A_270, %dma_wait3A_271] : memref<80x128xi32, #tpu.memory_space<hbm>> -> memref<40x128xi32, #tpu.memory_space<hbm>>
      tpu.wait_dma2 semaphore(%run_scoped3A : memref<!tpu.dma_semaphore, #tpu.memory_space<semaphore_mem>>) src(%dma_wait3A_272 : memref<40x128xi32, #tpu.memory_space<hbm>>) dst(%arg12 : memref<40x128xi32, #tpu.memory_space<vmem>>)
      tpu.yield
    }) : () -> ()
    %dma_start3A_122 = arith.constant 0 : i32
    %dma_start3A_123 = arith.constant 0 : i32
    %dma_start3A_124 = arith.constant 0 : i32
    %dma_start3A_125 = tpu.memref_slice %arg13[%dma_start3A_123, %dma_start3A_124] : memref<128x128xf32, #tpu.memory_space<vmem>> -> memref<32x128xf32, #tpu.memory_space<vmem>>
    %dma_start3A_126 = arith.constant 0 : i32
    %dma_start3A_127 = tpu.memref_slice %arg11[%dma_start3A_122, %dma_start3A_126] : memref<40x128xi32, #tpu.memory_space<vmem>> -> memref<1x128xi32, #tpu.memory_space<vmem>>
    %dma_start3A_128 = tpu.memref_squeeze %dma_start3A_127 : memref<1x128xi32, #tpu.memory_space<vmem>> -> memref<128xi32, #tpu.memory_space<vmem>>
    %dma_start3A_129 = arith.constant 0 : i32
    %dma_start3A_130 = tpu.memref_slice %dma_start3A_128[%dma_start3A_129] : memref<128xi32, #tpu.memory_space<vmem>> -> memref<32xi32, #tpu.memory_space<vmem>>
    %dma_start3A_131 = arith.constant 0 : i32
    %dma_start3A_132 = arith.constant 0 : i32
    %dma_start3A_133 = tpu.memref_slice %arg2[%dma_start3A_131, %dma_start3A_132] : memref<10000x128xf32, #tpu.memory_space<hbm>> -> memref<10000x128xf32, #tpu.memory_space<hbm>>
    tpu.enqueue_indirect_dma source(%dma_start3A_133 : memref<10000x128xf32, #tpu.memory_space<hbm>>) target(%dma_start3A_125 : memref<32x128xf32, #tpu.memory_space<vmem>>) offsets(%dma_start3A_130 : memref<32xi32, #tpu.memory_space<vmem>>) semaphore(%arg15 : memref<!tpu.dma_semaphore, #tpu.memory_space<semaphore_mem>>)
    %dma_start3A_134 = arith.constant 0 : i32
    %dma_start3A_135 = arith.constant 32 : i32
    %dma_start3A_136 = arith.constant 0 : i32
    %dma_start3A_137 = tpu.memref_slice %arg13[%dma_start3A_135, %dma_start3A_136] : memref<128x128xf32, #tpu.memory_space<vmem>> -> memref<32x128xf32, #tpu.memory_space<vmem>>
    %dma_start3A_138 = arith.constant 0 : i32
    %dma_start3A_139 = tpu.memref_slice %arg11[%dma_start3A_134, %dma_start3A_138] : memref<40x128xi32, #tpu.memory_space<vmem>> -> memref<1x128xi32, #tpu.memory_space<vmem>>
    %dma_start3A_140 = tpu.memref_squeeze %dma_start3A_139 : memref<1x128xi32, #tpu.memory_space<vmem>> -> memref<128xi32, #tpu.memory_space<vmem>>
    %dma_start3A_141 = arith.constant 32 : i32
    %dma_start3A_142 = tpu.memref_slice %dma_start3A_140[%dma_start3A_141] : memref<128xi32, #tpu.memory_space<vmem>> -> memref<32xi32, #tpu.memory_space<vmem>>
    %dma_start3A_143 = arith.constant 0 : i32
    %dma_start3A_144 = arith.constant 0 : i32
    %dma_start3A_145 = tpu.memref_slice %arg2[%dma_start3A_143, %dma_start3A_144] : memref<10000x128xf32, #tpu.memory_space<hbm>> -> memref<10000x128xf32, #tpu.memory_space<hbm>>
    tpu.enqueue_indirect_dma source(%dma_start3A_145 : memref<10000x128xf32, #tpu.memory_space<hbm>>) target(%dma_start3A_137 : memref<32x128xf32, #tpu.memory_space<vmem>>) offsets(%dma_start3A_142 : memref<32xi32, #tpu.memory_space<vmem>>) semaphore(%arg15 : memref<!tpu.dma_semaphore, #tpu.memory_space<semaphore_mem>>)
    %dma_start3A_146 = arith.constant 0 : i32
    %dma_start3A_147 = arith.constant 64 : i32
    %dma_start3A_148 = arith.constant 0 : i32
    %dma_start3A_149 = tpu.memref_slice %arg13[%dma_start3A_147, %dma_start3A_148] : memref<128x128xf32, #tpu.memory_space<vmem>> -> memref<32x128xf32, #tpu.memory_space<vmem>>
    %dma_start3A_150 = arith.constant 0 : i32
    %dma_start3A_151 = tpu.memref_slice %arg11[%dma_start3A_146, %dma_start3A_150] : memref<40x128xi32, #tpu.memory_space<vmem>> -> memref<1x128xi32, #tpu.memory_space<vmem>>
    %dma_start3A_152 = tpu.memref_squeeze %dma_start3A_151 : memref<1x128xi32, #tpu.memory_space<vmem>> -> memref<128xi32, #tpu.memory_space<vmem>>
    %dma_start3A_153 = arith.constant 64 : i32
    %dma_start3A_154 = tpu.memref_slice %dma_start3A_152[%dma_start3A_153] : memref<128xi32, #tpu.memory_space<vmem>> -> memref<32xi32, #tpu.memory_space<vmem>>
    %dma_start3A_155 = arith.constant 0 : i32
    %dma_start3A_156 = arith.constant 0 : i32
    %dma_start3A_157 = tpu.memref_slice %arg2[%dma_start3A_155, %dma_start3A_156] : memref<10000x128xf32, #tpu.memory_space<hbm>> -> memref<10000x128xf32, #tpu.memory_space<hbm>>
    tpu.enqueue_indirect_dma source(%dma_start3A_157 : memref<10000x128xf32, #tpu.memory_space<hbm>>) target(%dma_start3A_149 : memref<32x128xf32, #tpu.memory_space<vmem>>) offsets(%dma_start3A_154 : memref<32xi32, #tpu.memory_space<vmem>>) semaphore(%arg15 : memref<!tpu.dma_semaphore, #tpu.memory_space<semaphore_mem>>)
    %dma_start3A_158 = arith.constant 0 : i32
    %dma_start3A_159 = arith.constant 96 : i32
    %dma_start3A_160 = arith.constant 0 : i32
    %dma_start3A_161 = tpu.memref_slice %arg13[%dma_start3A_159, %dma_start3A_160] : memref<128x128xf32, #tpu.memory_space<vmem>> -> memref<32x128xf32, #tpu.memory_space<vmem>>
    %dma_start3A_162 = arith.constant 0 : i32
    %dma_start3A_163 = tpu.memref_slice %arg11[%dma_start3A_158, %dma_start3A_162] : memref<40x128xi32, #tpu.memory_space<vmem>> -> memref<1x128xi32, #tpu.memory_space<vmem>>
    %dma_start3A_164 = tpu.memref_squeeze %dma_start3A_163 : memref<1x128xi32, #tpu.memory_space<vmem>> -> memref<128xi32, #tpu.memory_space<vmem>>
    %dma_start3A_165 = arith.constant 96 : i32
    %dma_start3A_166 = tpu.memref_slice %dma_start3A_164[%dma_start3A_165] : memref<128xi32, #tpu.memory_space<vmem>> -> memref<32xi32, #tpu.memory_space<vmem>>
    %dma_start3A_167 = arith.constant 0 : i32
    %dma_start3A_168 = arith.constant 0 : i32
    %dma_start3A_169 = tpu.memref_slice %arg2[%dma_start3A_167, %dma_start3A_168] : memref<10000x128xf32, #tpu.memory_space<hbm>> -> memref<10000x128xf32, #tpu.memory_space<hbm>>
    tpu.enqueue_indirect_dma source(%dma_start3A_169 : memref<10000x128xf32, #tpu.memory_space<hbm>>) target(%dma_start3A_161 : memref<32x128xf32, #tpu.memory_space<vmem>>) offsets(%dma_start3A_166 : memref<32xi32, #tpu.memory_space<vmem>>) semaphore(%arg15 : memref<!tpu.dma_semaphore, #tpu.memory_space<semaphore_mem>>)
    %dma_start3A_170 = arith.constant 1 : i32
    %dma_start3A_171 = arith.constant 0 : i32
    %dma_start3A_172 = arith.constant 0 : i32
    %dma_start3A_173 = tpu.memref_slice %arg14[%dma_start3A_171, %dma_start3A_172] : memref<128x128xf32, #tpu.memory_space<vmem>> -> memref<32x128xf32, #tpu.memory_space<vmem>>
    %dma_start3A_174 = arith.constant 0 : i32
    %dma_start3A_175 = tpu.memref_slice %arg11[%dma_start3A_170, %dma_start3A_174] : memref<40x128xi32, #tpu.memory_space<vmem>> -> memref<1x128xi32, #tpu.memory_space<vmem>>
    %dma_start3A_176 = tpu.memref_squeeze %dma_start3A_175 : memref<1x128xi32, #tpu.memory_space<vmem>> -> memref<128xi32, #tpu.memory_space<vmem>>
    %dma_start3A_177 = arith.constant 0 : i32
    %dma_start3A_178 = tpu.memref_slice %dma_start3A_176[%dma_start3A_177] : memref<128xi32, #tpu.memory_space<vmem>> -> memref<32xi32, #tpu.memory_space<vmem>>
    %dma_start3A_179 = arith.constant 0 : i32
    %dma_start3A_180 = arith.constant 0 : i32
    %dma_start3A_181 = tpu.memref_slice %arg2[%dma_start3A_179, %dma_start3A_180] : memref<10000x128xf32, #tpu.memory_space<hbm>> -> memref<10000x128xf32, #tpu.memory_space<hbm>>
    tpu.enqueue_indirect_dma source(%dma_start3A_181 : memref<10000x128xf32, #tpu.memory_space<hbm>>) target(%dma_start3A_173 : memref<32x128xf32, #tpu.memory_space<vmem>>) offsets(%dma_start3A_178 : memref<32xi32, #tpu.memory_space<vmem>>) semaphore(%arg16 : memref<!tpu.dma_semaphore, #tpu.memory_space<semaphore_mem>>)
    %dma_start3A_182 = arith.constant 1 : i32
    %dma_start3A_183 = arith.constant 32 : i32
    %dma_start3A_184 = arith.constant 0 : i32
    %dma_start3A_185 = tpu.memref_slice %arg14[%dma_start3A_183, %dma_start3A_184] : memref<128x128xf32, #tpu.memory_space<vmem>> -> memref<32x128xf32, #tpu.memory_space<vmem>>
    %dma_start3A_186 = arith.constant 0 : i32
    %dma_start3A_187 = tpu.memref_slice %arg11[%dma_start3A_182, %dma_start3A_186] : memref<40x128xi32, #tpu.memory_space<vmem>> -> memref<1x128xi32, #tpu.memory_space<vmem>>
    %dma_start3A_188 = tpu.memref_squeeze %dma_start3A_187 : memref<1x128xi32, #tpu.memory_space<vmem>> -> memref<128xi32, #tpu.memory_space<vmem>>
    %dma_start3A_189 = arith.constant 32 : i32
    %dma_start3A_190 = tpu.memref_slice %dma_start3A_188[%dma_start3A_189] : memref<128xi32, #tpu.memory_space<vmem>> -> memref<32xi32, #tpu.memory_space<vmem>>
    %dma_start3A_191 = arith.constant 0 : i32
    %dma_start3A_192 = arith.constant 0 : i32
    %dma_start3A_193 = tpu.memref_slice %arg2[%dma_start3A_191, %dma_start3A_192] : memref<10000x128xf32, #tpu.memory_space<hbm>> -> memref<10000x128xf32, #tpu.memory_space<hbm>>
    tpu.enqueue_indirect_dma source(%dma_start3A_193 : memref<10000x128xf32, #tpu.memory_space<hbm>>) target(%dma_start3A_185 : memref<32x128xf32, #tpu.memory_space<vmem>>) offsets(%dma_start3A_190 : memref<32xi32, #tpu.memory_space<vmem>>) semaphore(%arg16 : memref<!tpu.dma_semaphore, #tpu.memory_space<semaphore_mem>>)
    %dma_start3A_194 = arith.constant 1 : i32
    %dma_start3A_195 = arith.constant 64 : i32
    %dma_start3A_196 = arith.constant 0 : i32
    %dma_start3A_197 = tpu.memref_slice %arg14[%dma_start3A_195, %dma_start3A_196] : memref<128x128xf32, #tpu.memory_space<vmem>> -> memref<32x128xf32, #tpu.memory_space<vmem>>
    %dma_start3A_198 = arith.constant 0 : i32
    %dma_start3A_199 = tpu.memref_slice %arg11[%dma_start3A_194, %dma_start3A_198] : memref<40x128xi32, #tpu.memory_space<vmem>> -> memref<1x128xi32, #tpu.memory_space<vmem>>
    %dma_start3A_200 = tpu.memref_squeeze %dma_start3A_199 : memref<1x128xi32, #tpu.memory_space<vmem>> -> memref<128xi32, #tpu.memory_space<vmem>>
    %dma_start3A_201 = arith.constant 64 : i32
    %dma_start3A_202 = tpu.memref_slice %dma_start3A_200[%dma_start3A_201] : memref<128xi32, #tpu.memory_space<vmem>> -> memref<32xi32, #tpu.memory_space<vmem>>
    %dma_start3A_203 = arith.constant 0 : i32
    %dma_start3A_204 = arith.constant 0 : i32
    %dma_start3A_205 = tpu.memref_slice %arg2[%dma_start3A_203, %dma_start3A_204] : memref<10000x128xf32, #tpu.memory_space<hbm>> -> memref<10000x128xf32, #tpu.memory_space<hbm>>
    tpu.enqueue_indirect_dma source(%dma_start3A_205 : memref<10000x128xf32, #tpu.memory_space<hbm>>) target(%dma_start3A_197 : memref<32x128xf32, #tpu.memory_space<vmem>>) offsets(%dma_start3A_202 : memref<32xi32, #tpu.memory_space<vmem>>) semaphore(%arg16 : memref<!tpu.dma_semaphore, #tpu.memory_space<semaphore_mem>>)
    %dma_start3A_206 = arith.constant 1 : i32
    %dma_start3A_207 = arith.constant 96 : i32
    %dma_start3A_208 = arith.constant 0 : i32
    %dma_start3A_209 = tpu.memref_slice %arg14[%dma_start3A_207, %dma_start3A_208] : memref<128x128xf32, #tpu.memory_space<vmem>> -> memref<32x128xf32, #tpu.memory_space<vmem>>
    %dma_start3A_210 = arith.constant 0 : i32
    %dma_start3A_211 = tpu.memref_slice %arg11[%dma_start3A_206, %dma_start3A_210] : memref<40x128xi32, #tpu.memory_space<vmem>> -> memref<1x128xi32, #tpu.memory_space<vmem>>
    %dma_start3A_212 = tpu.memref_squeeze %dma_start3A_211 : memref<1x128xi32, #tpu.memory_space<vmem>> -> memref<128xi32, #tpu.memory_space<vmem>>
    %dma_start3A_213 = arith.constant 96 : i32
    %dma_start3A_214 = tpu.memref_slice %dma_start3A_212[%dma_start3A_213] : memref<128xi32, #tpu.memory_space<vmem>> -> memref<32xi32, #tpu.memory_space<vmem>>
    %dma_start3A_215 = arith.constant 0 : i32
    %dma_start3A_216 = arith.constant 0 : i32
    %dma_start3A_217 = tpu.memref_slice %arg2[%dma_start3A_215, %dma_start3A_216] : memref<10000x128xf32, #tpu.memory_space<hbm>> -> memref<10000x128xf32, #tpu.memory_space<hbm>>
    tpu.enqueue_indirect_dma source(%dma_start3A_217 : memref<10000x128xf32, #tpu.memory_space<hbm>>) target(%dma_start3A_209 : memref<32x128xf32, #tpu.memory_space<vmem>>) offsets(%dma_start3A_214 : memref<32xi32, #tpu.memory_space<vmem>>) semaphore(%arg16 : memref<!tpu.dma_semaphore, #tpu.memory_space<semaphore_mem>>)
    %scan3A_218 = arith.constant 0 : i32
    %scan3A_219 = arith.constant 0 : i32
    %scan3A_220 = arith.constant 20 : i32
    %scan3A_221 = arith.addi %scan3A_219, %scan3A_220 : i32
    %scan3A_222 = arith.constant 1 : i32
    scf.for %scan3A_245 = %scan3A_219 to %scan3A_221 step %scan3A_222  : i32 {
      %mul3A_246 = arith.constant 2 : i32
      %mul3A_247 = arith.muli %scan3A_245, %mul3A_246 : i32
      %add3A_248 = arith.constant 0 : i32
      %add3A_249 = arith.addi %mul3A_247, %add3A_248 : i32
      %dma_wait3A_250 = arith.constant 0 : i32
      %dma_wait3A_251 = arith.constant 0 : i32
      %dma_wait3A_252 = tpu.memref_slice %arg13[%dma_wait3A_250, %dma_wait3A_251] : memref<128x128xf32, #tpu.memory_space<vmem>> -> memref<32x128xf32, #tpu.memory_space<vmem>>
      %dma_wait3A_253 = arith.constant 0 : i32
      %dma_wait3A_254 = tpu.memref_slice %arg11[%add3A_249, %dma_wait3A_253] : memref<40x128xi32, #tpu.memory_space<vmem>> -> memref<1x128xi32, #tpu.memory_space<vmem>>
      %dma_wait3A_255 = tpu.memref_squeeze %dma_wait3A_254 : memref<1x128xi32, #tpu.memory_space<vmem>> -> memref<128xi32, #tpu.memory_space<vmem>>
      %dma_wait3A_256 = arith.constant 0 : i32
      %dma_wait3A_257 = tpu.memref_slice %dma_wait3A_255[%dma_wait3A_256] : memref<128xi32, #tpu.memory_space<vmem>> -> memref<32xi32, #tpu.memory_space<vmem>>
      %dma_wait3A_258 = arith.constant 0 : i32
      %dma_wait3A_259 = arith.constant 0 : i32
      %dma_wait3A_260 = tpu.memref_slice %arg2[%dma_wait3A_258, %dma_wait3A_259] : memref<10000x128xf32, #tpu.memory_space<hbm>> -> memref<10000x128xf32, #tpu.memory_space<hbm>>
      tpu.wait_indirect_dma semaphore(%arg15 : memref<!tpu.dma_semaphore, #tpu.memory_space<semaphore_mem>>) src(%dma_wait3A_260 : memref<10000x128xf32, #tpu.memory_space<hbm>>) dst(%dma_wait3A_252 : memref<32x128xf32, #tpu.memory_space<vmem>>)
      %dma_wait3A_261 = arith.constant 32 : i32
      %dma_wait3A_262 = arith.constant 0 : i32
      %dma_wait3A_263 = tpu.memref_slice %arg13[%dma_wait3A_261, %dma_wait3A_262] : memref<128x128xf32, #tpu.memory_space<vmem>> -> memref<32x128xf32, #tpu.memory_space<vmem>>
      %dma_wait3A_264 = arith.constant 0 : i32
      %dma_wait3A_265 = tpu.memref_slice %arg11[%add3A_249, %dma_wait3A_264] : memref<40x128xi32, #tpu.memory_space<vmem>> -> memref<1x128xi32, #tpu.memory_space<vmem>>
      %dma_wait3A_266 = tpu.memref_squeeze %dma_wait3A_265 : memref<1x128xi32, #tpu.memory_space<vmem>> -> memref<128xi32, #tpu.memory_space<vmem>>
      %dma_wait3A_267 = arith.constant 32 : i32
      %dma_wait3A_268 = tpu.memref_slice %dma_wait3A_266[%dma_wait3A_267] : memref<128xi32, #tpu.memory_space<vmem>> -> memref<32xi32, #tpu.memory_space<vmem>>
      %dma_wait3A_269 = arith.constant 0 : i32
      %dma_wait3A_270 = arith.constant 0 : i32
      %dma_wait3A_271 = tpu.memref_slice %arg2[%dma_wait3A_269, %dma_wait3A_270] : memref<10000x128xf32, #tpu.memory_space<hbm>> -> memref<10000x128xf32, #tpu.memory_space<hbm>>
      tpu.wait_indirect_dma semaphore(%arg15 : memref<!tpu.dma_semaphore, #tpu.memory_space<semaphore_mem>>) src(%dma_wait3A_271 : memref<10000x128xf32, #tpu.memory_space<hbm>>) dst(%dma_wait3A_263 : memref<32x128xf32, #tpu.memory_space<vmem>>)
      %dma_wait3A_272 = arith.constant 64 : i32
      %dma_wait3A_273 = arith.constant 0 : i32
      %dma_wait3A_274 = tpu.memref_slice %arg13[%dma_wait3A_272, %dma_wait3A_273] : memref<128x128xf32, #tpu.memory_space<vmem>> -> memref<32x128xf32, #tpu.memory_space<vmem>>
      %dma_wait3A_275 = arith.constant 0 : i32
      %dma_wait3A_276 = tpu.memref_slice %arg11[%add3A_249, %dma_wait3A_275] : memref<40x128xi32, #tpu.memory_space<vmem>> -> memref<1x128xi32, #tpu.memory_space<vmem>>
      %dma_wait3A_277 = tpu.memref_squeeze %dma_wait3A_276 : memref<1x128xi32, #tpu.memory_space<vmem>> -> memref<128xi32, #tpu.memory_space<vmem>>
      %dma_wait3A_278 = arith.constant 64 : i32
      %dma_wait3A_279 = tpu.memref_slice %dma_wait3A_277[%dma_wait3A_278] : memref<128xi32, #tpu.memory_space<vmem>> -> memref<32xi32, #tpu.memory_space<vmem>>
      %dma_wait3A_280 = arith.constant 0 : i32
      %dma_wait3A_281 = arith.constant 0 : i32
      %dma_wait3A_282 = tpu.memref_slice %arg2[%dma_wait3A_280, %dma_wait3A_281] : memref<10000x128xf32, #tpu.memory_space<hbm>> -> memref<10000x128xf32, #tpu.memory_space<hbm>>
      tpu.wait_indirect_dma semaphore(%arg15 : memref<!tpu.dma_semaphore, #tpu.memory_space<semaphore_mem>>) src(%dma_wait3A_282 : memref<10000x128xf32, #tpu.memory_space<hbm>>) dst(%dma_wait3A_274 : memref<32x128xf32, #tpu.memory_space<vmem>>)
      %dma_wait3A_283 = arith.constant 96 : i32
      %dma_wait3A_284 = arith.constant 0 : i32
      %dma_wait3A_285 = tpu.memref_slice %arg13[%dma_wait3A_283, %dma_wait3A_284] : memref<128x128xf32, #tpu.memory_space<vmem>> -> memref<32x128xf32, #tpu.memory_space<vmem>>
      %dma_wait3A_286 = arith.constant 0 : i32
      %dma_wait3A_287 = tpu.memref_slice %arg11[%add3A_249, %dma_wait3A_286] : memref<40x128xi32, #tpu.memory_space<vmem>> -> memref<1x128xi32, #tpu.memory_space<vmem>>
      %dma_wait3A_288 = tpu.memref_squeeze %dma_wait3A_287 : memref<1x128xi32, #tpu.memory_space<vmem>> -> memref<128xi32, #tpu.memory_space<vmem>>
      %dma_wait3A_289 = arith.constant 96 : i32
      %dma_wait3A_290 = tpu.memref_slice %dma_wait3A_288[%dma_wait3A_289] : memref<128xi32, #tpu.memory_space<vmem>> -> memref<32xi32, #tpu.memory_space<vmem>>
      %dma_wait3A_291 = arith.constant 0 : i32
      %dma_wait3A_292 = arith.constant 0 : i32
      %dma_wait3A_293 = tpu.memref_slice %arg2[%dma_wait3A_291, %dma_wait3A_292] : memref<10000x128xf32, #tpu.memory_space<hbm>> -> memref<10000x128xf32, #tpu.memory_space<hbm>>
      tpu.wait_indirect_dma semaphore(%arg15 : memref<!tpu.dma_semaphore, #tpu.memory_space<semaphore_mem>>) src(%dma_wait3A_293 : memref<10000x128xf32, #tpu.memory_space<hbm>>) dst(%dma_wait3A_285 : memref<32x128xf32, #tpu.memory_space<vmem>>)
      %dma_start3A_294 = arith.constant 0 : i32
      %dma_start3A_295 = tpu.memref_slice %arg12[%add3A_249, %dma_start3A_294] : memref<40x128xi32, #tpu.memory_space<vmem>> -> memref<1x128xi32, #tpu.memory_space<vmem>>
      %dma_start3A_296 = tpu.memref_squeeze %dma_start3A_295 : memref<1x128xi32, #tpu.memory_space<vmem>> -> memref<128xi32, #tpu.memory_space<vmem>>
      %dma_start3A_297 = arith.constant 0 : i32
      %dma_start3A_298 = arith.constant 0 : i32
      %dma_start3A_299 = tpu.memref_slice %arg10[%dma_start3A_297, %dma_start3A_298] : memref<10240x128xf32, #tpu.memory_space<vmem_shared>> -> memref<10240x128xf32, #tpu.memory_space<vmem_shared>>
      tpu.enqueue_indirect_dma source(%arg13 : memref<128x128xf32, #tpu.memory_space<vmem>>) target(%dma_start3A_299 : memref<10240x128xf32, #tpu.memory_space<vmem_shared>>) offsets(%dma_start3A_296 : memref<128xi32, #tpu.memory_space<vmem>>) semaphore(%arg17 : memref<!tpu.dma_semaphore, #tpu.memory_space<semaphore_mem>>) {add = true}
      %dma_start3A_300 = arith.constant 0 : i32
      %dma_start3A_301 = tpu.memref_slice %arg12[%add3A_249, %dma_start3A_300] : memref<40x128xi32, #tpu.memory_space<vmem>> -> memref<1x128xi32, #tpu.memory_space<vmem>>
      %dma_start3A_302 = tpu.memref_squeeze %dma_start3A_301 : memref<1x128xi32, #tpu.memory_space<vmem>> -> memref<128xi32, #tpu.memory_space<vmem>>
      %dma_start3A_303 = arith.constant 0 : i32
      %dma_start3A_304 = tpu.memref_slice %arg20[%dma_start3A_303] : memref<10240xf32, #tpu.memory_space<vmem_shared>> -> memref<10240xf32, #tpu.memory_space<vmem_shared>>
      tpu.enqueue_indirect_dma source(%arg21 : memref<128xf32, #tpu.memory_space<vmem>>) target(%dma_start3A_304 : memref<10240xf32, #tpu.memory_space<vmem_shared>>) offsets(%dma_start3A_302 : memref<128xi32, #tpu.memory_space<vmem>>) semaphore(%arg19 : memref<!tpu.dma_semaphore, #tpu.memory_space<semaphore_mem>>) {add = true}
      %add3A_305 = arith.constant 2 : i32
      %add3A_306 = arith.addi %add3A_249, %add3A_305 : i32
      %lt3A = arith.constant 40 : i32
      %lt3A_307 = arith.cmpi slt, %add3A_306, %lt3A : i32
      %convert_element_type3A = arith.extui %lt3A_307 : i1 to i32
      %cond3A = arith.constant 0 : i32
      %cond3A_308 = arith.cmpi ne, %convert_element_type3A, %cond3A : i32
      scf.if %cond3A_308 {
        %dma_wait3A_375 = arith.constant 0 : i32
        %dma_wait3A_376 = tpu.memref_slice %arg12[%add3A_249, %dma_wait3A_375] : memref<40x128xi32, #tpu.memory_space<vmem>> -> memref<1x128xi32, #tpu.memory_space<vmem>>
        %dma_wait3A_377 = tpu.memref_squeeze %dma_wait3A_376 : memref<1x128xi32, #tpu.memory_space<vmem>> -> memref<128xi32, #tpu.memory_space<vmem>>
        %dma_wait3A_378 = arith.constant 0 : i32
        %dma_wait3A_379 = arith.constant 0 : i32
        %dma_wait3A_380 = tpu.memref_slice %arg10[%dma_wait3A_378, %dma_wait3A_379] : memref<10240x128xf32, #tpu.memory_space<vmem_shared>> -> memref<10240x128xf32, #tpu.memory_space<vmem_shared>>
        tpu.wait_indirect_dma semaphore(%arg17 : memref<!tpu.dma_semaphore, #tpu.memory_space<semaphore_mem>>) src(%arg13 : memref<128x128xf32, #tpu.memory_space<vmem>>) dst(%dma_wait3A_380 : memref<10240x128xf32, #tpu.memory_space<vmem_shared>>)
        %add3A_381 = arith.constant 2 : i32
        %add3A_382 = arith.addi %add3A_249, %add3A_381 : i32
        %dma_start3A_383 = arith.constant 0 : i32
        %dma_start3A_384 = arith.constant 0 : i32
        %dma_start3A_385 = tpu.memref_slice %arg13[%dma_start3A_383, %dma_start3A_384] : memref<128x128xf32, #tpu.memory_space<vmem>> -> memref<32x128xf32, #tpu.memory_space<vmem>>
        %dma_start3A_386 = arith.constant 0 : i32
        %dma_start3A_387 = tpu.memref_slice %arg11[%add3A_382, %dma_start3A_386] : memref<40x128xi32, #tpu.memory_space<vmem>> -> memref<1x128xi32, #tpu.memory_space<vmem>>
        %dma_start3A_388 = tpu.memref_squeeze %dma_start3A_387 : memref<1x128xi32, #tpu.memory_space<vmem>> -> memref<128xi32, #tpu.memory_space<vmem>>
        %dma_start3A_389 = arith.constant 0 : i32
        %dma_start3A_390 = tpu.memref_slice %dma_start3A_388[%dma_start3A_389] : memref<128xi32, #tpu.memory_space<vmem>> -> memref<32xi32, #tpu.memory_space<vmem>>
        %dma_start3A_391 = arith.constant 0 : i32
        %dma_start3A_392 = arith.constant 0 : i32
        %dma_start3A_393 = tpu.memref_slice %arg2[%dma_start3A_391, %dma_start3A_392] : memref<10000x128xf32, #tpu.memory_space<hbm>> -> memref<10000x128xf32, #tpu.memory_space<hbm>>
        tpu.enqueue_indirect_dma source(%dma_start3A_393 : memref<10000x128xf32, #tpu.memory_space<hbm>>) target(%dma_start3A_385 : memref<32x128xf32, #tpu.memory_space<vmem>>) offsets(%dma_start3A_390 : memref<32xi32, #tpu.memory_space<vmem>>) semaphore(%arg15 : memref<!tpu.dma_semaphore, #tpu.memory_space<semaphore_mem>>)
        %dma_start3A_394 = arith.constant 32 : i32
        %dma_start3A_395 = arith.constant 0 : i32
        %dma_start3A_396 = tpu.memref_slice %arg13[%dma_start3A_394, %dma_start3A_395] : memref<128x128xf32, #tpu.memory_space<vmem>> -> memref<32x128xf32, #tpu.memory_space<vmem>>
        %dma_start3A_397 = arith.constant 0 : i32
        %dma_start3A_398 = tpu.memref_slice %arg11[%add3A_382, %dma_start3A_397] : memref<40x128xi32, #tpu.memory_space<vmem>> -> memref<1x128xi32, #tpu.memory_space<vmem>>
        %dma_start3A_399 = tpu.memref_squeeze %dma_start3A_398 : memref<1x128xi32, #tpu.memory_space<vmem>> -> memref<128xi32, #tpu.memory_space<vmem>>
        %dma_start3A_400 = arith.constant 32 : i32
        %dma_start3A_401 = tpu.memref_slice %dma_start3A_399[%dma_start3A_400] : memref<128xi32, #tpu.memory_space<vmem>> -> memref<32xi32, #tpu.memory_space<vmem>>
        %dma_start3A_402 = arith.constant 0 : i32
        %dma_start3A_403 = arith.constant 0 : i32
        %dma_start3A_404 = tpu.memref_slice %arg2[%dma_start3A_402, %dma_start3A_403] : memref<10000x128xf32, #tpu.memory_space<hbm>> -> memref<10000x128xf32, #tpu.memory_space<hbm>>
        tpu.enqueue_indirect_dma source(%dma_start3A_404 : memref<10000x128xf32, #tpu.memory_space<hbm>>) target(%dma_start3A_396 : memref<32x128xf32, #tpu.memory_space<vmem>>) offsets(%dma_start3A_401 : memref<32xi32, #tpu.memory_space<vmem>>) semaphore(%arg15 : memref<!tpu.dma_semaphore, #tpu.memory_space<semaphore_mem>>)
        %dma_start3A_405 = arith.constant 64 : i32
        %dma_start3A_406 = arith.constant 0 : i32
        %dma_start3A_407 = tpu.memref_slice %arg13[%dma_start3A_405, %dma_start3A_406] : memref<128x128xf32, #tpu.memory_space<vmem>> -> memref<32x128xf32, #tpu.memory_space<vmem>>
        %dma_start3A_408 = arith.constant 0 : i32
        %dma_start3A_409 = tpu.memref_slice %arg11[%add3A_382, %dma_start3A_408] : memref<40x128xi32, #tpu.memory_space<vmem>> -> memref<1x128xi32, #tpu.memory_space<vmem>>
        %dma_start3A_410 = tpu.memref_squeeze %dma_start3A_409 : memref<1x128xi32, #tpu.memory_space<vmem>> -> memref<128xi32, #tpu.memory_space<vmem>>
        %dma_start3A_411 = arith.constant 64 : i32
        %dma_start3A_412 = tpu.memref_slice %dma_start3A_410[%dma_start3A_411] : memref<128xi32, #tpu.memory_space<vmem>> -> memref<32xi32, #tpu.memory_space<vmem>>
        %dma_start3A_413 = arith.constant 0 : i32
        %dma_start3A_414 = arith.constant 0 : i32
        %dma_start3A_415 = tpu.memref_slice %arg2[%dma_start3A_413, %dma_start3A_414] : memref<10000x128xf32, #tpu.memory_space<hbm>> -> memref<10000x128xf32, #tpu.memory_space<hbm>>
        tpu.enqueue_indirect_dma source(%dma_start3A_415 : memref<10000x128xf32, #tpu.memory_space<hbm>>) target(%dma_start3A_407 : memref<32x128xf32, #tpu.memory_space<vmem>>) offsets(%dma_start3A_412 : memref<32xi32, #tpu.memory_space<vmem>>) semaphore(%arg15 : memref<!tpu.dma_semaphore, #tpu.memory_space<semaphore_mem>>)
        %dma_start3A_416 = arith.constant 96 : i32
        %dma_start3A_417 = arith.constant 0 : i32
        %dma_start3A_418 = tpu.memref_slice %arg13[%dma_start3A_416, %dma_start3A_417] : memref<128x128xf32, #tpu.memory_space<vmem>> -> memref<32x128xf32, #tpu.memory_space<vmem>>
        %dma_start3A_419 = arith.constant 0 : i32
        %dma_start3A_420 = tpu.memref_slice %arg11[%add3A_382, %dma_start3A_419] : memref<40x128xi32, #tpu.memory_space<vmem>> -> memref<1x128xi32, #tpu.memory_space<vmem>>
        %dma_start3A_421 = tpu.memref_squeeze %dma_start3A_420 : memref<1x128xi32, #tpu.memory_space<vmem>> -> memref<128xi32, #tpu.memory_space<vmem>>
        %dma_start3A_422 = arith.constant 96 : i32
        %dma_start3A_423 = tpu.memref_slice %dma_start3A_421[%dma_start3A_422] : memref<128xi32, #tpu.memory_space<vmem>> -> memref<32xi32, #tpu.memory_space<vmem>>
        %dma_start3A_424 = arith.constant 0 : i32
        %dma_start3A_425 = arith.constant 0 : i32
        %dma_start3A_426 = tpu.memref_slice %arg2[%dma_start3A_424, %dma_start3A_425] : memref<10000x128xf32, #tpu.memory_space<hbm>> -> memref<10000x128xf32, #tpu.memory_space<hbm>>
        tpu.enqueue_indirect_dma source(%dma_start3A_426 : memref<10000x128xf32, #tpu.memory_space<hbm>>) target(%dma_start3A_418 : memref<32x128xf32, #tpu.memory_space<vmem>>) offsets(%dma_start3A_423 : memref<32xi32, #tpu.memory_space<vmem>>) semaphore(%arg15 : memref<!tpu.dma_semaphore, #tpu.memory_space<semaphore_mem>>)
      } else {
      }
      %mul3A_309 = arith.constant 2 : i32
      %mul3A_310 = arith.muli %scan3A_245, %mul3A_309 : i32
      %add3A_311 = arith.constant 1 : i32
      %add3A_312 = arith.addi %mul3A_310, %add3A_311 : i32
      %dma_wait3A_313 = arith.constant 0 : i32
      %dma_wait3A_314 = arith.constant 0 : i32
      %dma_wait3A_315 = tpu.memref_slice %arg14[%dma_wait3A_313, %dma_wait3A_314] : memref<128x128xf32, #tpu.memory_space<vmem>> -> memref<32x128xf32, #tpu.memory_space<vmem>>
      %dma_wait3A_316 = arith.constant 0 : i32
      %dma_wait3A_317 = tpu.memref_slice %arg11[%add3A_312, %dma_wait3A_316] : memref<40x128xi32, #tpu.memory_space<vmem>> -> memref<1x128xi32, #tpu.memory_space<vmem>>
      %dma_wait3A_318 = tpu.memref_squeeze %dma_wait3A_317 : memref<1x128xi32, #tpu.memory_space<vmem>> -> memref<128xi32, #tpu.memory_space<vmem>>
      %dma_wait3A_319 = arith.constant 0 : i32
      %dma_wait3A_320 = tpu.memref_slice %dma_wait3A_318[%dma_wait3A_319] : memref<128xi32, #tpu.memory_space<vmem>> -> memref<32xi32, #tpu.memory_space<vmem>>
      %dma_wait3A_321 = arith.constant 0 : i32
      %dma_wait3A_322 = arith.constant 0 : i32
      %dma_wait3A_323 = tpu.memref_slice %arg2[%dma_wait3A_321, %dma_wait3A_322] : memref<10000x128xf32, #tpu.memory_space<hbm>> -> memref<10000x128xf32, #tpu.memory_space<hbm>>
      tpu.wait_indirect_dma semaphore(%arg16 : memref<!tpu.dma_semaphore, #tpu.memory_space<semaphore_mem>>) src(%dma_wait3A_323 : memref<10000x128xf32, #tpu.memory_space<hbm>>) dst(%dma_wait3A_315 : memref<32x128xf32, #tpu.memory_space<vmem>>)
      %dma_wait3A_324 = arith.constant 32 : i32
      %dma_wait3A_325 = arith.constant 0 : i32
      %dma_wait3A_326 = tpu.memref_slice %arg14[%dma_wait3A_324, %dma_wait3A_325] : memref<128x128xf32, #tpu.memory_space<vmem>> -> memref<32x128xf32, #tpu.memory_space<vmem>>
      %dma_wait3A_327 = arith.constant 0 : i32
      %dma_wait3A_328 = tpu.memref_slice %arg11[%add3A_312, %dma_wait3A_327] : memref<40x128xi32, #tpu.memory_space<vmem>> -> memref<1x128xi32, #tpu.memory_space<vmem>>
      %dma_wait3A_329 = tpu.memref_squeeze %dma_wait3A_328 : memref<1x128xi32, #tpu.memory_space<vmem>> -> memref<128xi32, #tpu.memory_space<vmem>>
      %dma_wait3A_330 = arith.constant 32 : i32
      %dma_wait3A_331 = tpu.memref_slice %dma_wait3A_329[%dma_wait3A_330] : memref<128xi32, #tpu.memory_space<vmem>> -> memref<32xi32, #tpu.memory_space<vmem>>
      %dma_wait3A_332 = arith.constant 0 : i32
      %dma_wait3A_333 = arith.constant 0 : i32
      %dma_wait3A_334 = tpu.memref_slice %arg2[%dma_wait3A_332, %dma_wait3A_333] : memref<10000x128xf32, #tpu.memory_space<hbm>> -> memref<10000x128xf32, #tpu.memory_space<hbm>>
      tpu.wait_indirect_dma semaphore(%arg16 : memref<!tpu.dma_semaphore, #tpu.memory_space<semaphore_mem>>) src(%dma_wait3A_334 : memref<10000x128xf32, #tpu.memory_space<hbm>>) dst(%dma_wait3A_326 : memref<32x128xf32, #tpu.memory_space<vmem>>)
      %dma_wait3A_335 = arith.constant 64 : i32
      %dma_wait3A_336 = arith.constant 0 : i32
      %dma_wait3A_337 = tpu.memref_slice %arg14[%dma_wait3A_335, %dma_wait3A_336] : memref<128x128xf32, #tpu.memory_space<vmem>> -> memref<32x128xf32, #tpu.memory_space<vmem>>
      %dma_wait3A_338 = arith.constant 0 : i32
      %dma_wait3A_339 = tpu.memref_slice %arg11[%add3A_312, %dma_wait3A_338] : memref<40x128xi32, #tpu.memory_space<vmem>> -> memref<1x128xi32, #tpu.memory_space<vmem>>
      %dma_wait3A_340 = tpu.memref_squeeze %dma_wait3A_339 : memref<1x128xi32, #tpu.memory_space<vmem>> -> memref<128xi32, #tpu.memory_space<vmem>>
      %dma_wait3A_341 = arith.constant 64 : i32
      %dma_wait3A_342 = tpu.memref_slice %dma_wait3A_340[%dma_wait3A_341] : memref<128xi32, #tpu.memory_space<vmem>> -> memref<32xi32, #tpu.memory_space<vmem>>
      %dma_wait3A_343 = arith.constant 0 : i32
      %dma_wait3A_344 = arith.constant 0 : i32
      %dma_wait3A_345 = tpu.memref_slice %arg2[%dma_wait3A_343, %dma_wait3A_344] : memref<10000x128xf32, #tpu.memory_space<hbm>> -> memref<10000x128xf32, #tpu.memory_space<hbm>>
      tpu.wait_indirect_dma semaphore(%arg16 : memref<!tpu.dma_semaphore, #tpu.memory_space<semaphore_mem>>) src(%dma_wait3A_345 : memref<10000x128xf32, #tpu.memory_space<hbm>>) dst(%dma_wait3A_337 : memref<32x128xf32, #tpu.memory_space<vmem>>)
      %dma_wait3A_346 = arith.constant 96 : i32
      %dma_wait3A_347 = arith.constant 0 : i32
      %dma_wait3A_348 = tpu.memref_slice %arg14[%dma_wait3A_346, %dma_wait3A_347] : memref<128x128xf32, #tpu.memory_space<vmem>> -> memref<32x128xf32, #tpu.memory_space<vmem>>
      %dma_wait3A_349 = arith.constant 0 : i32
      %dma_wait3A_350 = tpu.memref_slice %arg11[%add3A_312, %dma_wait3A_349] : memref<40x128xi32, #tpu.memory_space<vmem>> -> memref<1x128xi32, #tpu.memory_space<vmem>>
      %dma_wait3A_351 = tpu.memref_squeeze %dma_wait3A_350 : memref<1x128xi32, #tpu.memory_space<vmem>> -> memref<128xi32, #tpu.memory_space<vmem>>
      %dma_wait3A_352 = arith.constant 96 : i32
      %dma_wait3A_353 = tpu.memref_slice %dma_wait3A_351[%dma_wait3A_352] : memref<128xi32, #tpu.memory_space<vmem>> -> memref<32xi32, #tpu.memory_space<vmem>>
      %dma_wait3A_354 = arith.constant 0 : i32
      %dma_wait3A_355 = arith.constant 0 : i32
      %dma_wait3A_356 = tpu.memref_slice %arg2[%dma_wait3A_354, %dma_wait3A_355] : memref<10000x128xf32, #tpu.memory_space<hbm>> -> memref<10000x128xf32, #tpu.memory_space<hbm>>
      tpu.wait_indirect_dma semaphore(%arg16 : memref<!tpu.dma_semaphore, #tpu.memory_space<semaphore_mem>>) src(%dma_wait3A_356 : memref<10000x128xf32, #tpu.memory_space<hbm>>) dst(%dma_wait3A_348 : memref<32x128xf32, #tpu.memory_space<vmem>>)
      %dma_start3A_357 = arith.constant 0 : i32
      %dma_start3A_358 = tpu.memref_slice %arg12[%add3A_312, %dma_start3A_357] : memref<40x128xi32, #tpu.memory_space<vmem>> -> memref<1x128xi32, #tpu.memory_space<vmem>>
      %dma_start3A_359 = tpu.memref_squeeze %dma_start3A_358 : memref<1x128xi32, #tpu.memory_space<vmem>> -> memref<128xi32, #tpu.memory_space<vmem>>
      %dma_start3A_360 = arith.constant 0 : i32
      %dma_start3A_361 = arith.constant 0 : i32
      %dma_start3A_362 = tpu.memref_slice %arg10[%dma_start3A_360, %dma_start3A_361] : memref<10240x128xf32, #tpu.memory_space<vmem_shared>> -> memref<10240x128xf32, #tpu.memory_space<vmem_shared>>
      tpu.enqueue_indirect_dma source(%arg14 : memref<128x128xf32, #tpu.memory_space<vmem>>) target(%dma_start3A_362 : memref<10240x128xf32, #tpu.memory_space<vmem_shared>>) offsets(%dma_start3A_359 : memref<128xi32, #tpu.memory_space<vmem>>) semaphore(%arg18 : memref<!tpu.dma_semaphore, #tpu.memory_space<semaphore_mem>>) {add = true}
      %dma_start3A_363 = arith.constant 0 : i32
      %dma_start3A_364 = tpu.memref_slice %arg12[%add3A_312, %dma_start3A_363] : memref<40x128xi32, #tpu.memory_space<vmem>> -> memref<1x128xi32, #tpu.memory_space<vmem>>
      %dma_start3A_365 = tpu.memref_squeeze %dma_start3A_364 : memref<1x128xi32, #tpu.memory_space<vmem>> -> memref<128xi32, #tpu.memory_space<vmem>>
      %dma_start3A_366 = arith.constant 0 : i32
      %dma_start3A_367 = tpu.memref_slice %arg20[%dma_start3A_366] : memref<10240xf32, #tpu.memory_space<vmem_shared>> -> memref<10240xf32, #tpu.memory_space<vmem_shared>>
      tpu.enqueue_indirect_dma source(%arg21 : memref<128xf32, #tpu.memory_space<vmem>>) target(%dma_start3A_367 : memref<10240xf32, #tpu.memory_space<vmem_shared>>) offsets(%dma_start3A_365 : memref<128xi32, #tpu.memory_space<vmem>>) semaphore(%arg19 : memref<!tpu.dma_semaphore, #tpu.memory_space<semaphore_mem>>) {add = true}
      %add3A_368 = arith.constant 2 : i32
      %add3A_369 = arith.addi %add3A_312, %add3A_368 : i32
      %lt3A_370 = arith.constant 40 : i32
      %lt3A_371 = arith.cmpi slt, %add3A_369, %lt3A_370 : i32
      %convert_element_type3A_372 = arith.extui %lt3A_371 : i1 to i32
      %cond3A_373 = arith.constant 0 : i32
      %cond3A_374 = arith.cmpi ne, %convert_element_type3A_372, %cond3A_373 : i32
      scf.if %cond3A_374 {
        %dma_wait3A_375 = arith.constant 0 : i32
        %dma_wait3A_376 = tpu.memref_slice %arg12[%add3A_312, %dma_wait3A_375] : memref<40x128xi32, #tpu.memory_space<vmem>> -> memref<1x128xi32, #tpu.memory_space<vmem>>
        %dma_wait3A_377 = tpu.memref_squeeze %dma_wait3A_376 : memref<1x128xi32, #tpu.memory_space<vmem>> -> memref<128xi32, #tpu.memory_space<vmem>>
        %dma_wait3A_378 = arith.constant 0 : i32
        %dma_wait3A_379 = arith.constant 0 : i32
        %dma_wait3A_380 = tpu.memref_slice %arg10[%dma_wait3A_378, %dma_wait3A_379] : memref<10240x128xf32, #tpu.memory_space<vmem_shared>> -> memref<10240x128xf32, #tpu.memory_space<vmem_shared>>
        tpu.wait_indirect_dma semaphore(%arg18 : memref<!tpu.dma_semaphore, #tpu.memory_space<semaphore_mem>>) src(%arg14 : memref<128x128xf32, #tpu.memory_space<vmem>>) dst(%dma_wait3A_380 : memref<10240x128xf32, #tpu.memory_space<vmem_shared>>)
        %add3A_381 = arith.constant 2 : i32
        %add3A_382 = arith.addi %add3A_312, %add3A_381 : i32
        %dma_start3A_383 = arith.constant 0 : i32
        %dma_start3A_384 = arith.constant 0 : i32
        %dma_start3A_385 = tpu.memref_slice %arg14[%dma_start3A_383, %dma_start3A_384] : memref<128x128xf32, #tpu.memory_space<vmem>> -> memref<32x128xf32, #tpu.memory_space<vmem>>
        %dma_start3A_386 = arith.constant 0 : i32
        %dma_start3A_387 = tpu.memref_slice %arg11[%add3A_382, %dma_start3A_386] : memref<40x128xi32, #tpu.memory_space<vmem>> -> memref<1x128xi32, #tpu.memory_space<vmem>>
        %dma_start3A_388 = tpu.memref_squeeze %dma_start3A_387 : memref<1x128xi32, #tpu.memory_space<vmem>> -> memref<128xi32, #tpu.memory_space<vmem>>
        %dma_start3A_389 = arith.constant 0 : i32
        %dma_start3A_390 = tpu.memref_slice %dma_start3A_388[%dma_start3A_389] : memref<128xi32, #tpu.memory_space<vmem>> -> memref<32xi32, #tpu.memory_space<vmem>>
        %dma_start3A_391 = arith.constant 0 : i32
        %dma_start3A_392 = arith.constant 0 : i32
        %dma_start3A_393 = tpu.memref_slice %arg2[%dma_start3A_391, %dma_start3A_392] : memref<10000x128xf32, #tpu.memory_space<hbm>> -> memref<10000x128xf32, #tpu.memory_space<hbm>>
        tpu.enqueue_indirect_dma source(%dma_start3A_393 : memref<10000x128xf32, #tpu.memory_space<hbm>>) target(%dma_start3A_385 : memref<32x128xf32, #tpu.memory_space<vmem>>) offsets(%dma_start3A_390 : memref<32xi32, #tpu.memory_space<vmem>>) semaphore(%arg16 : memref<!tpu.dma_semaphore, #tpu.memory_space<semaphore_mem>>)
        %dma_start3A_394 = arith.constant 32 : i32
        %dma_start3A_395 = arith.constant 0 : i32
        %dma_start3A_396 = tpu.memref_slice %arg14[%dma_start3A_394, %dma_start3A_395] : memref<128x128xf32, #tpu.memory_space<vmem>> -> memref<32x128xf32, #tpu.memory_space<vmem>>
        %dma_start3A_397 = arith.constant 0 : i32
        %dma_start3A_398 = tpu.memref_slice %arg11[%add3A_382, %dma_start3A_397] : memref<40x128xi32, #tpu.memory_space<vmem>> -> memref<1x128xi32, #tpu.memory_space<vmem>>
        %dma_start3A_399 = tpu.memref_squeeze %dma_start3A_398 : memref<1x128xi32, #tpu.memory_space<vmem>> -> memref<128xi32, #tpu.memory_space<vmem>>
        %dma_start3A_400 = arith.constant 32 : i32
        %dma_start3A_401 = tpu.memref_slice %dma_start3A_399[%dma_start3A_400] : memref<128xi32, #tpu.memory_space<vmem>> -> memref<32xi32, #tpu.memory_space<vmem>>
        %dma_start3A_402 = arith.constant 0 : i32
        %dma_start3A_403 = arith.constant 0 : i32
        %dma_start3A_404 = tpu.memref_slice %arg2[%dma_start3A_402, %dma_start3A_403] : memref<10000x128xf32, #tpu.memory_space<hbm>> -> memref<10000x128xf32, #tpu.memory_space<hbm>>
        tpu.enqueue_indirect_dma source(%dma_start3A_404 : memref<10000x128xf32, #tpu.memory_space<hbm>>) target(%dma_start3A_396 : memref<32x128xf32, #tpu.memory_space<vmem>>) offsets(%dma_start3A_401 : memref<32xi32, #tpu.memory_space<vmem>>) semaphore(%arg16 : memref<!tpu.dma_semaphore, #tpu.memory_space<semaphore_mem>>)
        %dma_start3A_405 = arith.constant 64 : i32
        %dma_start3A_406 = arith.constant 0 : i32
        %dma_start3A_407 = tpu.memref_slice %arg14[%dma_start3A_405, %dma_start3A_406] : memref<128x128xf32, #tpu.memory_space<vmem>> -> memref<32x128xf32, #tpu.memory_space<vmem>>
        %dma_start3A_408 = arith.constant 0 : i32
        %dma_start3A_409 = tpu.memref_slice %arg11[%add3A_382, %dma_start3A_408] : memref<40x128xi32, #tpu.memory_space<vmem>> -> memref<1x128xi32, #tpu.memory_space<vmem>>
        %dma_start3A_410 = tpu.memref_squeeze %dma_start3A_409 : memref<1x128xi32, #tpu.memory_space<vmem>> -> memref<128xi32, #tpu.memory_space<vmem>>
        %dma_start3A_411 = arith.constant 64 : i32
        %dma_start3A_412 = tpu.memref_slice %dma_start3A_410[%dma_start3A_411] : memref<128xi32, #tpu.memory_space<vmem>> -> memref<32xi32, #tpu.memory_space<vmem>>
        %dma_start3A_413 = arith.constant 0 : i32
        %dma_start3A_414 = arith.constant 0 : i32
        %dma_start3A_415 = tpu.memref_slice %arg2[%dma_start3A_413, %dma_start3A_414] : memref<10000x128xf32, #tpu.memory_space<hbm>> -> memref<10000x128xf32, #tpu.memory_space<hbm>>
        tpu.enqueue_indirect_dma source(%dma_start3A_415 : memref<10000x128xf32, #tpu.memory_space<hbm>>) target(%dma_start3A_407 : memref<32x128xf32, #tpu.memory_space<vmem>>) offsets(%dma_start3A_412 : memref<32xi32, #tpu.memory_space<vmem>>) semaphore(%arg16 : memref<!tpu.dma_semaphore, #tpu.memory_space<semaphore_mem>>)
        %dma_start3A_416 = arith.constant 96 : i32
        %dma_start3A_417 = arith.constant 0 : i32
        %dma_start3A_418 = tpu.memref_slice %arg14[%dma_start3A_416, %dma_start3A_417] : memref<128x128xf32, #tpu.memory_space<vmem>> -> memref<32x128xf32, #tpu.memory_space<vmem>>
        %dma_start3A_419 = arith.constant 0 : i32
        %dma_start3A_420 = tpu.memref_slice %arg11[%add3A_382, %dma_start3A_419] : memref<40x128xi32, #tpu.memory_space<vmem>> -> memref<1x128xi32, #tpu.memory_space<vmem>>
        %dma_start3A_421 = tpu.memref_squeeze %dma_start3A_420 : memref<1x128xi32, #tpu.memory_space<vmem>> -> memref<128xi32, #tpu.memory_space<vmem>>
        %dma_start3A_422 = arith.constant 96 : i32
        %dma_start3A_423 = tpu.memref_slice %dma_start3A_421[%dma_start3A_422] : memref<128xi32, #tpu.memory_space<vmem>> -> memref<32xi32, #tpu.memory_space<vmem>>
        %dma_start3A_424 = arith.constant 0 : i32
        %dma_start3A_425 = arith.constant 0 : i32
        %dma_start3A_426 = tpu.memref_slice %arg2[%dma_start3A_424, %dma_start3A_425] : memref<10000x128xf32, #tpu.memory_space<hbm>> -> memref<10000x128xf32, #tpu.memory_space<hbm>>
        tpu.enqueue_indirect_dma source(%dma_start3A_426 : memref<10000x128xf32, #tpu.memory_space<hbm>>) target(%dma_start3A_418 : memref<32x128xf32, #tpu.memory_space<vmem>>) offsets(%dma_start3A_423 : memref<32xi32, #tpu.memory_space<vmem>>) semaphore(%arg16 : memref<!tpu.dma_semaphore, #tpu.memory_space<semaphore_mem>>)
      } else {
      }
    }
    %scan3A_223 = arith.constant 20 : i32
    %dma_wait3A_224 = arith.constant 38 : i32
    %dma_wait3A_225 = arith.constant 0 : i32
    %dma_wait3A_226 = tpu.memref_slice %arg12[%dma_wait3A_224, %dma_wait3A_225] : memref<40x128xi32, #tpu.memory_space<vmem>> -> memref<1x128xi32, #tpu.memory_space<vmem>>
    %dma_wait3A_227 = tpu.memref_squeeze %dma_wait3A_226 : memref<1x128xi32, #tpu.memory_space<vmem>> -> memref<128xi32, #tpu.memory_space<vmem>>
    %dma_wait3A_228 = arith.constant 0 : i32
    %dma_wait3A_229 = arith.constant 0 : i32
    %dma_wait3A_230 = tpu.memref_slice %arg10[%dma_wait3A_228, %dma_wait3A_229] : memref<10240x128xf32, #tpu.memory_space<vmem_shared>> -> memref<10240x128xf32, #tpu.memory_space<vmem_shared>>
    tpu.wait_indirect_dma semaphore(%arg17 : memref<!tpu.dma_semaphore, #tpu.memory_space<semaphore_mem>>) src(%arg13 : memref<128x128xf32, #tpu.memory_space<vmem>>) dst(%dma_wait3A_230 : memref<10240x128xf32, #tpu.memory_space<vmem_shared>>)
    %dma_wait3A_231 = arith.constant 39 : i32
    %dma_wait3A_232 = arith.constant 0 : i32
    %dma_wait3A_233 = tpu.memref_slice %arg12[%dma_wait3A_231, %dma_wait3A_232] : memref<40x128xi32, #tpu.memory_space<vmem>> -> memref<1x128xi32, #tpu.memory_space<vmem>>
    %dma_wait3A_234 = tpu.memref_squeeze %dma_wait3A_233 : memref<1x128xi32, #tpu.memory_space<vmem>> -> memref<128xi32, #tpu.memory_space<vmem>>
    %dma_wait3A_235 = arith.constant 0 : i32
    %dma_wait3A_236 = arith.constant 0 : i32
    %dma_wait3A_237 = tpu.memref_slice %arg10[%dma_wait3A_235, %dma_wait3A_236] : memref<10240x128xf32, #tpu.memory_space<vmem_shared>> -> memref<10240x128xf32, #tpu.memory_space<vmem_shared>>
    tpu.wait_indirect_dma semaphore(%arg18 : memref<!tpu.dma_semaphore, #tpu.memory_space<semaphore_mem>>) src(%arg14 : memref<128x128xf32, #tpu.memory_space<vmem>>) dst(%dma_wait3A_237 : memref<10240x128xf32, #tpu.memory_space<vmem_shared>>)
    %scan3A_238 = arith.constant 0 : i32
    %scan3A_239 = arith.constant 0 : i32
    %scan3A_240 = arith.constant 40 : i32
    %scan3A_241 = arith.addi %scan3A_239, %scan3A_240 : i32
    %scan3A_242 = arith.constant 1 : i32
    scf.for %scan3A_245 = %scan3A_239 to %scan3A_241 step %scan3A_242  : i32 {
      %dma_wait3A_246 = arith.constant 0 : i32
      %dma_wait3A_247 = tpu.memref_slice %arg12[%scan3A_245, %dma_wait3A_246] : memref<40x128xi32, #tpu.memory_space<vmem>> -> memref<1x128xi32, #tpu.memory_space<vmem>>
      %dma_wait3A_248 = tpu.memref_squeeze %dma_wait3A_247 : memref<1x128xi32, #tpu.memory_space<vmem>> -> memref<128xi32, #tpu.memory_space<vmem>>
      %dma_wait3A_249 = arith.constant 0 : i32
      %dma_wait3A_250 = tpu.memref_slice %arg20[%dma_wait3A_249] : memref<10240xf32, #tpu.memory_space<vmem_shared>> -> memref<10240xf32, #tpu.memory_space<vmem_shared>>
      tpu.wait_indirect_dma semaphore(%arg19 : memref<!tpu.dma_semaphore, #tpu.memory_space<semaphore_mem>>) src(%arg21 : memref<128xf32, #tpu.memory_space<vmem>>) dst(%dma_wait3A_250 : memref<10240xf32, #tpu.memory_space<vmem_shared>>)
    }
    %scan3A_243 = arith.constant 40 : i32
    %barrier3A_244 = arith.constant 0 : index
    tpu.barrier barrier_id(%barrier3A_244)
    "tpu.region"() ({
      %run_scoped3A = tpu.sem_alloc : memref<!tpu.dma_semaphore, #tpu.memory_space<semaphore_mem>>
      %dma_start3A_245 = arith.constant 0 : i32
      %dma_start3A_246 = arith.constant 0 : i32
      %dma_start3A_247 = tpu.memref_slice %arg8[%arg0, %dma_start3A_245, %dma_start3A_246] : memref<2x10240x128xf32, #tpu.memory_space<hbm>> -> memref<1x10240x128xf32, #tpu.memory_space<hbm>>
      %dma_start3A_248 = tpu.memref_squeeze %dma_start3A_247 : memref<1x10240x128xf32, #tpu.memory_space<hbm>> -> memref<10240x128xf32, #tpu.memory_space<hbm>>
      %dma_start3A_249 = arith.constant 0 : i32
      %dma_start3A_250 = tpu.memref_slice %dma_start3A_248[%mul3A_2, %dma_start3A_249] : memref<10240x128xf32, #tpu.memory_space<hbm>> -> memref<640x128xf32, #tpu.memory_space<hbm>>
      %dma_start3A_251 = arith.constant 0 : i32
      %dma_start3A_252 = tpu.memref_slice %arg10[%mul3A_2, %dma_start3A_251] : memref<10240x128xf32, #tpu.memory_space<vmem_shared>> -> memref<640x128xf32, #tpu.memory_space<vmem_shared>>
      tpu.enqueue_dma source(%dma_start3A_252 : memref<640x128xf32, #tpu.memory_space<vmem_shared>>) target(%dma_start3A_250 : memref<640x128xf32, #tpu.memory_space<hbm>>) target_semaphore(%run_scoped3A : memref<!tpu.dma_semaphore, #tpu.memory_space<semaphore_mem>>)
      %dma_wait3A_253 = arith.constant 0 : i32
      %dma_wait3A_254 = arith.constant 0 : i32
      %dma_wait3A_255 = tpu.memref_slice %arg8[%arg0, %dma_wait3A_253, %dma_wait3A_254] : memref<2x10240x128xf32, #tpu.memory_space<hbm>> -> memref<1x10240x128xf32, #tpu.memory_space<hbm>>
      %dma_wait3A_256 = tpu.memref_squeeze %dma_wait3A_255 : memref<1x10240x128xf32, #tpu.memory_space<hbm>> -> memref<10240x128xf32, #tpu.memory_space<hbm>>
      %dma_wait3A_257 = arith.constant 0 : i32
      %dma_wait3A_258 = tpu.memref_slice %dma_wait3A_256[%mul3A_2, %dma_wait3A_257] : memref<10240x128xf32, #tpu.memory_space<hbm>> -> memref<640x128xf32, #tpu.memory_space<hbm>>
      %dma_wait3A_259 = arith.constant 0 : i32
      %dma_wait3A_260 = tpu.memref_slice %arg10[%mul3A_2, %dma_wait3A_259] : memref<10240x128xf32, #tpu.memory_space<vmem_shared>> -> memref<640x128xf32, #tpu.memory_space<vmem_shared>>
      tpu.wait_dma2 semaphore(%run_scoped3A : memref<!tpu.dma_semaphore, #tpu.memory_space<semaphore_mem>>) src(%dma_wait3A_260 : memref<640x128xf32, #tpu.memory_space<vmem_shared>>) dst(%dma_wait3A_258 : memref<640x128xf32, #tpu.memory_space<hbm>>)
      tpu.yield
    }) : () -> ()
    "tpu.region"() ({
      %run_scoped3A = tpu.sem_alloc : memref<!tpu.dma_semaphore, #tpu.memory_space<semaphore_mem>>
      %dma_start3A_245 = arith.constant 0 : i32
      %dma_start3A_246 = tpu.memref_slice %arg9[%arg0, %dma_start3A_245] : memref<2x10240xf32, #tpu.memory_space<hbm>> -> memref<1x10240xf32, #tpu.memory_space<hbm>>
      %dma_start3A_247 = tpu.memref_squeeze %dma_start3A_246 : memref<1x10240xf32, #tpu.memory_space<hbm>> -> memref<10240xf32, #tpu.memory_space<hbm>>
      %dma_start3A_248 = tpu.memref_slice %dma_start3A_247[%mul3A_2] : memref<10240xf32, #tpu.memory_space<hbm>> -> memref<640xf32, #tpu.memory_space<hbm>>
      %dma_start3A_249 = tpu.memref_slice %arg20[%mul3A_2] : memref<10240xf32, #tpu.memory_space<vmem_shared>> -> memref<640xf32, #tpu.memory_space<vmem_shared>>
      tpu.enqueue_dma source(%dma_start3A_249 : memref<640xf32, #tpu.memory_space<vmem_shared>>) target(%dma_start3A_248 : memref<640xf32, #tpu.memory_space<hbm>>) target_semaphore(%run_scoped3A : memref<!tpu.dma_semaphore, #tpu.memory_space<semaphore_mem>>)
      %dma_wait3A_250 = arith.constant 0 : i32
      %dma_wait3A_251 = tpu.memref_slice %arg9[%arg0, %dma_wait3A_250] : memref<2x10240xf32, #tpu.memory_space<hbm>> -> memref<1x10240xf32, #tpu.memory_space<hbm>>
      %dma_wait3A_252 = tpu.memref_squeeze %dma_wait3A_251 : memref<1x10240xf32, #tpu.memory_space<hbm>> -> memref<10240xf32, #tpu.memory_space<hbm>>
      %dma_wait3A_253 = tpu.memref_slice %dma_wait3A_252[%mul3A_2] : memref<10240xf32, #tpu.memory_space<hbm>> -> memref<640xf32, #tpu.memory_space<hbm>>
      %dma_wait3A_254 = tpu.memref_slice %arg20[%mul3A_2] : memref<10240xf32, #tpu.memory_space<vmem_shared>> -> memref<640xf32, #tpu.memory_space<vmem_shared>>
      tpu.wait_dma2 semaphore(%run_scoped3A : memref<!tpu.dma_semaphore, #tpu.memory_space<semaphore_mem>>) src(%dma_wait3A_254 : memref<640xf32, #tpu.memory_space<vmem_shared>>) dst(%dma_wait3A_253 : memref<640xf32, #tpu.memory_space<hbm>>)
      tpu.yield
    }) : () -> ()
    return
  }
}

#map = affine_map<(d0, d1) -> (0, 0)>
#map1 = affine_map<(d0, d1) -> (0, 0, 0)>
#map2 = affine_map<(d0, d1) -> (0)>
module attributes {stable_mosaic.version = 14 : i64} {
  func.func @body(%arg0: i32, %arg1: i32, %arg2: memref<10000x128xf32, #tpu.memory_space<hbm>>, %arg3: memref<32x80x128xi32, #tpu.memory_space<hbm>>, %arg4: memref<32x80x128xi32, #tpu.memory_space<hbm>>, %arg5: memref<10240x128xf32, #tpu.memory_space<hbm>>, %arg6: memref<10240xf32, #tpu.memory_space<hbm>>, %arg7: memref<128xf32, #tpu.memory_space<hbm>>, %arg8: memref<2x10240x128xf32, #tpu.memory_space<hbm>>, %arg9: memref<10240x128xf32, #tpu.memory_space<vmem_shared>>, %arg10: memref<40x128xi32, #tpu.memory_space<vmem>>, %arg11: memref<40x128xi32, #tpu.memory_space<vmem>>, %arg12: memref<128x128xf32, #tpu.memory_space<vmem>>, %arg13: memref<128x128xf32, #tpu.memory_space<vmem>>, %arg14: memref<!tpu.dma_semaphore, #tpu.memory_space<semaphore_mem>>, %arg15: memref<!tpu.dma_semaphore, #tpu.memory_space<semaphore_mem>>, %arg16: memref<!tpu.dma_semaphore, #tpu.memory_space<semaphore_mem>>, %arg17: memref<!tpu.dma_semaphore, #tpu.memory_space<semaphore_mem>>, %arg18: memref<!tpu.dma_semaphore, #tpu.memory_space<semaphore_mem>>) attributes {dimension_semantics = [#tpu.dimension_semantics<core_parallel>, #tpu.dimension_semantics<subcore_parallel>], iteration_bounds = array<i64: 2, 16>, scalar_prefetch = 0 : i64, scratch_operands = 10 : i64, tpu.core_type = #tpu.core_type<sc_vector_subcore>, window_params = [{transform_indices = #map}, {transform_indices = #map1}, {transform_indices = #map1}, {transform_indices = #map}, {transform_indices = #map2}, {transform_indices = #map2}, {transform_indices = #map1}]} {
    %mul3A = arith.constant 16 : i32
    %mul3A_0 = arith.muli %arg0, %mul3A : i32
    %add3A = arith.addi %mul3A_0, %arg1 : i32
    %mul3A_1 = arith.constant 640 : i32
    %mul3A_2 = arith.muli %arg1, %mul3A_1 : i32
    "tpu.region"() ({
      %run_scoped3A = tpu.sem_alloc : memref<!tpu.dma_semaphore, #tpu.memory_space<semaphore_mem>>
      %dma_start3A_233 = arith.constant 0 : i32
      %dma_start3A_234 = tpu.memref_slice %arg9[%mul3A_2, %dma_start3A_233] : memref<10240x128xf32, #tpu.memory_space<vmem_shared>> -> memref<640x128xf32, #tpu.memory_space<vmem_shared>>
      %dma_start3A_235 = arith.constant 0 : i32
      %dma_start3A_236 = tpu.memref_slice %arg5[%mul3A_2, %dma_start3A_235] : memref<10240x128xf32, #tpu.memory_space<hbm>> -> memref<640x128xf32, #tpu.memory_space<hbm>>
      tpu.enqueue_dma source(%dma_start3A_236 : memref<640x128xf32, #tpu.memory_space<hbm>>) target(%dma_start3A_234 : memref<640x128xf32, #tpu.memory_space<vmem_shared>>) target_semaphore(%run_scoped3A : memref<!tpu.dma_semaphore, #tpu.memory_space<semaphore_mem>>)
      %dma_wait3A_237 = arith.constant 0 : i32
      %dma_wait3A_238 = tpu.memref_slice %arg9[%mul3A_2, %dma_wait3A_237] : memref<10240x128xf32, #tpu.memory_space<vmem_shared>> -> memref<640x128xf32, #tpu.memory_space<vmem_shared>>
      %dma_wait3A_239 = arith.constant 0 : i32
      %dma_wait3A_240 = tpu.memref_slice %arg5[%mul3A_2, %dma_wait3A_239] : memref<10240x128xf32, #tpu.memory_space<hbm>> -> memref<640x128xf32, #tpu.memory_space<hbm>>
      tpu.wait_dma2 semaphore(%run_scoped3A : memref<!tpu.dma_semaphore, #tpu.memory_space<semaphore_mem>>) src(%dma_wait3A_240 : memref<640x128xf32, #tpu.memory_space<hbm>>) dst(%dma_wait3A_238 : memref<640x128xf32, #tpu.memory_space<vmem_shared>>)
      tpu.yield
    }) : () -> ()
    %barrier3A = arith.constant 0 : index
    tpu.barrier barrier_id(%barrier3A)
    "tpu.region"() ({
      %run_scoped3A = tpu.sem_alloc : memref<!tpu.dma_semaphore, #tpu.memory_space<semaphore_mem>>
      %dma_start3A_233 = arith.constant 0 : i32
      %dma_start3A_234 = arith.constant 0 : i32
      %dma_start3A_235 = tpu.memref_slice %arg3[%add3A, %dma_start3A_233, %dma_start3A_234] : memref<32x80x128xi32, #tpu.memory_space<hbm>> -> memref<1x80x128xi32, #tpu.memory_space<hbm>>
      %dma_start3A_236 = tpu.memref_squeeze %dma_start3A_235 : memref<1x80x128xi32, #tpu.memory_space<hbm>> -> memref<80x128xi32, #tpu.memory_space<hbm>>
      %dma_start3A_237 = arith.constant 0 : i32
      %dma_start3A_238 = arith.constant 0 : i32
      %dma_start3A_239 = tpu.memref_slice %dma_start3A_236[%dma_start3A_237, %dma_start3A_238] : memref<80x128xi32, #tpu.memory_space<hbm>> -> memref<40x128xi32, #tpu.memory_space<hbm>>
      %dma_start3A_240 = arith.constant 0 : i32
      %dma_start3A_241 = arith.constant 0 : i32
      %dma_start3A_242 = tpu.memref_slice %arg3[%add3A, %dma_start3A_240, %dma_start3A_241] : memref<32x80x128xi32, #tpu.memory_space<hbm>> -> memref<1x80x128xi32, #tpu.memory_space<hbm>>
      %dma_start3A_243 = tpu.memref_squeeze %dma_start3A_242 : memref<1x80x128xi32, #tpu.memory_space<hbm>> -> memref<80x128xi32, #tpu.memory_space<hbm>>
      %dma_start3A_244 = arith.constant 0 : i32
      %dma_start3A_245 = arith.constant 0 : i32
      %dma_start3A_246 = tpu.memref_slice %dma_start3A_243[%dma_start3A_244, %dma_start3A_245] : memref<80x128xi32, #tpu.memory_space<hbm>> -> memref<40x128xi32, #tpu.memory_space<hbm>>
      tpu.enqueue_dma source(%dma_start3A_246 : memref<40x128xi32, #tpu.memory_space<hbm>>) target(%arg10 : memref<40x128xi32, #tpu.memory_space<vmem>>) target_semaphore(%run_scoped3A : memref<!tpu.dma_semaphore, #tpu.memory_space<semaphore_mem>>)
      %dma_wait3A_247 = arith.constant 0 : i32
      %dma_wait3A_248 = arith.constant 0 : i32
      %dma_wait3A_249 = tpu.memref_slice %arg3[%add3A, %dma_wait3A_247, %dma_wait3A_248] : memref<32x80x128xi32, #tpu.memory_space<hbm>> -> memref<1x80x128xi32, #tpu.memory_space<hbm>>
      %dma_wait3A_250 = tpu.memref_squeeze %dma_wait3A_249 : memref<1x80x128xi32, #tpu.memory_space<hbm>> -> memref<80x128xi32, #tpu.memory_space<hbm>>
      %dma_wait3A_251 = arith.constant 0 : i32
      %dma_wait3A_252 = arith.constant 0 : i32
      %dma_wait3A_253 = tpu.memref_slice %dma_wait3A_250[%dma_wait3A_251, %dma_wait3A_252] : memref<80x128xi32, #tpu.memory_space<hbm>> -> memref<40x128xi32, #tpu.memory_space<hbm>>
      %dma_wait3A_254 = arith.constant 0 : i32
      %dma_wait3A_255 = arith.constant 0 : i32
      %dma_wait3A_256 = tpu.memref_slice %arg3[%add3A, %dma_wait3A_254, %dma_wait3A_255] : memref<32x80x128xi32, #tpu.memory_space<hbm>> -> memref<1x80x128xi32, #tpu.memory_space<hbm>>
      %dma_wait3A_257 = tpu.memref_squeeze %dma_wait3A_256 : memref<1x80x128xi32, #tpu.memory_space<hbm>> -> memref<80x128xi32, #tpu.memory_space<hbm>>
      %dma_wait3A_258 = arith.constant 0 : i32
      %dma_wait3A_259 = arith.constant 0 : i32
      %dma_wait3A_260 = tpu.memref_slice %dma_wait3A_257[%dma_wait3A_258, %dma_wait3A_259] : memref<80x128xi32, #tpu.memory_space<hbm>> -> memref<40x128xi32, #tpu.memory_space<hbm>>
      tpu.wait_dma2 semaphore(%run_scoped3A : memref<!tpu.dma_semaphore, #tpu.memory_space<semaphore_mem>>) src(%dma_wait3A_260 : memref<40x128xi32, #tpu.memory_space<hbm>>) dst(%arg10 : memref<40x128xi32, #tpu.memory_space<vmem>>)
      tpu.yield
    }) : () -> ()
    "tpu.region"() ({
      %run_scoped3A = tpu.sem_alloc : memref<!tpu.dma_semaphore, #tpu.memory_space<semaphore_mem>>
      %dma_start3A_233 = arith.constant 0 : i32
      %dma_start3A_234 = arith.constant 0 : i32
      %dma_start3A_235 = tpu.memref_slice %arg4[%add3A, %dma_start3A_233, %dma_start3A_234] : memref<32x80x128xi32, #tpu.memory_space<hbm>> -> memref<1x80x128xi32, #tpu.memory_space<hbm>>
      %dma_start3A_236 = tpu.memref_squeeze %dma_start3A_235 : memref<1x80x128xi32, #tpu.memory_space<hbm>> -> memref<80x128xi32, #tpu.memory_space<hbm>>
      %dma_start3A_237 = arith.constant 0 : i32
      %dma_start3A_238 = arith.constant 0 : i32
      %dma_start3A_239 = tpu.memref_slice %dma_start3A_236[%dma_start3A_237, %dma_start3A_238] : memref<80x128xi32, #tpu.memory_space<hbm>> -> memref<40x128xi32, #tpu.memory_space<hbm>>
      %dma_start3A_240 = arith.constant 0 : i32
      %dma_start3A_241 = arith.constant 0 : i32
      %dma_start3A_242 = tpu.memref_slice %arg4[%add3A, %dma_start3A_240, %dma_start3A_241] : memref<32x80x128xi32, #tpu.memory_space<hbm>> -> memref<1x80x128xi32, #tpu.memory_space<hbm>>
      %dma_start3A_243 = tpu.memref_squeeze %dma_start3A_242 : memref<1x80x128xi32, #tpu.memory_space<hbm>> -> memref<80x128xi32, #tpu.memory_space<hbm>>
      %dma_start3A_244 = arith.constant 0 : i32
      %dma_start3A_245 = arith.constant 0 : i32
      %dma_start3A_246 = tpu.memref_slice %dma_start3A_243[%dma_start3A_244, %dma_start3A_245] : memref<80x128xi32, #tpu.memory_space<hbm>> -> memref<40x128xi32, #tpu.memory_space<hbm>>
      tpu.enqueue_dma source(%dma_start3A_246 : memref<40x128xi32, #tpu.memory_space<hbm>>) target(%arg11 : memref<40x128xi32, #tpu.memory_space<vmem>>) target_semaphore(%run_scoped3A : memref<!tpu.dma_semaphore, #tpu.memory_space<semaphore_mem>>)
      %dma_wait3A_247 = arith.constant 0 : i32
      %dma_wait3A_248 = arith.constant 0 : i32
      %dma_wait3A_249 = tpu.memref_slice %arg4[%add3A, %dma_wait3A_247, %dma_wait3A_248] : memref<32x80x128xi32, #tpu.memory_space<hbm>> -> memref<1x80x128xi32, #tpu.memory_space<hbm>>
      %dma_wait3A_250 = tpu.memref_squeeze %dma_wait3A_249 : memref<1x80x128xi32, #tpu.memory_space<hbm>> -> memref<80x128xi32, #tpu.memory_space<hbm>>
      %dma_wait3A_251 = arith.constant 0 : i32
      %dma_wait3A_252 = arith.constant 0 : i32
      %dma_wait3A_253 = tpu.memref_slice %dma_wait3A_250[%dma_wait3A_251, %dma_wait3A_252] : memref<80x128xi32, #tpu.memory_space<hbm>> -> memref<40x128xi32, #tpu.memory_space<hbm>>
      %dma_wait3A_254 = arith.constant 0 : i32
      %dma_wait3A_255 = arith.constant 0 : i32
      %dma_wait3A_256 = tpu.memref_slice %arg4[%add3A, %dma_wait3A_254, %dma_wait3A_255] : memref<32x80x128xi32, #tpu.memory_space<hbm>> -> memref<1x80x128xi32, #tpu.memory_space<hbm>>
      %dma_wait3A_257 = tpu.memref_squeeze %dma_wait3A_256 : memref<1x80x128xi32, #tpu.memory_space<hbm>> -> memref<80x128xi32, #tpu.memory_space<hbm>>
      %dma_wait3A_258 = arith.constant 0 : i32
      %dma_wait3A_259 = arith.constant 0 : i32
      %dma_wait3A_260 = tpu.memref_slice %dma_wait3A_257[%dma_wait3A_258, %dma_wait3A_259] : memref<80x128xi32, #tpu.memory_space<hbm>> -> memref<40x128xi32, #tpu.memory_space<hbm>>
      tpu.wait_dma2 semaphore(%run_scoped3A : memref<!tpu.dma_semaphore, #tpu.memory_space<semaphore_mem>>) src(%dma_wait3A_260 : memref<40x128xi32, #tpu.memory_space<hbm>>) dst(%arg11 : memref<40x128xi32, #tpu.memory_space<vmem>>)
      tpu.yield
    }) : () -> ()
    %dma_start3A = arith.constant 0 : i32
    %dma_start3A_3 = arith.constant 0 : i32
    %dma_start3A_4 = arith.constant 0 : i32
    %dma_start3A_5 = tpu.memref_slice %arg12[%dma_start3A_3, %dma_start3A_4] : memref<128x128xf32, #tpu.memory_space<vmem>> -> memref<32x128xf32, #tpu.memory_space<vmem>>
    %dma_start3A_6 = arith.constant 0 : i32
    %dma_start3A_7 = tpu.memref_slice %arg10[%dma_start3A, %dma_start3A_6] : memref<40x128xi32, #tpu.memory_space<vmem>> -> memref<1x128xi32, #tpu.memory_space<vmem>>
    %dma_start3A_8 = tpu.memref_squeeze %dma_start3A_7 : memref<1x128xi32, #tpu.memory_space<vmem>> -> memref<128xi32, #tpu.memory_space<vmem>>
    %dma_start3A_9 = arith.constant 0 : i32
    %dma_start3A_10 = tpu.memref_slice %dma_start3A_8[%dma_start3A_9] : memref<128xi32, #tpu.memory_space<vmem>> -> memref<32xi32, #tpu.memory_space<vmem>>
    %dma_start3A_11 = arith.constant 0 : i32
    %dma_start3A_12 = arith.constant 0 : i32
    %dma_start3A_13 = tpu.memref_slice %arg2[%dma_start3A_11, %dma_start3A_12] : memref<10000x128xf32, #tpu.memory_space<hbm>> -> memref<10000x128xf32, #tpu.memory_space<hbm>>
    tpu.enqueue_indirect_dma source(%dma_start3A_13 : memref<10000x128xf32, #tpu.memory_space<hbm>>) target(%dma_start3A_5 : memref<32x128xf32, #tpu.memory_space<vmem>>) offsets(%dma_start3A_10 : memref<32xi32, #tpu.memory_space<vmem>>) semaphore(%arg14 : memref<!tpu.dma_semaphore, #tpu.memory_space<semaphore_mem>>)
    %dma_start3A_14 = arith.constant 0 : i32
    %dma_start3A_15 = arith.constant 32 : i32
    %dma_start3A_16 = arith.constant 0 : i32
    %dma_start3A_17 = tpu.memref_slice %arg12[%dma_start3A_15, %dma_start3A_16] : memref<128x128xf32, #tpu.memory_space<vmem>> -> memref<32x128xf32, #tpu.memory_space<vmem>>
    %dma_start3A_18 = arith.constant 0 : i32
    %dma_start3A_19 = tpu.memref_slice %arg10[%dma_start3A_14, %dma_start3A_18] : memref<40x128xi32, #tpu.memory_space<vmem>> -> memref<1x128xi32, #tpu.memory_space<vmem>>
    %dma_start3A_20 = tpu.memref_squeeze %dma_start3A_19 : memref<1x128xi32, #tpu.memory_space<vmem>> -> memref<128xi32, #tpu.memory_space<vmem>>
    %dma_start3A_21 = arith.constant 32 : i32
    %dma_start3A_22 = tpu.memref_slice %dma_start3A_20[%dma_start3A_21] : memref<128xi32, #tpu.memory_space<vmem>> -> memref<32xi32, #tpu.memory_space<vmem>>
    %dma_start3A_23 = arith.constant 0 : i32
    %dma_start3A_24 = arith.constant 0 : i32
    %dma_start3A_25 = tpu.memref_slice %arg2[%dma_start3A_23, %dma_start3A_24] : memref<10000x128xf32, #tpu.memory_space<hbm>> -> memref<10000x128xf32, #tpu.memory_space<hbm>>
    tpu.enqueue_indirect_dma source(%dma_start3A_25 : memref<10000x128xf32, #tpu.memory_space<hbm>>) target(%dma_start3A_17 : memref<32x128xf32, #tpu.memory_space<vmem>>) offsets(%dma_start3A_22 : memref<32xi32, #tpu.memory_space<vmem>>) semaphore(%arg14 : memref<!tpu.dma_semaphore, #tpu.memory_space<semaphore_mem>>)
    %dma_start3A_26 = arith.constant 0 : i32
    %dma_start3A_27 = arith.constant 64 : i32
    %dma_start3A_28 = arith.constant 0 : i32
    %dma_start3A_29 = tpu.memref_slice %arg12[%dma_start3A_27, %dma_start3A_28] : memref<128x128xf32, #tpu.memory_space<vmem>> -> memref<32x128xf32, #tpu.memory_space<vmem>>
    %dma_start3A_30 = arith.constant 0 : i32
    %dma_start3A_31 = tpu.memref_slice %arg10[%dma_start3A_26, %dma_start3A_30] : memref<40x128xi32, #tpu.memory_space<vmem>> -> memref<1x128xi32, #tpu.memory_space<vmem>>
    %dma_start3A_32 = tpu.memref_squeeze %dma_start3A_31 : memref<1x128xi32, #tpu.memory_space<vmem>> -> memref<128xi32, #tpu.memory_space<vmem>>
    %dma_start3A_33 = arith.constant 64 : i32
    %dma_start3A_34 = tpu.memref_slice %dma_start3A_32[%dma_start3A_33] : memref<128xi32, #tpu.memory_space<vmem>> -> memref<32xi32, #tpu.memory_space<vmem>>
    %dma_start3A_35 = arith.constant 0 : i32
    %dma_start3A_36 = arith.constant 0 : i32
    %dma_start3A_37 = tpu.memref_slice %arg2[%dma_start3A_35, %dma_start3A_36] : memref<10000x128xf32, #tpu.memory_space<hbm>> -> memref<10000x128xf32, #tpu.memory_space<hbm>>
    tpu.enqueue_indirect_dma source(%dma_start3A_37 : memref<10000x128xf32, #tpu.memory_space<hbm>>) target(%dma_start3A_29 : memref<32x128xf32, #tpu.memory_space<vmem>>) offsets(%dma_start3A_34 : memref<32xi32, #tpu.memory_space<vmem>>) semaphore(%arg14 : memref<!tpu.dma_semaphore, #tpu.memory_space<semaphore_mem>>)
    %dma_start3A_38 = arith.constant 0 : i32
    %dma_start3A_39 = arith.constant 96 : i32
    %dma_start3A_40 = arith.constant 0 : i32
    %dma_start3A_41 = tpu.memref_slice %arg12[%dma_start3A_39, %dma_start3A_40] : memref<128x128xf32, #tpu.memory_space<vmem>> -> memref<32x128xf32, #tpu.memory_space<vmem>>
    %dma_start3A_42 = arith.constant 0 : i32
    %dma_start3A_43 = tpu.memref_slice %arg10[%dma_start3A_38, %dma_start3A_42] : memref<40x128xi32, #tpu.memory_space<vmem>> -> memref<1x128xi32, #tpu.memory_space<vmem>>
    %dma_start3A_44 = tpu.memref_squeeze %dma_start3A_43 : memref<1x128xi32, #tpu.memory_space<vmem>> -> memref<128xi32, #tpu.memory_space<vmem>>
    %dma_start3A_45 = arith.constant 96 : i32
    %dma_start3A_46 = tpu.memref_slice %dma_start3A_44[%dma_start3A_45] : memref<128xi32, #tpu.memory_space<vmem>> -> memref<32xi32, #tpu.memory_space<vmem>>
    %dma_start3A_47 = arith.constant 0 : i32
    %dma_start3A_48 = arith.constant 0 : i32
    %dma_start3A_49 = tpu.memref_slice %arg2[%dma_start3A_47, %dma_start3A_48] : memref<10000x128xf32, #tpu.memory_space<hbm>> -> memref<10000x128xf32, #tpu.memory_space<hbm>>
    tpu.enqueue_indirect_dma source(%dma_start3A_49 : memref<10000x128xf32, #tpu.memory_space<hbm>>) target(%dma_start3A_41 : memref<32x128xf32, #tpu.memory_space<vmem>>) offsets(%dma_start3A_46 : memref<32xi32, #tpu.memory_space<vmem>>) semaphore(%arg14 : memref<!tpu.dma_semaphore, #tpu.memory_space<semaphore_mem>>)
    %dma_start3A_50 = arith.constant 1 : i32
    %dma_start3A_51 = arith.constant 0 : i32
    %dma_start3A_52 = arith.constant 0 : i32
    %dma_start3A_53 = tpu.memref_slice %arg13[%dma_start3A_51, %dma_start3A_52] : memref<128x128xf32, #tpu.memory_space<vmem>> -> memref<32x128xf32, #tpu.memory_space<vmem>>
    %dma_start3A_54 = arith.constant 0 : i32
    %dma_start3A_55 = tpu.memref_slice %arg10[%dma_start3A_50, %dma_start3A_54] : memref<40x128xi32, #tpu.memory_space<vmem>> -> memref<1x128xi32, #tpu.memory_space<vmem>>
    %dma_start3A_56 = tpu.memref_squeeze %dma_start3A_55 : memref<1x128xi32, #tpu.memory_space<vmem>> -> memref<128xi32, #tpu.memory_space<vmem>>
    %dma_start3A_57 = arith.constant 0 : i32
    %dma_start3A_58 = tpu.memref_slice %dma_start3A_56[%dma_start3A_57] : memref<128xi32, #tpu.memory_space<vmem>> -> memref<32xi32, #tpu.memory_space<vmem>>
    %dma_start3A_59 = arith.constant 0 : i32
    %dma_start3A_60 = arith.constant 0 : i32
    %dma_start3A_61 = tpu.memref_slice %arg2[%dma_start3A_59, %dma_start3A_60] : memref<10000x128xf32, #tpu.memory_space<hbm>> -> memref<10000x128xf32, #tpu.memory_space<hbm>>
    tpu.enqueue_indirect_dma source(%dma_start3A_61 : memref<10000x128xf32, #tpu.memory_space<hbm>>) target(%dma_start3A_53 : memref<32x128xf32, #tpu.memory_space<vmem>>) offsets(%dma_start3A_58 : memref<32xi32, #tpu.memory_space<vmem>>) semaphore(%arg15 : memref<!tpu.dma_semaphore, #tpu.memory_space<semaphore_mem>>)
    %dma_start3A_62 = arith.constant 1 : i32
    %dma_start3A_63 = arith.constant 32 : i32
    %dma_start3A_64 = arith.constant 0 : i32
    %dma_start3A_65 = tpu.memref_slice %arg13[%dma_start3A_63, %dma_start3A_64] : memref<128x128xf32, #tpu.memory_space<vmem>> -> memref<32x128xf32, #tpu.memory_space<vmem>>
    %dma_start3A_66 = arith.constant 0 : i32
    %dma_start3A_67 = tpu.memref_slice %arg10[%dma_start3A_62, %dma_start3A_66] : memref<40x128xi32, #tpu.memory_space<vmem>> -> memref<1x128xi32, #tpu.memory_space<vmem>>
    %dma_start3A_68 = tpu.memref_squeeze %dma_start3A_67 : memref<1x128xi32, #tpu.memory_space<vmem>> -> memref<128xi32, #tpu.memory_space<vmem>>
    %dma_start3A_69 = arith.constant 32 : i32
    %dma_start3A_70 = tpu.memref_slice %dma_start3A_68[%dma_start3A_69] : memref<128xi32, #tpu.memory_space<vmem>> -> memref<32xi32, #tpu.memory_space<vmem>>
    %dma_start3A_71 = arith.constant 0 : i32
    %dma_start3A_72 = arith.constant 0 : i32
    %dma_start3A_73 = tpu.memref_slice %arg2[%dma_start3A_71, %dma_start3A_72] : memref<10000x128xf32, #tpu.memory_space<hbm>> -> memref<10000x128xf32, #tpu.memory_space<hbm>>
    tpu.enqueue_indirect_dma source(%dma_start3A_73 : memref<10000x128xf32, #tpu.memory_space<hbm>>) target(%dma_start3A_65 : memref<32x128xf32, #tpu.memory_space<vmem>>) offsets(%dma_start3A_70 : memref<32xi32, #tpu.memory_space<vmem>>) semaphore(%arg15 : memref<!tpu.dma_semaphore, #tpu.memory_space<semaphore_mem>>)
    %dma_start3A_74 = arith.constant 1 : i32
    %dma_start3A_75 = arith.constant 64 : i32
    %dma_start3A_76 = arith.constant 0 : i32
    %dma_start3A_77 = tpu.memref_slice %arg13[%dma_start3A_75, %dma_start3A_76] : memref<128x128xf32, #tpu.memory_space<vmem>> -> memref<32x128xf32, #tpu.memory_space<vmem>>
    %dma_start3A_78 = arith.constant 0 : i32
    %dma_start3A_79 = tpu.memref_slice %arg10[%dma_start3A_74, %dma_start3A_78] : memref<40x128xi32, #tpu.memory_space<vmem>> -> memref<1x128xi32, #tpu.memory_space<vmem>>
    %dma_start3A_80 = tpu.memref_squeeze %dma_start3A_79 : memref<1x128xi32, #tpu.memory_space<vmem>> -> memref<128xi32, #tpu.memory_space<vmem>>
    %dma_start3A_81 = arith.constant 64 : i32
    %dma_start3A_82 = tpu.memref_slice %dma_start3A_80[%dma_start3A_81] : memref<128xi32, #tpu.memory_space<vmem>> -> memref<32xi32, #tpu.memory_space<vmem>>
    %dma_start3A_83 = arith.constant 0 : i32
    %dma_start3A_84 = arith.constant 0 : i32
    %dma_start3A_85 = tpu.memref_slice %arg2[%dma_start3A_83, %dma_start3A_84] : memref<10000x128xf32, #tpu.memory_space<hbm>> -> memref<10000x128xf32, #tpu.memory_space<hbm>>
    tpu.enqueue_indirect_dma source(%dma_start3A_85 : memref<10000x128xf32, #tpu.memory_space<hbm>>) target(%dma_start3A_77 : memref<32x128xf32, #tpu.memory_space<vmem>>) offsets(%dma_start3A_82 : memref<32xi32, #tpu.memory_space<vmem>>) semaphore(%arg15 : memref<!tpu.dma_semaphore, #tpu.memory_space<semaphore_mem>>)
    %dma_start3A_86 = arith.constant 1 : i32
    %dma_start3A_87 = arith.constant 96 : i32
    %dma_start3A_88 = arith.constant 0 : i32
    %dma_start3A_89 = tpu.memref_slice %arg13[%dma_start3A_87, %dma_start3A_88] : memref<128x128xf32, #tpu.memory_space<vmem>> -> memref<32x128xf32, #tpu.memory_space<vmem>>
    %dma_start3A_90 = arith.constant 0 : i32
    %dma_start3A_91 = tpu.memref_slice %arg10[%dma_start3A_86, %dma_start3A_90] : memref<40x128xi32, #tpu.memory_space<vmem>> -> memref<1x128xi32, #tpu.memory_space<vmem>>
    %dma_start3A_92 = tpu.memref_squeeze %dma_start3A_91 : memref<1x128xi32, #tpu.memory_space<vmem>> -> memref<128xi32, #tpu.memory_space<vmem>>
    %dma_start3A_93 = arith.constant 96 : i32
    %dma_start3A_94 = tpu.memref_slice %dma_start3A_92[%dma_start3A_93] : memref<128xi32, #tpu.memory_space<vmem>> -> memref<32xi32, #tpu.memory_space<vmem>>
    %dma_start3A_95 = arith.constant 0 : i32
    %dma_start3A_96 = arith.constant 0 : i32
    %dma_start3A_97 = tpu.memref_slice %arg2[%dma_start3A_95, %dma_start3A_96] : memref<10000x128xf32, #tpu.memory_space<hbm>> -> memref<10000x128xf32, #tpu.memory_space<hbm>>
    tpu.enqueue_indirect_dma source(%dma_start3A_97 : memref<10000x128xf32, #tpu.memory_space<hbm>>) target(%dma_start3A_89 : memref<32x128xf32, #tpu.memory_space<vmem>>) offsets(%dma_start3A_94 : memref<32xi32, #tpu.memory_space<vmem>>) semaphore(%arg15 : memref<!tpu.dma_semaphore, #tpu.memory_space<semaphore_mem>>)
    %scan3A = arith.constant 0 : i32
    %scan3A_98 = arith.constant 0 : i32
    %scan3A_99 = arith.constant 20 : i32
    %scan3A_100 = arith.addi %scan3A_98, %scan3A_99 : i32
    %scan3A_101 = arith.constant 1 : i32
    scf.for %scan3A_233 = %scan3A_98 to %scan3A_100 step %scan3A_101  : i32 {
      %mul3A_234 = arith.constant 2 : i32
      %mul3A_235 = arith.muli %scan3A_233, %mul3A_234 : i32
      %add3A_236 = arith.constant 0 : i32
      %add3A_237 = arith.addi %mul3A_235, %add3A_236 : i32
      %dma_wait3A_238 = arith.constant 0 : i32
      %dma_wait3A_239 = arith.constant 0 : i32
      %dma_wait3A_240 = tpu.memref_slice %arg12[%dma_wait3A_238, %dma_wait3A_239] : memref<128x128xf32, #tpu.memory_space<vmem>> -> memref<32x128xf32, #tpu.memory_space<vmem>>
      %dma_wait3A_241 = arith.constant 0 : i32
      %dma_wait3A_242 = tpu.memref_slice %arg10[%add3A_237, %dma_wait3A_241] : memref<40x128xi32, #tpu.memory_space<vmem>> -> memref<1x128xi32, #tpu.memory_space<vmem>>
      %dma_wait3A_243 = tpu.memref_squeeze %dma_wait3A_242 : memref<1x128xi32, #tpu.memory_space<vmem>> -> memref<128xi32, #tpu.memory_space<vmem>>
      %dma_wait3A_244 = arith.constant 0 : i32
      %dma_wait3A_245 = tpu.memref_slice %dma_wait3A_243[%dma_wait3A_244] : memref<128xi32, #tpu.memory_space<vmem>> -> memref<32xi32, #tpu.memory_space<vmem>>
      %dma_wait3A_246 = arith.constant 0 : i32
      %dma_wait3A_247 = arith.constant 0 : i32
      %dma_wait3A_248 = tpu.memref_slice %arg2[%dma_wait3A_246, %dma_wait3A_247] : memref<10000x128xf32, #tpu.memory_space<hbm>> -> memref<10000x128xf32, #tpu.memory_space<hbm>>
      tpu.wait_indirect_dma semaphore(%arg14 : memref<!tpu.dma_semaphore, #tpu.memory_space<semaphore_mem>>) src(%dma_wait3A_248 : memref<10000x128xf32, #tpu.memory_space<hbm>>) dst(%dma_wait3A_240 : memref<32x128xf32, #tpu.memory_space<vmem>>)
      %dma_wait3A_249 = arith.constant 32 : i32
      %dma_wait3A_250 = arith.constant 0 : i32
      %dma_wait3A_251 = tpu.memref_slice %arg12[%dma_wait3A_249, %dma_wait3A_250] : memref<128x128xf32, #tpu.memory_space<vmem>> -> memref<32x128xf32, #tpu.memory_space<vmem>>
      %dma_wait3A_252 = arith.constant 0 : i32
      %dma_wait3A_253 = tpu.memref_slice %arg10[%add3A_237, %dma_wait3A_252] : memref<40x128xi32, #tpu.memory_space<vmem>> -> memref<1x128xi32, #tpu.memory_space<vmem>>
      %dma_wait3A_254 = tpu.memref_squeeze %dma_wait3A_253 : memref<1x128xi32, #tpu.memory_space<vmem>> -> memref<128xi32, #tpu.memory_space<vmem>>
      %dma_wait3A_255 = arith.constant 32 : i32
      %dma_wait3A_256 = tpu.memref_slice %dma_wait3A_254[%dma_wait3A_255] : memref<128xi32, #tpu.memory_space<vmem>> -> memref<32xi32, #tpu.memory_space<vmem>>
      %dma_wait3A_257 = arith.constant 0 : i32
      %dma_wait3A_258 = arith.constant 0 : i32
      %dma_wait3A_259 = tpu.memref_slice %arg2[%dma_wait3A_257, %dma_wait3A_258] : memref<10000x128xf32, #tpu.memory_space<hbm>> -> memref<10000x128xf32, #tpu.memory_space<hbm>>
      tpu.wait_indirect_dma semaphore(%arg14 : memref<!tpu.dma_semaphore, #tpu.memory_space<semaphore_mem>>) src(%dma_wait3A_259 : memref<10000x128xf32, #tpu.memory_space<hbm>>) dst(%dma_wait3A_251 : memref<32x128xf32, #tpu.memory_space<vmem>>)
      %dma_wait3A_260 = arith.constant 64 : i32
      %dma_wait3A_261 = arith.constant 0 : i32
      %dma_wait3A_262 = tpu.memref_slice %arg12[%dma_wait3A_260, %dma_wait3A_261] : memref<128x128xf32, #tpu.memory_space<vmem>> -> memref<32x128xf32, #tpu.memory_space<vmem>>
      %dma_wait3A_263 = arith.constant 0 : i32
      %dma_wait3A_264 = tpu.memref_slice %arg10[%add3A_237, %dma_wait3A_263] : memref<40x128xi32, #tpu.memory_space<vmem>> -> memref<1x128xi32, #tpu.memory_space<vmem>>
      %dma_wait3A_265 = tpu.memref_squeeze %dma_wait3A_264 : memref<1x128xi32, #tpu.memory_space<vmem>> -> memref<128xi32, #tpu.memory_space<vmem>>
      %dma_wait3A_266 = arith.constant 64 : i32
      %dma_wait3A_267 = tpu.memref_slice %dma_wait3A_265[%dma_wait3A_266] : memref<128xi32, #tpu.memory_space<vmem>> -> memref<32xi32, #tpu.memory_space<vmem>>
      %dma_wait3A_268 = arith.constant 0 : i32
      %dma_wait3A_269 = arith.constant 0 : i32
      %dma_wait3A_270 = tpu.memref_slice %arg2[%dma_wait3A_268, %dma_wait3A_269] : memref<10000x128xf32, #tpu.memory_space<hbm>> -> memref<10000x128xf32, #tpu.memory_space<hbm>>
      tpu.wait_indirect_dma semaphore(%arg14 : memref<!tpu.dma_semaphore, #tpu.memory_space<semaphore_mem>>) src(%dma_wait3A_270 : memref<10000x128xf32, #tpu.memory_space<hbm>>) dst(%dma_wait3A_262 : memref<32x128xf32, #tpu.memory_space<vmem>>)
      %dma_wait3A_271 = arith.constant 96 : i32
      %dma_wait3A_272 = arith.constant 0 : i32
      %dma_wait3A_273 = tpu.memref_slice %arg12[%dma_wait3A_271, %dma_wait3A_272] : memref<128x128xf32, #tpu.memory_space<vmem>> -> memref<32x128xf32, #tpu.memory_space<vmem>>
      %dma_wait3A_274 = arith.constant 0 : i32
      %dma_wait3A_275 = tpu.memref_slice %arg10[%add3A_237, %dma_wait3A_274] : memref<40x128xi32, #tpu.memory_space<vmem>> -> memref<1x128xi32, #tpu.memory_space<vmem>>
      %dma_wait3A_276 = tpu.memref_squeeze %dma_wait3A_275 : memref<1x128xi32, #tpu.memory_space<vmem>> -> memref<128xi32, #tpu.memory_space<vmem>>
      %dma_wait3A_277 = arith.constant 96 : i32
      %dma_wait3A_278 = tpu.memref_slice %dma_wait3A_276[%dma_wait3A_277] : memref<128xi32, #tpu.memory_space<vmem>> -> memref<32xi32, #tpu.memory_space<vmem>>
      %dma_wait3A_279 = arith.constant 0 : i32
      %dma_wait3A_280 = arith.constant 0 : i32
      %dma_wait3A_281 = tpu.memref_slice %arg2[%dma_wait3A_279, %dma_wait3A_280] : memref<10000x128xf32, #tpu.memory_space<hbm>> -> memref<10000x128xf32, #tpu.memory_space<hbm>>
      tpu.wait_indirect_dma semaphore(%arg14 : memref<!tpu.dma_semaphore, #tpu.memory_space<semaphore_mem>>) src(%dma_wait3A_281 : memref<10000x128xf32, #tpu.memory_space<hbm>>) dst(%dma_wait3A_273 : memref<32x128xf32, #tpu.memory_space<vmem>>)
      %dma_start3A_282 = arith.constant 0 : i32
      %dma_start3A_283 = tpu.memref_slice %arg11[%add3A_237, %dma_start3A_282] : memref<40x128xi32, #tpu.memory_space<vmem>> -> memref<1x128xi32, #tpu.memory_space<vmem>>
      %dma_start3A_284 = tpu.memref_squeeze %dma_start3A_283 : memref<1x128xi32, #tpu.memory_space<vmem>> -> memref<128xi32, #tpu.memory_space<vmem>>
      %dma_start3A_285 = arith.constant 0 : i32
      %dma_start3A_286 = arith.constant 0 : i32
      %dma_start3A_287 = tpu.memref_slice %arg9[%dma_start3A_285, %dma_start3A_286] : memref<10240x128xf32, #tpu.memory_space<vmem_shared>> -> memref<10240x128xf32, #tpu.memory_space<vmem_shared>>
      tpu.enqueue_indirect_dma source(%arg12 : memref<128x128xf32, #tpu.memory_space<vmem>>) target(%dma_start3A_287 : memref<10240x128xf32, #tpu.memory_space<vmem_shared>>) offsets(%dma_start3A_284 : memref<128xi32, #tpu.memory_space<vmem>>) semaphore(%arg16 : memref<!tpu.dma_semaphore, #tpu.memory_space<semaphore_mem>>) {add = true}
      %add3A_288 = arith.constant 2 : i32
      %add3A_289 = arith.addi %add3A_237, %add3A_288 : i32
      %lt3A = arith.constant 40 : i32
      %lt3A_290 = arith.cmpi slt, %add3A_289, %lt3A : i32
      %convert_element_type3A = arith.extui %lt3A_290 : i1 to i32
      %cond3A = arith.constant 0 : i32
      %cond3A_291 = arith.cmpi ne, %convert_element_type3A, %cond3A : i32
      scf.if %cond3A_291 {
        %dma_wait3A_353 = arith.constant 0 : i32
        %dma_wait3A_354 = tpu.memref_slice %arg11[%add3A_237, %dma_wait3A_353] : memref<40x128xi32, #tpu.memory_space<vmem>> -> memref<1x128xi32, #tpu.memory_space<vmem>>
        %dma_wait3A_355 = tpu.memref_squeeze %dma_wait3A_354 : memref<1x128xi32, #tpu.memory_space<vmem>> -> memref<128xi32, #tpu.memory_space<vmem>>
        %dma_wait3A_356 = arith.constant 0 : i32
        %dma_wait3A_357 = arith.constant 0 : i32
        %dma_wait3A_358 = tpu.memref_slice %arg9[%dma_wait3A_356, %dma_wait3A_357] : memref<10240x128xf32, #tpu.memory_space<vmem_shared>> -> memref<10240x128xf32, #tpu.memory_space<vmem_shared>>
        tpu.wait_indirect_dma semaphore(%arg16 : memref<!tpu.dma_semaphore, #tpu.memory_space<semaphore_mem>>) src(%arg12 : memref<128x128xf32, #tpu.memory_space<vmem>>) dst(%dma_wait3A_358 : memref<10240x128xf32, #tpu.memory_space<vmem_shared>>)
        %add3A_359 = arith.constant 2 : i32
        %add3A_360 = arith.addi %add3A_237, %add3A_359 : i32
        %dma_start3A_361 = arith.constant 0 : i32
        %dma_start3A_362 = arith.constant 0 : i32
        %dma_start3A_363 = tpu.memref_slice %arg12[%dma_start3A_361, %dma_start3A_362] : memref<128x128xf32, #tpu.memory_space<vmem>> -> memref<32x128xf32, #tpu.memory_space<vmem>>
        %dma_start3A_364 = arith.constant 0 : i32
        %dma_start3A_365 = tpu.memref_slice %arg10[%add3A_360, %dma_start3A_364] : memref<40x128xi32, #tpu.memory_space<vmem>> -> memref<1x128xi32, #tpu.memory_space<vmem>>
        %dma_start3A_366 = tpu.memref_squeeze %dma_start3A_365 : memref<1x128xi32, #tpu.memory_space<vmem>> -> memref<128xi32, #tpu.memory_space<vmem>>
        %dma_start3A_367 = arith.constant 0 : i32
        %dma_start3A_368 = tpu.memref_slice %dma_start3A_366[%dma_start3A_367] : memref<128xi32, #tpu.memory_space<vmem>> -> memref<32xi32, #tpu.memory_space<vmem>>
        %dma_start3A_369 = arith.constant 0 : i32
        %dma_start3A_370 = arith.constant 0 : i32
        %dma_start3A_371 = tpu.memref_slice %arg2[%dma_start3A_369, %dma_start3A_370] : memref<10000x128xf32, #tpu.memory_space<hbm>> -> memref<10000x128xf32, #tpu.memory_space<hbm>>
        tpu.enqueue_indirect_dma source(%dma_start3A_371 : memref<10000x128xf32, #tpu.memory_space<hbm>>) target(%dma_start3A_363 : memref<32x128xf32, #tpu.memory_space<vmem>>) offsets(%dma_start3A_368 : memref<32xi32, #tpu.memory_space<vmem>>) semaphore(%arg14 : memref<!tpu.dma_semaphore, #tpu.memory_space<semaphore_mem>>)
        %dma_start3A_372 = arith.constant 32 : i32
        %dma_start3A_373 = arith.constant 0 : i32
        %dma_start3A_374 = tpu.memref_slice %arg12[%dma_start3A_372, %dma_start3A_373] : memref<128x128xf32, #tpu.memory_space<vmem>> -> memref<32x128xf32, #tpu.memory_space<vmem>>
        %dma_start3A_375 = arith.constant 0 : i32
        %dma_start3A_376 = tpu.memref_slice %arg10[%add3A_360, %dma_start3A_375] : memref<40x128xi32, #tpu.memory_space<vmem>> -> memref<1x128xi32, #tpu.memory_space<vmem>>
        %dma_start3A_377 = tpu.memref_squeeze %dma_start3A_376 : memref<1x128xi32, #tpu.memory_space<vmem>> -> memref<128xi32, #tpu.memory_space<vmem>>
        %dma_start3A_378 = arith.constant 32 : i32
        %dma_start3A_379 = tpu.memref_slice %dma_start3A_377[%dma_start3A_378] : memref<128xi32, #tpu.memory_space<vmem>> -> memref<32xi32, #tpu.memory_space<vmem>>
        %dma_start3A_380 = arith.constant 0 : i32
        %dma_start3A_381 = arith.constant 0 : i32
        %dma_start3A_382 = tpu.memref_slice %arg2[%dma_start3A_380, %dma_start3A_381] : memref<10000x128xf32, #tpu.memory_space<hbm>> -> memref<10000x128xf32, #tpu.memory_space<hbm>>
        tpu.enqueue_indirect_dma source(%dma_start3A_382 : memref<10000x128xf32, #tpu.memory_space<hbm>>) target(%dma_start3A_374 : memref<32x128xf32, #tpu.memory_space<vmem>>) offsets(%dma_start3A_379 : memref<32xi32, #tpu.memory_space<vmem>>) semaphore(%arg14 : memref<!tpu.dma_semaphore, #tpu.memory_space<semaphore_mem>>)
        %dma_start3A_383 = arith.constant 64 : i32
        %dma_start3A_384 = arith.constant 0 : i32
        %dma_start3A_385 = tpu.memref_slice %arg12[%dma_start3A_383, %dma_start3A_384] : memref<128x128xf32, #tpu.memory_space<vmem>> -> memref<32x128xf32, #tpu.memory_space<vmem>>
        %dma_start3A_386 = arith.constant 0 : i32
        %dma_start3A_387 = tpu.memref_slice %arg10[%add3A_360, %dma_start3A_386] : memref<40x128xi32, #tpu.memory_space<vmem>> -> memref<1x128xi32, #tpu.memory_space<vmem>>
        %dma_start3A_388 = tpu.memref_squeeze %dma_start3A_387 : memref<1x128xi32, #tpu.memory_space<vmem>> -> memref<128xi32, #tpu.memory_space<vmem>>
        %dma_start3A_389 = arith.constant 64 : i32
        %dma_start3A_390 = tpu.memref_slice %dma_start3A_388[%dma_start3A_389] : memref<128xi32, #tpu.memory_space<vmem>> -> memref<32xi32, #tpu.memory_space<vmem>>
        %dma_start3A_391 = arith.constant 0 : i32
        %dma_start3A_392 = arith.constant 0 : i32
        %dma_start3A_393 = tpu.memref_slice %arg2[%dma_start3A_391, %dma_start3A_392] : memref<10000x128xf32, #tpu.memory_space<hbm>> -> memref<10000x128xf32, #tpu.memory_space<hbm>>
        tpu.enqueue_indirect_dma source(%dma_start3A_393 : memref<10000x128xf32, #tpu.memory_space<hbm>>) target(%dma_start3A_385 : memref<32x128xf32, #tpu.memory_space<vmem>>) offsets(%dma_start3A_390 : memref<32xi32, #tpu.memory_space<vmem>>) semaphore(%arg14 : memref<!tpu.dma_semaphore, #tpu.memory_space<semaphore_mem>>)
        %dma_start3A_394 = arith.constant 96 : i32
        %dma_start3A_395 = arith.constant 0 : i32
        %dma_start3A_396 = tpu.memref_slice %arg12[%dma_start3A_394, %dma_start3A_395] : memref<128x128xf32, #tpu.memory_space<vmem>> -> memref<32x128xf32, #tpu.memory_space<vmem>>
        %dma_start3A_397 = arith.constant 0 : i32
        %dma_start3A_398 = tpu.memref_slice %arg10[%add3A_360, %dma_start3A_397] : memref<40x128xi32, #tpu.memory_space<vmem>> -> memref<1x128xi32, #tpu.memory_space<vmem>>
        %dma_start3A_399 = tpu.memref_squeeze %dma_start3A_398 : memref<1x128xi32, #tpu.memory_space<vmem>> -> memref<128xi32, #tpu.memory_space<vmem>>
        %dma_start3A_400 = arith.constant 96 : i32
        %dma_start3A_401 = tpu.memref_slice %dma_start3A_399[%dma_start3A_400] : memref<128xi32, #tpu.memory_space<vmem>> -> memref<32xi32, #tpu.memory_space<vmem>>
        %dma_start3A_402 = arith.constant 0 : i32
        %dma_start3A_403 = arith.constant 0 : i32
        %dma_start3A_404 = tpu.memref_slice %arg2[%dma_start3A_402, %dma_start3A_403] : memref<10000x128xf32, #tpu.memory_space<hbm>> -> memref<10000x128xf32, #tpu.memory_space<hbm>>
        tpu.enqueue_indirect_dma source(%dma_start3A_404 : memref<10000x128xf32, #tpu.memory_space<hbm>>) target(%dma_start3A_396 : memref<32x128xf32, #tpu.memory_space<vmem>>) offsets(%dma_start3A_401 : memref<32xi32, #tpu.memory_space<vmem>>) semaphore(%arg14 : memref<!tpu.dma_semaphore, #tpu.memory_space<semaphore_mem>>)
      } else {
      }
      %mul3A_292 = arith.constant 2 : i32
      %mul3A_293 = arith.muli %scan3A_233, %mul3A_292 : i32
      %add3A_294 = arith.constant 1 : i32
      %add3A_295 = arith.addi %mul3A_293, %add3A_294 : i32
      %dma_wait3A_296 = arith.constant 0 : i32
      %dma_wait3A_297 = arith.constant 0 : i32
      %dma_wait3A_298 = tpu.memref_slice %arg13[%dma_wait3A_296, %dma_wait3A_297] : memref<128x128xf32, #tpu.memory_space<vmem>> -> memref<32x128xf32, #tpu.memory_space<vmem>>
      %dma_wait3A_299 = arith.constant 0 : i32
      %dma_wait3A_300 = tpu.memref_slice %arg10[%add3A_295, %dma_wait3A_299] : memref<40x128xi32, #tpu.memory_space<vmem>> -> memref<1x128xi32, #tpu.memory_space<vmem>>
      %dma_wait3A_301 = tpu.memref_squeeze %dma_wait3A_300 : memref<1x128xi32, #tpu.memory_space<vmem>> -> memref<128xi32, #tpu.memory_space<vmem>>
      %dma_wait3A_302 = arith.constant 0 : i32
      %dma_wait3A_303 = tpu.memref_slice %dma_wait3A_301[%dma_wait3A_302] : memref<128xi32, #tpu.memory_space<vmem>> -> memref<32xi32, #tpu.memory_space<vmem>>
      %dma_wait3A_304 = arith.constant 0 : i32
      %dma_wait3A_305 = arith.constant 0 : i32
      %dma_wait3A_306 = tpu.memref_slice %arg2[%dma_wait3A_304, %dma_wait3A_305] : memref<10000x128xf32, #tpu.memory_space<hbm>> -> memref<10000x128xf32, #tpu.memory_space<hbm>>
      tpu.wait_indirect_dma semaphore(%arg15 : memref<!tpu.dma_semaphore, #tpu.memory_space<semaphore_mem>>) src(%dma_wait3A_306 : memref<10000x128xf32, #tpu.memory_space<hbm>>) dst(%dma_wait3A_298 : memref<32x128xf32, #tpu.memory_space<vmem>>)
      %dma_wait3A_307 = arith.constant 32 : i32
      %dma_wait3A_308 = arith.constant 0 : i32
      %dma_wait3A_309 = tpu.memref_slice %arg13[%dma_wait3A_307, %dma_wait3A_308] : memref<128x128xf32, #tpu.memory_space<vmem>> -> memref<32x128xf32, #tpu.memory_space<vmem>>
      %dma_wait3A_310 = arith.constant 0 : i32
      %dma_wait3A_311 = tpu.memref_slice %arg10[%add3A_295, %dma_wait3A_310] : memref<40x128xi32, #tpu.memory_space<vmem>> -> memref<1x128xi32, #tpu.memory_space<vmem>>
      %dma_wait3A_312 = tpu.memref_squeeze %dma_wait3A_311 : memref<1x128xi32, #tpu.memory_space<vmem>> -> memref<128xi32, #tpu.memory_space<vmem>>
      %dma_wait3A_313 = arith.constant 32 : i32
      %dma_wait3A_314 = tpu.memref_slice %dma_wait3A_312[%dma_wait3A_313] : memref<128xi32, #tpu.memory_space<vmem>> -> memref<32xi32, #tpu.memory_space<vmem>>
      %dma_wait3A_315 = arith.constant 0 : i32
      %dma_wait3A_316 = arith.constant 0 : i32
      %dma_wait3A_317 = tpu.memref_slice %arg2[%dma_wait3A_315, %dma_wait3A_316] : memref<10000x128xf32, #tpu.memory_space<hbm>> -> memref<10000x128xf32, #tpu.memory_space<hbm>>
      tpu.wait_indirect_dma semaphore(%arg15 : memref<!tpu.dma_semaphore, #tpu.memory_space<semaphore_mem>>) src(%dma_wait3A_317 : memref<10000x128xf32, #tpu.memory_space<hbm>>) dst(%dma_wait3A_309 : memref<32x128xf32, #tpu.memory_space<vmem>>)
      %dma_wait3A_318 = arith.constant 64 : i32
      %dma_wait3A_319 = arith.constant 0 : i32
      %dma_wait3A_320 = tpu.memref_slice %arg13[%dma_wait3A_318, %dma_wait3A_319] : memref<128x128xf32, #tpu.memory_space<vmem>> -> memref<32x128xf32, #tpu.memory_space<vmem>>
      %dma_wait3A_321 = arith.constant 0 : i32
      %dma_wait3A_322 = tpu.memref_slice %arg10[%add3A_295, %dma_wait3A_321] : memref<40x128xi32, #tpu.memory_space<vmem>> -> memref<1x128xi32, #tpu.memory_space<vmem>>
      %dma_wait3A_323 = tpu.memref_squeeze %dma_wait3A_322 : memref<1x128xi32, #tpu.memory_space<vmem>> -> memref<128xi32, #tpu.memory_space<vmem>>
      %dma_wait3A_324 = arith.constant 64 : i32
      %dma_wait3A_325 = tpu.memref_slice %dma_wait3A_323[%dma_wait3A_324] : memref<128xi32, #tpu.memory_space<vmem>> -> memref<32xi32, #tpu.memory_space<vmem>>
      %dma_wait3A_326 = arith.constant 0 : i32
      %dma_wait3A_327 = arith.constant 0 : i32
      %dma_wait3A_328 = tpu.memref_slice %arg2[%dma_wait3A_326, %dma_wait3A_327] : memref<10000x128xf32, #tpu.memory_space<hbm>> -> memref<10000x128xf32, #tpu.memory_space<hbm>>
      tpu.wait_indirect_dma semaphore(%arg15 : memref<!tpu.dma_semaphore, #tpu.memory_space<semaphore_mem>>) src(%dma_wait3A_328 : memref<10000x128xf32, #tpu.memory_space<hbm>>) dst(%dma_wait3A_320 : memref<32x128xf32, #tpu.memory_space<vmem>>)
      %dma_wait3A_329 = arith.constant 96 : i32
      %dma_wait3A_330 = arith.constant 0 : i32
      %dma_wait3A_331 = tpu.memref_slice %arg13[%dma_wait3A_329, %dma_wait3A_330] : memref<128x128xf32, #tpu.memory_space<vmem>> -> memref<32x128xf32, #tpu.memory_space<vmem>>
      %dma_wait3A_332 = arith.constant 0 : i32
      %dma_wait3A_333 = tpu.memref_slice %arg10[%add3A_295, %dma_wait3A_332] : memref<40x128xi32, #tpu.memory_space<vmem>> -> memref<1x128xi32, #tpu.memory_space<vmem>>
      %dma_wait3A_334 = tpu.memref_squeeze %dma_wait3A_333 : memref<1x128xi32, #tpu.memory_space<vmem>> -> memref<128xi32, #tpu.memory_space<vmem>>
      %dma_wait3A_335 = arith.constant 96 : i32
      %dma_wait3A_336 = tpu.memref_slice %dma_wait3A_334[%dma_wait3A_335] : memref<128xi32, #tpu.memory_space<vmem>> -> memref<32xi32, #tpu.memory_space<vmem>>
      %dma_wait3A_337 = arith.constant 0 : i32
      %dma_wait3A_338 = arith.constant 0 : i32
      %dma_wait3A_339 = tpu.memref_slice %arg2[%dma_wait3A_337, %dma_wait3A_338] : memref<10000x128xf32, #tpu.memory_space<hbm>> -> memref<10000x128xf32, #tpu.memory_space<hbm>>
      tpu.wait_indirect_dma semaphore(%arg15 : memref<!tpu.dma_semaphore, #tpu.memory_space<semaphore_mem>>) src(%dma_wait3A_339 : memref<10000x128xf32, #tpu.memory_space<hbm>>) dst(%dma_wait3A_331 : memref<32x128xf32, #tpu.memory_space<vmem>>)
      %dma_start3A_340 = arith.constant 0 : i32
      %dma_start3A_341 = tpu.memref_slice %arg11[%add3A_295, %dma_start3A_340] : memref<40x128xi32, #tpu.memory_space<vmem>> -> memref<1x128xi32, #tpu.memory_space<vmem>>
      %dma_start3A_342 = tpu.memref_squeeze %dma_start3A_341 : memref<1x128xi32, #tpu.memory_space<vmem>> -> memref<128xi32, #tpu.memory_space<vmem>>
      %dma_start3A_343 = arith.constant 0 : i32
      %dma_start3A_344 = arith.constant 0 : i32
      %dma_start3A_345 = tpu.memref_slice %arg9[%dma_start3A_343, %dma_start3A_344] : memref<10240x128xf32, #tpu.memory_space<vmem_shared>> -> memref<10240x128xf32, #tpu.memory_space<vmem_shared>>
      tpu.enqueue_indirect_dma source(%arg13 : memref<128x128xf32, #tpu.memory_space<vmem>>) target(%dma_start3A_345 : memref<10240x128xf32, #tpu.memory_space<vmem_shared>>) offsets(%dma_start3A_342 : memref<128xi32, #tpu.memory_space<vmem>>) semaphore(%arg17 : memref<!tpu.dma_semaphore, #tpu.memory_space<semaphore_mem>>) {add = true}
      %add3A_346 = arith.constant 2 : i32
      %add3A_347 = arith.addi %add3A_295, %add3A_346 : i32
      %lt3A_348 = arith.constant 40 : i32
      %lt3A_349 = arith.cmpi slt, %add3A_347, %lt3A_348 : i32
      %convert_element_type3A_350 = arith.extui %lt3A_349 : i1 to i32
      %cond3A_351 = arith.constant 0 : i32
      %cond3A_352 = arith.cmpi ne, %convert_element_type3A_350, %cond3A_351 : i32
      scf.if %cond3A_352 {
        %dma_wait3A_353 = arith.constant 0 : i32
        %dma_wait3A_354 = tpu.memref_slice %arg11[%add3A_295, %dma_wait3A_353] : memref<40x128xi32, #tpu.memory_space<vmem>> -> memref<1x128xi32, #tpu.memory_space<vmem>>
        %dma_wait3A_355 = tpu.memref_squeeze %dma_wait3A_354 : memref<1x128xi32, #tpu.memory_space<vmem>> -> memref<128xi32, #tpu.memory_space<vmem>>
        %dma_wait3A_356 = arith.constant 0 : i32
        %dma_wait3A_357 = arith.constant 0 : i32
        %dma_wait3A_358 = tpu.memref_slice %arg9[%dma_wait3A_356, %dma_wait3A_357] : memref<10240x128xf32, #tpu.memory_space<vmem_shared>> -> memref<10240x128xf32, #tpu.memory_space<vmem_shared>>
        tpu.wait_indirect_dma semaphore(%arg17 : memref<!tpu.dma_semaphore, #tpu.memory_space<semaphore_mem>>) src(%arg13 : memref<128x128xf32, #tpu.memory_space<vmem>>) dst(%dma_wait3A_358 : memref<10240x128xf32, #tpu.memory_space<vmem_shared>>)
        %add3A_359 = arith.constant 2 : i32
        %add3A_360 = arith.addi %add3A_295, %add3A_359 : i32
        %dma_start3A_361 = arith.constant 0 : i32
        %dma_start3A_362 = arith.constant 0 : i32
        %dma_start3A_363 = tpu.memref_slice %arg13[%dma_start3A_361, %dma_start3A_362] : memref<128x128xf32, #tpu.memory_space<vmem>> -> memref<32x128xf32, #tpu.memory_space<vmem>>
        %dma_start3A_364 = arith.constant 0 : i32
        %dma_start3A_365 = tpu.memref_slice %arg10[%add3A_360, %dma_start3A_364] : memref<40x128xi32, #tpu.memory_space<vmem>> -> memref<1x128xi32, #tpu.memory_space<vmem>>
        %dma_start3A_366 = tpu.memref_squeeze %dma_start3A_365 : memref<1x128xi32, #tpu.memory_space<vmem>> -> memref<128xi32, #tpu.memory_space<vmem>>
        %dma_start3A_367 = arith.constant 0 : i32
        %dma_start3A_368 = tpu.memref_slice %dma_start3A_366[%dma_start3A_367] : memref<128xi32, #tpu.memory_space<vmem>> -> memref<32xi32, #tpu.memory_space<vmem>>
        %dma_start3A_369 = arith.constant 0 : i32
        %dma_start3A_370 = arith.constant 0 : i32
        %dma_start3A_371 = tpu.memref_slice %arg2[%dma_start3A_369, %dma_start3A_370] : memref<10000x128xf32, #tpu.memory_space<hbm>> -> memref<10000x128xf32, #tpu.memory_space<hbm>>
        tpu.enqueue_indirect_dma source(%dma_start3A_371 : memref<10000x128xf32, #tpu.memory_space<hbm>>) target(%dma_start3A_363 : memref<32x128xf32, #tpu.memory_space<vmem>>) offsets(%dma_start3A_368 : memref<32xi32, #tpu.memory_space<vmem>>) semaphore(%arg15 : memref<!tpu.dma_semaphore, #tpu.memory_space<semaphore_mem>>)
        %dma_start3A_372 = arith.constant 32 : i32
        %dma_start3A_373 = arith.constant 0 : i32
        %dma_start3A_374 = tpu.memref_slice %arg13[%dma_start3A_372, %dma_start3A_373] : memref<128x128xf32, #tpu.memory_space<vmem>> -> memref<32x128xf32, #tpu.memory_space<vmem>>
        %dma_start3A_375 = arith.constant 0 : i32
        %dma_start3A_376 = tpu.memref_slice %arg10[%add3A_360, %dma_start3A_375] : memref<40x128xi32, #tpu.memory_space<vmem>> -> memref<1x128xi32, #tpu.memory_space<vmem>>
        %dma_start3A_377 = tpu.memref_squeeze %dma_start3A_376 : memref<1x128xi32, #tpu.memory_space<vmem>> -> memref<128xi32, #tpu.memory_space<vmem>>
        %dma_start3A_378 = arith.constant 32 : i32
        %dma_start3A_379 = tpu.memref_slice %dma_start3A_377[%dma_start3A_378] : memref<128xi32, #tpu.memory_space<vmem>> -> memref<32xi32, #tpu.memory_space<vmem>>
        %dma_start3A_380 = arith.constant 0 : i32
        %dma_start3A_381 = arith.constant 0 : i32
        %dma_start3A_382 = tpu.memref_slice %arg2[%dma_start3A_380, %dma_start3A_381] : memref<10000x128xf32, #tpu.memory_space<hbm>> -> memref<10000x128xf32, #tpu.memory_space<hbm>>
        tpu.enqueue_indirect_dma source(%dma_start3A_382 : memref<10000x128xf32, #tpu.memory_space<hbm>>) target(%dma_start3A_374 : memref<32x128xf32, #tpu.memory_space<vmem>>) offsets(%dma_start3A_379 : memref<32xi32, #tpu.memory_space<vmem>>) semaphore(%arg15 : memref<!tpu.dma_semaphore, #tpu.memory_space<semaphore_mem>>)
        %dma_start3A_383 = arith.constant 64 : i32
        %dma_start3A_384 = arith.constant 0 : i32
        %dma_start3A_385 = tpu.memref_slice %arg13[%dma_start3A_383, %dma_start3A_384] : memref<128x128xf32, #tpu.memory_space<vmem>> -> memref<32x128xf32, #tpu.memory_space<vmem>>
        %dma_start3A_386 = arith.constant 0 : i32
        %dma_start3A_387 = tpu.memref_slice %arg10[%add3A_360, %dma_start3A_386] : memref<40x128xi32, #tpu.memory_space<vmem>> -> memref<1x128xi32, #tpu.memory_space<vmem>>
        %dma_start3A_388 = tpu.memref_squeeze %dma_start3A_387 : memref<1x128xi32, #tpu.memory_space<vmem>> -> memref<128xi32, #tpu.memory_space<vmem>>
        %dma_start3A_389 = arith.constant 64 : i32
        %dma_start3A_390 = tpu.memref_slice %dma_start3A_388[%dma_start3A_389] : memref<128xi32, #tpu.memory_space<vmem>> -> memref<32xi32, #tpu.memory_space<vmem>>
        %dma_start3A_391 = arith.constant 0 : i32
        %dma_start3A_392 = arith.constant 0 : i32
        %dma_start3A_393 = tpu.memref_slice %arg2[%dma_start3A_391, %dma_start3A_392] : memref<10000x128xf32, #tpu.memory_space<hbm>> -> memref<10000x128xf32, #tpu.memory_space<hbm>>
        tpu.enqueue_indirect_dma source(%dma_start3A_393 : memref<10000x128xf32, #tpu.memory_space<hbm>>) target(%dma_start3A_385 : memref<32x128xf32, #tpu.memory_space<vmem>>) offsets(%dma_start3A_390 : memref<32xi32, #tpu.memory_space<vmem>>) semaphore(%arg15 : memref<!tpu.dma_semaphore, #tpu.memory_space<semaphore_mem>>)
        %dma_start3A_394 = arith.constant 96 : i32
        %dma_start3A_395 = arith.constant 0 : i32
        %dma_start3A_396 = tpu.memref_slice %arg13[%dma_start3A_394, %dma_start3A_395] : memref<128x128xf32, #tpu.memory_space<vmem>> -> memref<32x128xf32, #tpu.memory_space<vmem>>
        %dma_start3A_397 = arith.constant 0 : i32
        %dma_start3A_398 = tpu.memref_slice %arg10[%add3A_360, %dma_start3A_397] : memref<40x128xi32, #tpu.memory_space<vmem>> -> memref<1x128xi32, #tpu.memory_space<vmem>>
        %dma_start3A_399 = tpu.memref_squeeze %dma_start3A_398 : memref<1x128xi32, #tpu.memory_space<vmem>> -> memref<128xi32, #tpu.memory_space<vmem>>
        %dma_start3A_400 = arith.constant 96 : i32
        %dma_start3A_401 = tpu.memref_slice %dma_start3A_399[%dma_start3A_400] : memref<128xi32, #tpu.memory_space<vmem>> -> memref<32xi32, #tpu.memory_space<vmem>>
        %dma_start3A_402 = arith.constant 0 : i32
        %dma_start3A_403 = arith.constant 0 : i32
        %dma_start3A_404 = tpu.memref_slice %arg2[%dma_start3A_402, %dma_start3A_403] : memref<10000x128xf32, #tpu.memory_space<hbm>> -> memref<10000x128xf32, #tpu.memory_space<hbm>>
        tpu.enqueue_indirect_dma source(%dma_start3A_404 : memref<10000x128xf32, #tpu.memory_space<hbm>>) target(%dma_start3A_396 : memref<32x128xf32, #tpu.memory_space<vmem>>) offsets(%dma_start3A_401 : memref<32xi32, #tpu.memory_space<vmem>>) semaphore(%arg15 : memref<!tpu.dma_semaphore, #tpu.memory_space<semaphore_mem>>)
      } else {
      }
    }
    %scan3A_102 = arith.constant 20 : i32
    %dma_wait3A = arith.constant 38 : i32
    %dma_wait3A_103 = arith.constant 0 : i32
    %dma_wait3A_104 = tpu.memref_slice %arg11[%dma_wait3A, %dma_wait3A_103] : memref<40x128xi32, #tpu.memory_space<vmem>> -> memref<1x128xi32, #tpu.memory_space<vmem>>
    %dma_wait3A_105 = tpu.memref_squeeze %dma_wait3A_104 : memref<1x128xi32, #tpu.memory_space<vmem>> -> memref<128xi32, #tpu.memory_space<vmem>>
    %dma_wait3A_106 = arith.constant 0 : i32
    %dma_wait3A_107 = arith.constant 0 : i32
    %dma_wait3A_108 = tpu.memref_slice %arg9[%dma_wait3A_106, %dma_wait3A_107] : memref<10240x128xf32, #tpu.memory_space<vmem_shared>> -> memref<10240x128xf32, #tpu.memory_space<vmem_shared>>
    tpu.wait_indirect_dma semaphore(%arg16 : memref<!tpu.dma_semaphore, #tpu.memory_space<semaphore_mem>>) src(%arg12 : memref<128x128xf32, #tpu.memory_space<vmem>>) dst(%dma_wait3A_108 : memref<10240x128xf32, #tpu.memory_space<vmem_shared>>)
    %dma_wait3A_109 = arith.constant 39 : i32
    %dma_wait3A_110 = arith.constant 0 : i32
    %dma_wait3A_111 = tpu.memref_slice %arg11[%dma_wait3A_109, %dma_wait3A_110] : memref<40x128xi32, #tpu.memory_space<vmem>> -> memref<1x128xi32, #tpu.memory_space<vmem>>
    %dma_wait3A_112 = tpu.memref_squeeze %dma_wait3A_111 : memref<1x128xi32, #tpu.memory_space<vmem>> -> memref<128xi32, #tpu.memory_space<vmem>>
    %dma_wait3A_113 = arith.constant 0 : i32
    %dma_wait3A_114 = arith.constant 0 : i32
    %dma_wait3A_115 = tpu.memref_slice %arg9[%dma_wait3A_113, %dma_wait3A_114] : memref<10240x128xf32, #tpu.memory_space<vmem_shared>> -> memref<10240x128xf32, #tpu.memory_space<vmem_shared>>
    tpu.wait_indirect_dma semaphore(%arg17 : memref<!tpu.dma_semaphore, #tpu.memory_space<semaphore_mem>>) src(%arg13 : memref<128x128xf32, #tpu.memory_space<vmem>>) dst(%dma_wait3A_115 : memref<10240x128xf32, #tpu.memory_space<vmem_shared>>)
    "tpu.region"() ({
      %run_scoped3A = tpu.sem_alloc : memref<!tpu.dma_semaphore, #tpu.memory_space<semaphore_mem>>
      %dma_start3A_233 = arith.constant 0 : i32
      %dma_start3A_234 = arith.constant 0 : i32
      %dma_start3A_235 = tpu.memref_slice %arg3[%add3A, %dma_start3A_233, %dma_start3A_234] : memref<32x80x128xi32, #tpu.memory_space<hbm>> -> memref<1x80x128xi32, #tpu.memory_space<hbm>>
      %dma_start3A_236 = tpu.memref_squeeze %dma_start3A_235 : memref<1x80x128xi32, #tpu.memory_space<hbm>> -> memref<80x128xi32, #tpu.memory_space<hbm>>
      %dma_start3A_237 = arith.constant 40 : i32
      %dma_start3A_238 = arith.constant 0 : i32
      %dma_start3A_239 = tpu.memref_slice %dma_start3A_236[%dma_start3A_237, %dma_start3A_238] : memref<80x128xi32, #tpu.memory_space<hbm>> -> memref<40x128xi32, #tpu.memory_space<hbm>>
      %dma_start3A_240 = arith.constant 0 : i32
      %dma_start3A_241 = arith.constant 0 : i32
      %dma_start3A_242 = tpu.memref_slice %arg3[%add3A, %dma_start3A_240, %dma_start3A_241] : memref<32x80x128xi32, #tpu.memory_space<hbm>> -> memref<1x80x128xi32, #tpu.memory_space<hbm>>
      %dma_start3A_243 = tpu.memref_squeeze %dma_start3A_242 : memref<1x80x128xi32, #tpu.memory_space<hbm>> -> memref<80x128xi32, #tpu.memory_space<hbm>>
      %dma_start3A_244 = arith.constant 40 : i32
      %dma_start3A_245 = arith.constant 0 : i32
      %dma_start3A_246 = tpu.memref_slice %dma_start3A_243[%dma_start3A_244, %dma_start3A_245] : memref<80x128xi32, #tpu.memory_space<hbm>> -> memref<40x128xi32, #tpu.memory_space<hbm>>
      tpu.enqueue_dma source(%dma_start3A_246 : memref<40x128xi32, #tpu.memory_space<hbm>>) target(%arg10 : memref<40x128xi32, #tpu.memory_space<vmem>>) target_semaphore(%run_scoped3A : memref<!tpu.dma_semaphore, #tpu.memory_space<semaphore_mem>>)
      %dma_wait3A_247 = arith.constant 0 : i32
      %dma_wait3A_248 = arith.constant 0 : i32
      %dma_wait3A_249 = tpu.memref_slice %arg3[%add3A, %dma_wait3A_247, %dma_wait3A_248] : memref<32x80x128xi32, #tpu.memory_space<hbm>> -> memref<1x80x128xi32, #tpu.memory_space<hbm>>
      %dma_wait3A_250 = tpu.memref_squeeze %dma_wait3A_249 : memref<1x80x128xi32, #tpu.memory_space<hbm>> -> memref<80x128xi32, #tpu.memory_space<hbm>>
      %dma_wait3A_251 = arith.constant 40 : i32
      %dma_wait3A_252 = arith.constant 0 : i32
      %dma_wait3A_253 = tpu.memref_slice %dma_wait3A_250[%dma_wait3A_251, %dma_wait3A_252] : memref<80x128xi32, #tpu.memory_space<hbm>> -> memref<40x128xi32, #tpu.memory_space<hbm>>
      %dma_wait3A_254 = arith.constant 0 : i32
      %dma_wait3A_255 = arith.constant 0 : i32
      %dma_wait3A_256 = tpu.memref_slice %arg3[%add3A, %dma_wait3A_254, %dma_wait3A_255] : memref<32x80x128xi32, #tpu.memory_space<hbm>> -> memref<1x80x128xi32, #tpu.memory_space<hbm>>
      %dma_wait3A_257 = tpu.memref_squeeze %dma_wait3A_256 : memref<1x80x128xi32, #tpu.memory_space<hbm>> -> memref<80x128xi32, #tpu.memory_space<hbm>>
      %dma_wait3A_258 = arith.constant 40 : i32
      %dma_wait3A_259 = arith.constant 0 : i32
      %dma_wait3A_260 = tpu.memref_slice %dma_wait3A_257[%dma_wait3A_258, %dma_wait3A_259] : memref<80x128xi32, #tpu.memory_space<hbm>> -> memref<40x128xi32, #tpu.memory_space<hbm>>
      tpu.wait_dma2 semaphore(%run_scoped3A : memref<!tpu.dma_semaphore, #tpu.memory_space<semaphore_mem>>) src(%dma_wait3A_260 : memref<40x128xi32, #tpu.memory_space<hbm>>) dst(%arg10 : memref<40x128xi32, #tpu.memory_space<vmem>>)
      tpu.yield
    }) : () -> ()
    "tpu.region"() ({
      %run_scoped3A = tpu.sem_alloc : memref<!tpu.dma_semaphore, #tpu.memory_space<semaphore_mem>>
      %dma_start3A_233 = arith.constant 0 : i32
      %dma_start3A_234 = arith.constant 0 : i32
      %dma_start3A_235 = tpu.memref_slice %arg4[%add3A, %dma_start3A_233, %dma_start3A_234] : memref<32x80x128xi32, #tpu.memory_space<hbm>> -> memref<1x80x128xi32, #tpu.memory_space<hbm>>
      %dma_start3A_236 = tpu.memref_squeeze %dma_start3A_235 : memref<1x80x128xi32, #tpu.memory_space<hbm>> -> memref<80x128xi32, #tpu.memory_space<hbm>>
      %dma_start3A_237 = arith.constant 40 : i32
      %dma_start3A_238 = arith.constant 0 : i32
      %dma_start3A_239 = tpu.memref_slice %dma_start3A_236[%dma_start3A_237, %dma_start3A_238] : memref<80x128xi32, #tpu.memory_space<hbm>> -> memref<40x128xi32, #tpu.memory_space<hbm>>
      %dma_start3A_240 = arith.constant 0 : i32
      %dma_start3A_241 = arith.constant 0 : i32
      %dma_start3A_242 = tpu.memref_slice %arg4[%add3A, %dma_start3A_240, %dma_start3A_241] : memref<32x80x128xi32, #tpu.memory_space<hbm>> -> memref<1x80x128xi32, #tpu.memory_space<hbm>>
      %dma_start3A_243 = tpu.memref_squeeze %dma_start3A_242 : memref<1x80x128xi32, #tpu.memory_space<hbm>> -> memref<80x128xi32, #tpu.memory_space<hbm>>
      %dma_start3A_244 = arith.constant 40 : i32
      %dma_start3A_245 = arith.constant 0 : i32
      %dma_start3A_246 = tpu.memref_slice %dma_start3A_243[%dma_start3A_244, %dma_start3A_245] : memref<80x128xi32, #tpu.memory_space<hbm>> -> memref<40x128xi32, #tpu.memory_space<hbm>>
      tpu.enqueue_dma source(%dma_start3A_246 : memref<40x128xi32, #tpu.memory_space<hbm>>) target(%arg11 : memref<40x128xi32, #tpu.memory_space<vmem>>) target_semaphore(%run_scoped3A : memref<!tpu.dma_semaphore, #tpu.memory_space<semaphore_mem>>)
      %dma_wait3A_247 = arith.constant 0 : i32
      %dma_wait3A_248 = arith.constant 0 : i32
      %dma_wait3A_249 = tpu.memref_slice %arg4[%add3A, %dma_wait3A_247, %dma_wait3A_248] : memref<32x80x128xi32, #tpu.memory_space<hbm>> -> memref<1x80x128xi32, #tpu.memory_space<hbm>>
      %dma_wait3A_250 = tpu.memref_squeeze %dma_wait3A_249 : memref<1x80x128xi32, #tpu.memory_space<hbm>> -> memref<80x128xi32, #tpu.memory_space<hbm>>
      %dma_wait3A_251 = arith.constant 40 : i32
      %dma_wait3A_252 = arith.constant 0 : i32
      %dma_wait3A_253 = tpu.memref_slice %dma_wait3A_250[%dma_wait3A_251, %dma_wait3A_252] : memref<80x128xi32, #tpu.memory_space<hbm>> -> memref<40x128xi32, #tpu.memory_space<hbm>>
      %dma_wait3A_254 = arith.constant 0 : i32
      %dma_wait3A_255 = arith.constant 0 : i32
      %dma_wait3A_256 = tpu.memref_slice %arg4[%add3A, %dma_wait3A_254, %dma_wait3A_255] : memref<32x80x128xi32, #tpu.memory_space<hbm>> -> memref<1x80x128xi32, #tpu.memory_space<hbm>>
      %dma_wait3A_257 = tpu.memref_squeeze %dma_wait3A_256 : memref<1x80x128xi32, #tpu.memory_space<hbm>> -> memref<80x128xi32, #tpu.memory_space<hbm>>
      %dma_wait3A_258 = arith.constant 40 : i32
      %dma_wait3A_259 = arith.constant 0 : i32
      %dma_wait3A_260 = tpu.memref_slice %dma_wait3A_257[%dma_wait3A_258, %dma_wait3A_259] : memref<80x128xi32, #tpu.memory_space<hbm>> -> memref<40x128xi32, #tpu.memory_space<hbm>>
      tpu.wait_dma2 semaphore(%run_scoped3A : memref<!tpu.dma_semaphore, #tpu.memory_space<semaphore_mem>>) src(%dma_wait3A_260 : memref<40x128xi32, #tpu.memory_space<hbm>>) dst(%arg11 : memref<40x128xi32, #tpu.memory_space<vmem>>)
      tpu.yield
    }) : () -> ()
    %dma_start3A_116 = arith.constant 0 : i32
    %dma_start3A_117 = arith.constant 0 : i32
    %dma_start3A_118 = arith.constant 0 : i32
    %dma_start3A_119 = tpu.memref_slice %arg12[%dma_start3A_117, %dma_start3A_118] : memref<128x128xf32, #tpu.memory_space<vmem>> -> memref<32x128xf32, #tpu.memory_space<vmem>>
    %dma_start3A_120 = arith.constant 0 : i32
    %dma_start3A_121 = tpu.memref_slice %arg10[%dma_start3A_116, %dma_start3A_120] : memref<40x128xi32, #tpu.memory_space<vmem>> -> memref<1x128xi32, #tpu.memory_space<vmem>>
    %dma_start3A_122 = tpu.memref_squeeze %dma_start3A_121 : memref<1x128xi32, #tpu.memory_space<vmem>> -> memref<128xi32, #tpu.memory_space<vmem>>
    %dma_start3A_123 = arith.constant 0 : i32
    %dma_start3A_124 = tpu.memref_slice %dma_start3A_122[%dma_start3A_123] : memref<128xi32, #tpu.memory_space<vmem>> -> memref<32xi32, #tpu.memory_space<vmem>>
    %dma_start3A_125 = arith.constant 0 : i32
    %dma_start3A_126 = arith.constant 0 : i32
    %dma_start3A_127 = tpu.memref_slice %arg2[%dma_start3A_125, %dma_start3A_126] : memref<10000x128xf32, #tpu.memory_space<hbm>> -> memref<10000x128xf32, #tpu.memory_space<hbm>>
    tpu.enqueue_indirect_dma source(%dma_start3A_127 : memref<10000x128xf32, #tpu.memory_space<hbm>>) target(%dma_start3A_119 : memref<32x128xf32, #tpu.memory_space<vmem>>) offsets(%dma_start3A_124 : memref<32xi32, #tpu.memory_space<vmem>>) semaphore(%arg14 : memref<!tpu.dma_semaphore, #tpu.memory_space<semaphore_mem>>)
    %dma_start3A_128 = arith.constant 0 : i32
    %dma_start3A_129 = arith.constant 32 : i32
    %dma_start3A_130 = arith.constant 0 : i32
    %dma_start3A_131 = tpu.memref_slice %arg12[%dma_start3A_129, %dma_start3A_130] : memref<128x128xf32, #tpu.memory_space<vmem>> -> memref<32x128xf32, #tpu.memory_space<vmem>>
    %dma_start3A_132 = arith.constant 0 : i32
    %dma_start3A_133 = tpu.memref_slice %arg10[%dma_start3A_128, %dma_start3A_132] : memref<40x128xi32, #tpu.memory_space<vmem>> -> memref<1x128xi32, #tpu.memory_space<vmem>>
    %dma_start3A_134 = tpu.memref_squeeze %dma_start3A_133 : memref<1x128xi32, #tpu.memory_space<vmem>> -> memref<128xi32, #tpu.memory_space<vmem>>
    %dma_start3A_135 = arith.constant 32 : i32
    %dma_start3A_136 = tpu.memref_slice %dma_start3A_134[%dma_start3A_135] : memref<128xi32, #tpu.memory_space<vmem>> -> memref<32xi32, #tpu.memory_space<vmem>>
    %dma_start3A_137 = arith.constant 0 : i32
    %dma_start3A_138 = arith.constant 0 : i32
    %dma_start3A_139 = tpu.memref_slice %arg2[%dma_start3A_137, %dma_start3A_138] : memref<10000x128xf32, #tpu.memory_space<hbm>> -> memref<10000x128xf32, #tpu.memory_space<hbm>>
    tpu.enqueue_indirect_dma source(%dma_start3A_139 : memref<10000x128xf32, #tpu.memory_space<hbm>>) target(%dma_start3A_131 : memref<32x128xf32, #tpu.memory_space<vmem>>) offsets(%dma_start3A_136 : memref<32xi32, #tpu.memory_space<vmem>>) semaphore(%arg14 : memref<!tpu.dma_semaphore, #tpu.memory_space<semaphore_mem>>)
    %dma_start3A_140 = arith.constant 0 : i32
    %dma_start3A_141 = arith.constant 64 : i32
    %dma_start3A_142 = arith.constant 0 : i32
    %dma_start3A_143 = tpu.memref_slice %arg12[%dma_start3A_141, %dma_start3A_142] : memref<128x128xf32, #tpu.memory_space<vmem>> -> memref<32x128xf32, #tpu.memory_space<vmem>>
    %dma_start3A_144 = arith.constant 0 : i32
    %dma_start3A_145 = tpu.memref_slice %arg10[%dma_start3A_140, %dma_start3A_144] : memref<40x128xi32, #tpu.memory_space<vmem>> -> memref<1x128xi32, #tpu.memory_space<vmem>>
    %dma_start3A_146 = tpu.memref_squeeze %dma_start3A_145 : memref<1x128xi32, #tpu.memory_space<vmem>> -> memref<128xi32, #tpu.memory_space<vmem>>
    %dma_start3A_147 = arith.constant 64 : i32
    %dma_start3A_148 = tpu.memref_slice %dma_start3A_146[%dma_start3A_147] : memref<128xi32, #tpu.memory_space<vmem>> -> memref<32xi32, #tpu.memory_space<vmem>>
    %dma_start3A_149 = arith.constant 0 : i32
    %dma_start3A_150 = arith.constant 0 : i32
    %dma_start3A_151 = tpu.memref_slice %arg2[%dma_start3A_149, %dma_start3A_150] : memref<10000x128xf32, #tpu.memory_space<hbm>> -> memref<10000x128xf32, #tpu.memory_space<hbm>>
    tpu.enqueue_indirect_dma source(%dma_start3A_151 : memref<10000x128xf32, #tpu.memory_space<hbm>>) target(%dma_start3A_143 : memref<32x128xf32, #tpu.memory_space<vmem>>) offsets(%dma_start3A_148 : memref<32xi32, #tpu.memory_space<vmem>>) semaphore(%arg14 : memref<!tpu.dma_semaphore, #tpu.memory_space<semaphore_mem>>)
    %dma_start3A_152 = arith.constant 0 : i32
    %dma_start3A_153 = arith.constant 96 : i32
    %dma_start3A_154 = arith.constant 0 : i32
    %dma_start3A_155 = tpu.memref_slice %arg12[%dma_start3A_153, %dma_start3A_154] : memref<128x128xf32, #tpu.memory_space<vmem>> -> memref<32x128xf32, #tpu.memory_space<vmem>>
    %dma_start3A_156 = arith.constant 0 : i32
    %dma_start3A_157 = tpu.memref_slice %arg10[%dma_start3A_152, %dma_start3A_156] : memref<40x128xi32, #tpu.memory_space<vmem>> -> memref<1x128xi32, #tpu.memory_space<vmem>>
    %dma_start3A_158 = tpu.memref_squeeze %dma_start3A_157 : memref<1x128xi32, #tpu.memory_space<vmem>> -> memref<128xi32, #tpu.memory_space<vmem>>
    %dma_start3A_159 = arith.constant 96 : i32
    %dma_start3A_160 = tpu.memref_slice %dma_start3A_158[%dma_start3A_159] : memref<128xi32, #tpu.memory_space<vmem>> -> memref<32xi32, #tpu.memory_space<vmem>>
    %dma_start3A_161 = arith.constant 0 : i32
    %dma_start3A_162 = arith.constant 0 : i32
    %dma_start3A_163 = tpu.memref_slice %arg2[%dma_start3A_161, %dma_start3A_162] : memref<10000x128xf32, #tpu.memory_space<hbm>> -> memref<10000x128xf32, #tpu.memory_space<hbm>>
    tpu.enqueue_indirect_dma source(%dma_start3A_163 : memref<10000x128xf32, #tpu.memory_space<hbm>>) target(%dma_start3A_155 : memref<32x128xf32, #tpu.memory_space<vmem>>) offsets(%dma_start3A_160 : memref<32xi32, #tpu.memory_space<vmem>>) semaphore(%arg14 : memref<!tpu.dma_semaphore, #tpu.memory_space<semaphore_mem>>)
    %dma_start3A_164 = arith.constant 1 : i32
    %dma_start3A_165 = arith.constant 0 : i32
    %dma_start3A_166 = arith.constant 0 : i32
    %dma_start3A_167 = tpu.memref_slice %arg13[%dma_start3A_165, %dma_start3A_166] : memref<128x128xf32, #tpu.memory_space<vmem>> -> memref<32x128xf32, #tpu.memory_space<vmem>>
    %dma_start3A_168 = arith.constant 0 : i32
    %dma_start3A_169 = tpu.memref_slice %arg10[%dma_start3A_164, %dma_start3A_168] : memref<40x128xi32, #tpu.memory_space<vmem>> -> memref<1x128xi32, #tpu.memory_space<vmem>>
    %dma_start3A_170 = tpu.memref_squeeze %dma_start3A_169 : memref<1x128xi32, #tpu.memory_space<vmem>> -> memref<128xi32, #tpu.memory_space<vmem>>
    %dma_start3A_171 = arith.constant 0 : i32
    %dma_start3A_172 = tpu.memref_slice %dma_start3A_170[%dma_start3A_171] : memref<128xi32, #tpu.memory_space<vmem>> -> memref<32xi32, #tpu.memory_space<vmem>>
    %dma_start3A_173 = arith.constant 0 : i32
    %dma_start3A_174 = arith.constant 0 : i32
    %dma_start3A_175 = tpu.memref_slice %arg2[%dma_start3A_173, %dma_start3A_174] : memref<10000x128xf32, #tpu.memory_space<hbm>> -> memref<10000x128xf32, #tpu.memory_space<hbm>>
    tpu.enqueue_indirect_dma source(%dma_start3A_175 : memref<10000x128xf32, #tpu.memory_space<hbm>>) target(%dma_start3A_167 : memref<32x128xf32, #tpu.memory_space<vmem>>) offsets(%dma_start3A_172 : memref<32xi32, #tpu.memory_space<vmem>>) semaphore(%arg15 : memref<!tpu.dma_semaphore, #tpu.memory_space<semaphore_mem>>)
    %dma_start3A_176 = arith.constant 1 : i32
    %dma_start3A_177 = arith.constant 32 : i32
    %dma_start3A_178 = arith.constant 0 : i32
    %dma_start3A_179 = tpu.memref_slice %arg13[%dma_start3A_177, %dma_start3A_178] : memref<128x128xf32, #tpu.memory_space<vmem>> -> memref<32x128xf32, #tpu.memory_space<vmem>>
    %dma_start3A_180 = arith.constant 0 : i32
    %dma_start3A_181 = tpu.memref_slice %arg10[%dma_start3A_176, %dma_start3A_180] : memref<40x128xi32, #tpu.memory_space<vmem>> -> memref<1x128xi32, #tpu.memory_space<vmem>>
    %dma_start3A_182 = tpu.memref_squeeze %dma_start3A_181 : memref<1x128xi32, #tpu.memory_space<vmem>> -> memref<128xi32, #tpu.memory_space<vmem>>
    %dma_start3A_183 = arith.constant 32 : i32
    %dma_start3A_184 = tpu.memref_slice %dma_start3A_182[%dma_start3A_183] : memref<128xi32, #tpu.memory_space<vmem>> -> memref<32xi32, #tpu.memory_space<vmem>>
    %dma_start3A_185 = arith.constant 0 : i32
    %dma_start3A_186 = arith.constant 0 : i32
    %dma_start3A_187 = tpu.memref_slice %arg2[%dma_start3A_185, %dma_start3A_186] : memref<10000x128xf32, #tpu.memory_space<hbm>> -> memref<10000x128xf32, #tpu.memory_space<hbm>>
    tpu.enqueue_indirect_dma source(%dma_start3A_187 : memref<10000x128xf32, #tpu.memory_space<hbm>>) target(%dma_start3A_179 : memref<32x128xf32, #tpu.memory_space<vmem>>) offsets(%dma_start3A_184 : memref<32xi32, #tpu.memory_space<vmem>>) semaphore(%arg15 : memref<!tpu.dma_semaphore, #tpu.memory_space<semaphore_mem>>)
    %dma_start3A_188 = arith.constant 1 : i32
    %dma_start3A_189 = arith.constant 64 : i32
    %dma_start3A_190 = arith.constant 0 : i32
    %dma_start3A_191 = tpu.memref_slice %arg13[%dma_start3A_189, %dma_start3A_190] : memref<128x128xf32, #tpu.memory_space<vmem>> -> memref<32x128xf32, #tpu.memory_space<vmem>>
    %dma_start3A_192 = arith.constant 0 : i32
    %dma_start3A_193 = tpu.memref_slice %arg10[%dma_start3A_188, %dma_start3A_192] : memref<40x128xi32, #tpu.memory_space<vmem>> -> memref<1x128xi32, #tpu.memory_space<vmem>>
    %dma_start3A_194 = tpu.memref_squeeze %dma_start3A_193 : memref<1x128xi32, #tpu.memory_space<vmem>> -> memref<128xi32, #tpu.memory_space<vmem>>
    %dma_start3A_195 = arith.constant 64 : i32
    %dma_start3A_196 = tpu.memref_slice %dma_start3A_194[%dma_start3A_195] : memref<128xi32, #tpu.memory_space<vmem>> -> memref<32xi32, #tpu.memory_space<vmem>>
    %dma_start3A_197 = arith.constant 0 : i32
    %dma_start3A_198 = arith.constant 0 : i32
    %dma_start3A_199 = tpu.memref_slice %arg2[%dma_start3A_197, %dma_start3A_198] : memref<10000x128xf32, #tpu.memory_space<hbm>> -> memref<10000x128xf32, #tpu.memory_space<hbm>>
    tpu.enqueue_indirect_dma source(%dma_start3A_199 : memref<10000x128xf32, #tpu.memory_space<hbm>>) target(%dma_start3A_191 : memref<32x128xf32, #tpu.memory_space<vmem>>) offsets(%dma_start3A_196 : memref<32xi32, #tpu.memory_space<vmem>>) semaphore(%arg15 : memref<!tpu.dma_semaphore, #tpu.memory_space<semaphore_mem>>)
    %dma_start3A_200 = arith.constant 1 : i32
    %dma_start3A_201 = arith.constant 96 : i32
    %dma_start3A_202 = arith.constant 0 : i32
    %dma_start3A_203 = tpu.memref_slice %arg13[%dma_start3A_201, %dma_start3A_202] : memref<128x128xf32, #tpu.memory_space<vmem>> -> memref<32x128xf32, #tpu.memory_space<vmem>>
    %dma_start3A_204 = arith.constant 0 : i32
    %dma_start3A_205 = tpu.memref_slice %arg10[%dma_start3A_200, %dma_start3A_204] : memref<40x128xi32, #tpu.memory_space<vmem>> -> memref<1x128xi32, #tpu.memory_space<vmem>>
    %dma_start3A_206 = tpu.memref_squeeze %dma_start3A_205 : memref<1x128xi32, #tpu.memory_space<vmem>> -> memref<128xi32, #tpu.memory_space<vmem>>
    %dma_start3A_207 = arith.constant 96 : i32
    %dma_start3A_208 = tpu.memref_slice %dma_start3A_206[%dma_start3A_207] : memref<128xi32, #tpu.memory_space<vmem>> -> memref<32xi32, #tpu.memory_space<vmem>>
    %dma_start3A_209 = arith.constant 0 : i32
    %dma_start3A_210 = arith.constant 0 : i32
    %dma_start3A_211 = tpu.memref_slice %arg2[%dma_start3A_209, %dma_start3A_210] : memref<10000x128xf32, #tpu.memory_space<hbm>> -> memref<10000x128xf32, #tpu.memory_space<hbm>>
    tpu.enqueue_indirect_dma source(%dma_start3A_211 : memref<10000x128xf32, #tpu.memory_space<hbm>>) target(%dma_start3A_203 : memref<32x128xf32, #tpu.memory_space<vmem>>) offsets(%dma_start3A_208 : memref<32xi32, #tpu.memory_space<vmem>>) semaphore(%arg15 : memref<!tpu.dma_semaphore, #tpu.memory_space<semaphore_mem>>)
    %scan3A_212 = arith.constant 0 : i32
    %scan3A_213 = arith.constant 0 : i32
    %scan3A_214 = arith.constant 20 : i32
    %scan3A_215 = arith.addi %scan3A_213, %scan3A_214 : i32
    %scan3A_216 = arith.constant 1 : i32
    scf.for %scan3A_233 = %scan3A_213 to %scan3A_215 step %scan3A_216  : i32 {
      %mul3A_234 = arith.constant 2 : i32
      %mul3A_235 = arith.muli %scan3A_233, %mul3A_234 : i32
      %add3A_236 = arith.constant 0 : i32
      %add3A_237 = arith.addi %mul3A_235, %add3A_236 : i32
      %dma_wait3A_238 = arith.constant 0 : i32
      %dma_wait3A_239 = arith.constant 0 : i32
      %dma_wait3A_240 = tpu.memref_slice %arg12[%dma_wait3A_238, %dma_wait3A_239] : memref<128x128xf32, #tpu.memory_space<vmem>> -> memref<32x128xf32, #tpu.memory_space<vmem>>
      %dma_wait3A_241 = arith.constant 0 : i32
      %dma_wait3A_242 = tpu.memref_slice %arg10[%add3A_237, %dma_wait3A_241] : memref<40x128xi32, #tpu.memory_space<vmem>> -> memref<1x128xi32, #tpu.memory_space<vmem>>
      %dma_wait3A_243 = tpu.memref_squeeze %dma_wait3A_242 : memref<1x128xi32, #tpu.memory_space<vmem>> -> memref<128xi32, #tpu.memory_space<vmem>>
      %dma_wait3A_244 = arith.constant 0 : i32
      %dma_wait3A_245 = tpu.memref_slice %dma_wait3A_243[%dma_wait3A_244] : memref<128xi32, #tpu.memory_space<vmem>> -> memref<32xi32, #tpu.memory_space<vmem>>
      %dma_wait3A_246 = arith.constant 0 : i32
      %dma_wait3A_247 = arith.constant 0 : i32
      %dma_wait3A_248 = tpu.memref_slice %arg2[%dma_wait3A_246, %dma_wait3A_247] : memref<10000x128xf32, #tpu.memory_space<hbm>> -> memref<10000x128xf32, #tpu.memory_space<hbm>>
      tpu.wait_indirect_dma semaphore(%arg14 : memref<!tpu.dma_semaphore, #tpu.memory_space<semaphore_mem>>) src(%dma_wait3A_248 : memref<10000x128xf32, #tpu.memory_space<hbm>>) dst(%dma_wait3A_240 : memref<32x128xf32, #tpu.memory_space<vmem>>)
      %dma_wait3A_249 = arith.constant 32 : i32
      %dma_wait3A_250 = arith.constant 0 : i32
      %dma_wait3A_251 = tpu.memref_slice %arg12[%dma_wait3A_249, %dma_wait3A_250] : memref<128x128xf32, #tpu.memory_space<vmem>> -> memref<32x128xf32, #tpu.memory_space<vmem>>
      %dma_wait3A_252 = arith.constant 0 : i32
      %dma_wait3A_253 = tpu.memref_slice %arg10[%add3A_237, %dma_wait3A_252] : memref<40x128xi32, #tpu.memory_space<vmem>> -> memref<1x128xi32, #tpu.memory_space<vmem>>
      %dma_wait3A_254 = tpu.memref_squeeze %dma_wait3A_253 : memref<1x128xi32, #tpu.memory_space<vmem>> -> memref<128xi32, #tpu.memory_space<vmem>>
      %dma_wait3A_255 = arith.constant 32 : i32
      %dma_wait3A_256 = tpu.memref_slice %dma_wait3A_254[%dma_wait3A_255] : memref<128xi32, #tpu.memory_space<vmem>> -> memref<32xi32, #tpu.memory_space<vmem>>
      %dma_wait3A_257 = arith.constant 0 : i32
      %dma_wait3A_258 = arith.constant 0 : i32
      %dma_wait3A_259 = tpu.memref_slice %arg2[%dma_wait3A_257, %dma_wait3A_258] : memref<10000x128xf32, #tpu.memory_space<hbm>> -> memref<10000x128xf32, #tpu.memory_space<hbm>>
      tpu.wait_indirect_dma semaphore(%arg14 : memref<!tpu.dma_semaphore, #tpu.memory_space<semaphore_mem>>) src(%dma_wait3A_259 : memref<10000x128xf32, #tpu.memory_space<hbm>>) dst(%dma_wait3A_251 : memref<32x128xf32, #tpu.memory_space<vmem>>)
      %dma_wait3A_260 = arith.constant 64 : i32
      %dma_wait3A_261 = arith.constant 0 : i32
      %dma_wait3A_262 = tpu.memref_slice %arg12[%dma_wait3A_260, %dma_wait3A_261] : memref<128x128xf32, #tpu.memory_space<vmem>> -> memref<32x128xf32, #tpu.memory_space<vmem>>
      %dma_wait3A_263 = arith.constant 0 : i32
      %dma_wait3A_264 = tpu.memref_slice %arg10[%add3A_237, %dma_wait3A_263] : memref<40x128xi32, #tpu.memory_space<vmem>> -> memref<1x128xi32, #tpu.memory_space<vmem>>
      %dma_wait3A_265 = tpu.memref_squeeze %dma_wait3A_264 : memref<1x128xi32, #tpu.memory_space<vmem>> -> memref<128xi32, #tpu.memory_space<vmem>>
      %dma_wait3A_266 = arith.constant 64 : i32
      %dma_wait3A_267 = tpu.memref_slice %dma_wait3A_265[%dma_wait3A_266] : memref<128xi32, #tpu.memory_space<vmem>> -> memref<32xi32, #tpu.memory_space<vmem>>
      %dma_wait3A_268 = arith.constant 0 : i32
      %dma_wait3A_269 = arith.constant 0 : i32
      %dma_wait3A_270 = tpu.memref_slice %arg2[%dma_wait3A_268, %dma_wait3A_269] : memref<10000x128xf32, #tpu.memory_space<hbm>> -> memref<10000x128xf32, #tpu.memory_space<hbm>>
      tpu.wait_indirect_dma semaphore(%arg14 : memref<!tpu.dma_semaphore, #tpu.memory_space<semaphore_mem>>) src(%dma_wait3A_270 : memref<10000x128xf32, #tpu.memory_space<hbm>>) dst(%dma_wait3A_262 : memref<32x128xf32, #tpu.memory_space<vmem>>)
      %dma_wait3A_271 = arith.constant 96 : i32
      %dma_wait3A_272 = arith.constant 0 : i32
      %dma_wait3A_273 = tpu.memref_slice %arg12[%dma_wait3A_271, %dma_wait3A_272] : memref<128x128xf32, #tpu.memory_space<vmem>> -> memref<32x128xf32, #tpu.memory_space<vmem>>
      %dma_wait3A_274 = arith.constant 0 : i32
      %dma_wait3A_275 = tpu.memref_slice %arg10[%add3A_237, %dma_wait3A_274] : memref<40x128xi32, #tpu.memory_space<vmem>> -> memref<1x128xi32, #tpu.memory_space<vmem>>
      %dma_wait3A_276 = tpu.memref_squeeze %dma_wait3A_275 : memref<1x128xi32, #tpu.memory_space<vmem>> -> memref<128xi32, #tpu.memory_space<vmem>>
      %dma_wait3A_277 = arith.constant 96 : i32
      %dma_wait3A_278 = tpu.memref_slice %dma_wait3A_276[%dma_wait3A_277] : memref<128xi32, #tpu.memory_space<vmem>> -> memref<32xi32, #tpu.memory_space<vmem>>
      %dma_wait3A_279 = arith.constant 0 : i32
      %dma_wait3A_280 = arith.constant 0 : i32
      %dma_wait3A_281 = tpu.memref_slice %arg2[%dma_wait3A_279, %dma_wait3A_280] : memref<10000x128xf32, #tpu.memory_space<hbm>> -> memref<10000x128xf32, #tpu.memory_space<hbm>>
      tpu.wait_indirect_dma semaphore(%arg14 : memref<!tpu.dma_semaphore, #tpu.memory_space<semaphore_mem>>) src(%dma_wait3A_281 : memref<10000x128xf32, #tpu.memory_space<hbm>>) dst(%dma_wait3A_273 : memref<32x128xf32, #tpu.memory_space<vmem>>)
      %dma_start3A_282 = arith.constant 0 : i32
      %dma_start3A_283 = tpu.memref_slice %arg11[%add3A_237, %dma_start3A_282] : memref<40x128xi32, #tpu.memory_space<vmem>> -> memref<1x128xi32, #tpu.memory_space<vmem>>
      %dma_start3A_284 = tpu.memref_squeeze %dma_start3A_283 : memref<1x128xi32, #tpu.memory_space<vmem>> -> memref<128xi32, #tpu.memory_space<vmem>>
      %dma_start3A_285 = arith.constant 0 : i32
      %dma_start3A_286 = arith.constant 0 : i32
      %dma_start3A_287 = tpu.memref_slice %arg9[%dma_start3A_285, %dma_start3A_286] : memref<10240x128xf32, #tpu.memory_space<vmem_shared>> -> memref<10240x128xf32, #tpu.memory_space<vmem_shared>>
      tpu.enqueue_indirect_dma source(%arg12 : memref<128x128xf32, #tpu.memory_space<vmem>>) target(%dma_start3A_287 : memref<10240x128xf32, #tpu.memory_space<vmem_shared>>) offsets(%dma_start3A_284 : memref<128xi32, #tpu.memory_space<vmem>>) semaphore(%arg16 : memref<!tpu.dma_semaphore, #tpu.memory_space<semaphore_mem>>) {add = true}
      %add3A_288 = arith.constant 2 : i32
      %add3A_289 = arith.addi %add3A_237, %add3A_288 : i32
      %lt3A = arith.constant 40 : i32
      %lt3A_290 = arith.cmpi slt, %add3A_289, %lt3A : i32
      %convert_element_type3A = arith.extui %lt3A_290 : i1 to i32
      %cond3A = arith.constant 0 : i32
      %cond3A_291 = arith.cmpi ne, %convert_element_type3A, %cond3A : i32
      scf.if %cond3A_291 {
        %dma_wait3A_353 = arith.constant 0 : i32
        %dma_wait3A_354 = tpu.memref_slice %arg11[%add3A_237, %dma_wait3A_353] : memref<40x128xi32, #tpu.memory_space<vmem>> -> memref<1x128xi32, #tpu.memory_space<vmem>>
        %dma_wait3A_355 = tpu.memref_squeeze %dma_wait3A_354 : memref<1x128xi32, #tpu.memory_space<vmem>> -> memref<128xi32, #tpu.memory_space<vmem>>
        %dma_wait3A_356 = arith.constant 0 : i32
        %dma_wait3A_357 = arith.constant 0 : i32
        %dma_wait3A_358 = tpu.memref_slice %arg9[%dma_wait3A_356, %dma_wait3A_357] : memref<10240x128xf32, #tpu.memory_space<vmem_shared>> -> memref<10240x128xf32, #tpu.memory_space<vmem_shared>>
        tpu.wait_indirect_dma semaphore(%arg16 : memref<!tpu.dma_semaphore, #tpu.memory_space<semaphore_mem>>) src(%arg12 : memref<128x128xf32, #tpu.memory_space<vmem>>) dst(%dma_wait3A_358 : memref<10240x128xf32, #tpu.memory_space<vmem_shared>>)
        %add3A_359 = arith.constant 2 : i32
        %add3A_360 = arith.addi %add3A_237, %add3A_359 : i32
        %dma_start3A_361 = arith.constant 0 : i32
        %dma_start3A_362 = arith.constant 0 : i32
        %dma_start3A_363 = tpu.memref_slice %arg12[%dma_start3A_361, %dma_start3A_362] : memref<128x128xf32, #tpu.memory_space<vmem>> -> memref<32x128xf32, #tpu.memory_space<vmem>>
        %dma_start3A_364 = arith.constant 0 : i32
        %dma_start3A_365 = tpu.memref_slice %arg10[%add3A_360, %dma_start3A_364] : memref<40x128xi32, #tpu.memory_space<vmem>> -> memref<1x128xi32, #tpu.memory_space<vmem>>
        %dma_start3A_366 = tpu.memref_squeeze %dma_start3A_365 : memref<1x128xi32, #tpu.memory_space<vmem>> -> memref<128xi32, #tpu.memory_space<vmem>>
        %dma_start3A_367 = arith.constant 0 : i32
        %dma_start3A_368 = tpu.memref_slice %dma_start3A_366[%dma_start3A_367] : memref<128xi32, #tpu.memory_space<vmem>> -> memref<32xi32, #tpu.memory_space<vmem>>
        %dma_start3A_369 = arith.constant 0 : i32
        %dma_start3A_370 = arith.constant 0 : i32
        %dma_start3A_371 = tpu.memref_slice %arg2[%dma_start3A_369, %dma_start3A_370] : memref<10000x128xf32, #tpu.memory_space<hbm>> -> memref<10000x128xf32, #tpu.memory_space<hbm>>
        tpu.enqueue_indirect_dma source(%dma_start3A_371 : memref<10000x128xf32, #tpu.memory_space<hbm>>) target(%dma_start3A_363 : memref<32x128xf32, #tpu.memory_space<vmem>>) offsets(%dma_start3A_368 : memref<32xi32, #tpu.memory_space<vmem>>) semaphore(%arg14 : memref<!tpu.dma_semaphore, #tpu.memory_space<semaphore_mem>>)
        %dma_start3A_372 = arith.constant 32 : i32
        %dma_start3A_373 = arith.constant 0 : i32
        %dma_start3A_374 = tpu.memref_slice %arg12[%dma_start3A_372, %dma_start3A_373] : memref<128x128xf32, #tpu.memory_space<vmem>> -> memref<32x128xf32, #tpu.memory_space<vmem>>
        %dma_start3A_375 = arith.constant 0 : i32
        %dma_start3A_376 = tpu.memref_slice %arg10[%add3A_360, %dma_start3A_375] : memref<40x128xi32, #tpu.memory_space<vmem>> -> memref<1x128xi32, #tpu.memory_space<vmem>>
        %dma_start3A_377 = tpu.memref_squeeze %dma_start3A_376 : memref<1x128xi32, #tpu.memory_space<vmem>> -> memref<128xi32, #tpu.memory_space<vmem>>
        %dma_start3A_378 = arith.constant 32 : i32
        %dma_start3A_379 = tpu.memref_slice %dma_start3A_377[%dma_start3A_378] : memref<128xi32, #tpu.memory_space<vmem>> -> memref<32xi32, #tpu.memory_space<vmem>>
        %dma_start3A_380 = arith.constant 0 : i32
        %dma_start3A_381 = arith.constant 0 : i32
        %dma_start3A_382 = tpu.memref_slice %arg2[%dma_start3A_380, %dma_start3A_381] : memref<10000x128xf32, #tpu.memory_space<hbm>> -> memref<10000x128xf32, #tpu.memory_space<hbm>>
        tpu.enqueue_indirect_dma source(%dma_start3A_382 : memref<10000x128xf32, #tpu.memory_space<hbm>>) target(%dma_start3A_374 : memref<32x128xf32, #tpu.memory_space<vmem>>) offsets(%dma_start3A_379 : memref<32xi32, #tpu.memory_space<vmem>>) semaphore(%arg14 : memref<!tpu.dma_semaphore, #tpu.memory_space<semaphore_mem>>)
        %dma_start3A_383 = arith.constant 64 : i32
        %dma_start3A_384 = arith.constant 0 : i32
        %dma_start3A_385 = tpu.memref_slice %arg12[%dma_start3A_383, %dma_start3A_384] : memref<128x128xf32, #tpu.memory_space<vmem>> -> memref<32x128xf32, #tpu.memory_space<vmem>>
        %dma_start3A_386 = arith.constant 0 : i32
        %dma_start3A_387 = tpu.memref_slice %arg10[%add3A_360, %dma_start3A_386] : memref<40x128xi32, #tpu.memory_space<vmem>> -> memref<1x128xi32, #tpu.memory_space<vmem>>
        %dma_start3A_388 = tpu.memref_squeeze %dma_start3A_387 : memref<1x128xi32, #tpu.memory_space<vmem>> -> memref<128xi32, #tpu.memory_space<vmem>>
        %dma_start3A_389 = arith.constant 64 : i32
        %dma_start3A_390 = tpu.memref_slice %dma_start3A_388[%dma_start3A_389] : memref<128xi32, #tpu.memory_space<vmem>> -> memref<32xi32, #tpu.memory_space<vmem>>
        %dma_start3A_391 = arith.constant 0 : i32
        %dma_start3A_392 = arith.constant 0 : i32
        %dma_start3A_393 = tpu.memref_slice %arg2[%dma_start3A_391, %dma_start3A_392] : memref<10000x128xf32, #tpu.memory_space<hbm>> -> memref<10000x128xf32, #tpu.memory_space<hbm>>
        tpu.enqueue_indirect_dma source(%dma_start3A_393 : memref<10000x128xf32, #tpu.memory_space<hbm>>) target(%dma_start3A_385 : memref<32x128xf32, #tpu.memory_space<vmem>>) offsets(%dma_start3A_390 : memref<32xi32, #tpu.memory_space<vmem>>) semaphore(%arg14 : memref<!tpu.dma_semaphore, #tpu.memory_space<semaphore_mem>>)
        %dma_start3A_394 = arith.constant 96 : i32
        %dma_start3A_395 = arith.constant 0 : i32
        %dma_start3A_396 = tpu.memref_slice %arg12[%dma_start3A_394, %dma_start3A_395] : memref<128x128xf32, #tpu.memory_space<vmem>> -> memref<32x128xf32, #tpu.memory_space<vmem>>
        %dma_start3A_397 = arith.constant 0 : i32
        %dma_start3A_398 = tpu.memref_slice %arg10[%add3A_360, %dma_start3A_397] : memref<40x128xi32, #tpu.memory_space<vmem>> -> memref<1x128xi32, #tpu.memory_space<vmem>>
        %dma_start3A_399 = tpu.memref_squeeze %dma_start3A_398 : memref<1x128xi32, #tpu.memory_space<vmem>> -> memref<128xi32, #tpu.memory_space<vmem>>
        %dma_start3A_400 = arith.constant 96 : i32
        %dma_start3A_401 = tpu.memref_slice %dma_start3A_399[%dma_start3A_400] : memref<128xi32, #tpu.memory_space<vmem>> -> memref<32xi32, #tpu.memory_space<vmem>>
        %dma_start3A_402 = arith.constant 0 : i32
        %dma_start3A_403 = arith.constant 0 : i32
        %dma_start3A_404 = tpu.memref_slice %arg2[%dma_start3A_402, %dma_start3A_403] : memref<10000x128xf32, #tpu.memory_space<hbm>> -> memref<10000x128xf32, #tpu.memory_space<hbm>>
        tpu.enqueue_indirect_dma source(%dma_start3A_404 : memref<10000x128xf32, #tpu.memory_space<hbm>>) target(%dma_start3A_396 : memref<32x128xf32, #tpu.memory_space<vmem>>) offsets(%dma_start3A_401 : memref<32xi32, #tpu.memory_space<vmem>>) semaphore(%arg14 : memref<!tpu.dma_semaphore, #tpu.memory_space<semaphore_mem>>)
      } else {
      }
      %mul3A_292 = arith.constant 2 : i32
      %mul3A_293 = arith.muli %scan3A_233, %mul3A_292 : i32
      %add3A_294 = arith.constant 1 : i32
      %add3A_295 = arith.addi %mul3A_293, %add3A_294 : i32
      %dma_wait3A_296 = arith.constant 0 : i32
      %dma_wait3A_297 = arith.constant 0 : i32
      %dma_wait3A_298 = tpu.memref_slice %arg13[%dma_wait3A_296, %dma_wait3A_297] : memref<128x128xf32, #tpu.memory_space<vmem>> -> memref<32x128xf32, #tpu.memory_space<vmem>>
      %dma_wait3A_299 = arith.constant 0 : i32
      %dma_wait3A_300 = tpu.memref_slice %arg10[%add3A_295, %dma_wait3A_299] : memref<40x128xi32, #tpu.memory_space<vmem>> -> memref<1x128xi32, #tpu.memory_space<vmem>>
      %dma_wait3A_301 = tpu.memref_squeeze %dma_wait3A_300 : memref<1x128xi32, #tpu.memory_space<vmem>> -> memref<128xi32, #tpu.memory_space<vmem>>
      %dma_wait3A_302 = arith.constant 0 : i32
      %dma_wait3A_303 = tpu.memref_slice %dma_wait3A_301[%dma_wait3A_302] : memref<128xi32, #tpu.memory_space<vmem>> -> memref<32xi32, #tpu.memory_space<vmem>>
      %dma_wait3A_304 = arith.constant 0 : i32
      %dma_wait3A_305 = arith.constant 0 : i32
      %dma_wait3A_306 = tpu.memref_slice %arg2[%dma_wait3A_304, %dma_wait3A_305] : memref<10000x128xf32, #tpu.memory_space<hbm>> -> memref<10000x128xf32, #tpu.memory_space<hbm>>
      tpu.wait_indirect_dma semaphore(%arg15 : memref<!tpu.dma_semaphore, #tpu.memory_space<semaphore_mem>>) src(%dma_wait3A_306 : memref<10000x128xf32, #tpu.memory_space<hbm>>) dst(%dma_wait3A_298 : memref<32x128xf32, #tpu.memory_space<vmem>>)
      %dma_wait3A_307 = arith.constant 32 : i32
      %dma_wait3A_308 = arith.constant 0 : i32
      %dma_wait3A_309 = tpu.memref_slice %arg13[%dma_wait3A_307, %dma_wait3A_308] : memref<128x128xf32, #tpu.memory_space<vmem>> -> memref<32x128xf32, #tpu.memory_space<vmem>>
      %dma_wait3A_310 = arith.constant 0 : i32
      %dma_wait3A_311 = tpu.memref_slice %arg10[%add3A_295, %dma_wait3A_310] : memref<40x128xi32, #tpu.memory_space<vmem>> -> memref<1x128xi32, #tpu.memory_space<vmem>>
      %dma_wait3A_312 = tpu.memref_squeeze %dma_wait3A_311 : memref<1x128xi32, #tpu.memory_space<vmem>> -> memref<128xi32, #tpu.memory_space<vmem>>
      %dma_wait3A_313 = arith.constant 32 : i32
      %dma_wait3A_314 = tpu.memref_slice %dma_wait3A_312[%dma_wait3A_313] : memref<128xi32, #tpu.memory_space<vmem>> -> memref<32xi32, #tpu.memory_space<vmem>>
      %dma_wait3A_315 = arith.constant 0 : i32
      %dma_wait3A_316 = arith.constant 0 : i32
      %dma_wait3A_317 = tpu.memref_slice %arg2[%dma_wait3A_315, %dma_wait3A_316] : memref<10000x128xf32, #tpu.memory_space<hbm>> -> memref<10000x128xf32, #tpu.memory_space<hbm>>
      tpu.wait_indirect_dma semaphore(%arg15 : memref<!tpu.dma_semaphore, #tpu.memory_space<semaphore_mem>>) src(%dma_wait3A_317 : memref<10000x128xf32, #tpu.memory_space<hbm>>) dst(%dma_wait3A_309 : memref<32x128xf32, #tpu.memory_space<vmem>>)
      %dma_wait3A_318 = arith.constant 64 : i32
      %dma_wait3A_319 = arith.constant 0 : i32
      %dma_wait3A_320 = tpu.memref_slice %arg13[%dma_wait3A_318, %dma_wait3A_319] : memref<128x128xf32, #tpu.memory_space<vmem>> -> memref<32x128xf32, #tpu.memory_space<vmem>>
      %dma_wait3A_321 = arith.constant 0 : i32
      %dma_wait3A_322 = tpu.memref_slice %arg10[%add3A_295, %dma_wait3A_321] : memref<40x128xi32, #tpu.memory_space<vmem>> -> memref<1x128xi32, #tpu.memory_space<vmem>>
      %dma_wait3A_323 = tpu.memref_squeeze %dma_wait3A_322 : memref<1x128xi32, #tpu.memory_space<vmem>> -> memref<128xi32, #tpu.memory_space<vmem>>
      %dma_wait3A_324 = arith.constant 64 : i32
      %dma_wait3A_325 = tpu.memref_slice %dma_wait3A_323[%dma_wait3A_324] : memref<128xi32, #tpu.memory_space<vmem>> -> memref<32xi32, #tpu.memory_space<vmem>>
      %dma_wait3A_326 = arith.constant 0 : i32
      %dma_wait3A_327 = arith.constant 0 : i32
      %dma_wait3A_328 = tpu.memref_slice %arg2[%dma_wait3A_326, %dma_wait3A_327] : memref<10000x128xf32, #tpu.memory_space<hbm>> -> memref<10000x128xf32, #tpu.memory_space<hbm>>
      tpu.wait_indirect_dma semaphore(%arg15 : memref<!tpu.dma_semaphore, #tpu.memory_space<semaphore_mem>>) src(%dma_wait3A_328 : memref<10000x128xf32, #tpu.memory_space<hbm>>) dst(%dma_wait3A_320 : memref<32x128xf32, #tpu.memory_space<vmem>>)
      %dma_wait3A_329 = arith.constant 96 : i32
      %dma_wait3A_330 = arith.constant 0 : i32
      %dma_wait3A_331 = tpu.memref_slice %arg13[%dma_wait3A_329, %dma_wait3A_330] : memref<128x128xf32, #tpu.memory_space<vmem>> -> memref<32x128xf32, #tpu.memory_space<vmem>>
      %dma_wait3A_332 = arith.constant 0 : i32
      %dma_wait3A_333 = tpu.memref_slice %arg10[%add3A_295, %dma_wait3A_332] : memref<40x128xi32, #tpu.memory_space<vmem>> -> memref<1x128xi32, #tpu.memory_space<vmem>>
      %dma_wait3A_334 = tpu.memref_squeeze %dma_wait3A_333 : memref<1x128xi32, #tpu.memory_space<vmem>> -> memref<128xi32, #tpu.memory_space<vmem>>
      %dma_wait3A_335 = arith.constant 96 : i32
      %dma_wait3A_336 = tpu.memref_slice %dma_wait3A_334[%dma_wait3A_335] : memref<128xi32, #tpu.memory_space<vmem>> -> memref<32xi32, #tpu.memory_space<vmem>>
      %dma_wait3A_337 = arith.constant 0 : i32
      %dma_wait3A_338 = arith.constant 0 : i32
      %dma_wait3A_339 = tpu.memref_slice %arg2[%dma_wait3A_337, %dma_wait3A_338] : memref<10000x128xf32, #tpu.memory_space<hbm>> -> memref<10000x128xf32, #tpu.memory_space<hbm>>
      tpu.wait_indirect_dma semaphore(%arg15 : memref<!tpu.dma_semaphore, #tpu.memory_space<semaphore_mem>>) src(%dma_wait3A_339 : memref<10000x128xf32, #tpu.memory_space<hbm>>) dst(%dma_wait3A_331 : memref<32x128xf32, #tpu.memory_space<vmem>>)
      %dma_start3A_340 = arith.constant 0 : i32
      %dma_start3A_341 = tpu.memref_slice %arg11[%add3A_295, %dma_start3A_340] : memref<40x128xi32, #tpu.memory_space<vmem>> -> memref<1x128xi32, #tpu.memory_space<vmem>>
      %dma_start3A_342 = tpu.memref_squeeze %dma_start3A_341 : memref<1x128xi32, #tpu.memory_space<vmem>> -> memref<128xi32, #tpu.memory_space<vmem>>
      %dma_start3A_343 = arith.constant 0 : i32
      %dma_start3A_344 = arith.constant 0 : i32
      %dma_start3A_345 = tpu.memref_slice %arg9[%dma_start3A_343, %dma_start3A_344] : memref<10240x128xf32, #tpu.memory_space<vmem_shared>> -> memref<10240x128xf32, #tpu.memory_space<vmem_shared>>
      tpu.enqueue_indirect_dma source(%arg13 : memref<128x128xf32, #tpu.memory_space<vmem>>) target(%dma_start3A_345 : memref<10240x128xf32, #tpu.memory_space<vmem_shared>>) offsets(%dma_start3A_342 : memref<128xi32, #tpu.memory_space<vmem>>) semaphore(%arg17 : memref<!tpu.dma_semaphore, #tpu.memory_space<semaphore_mem>>) {add = true}
      %add3A_346 = arith.constant 2 : i32
      %add3A_347 = arith.addi %add3A_295, %add3A_346 : i32
      %lt3A_348 = arith.constant 40 : i32
      %lt3A_349 = arith.cmpi slt, %add3A_347, %lt3A_348 : i32
      %convert_element_type3A_350 = arith.extui %lt3A_349 : i1 to i32
      %cond3A_351 = arith.constant 0 : i32
      %cond3A_352 = arith.cmpi ne, %convert_element_type3A_350, %cond3A_351 : i32
      scf.if %cond3A_352 {
        %dma_wait3A_353 = arith.constant 0 : i32
        %dma_wait3A_354 = tpu.memref_slice %arg11[%add3A_295, %dma_wait3A_353] : memref<40x128xi32, #tpu.memory_space<vmem>> -> memref<1x128xi32, #tpu.memory_space<vmem>>
        %dma_wait3A_355 = tpu.memref_squeeze %dma_wait3A_354 : memref<1x128xi32, #tpu.memory_space<vmem>> -> memref<128xi32, #tpu.memory_space<vmem>>
        %dma_wait3A_356 = arith.constant 0 : i32
        %dma_wait3A_357 = arith.constant 0 : i32
        %dma_wait3A_358 = tpu.memref_slice %arg9[%dma_wait3A_356, %dma_wait3A_357] : memref<10240x128xf32, #tpu.memory_space<vmem_shared>> -> memref<10240x128xf32, #tpu.memory_space<vmem_shared>>
        tpu.wait_indirect_dma semaphore(%arg17 : memref<!tpu.dma_semaphore, #tpu.memory_space<semaphore_mem>>) src(%arg13 : memref<128x128xf32, #tpu.memory_space<vmem>>) dst(%dma_wait3A_358 : memref<10240x128xf32, #tpu.memory_space<vmem_shared>>)
        %add3A_359 = arith.constant 2 : i32
        %add3A_360 = arith.addi %add3A_295, %add3A_359 : i32
        %dma_start3A_361 = arith.constant 0 : i32
        %dma_start3A_362 = arith.constant 0 : i32
        %dma_start3A_363 = tpu.memref_slice %arg13[%dma_start3A_361, %dma_start3A_362] : memref<128x128xf32, #tpu.memory_space<vmem>> -> memref<32x128xf32, #tpu.memory_space<vmem>>
        %dma_start3A_364 = arith.constant 0 : i32
        %dma_start3A_365 = tpu.memref_slice %arg10[%add3A_360, %dma_start3A_364] : memref<40x128xi32, #tpu.memory_space<vmem>> -> memref<1x128xi32, #tpu.memory_space<vmem>>
        %dma_start3A_366 = tpu.memref_squeeze %dma_start3A_365 : memref<1x128xi32, #tpu.memory_space<vmem>> -> memref<128xi32, #tpu.memory_space<vmem>>
        %dma_start3A_367 = arith.constant 0 : i32
        %dma_start3A_368 = tpu.memref_slice %dma_start3A_366[%dma_start3A_367] : memref<128xi32, #tpu.memory_space<vmem>> -> memref<32xi32, #tpu.memory_space<vmem>>
        %dma_start3A_369 = arith.constant 0 : i32
        %dma_start3A_370 = arith.constant 0 : i32
        %dma_start3A_371 = tpu.memref_slice %arg2[%dma_start3A_369, %dma_start3A_370] : memref<10000x128xf32, #tpu.memory_space<hbm>> -> memref<10000x128xf32, #tpu.memory_space<hbm>>
        tpu.enqueue_indirect_dma source(%dma_start3A_371 : memref<10000x128xf32, #tpu.memory_space<hbm>>) target(%dma_start3A_363 : memref<32x128xf32, #tpu.memory_space<vmem>>) offsets(%dma_start3A_368 : memref<32xi32, #tpu.memory_space<vmem>>) semaphore(%arg15 : memref<!tpu.dma_semaphore, #tpu.memory_space<semaphore_mem>>)
        %dma_start3A_372 = arith.constant 32 : i32
        %dma_start3A_373 = arith.constant 0 : i32
        %dma_start3A_374 = tpu.memref_slice %arg13[%dma_start3A_372, %dma_start3A_373] : memref<128x128xf32, #tpu.memory_space<vmem>> -> memref<32x128xf32, #tpu.memory_space<vmem>>
        %dma_start3A_375 = arith.constant 0 : i32
        %dma_start3A_376 = tpu.memref_slice %arg10[%add3A_360, %dma_start3A_375] : memref<40x128xi32, #tpu.memory_space<vmem>> -> memref<1x128xi32, #tpu.memory_space<vmem>>
        %dma_start3A_377 = tpu.memref_squeeze %dma_start3A_376 : memref<1x128xi32, #tpu.memory_space<vmem>> -> memref<128xi32, #tpu.memory_space<vmem>>
        %dma_start3A_378 = arith.constant 32 : i32
        %dma_start3A_379 = tpu.memref_slice %dma_start3A_377[%dma_start3A_378] : memref<128xi32, #tpu.memory_space<vmem>> -> memref<32xi32, #tpu.memory_space<vmem>>
        %dma_start3A_380 = arith.constant 0 : i32
        %dma_start3A_381 = arith.constant 0 : i32
        %dma_start3A_382 = tpu.memref_slice %arg2[%dma_start3A_380, %dma_start3A_381] : memref<10000x128xf32, #tpu.memory_space<hbm>> -> memref<10000x128xf32, #tpu.memory_space<hbm>>
        tpu.enqueue_indirect_dma source(%dma_start3A_382 : memref<10000x128xf32, #tpu.memory_space<hbm>>) target(%dma_start3A_374 : memref<32x128xf32, #tpu.memory_space<vmem>>) offsets(%dma_start3A_379 : memref<32xi32, #tpu.memory_space<vmem>>) semaphore(%arg15 : memref<!tpu.dma_semaphore, #tpu.memory_space<semaphore_mem>>)
        %dma_start3A_383 = arith.constant 64 : i32
        %dma_start3A_384 = arith.constant 0 : i32
        %dma_start3A_385 = tpu.memref_slice %arg13[%dma_start3A_383, %dma_start3A_384] : memref<128x128xf32, #tpu.memory_space<vmem>> -> memref<32x128xf32, #tpu.memory_space<vmem>>
        %dma_start3A_386 = arith.constant 0 : i32
        %dma_start3A_387 = tpu.memref_slice %arg10[%add3A_360, %dma_start3A_386] : memref<40x128xi32, #tpu.memory_space<vmem>> -> memref<1x128xi32, #tpu.memory_space<vmem>>
        %dma_start3A_388 = tpu.memref_squeeze %dma_start3A_387 : memref<1x128xi32, #tpu.memory_space<vmem>> -> memref<128xi32, #tpu.memory_space<vmem>>
        %dma_start3A_389 = arith.constant 64 : i32
        %dma_start3A_390 = tpu.memref_slice %dma_start3A_388[%dma_start3A_389] : memref<128xi32, #tpu.memory_space<vmem>> -> memref<32xi32, #tpu.memory_space<vmem>>
        %dma_start3A_391 = arith.constant 0 : i32
        %dma_start3A_392 = arith.constant 0 : i32
        %dma_start3A_393 = tpu.memref_slice %arg2[%dma_start3A_391, %dma_start3A_392] : memref<10000x128xf32, #tpu.memory_space<hbm>> -> memref<10000x128xf32, #tpu.memory_space<hbm>>
        tpu.enqueue_indirect_dma source(%dma_start3A_393 : memref<10000x128xf32, #tpu.memory_space<hbm>>) target(%dma_start3A_385 : memref<32x128xf32, #tpu.memory_space<vmem>>) offsets(%dma_start3A_390 : memref<32xi32, #tpu.memory_space<vmem>>) semaphore(%arg15 : memref<!tpu.dma_semaphore, #tpu.memory_space<semaphore_mem>>)
        %dma_start3A_394 = arith.constant 96 : i32
        %dma_start3A_395 = arith.constant 0 : i32
        %dma_start3A_396 = tpu.memref_slice %arg13[%dma_start3A_394, %dma_start3A_395] : memref<128x128xf32, #tpu.memory_space<vmem>> -> memref<32x128xf32, #tpu.memory_space<vmem>>
        %dma_start3A_397 = arith.constant 0 : i32
        %dma_start3A_398 = tpu.memref_slice %arg10[%add3A_360, %dma_start3A_397] : memref<40x128xi32, #tpu.memory_space<vmem>> -> memref<1x128xi32, #tpu.memory_space<vmem>>
        %dma_start3A_399 = tpu.memref_squeeze %dma_start3A_398 : memref<1x128xi32, #tpu.memory_space<vmem>> -> memref<128xi32, #tpu.memory_space<vmem>>
        %dma_start3A_400 = arith.constant 96 : i32
        %dma_start3A_401 = tpu.memref_slice %dma_start3A_399[%dma_start3A_400] : memref<128xi32, #tpu.memory_space<vmem>> -> memref<32xi32, #tpu.memory_space<vmem>>
        %dma_start3A_402 = arith.constant 0 : i32
        %dma_start3A_403 = arith.constant 0 : i32
        %dma_start3A_404 = tpu.memref_slice %arg2[%dma_start3A_402, %dma_start3A_403] : memref<10000x128xf32, #tpu.memory_space<hbm>> -> memref<10000x128xf32, #tpu.memory_space<hbm>>
        tpu.enqueue_indirect_dma source(%dma_start3A_404 : memref<10000x128xf32, #tpu.memory_space<hbm>>) target(%dma_start3A_396 : memref<32x128xf32, #tpu.memory_space<vmem>>) offsets(%dma_start3A_401 : memref<32xi32, #tpu.memory_space<vmem>>) semaphore(%arg15 : memref<!tpu.dma_semaphore, #tpu.memory_space<semaphore_mem>>)
      } else {
      }
    }
    %scan3A_217 = arith.constant 20 : i32
    %dma_wait3A_218 = arith.constant 38 : i32
    %dma_wait3A_219 = arith.constant 0 : i32
    %dma_wait3A_220 = tpu.memref_slice %arg11[%dma_wait3A_218, %dma_wait3A_219] : memref<40x128xi32, #tpu.memory_space<vmem>> -> memref<1x128xi32, #tpu.memory_space<vmem>>
    %dma_wait3A_221 = tpu.memref_squeeze %dma_wait3A_220 : memref<1x128xi32, #tpu.memory_space<vmem>> -> memref<128xi32, #tpu.memory_space<vmem>>
    %dma_wait3A_222 = arith.constant 0 : i32
    %dma_wait3A_223 = arith.constant 0 : i32
    %dma_wait3A_224 = tpu.memref_slice %arg9[%dma_wait3A_222, %dma_wait3A_223] : memref<10240x128xf32, #tpu.memory_space<vmem_shared>> -> memref<10240x128xf32, #tpu.memory_space<vmem_shared>>
    tpu.wait_indirect_dma semaphore(%arg16 : memref<!tpu.dma_semaphore, #tpu.memory_space<semaphore_mem>>) src(%arg12 : memref<128x128xf32, #tpu.memory_space<vmem>>) dst(%dma_wait3A_224 : memref<10240x128xf32, #tpu.memory_space<vmem_shared>>)
    %dma_wait3A_225 = arith.constant 39 : i32
    %dma_wait3A_226 = arith.constant 0 : i32
    %dma_wait3A_227 = tpu.memref_slice %arg11[%dma_wait3A_225, %dma_wait3A_226] : memref<40x128xi32, #tpu.memory_space<vmem>> -> memref<1x128xi32, #tpu.memory_space<vmem>>
    %dma_wait3A_228 = tpu.memref_squeeze %dma_wait3A_227 : memref<1x128xi32, #tpu.memory_space<vmem>> -> memref<128xi32, #tpu.memory_space<vmem>>
    %dma_wait3A_229 = arith.constant 0 : i32
    %dma_wait3A_230 = arith.constant 0 : i32
    %dma_wait3A_231 = tpu.memref_slice %arg9[%dma_wait3A_229, %dma_wait3A_230] : memref<10240x128xf32, #tpu.memory_space<vmem_shared>> -> memref<10240x128xf32, #tpu.memory_space<vmem_shared>>
    tpu.wait_indirect_dma semaphore(%arg17 : memref<!tpu.dma_semaphore, #tpu.memory_space<semaphore_mem>>) src(%arg13 : memref<128x128xf32, #tpu.memory_space<vmem>>) dst(%dma_wait3A_231 : memref<10240x128xf32, #tpu.memory_space<vmem_shared>>)
    %barrier3A_232 = arith.constant 0 : index
    tpu.barrier barrier_id(%barrier3A_232)
    "tpu.region"() ({
      %run_scoped3A = tpu.sem_alloc : memref<!tpu.dma_semaphore, #tpu.memory_space<semaphore_mem>>
      %dma_start3A_233 = arith.constant 0 : i32
      %dma_start3A_234 = arith.constant 0 : i32
      %dma_start3A_235 = tpu.memref_slice %arg8[%arg0, %dma_start3A_233, %dma_start3A_234] : memref<2x10240x128xf32, #tpu.memory_space<hbm>> -> memref<1x10240x128xf32, #tpu.memory_space<hbm>>
      %dma_start3A_236 = tpu.memref_squeeze %dma_start3A_235 : memref<1x10240x128xf32, #tpu.memory_space<hbm>> -> memref<10240x128xf32, #tpu.memory_space<hbm>>
      %dma_start3A_237 = arith.constant 0 : i32
      %dma_start3A_238 = tpu.memref_slice %dma_start3A_236[%mul3A_2, %dma_start3A_237] : memref<10240x128xf32, #tpu.memory_space<hbm>> -> memref<640x128xf32, #tpu.memory_space<hbm>>
      %dma_start3A_239 = arith.constant 0 : i32
      %dma_start3A_240 = tpu.memref_slice %arg9[%mul3A_2, %dma_start3A_239] : memref<10240x128xf32, #tpu.memory_space<vmem_shared>> -> memref<640x128xf32, #tpu.memory_space<vmem_shared>>
      tpu.enqueue_dma source(%dma_start3A_240 : memref<640x128xf32, #tpu.memory_space<vmem_shared>>) target(%dma_start3A_238 : memref<640x128xf32, #tpu.memory_space<hbm>>) target_semaphore(%run_scoped3A : memref<!tpu.dma_semaphore, #tpu.memory_space<semaphore_mem>>)
      %dma_wait3A_241 = arith.constant 0 : i32
      %dma_wait3A_242 = arith.constant 0 : i32
      %dma_wait3A_243 = tpu.memref_slice %arg8[%arg0, %dma_wait3A_241, %dma_wait3A_242] : memref<2x10240x128xf32, #tpu.memory_space<hbm>> -> memref<1x10240x128xf32, #tpu.memory_space<hbm>>
      %dma_wait3A_244 = tpu.memref_squeeze %dma_wait3A_243 : memref<1x10240x128xf32, #tpu.memory_space<hbm>> -> memref<10240x128xf32, #tpu.memory_space<hbm>>
      %dma_wait3A_245 = arith.constant 0 : i32
      %dma_wait3A_246 = tpu.memref_slice %dma_wait3A_244[%mul3A_2, %dma_wait3A_245] : memref<10240x128xf32, #tpu.memory_space<hbm>> -> memref<640x128xf32, #tpu.memory_space<hbm>>
      %dma_wait3A_247 = arith.constant 0 : i32
      %dma_wait3A_248 = tpu.memref_slice %arg9[%mul3A_2, %dma_wait3A_247] : memref<10240x128xf32, #tpu.memory_space<vmem_shared>> -> memref<640x128xf32, #tpu.memory_space<vmem_shared>>
      tpu.wait_dma2 semaphore(%run_scoped3A : memref<!tpu.dma_semaphore, #tpu.memory_space<semaphore_mem>>) src(%dma_wait3A_248 : memref<640x128xf32, #tpu.memory_space<vmem_shared>>) dst(%dma_wait3A_246 : memref<640x128xf32, #tpu.memory_space<hbm>>)
      tpu.yield
    }) : () -> ()
    return
  }
}

module attributes {stable_mosaic.version = 14 : i64} {
  func.func @body(%arg0: i32, %arg1: memref<2000x128xf32, #tpu.memory_space<vmem>>, %arg2: memref<2x2000x128xf32, #tpu.memory_space<vmem>>, %arg3: memref<2x2000x1xf32, #tpu.memory_space<vmem>>, %arg4: memref<128x128xf32, #tpu.memory_space<vmem>>, %arg5: memref<128x128xf32, #tpu.memory_space<vmem>>, %arg6: memref<1x128xf32, #tpu.memory_space<vmem>>, %arg7: memref<2000x128xf32, #tpu.memory_space<vmem>>) attributes {dimension_semantics = [#tpu.dimension_semantics<arbitrary>], iteration_bounds = array<i64: 5>, scalar_prefetch = 0 : i64, scratch_operands = 0 : i64, tpu.core_type = #tpu.core_type<tc>, window_params = [{transform_indices = @transform_0, window_bounds = array<i64: 2000, 128>}, {transform_indices = @transform_1, window_bounds = array<i64: 2, 2000, 128>}, {transform_indices = @transform_2, window_bounds = array<i64: 2, 2000, 1>}, {pipeline_mode = #tpu.pipeline_mode<synchronous>, transform_indices = @transform_3, window_bounds = array<i64: 128, 128>}, {pipeline_mode = #tpu.pipeline_mode<synchronous>, transform_indices = @transform_4, window_bounds = array<i64: 128, 128>}, {pipeline_mode = #tpu.pipeline_mode<synchronous>, transform_indices = @transform_5, window_bounds = array<i64: 1, 128>}, {transform_indices = @transform_6, window_bounds = array<i64: 2000, 128>}]} {
    %get3A = arith.constant 0 : index
    %get3A_0 = arith.constant 0 : index
    %get3A_1 = arith.constant 0 : index
    %get3A_2 = vector.load %arg3[%get3A, %get3A_0, %get3A_1] : memref<2x2000x1xf32, #tpu.memory_space<vmem>>, vector<1x2000x1xf32>
    %get3A_3 = vector.shape_cast %get3A_2 : vector<1x2000x1xf32> to vector<2000x1xf32>
    %get3A_4 = arith.constant 1 : index
    %get3A_5 = arith.constant 0 : index
    %get3A_6 = arith.constant 0 : index
    %get3A_7 = vector.load %arg3[%get3A_4, %get3A_5, %get3A_6] : memref<2x2000x1xf32, #tpu.memory_space<vmem>>, vector<1x2000x1xf32>
    %get3A_8 = vector.shape_cast %get3A_7 : vector<1x2000x1xf32> to vector<2000x1xf32>
    %add3A = arith.addf %get3A_3, %get3A_8 : vector<2000x1xf32>
    %max3A = arith.constant 1.000000e+00 : f32
    %max3A_9 = vector.broadcast %max3A : f32 to vector<2000x1xf32>
    %max3A_10 = arith.maximumf %add3A, %max3A_9 : vector<2000x1xf32>
    %div3A = arith.constant 1.000000e+00 : f32
    %div3A_11 = vector.broadcast %div3A : f32 to vector<2000x1xf32>
    %div3A_12 = arith.divf %div3A_11, %max3A_10 : vector<2000x1xf32>
    %get3A_13 = arith.constant 0 : index
    %get3A_14 = arith.constant 0 : index
    %get3A_15 = arith.constant 0 : index
    %get3A_16 = vector.load %arg2[%get3A_13, %get3A_14, %get3A_15] : memref<2x2000x128xf32, #tpu.memory_space<vmem>>, vector<1x2000x128xf32>
    %get3A_17 = vector.shape_cast %get3A_16 : vector<1x2000x128xf32> to vector<2000x128xf32>
    %get3A_18 = arith.constant 1 : index
    %get3A_19 = arith.constant 0 : index
    %get3A_20 = arith.constant 0 : index
    %get3A_21 = vector.load %arg2[%get3A_18, %get3A_19, %get3A_20] : memref<2x2000x128xf32, #tpu.memory_space<vmem>>, vector<1x2000x128xf32>
    %get3A_22 = vector.shape_cast %get3A_21 : vector<1x2000x128xf32> to vector<2000x128xf32>
    %add3A_23 = arith.addf %get3A_17, %get3A_22 : vector<2000x128xf32>
    %mul3A = vector.broadcast %div3A_12 : vector<2000x1xf32> to vector<2000x128xf32>
    %mul3A_24 = arith.mulf %add3A_23, %mul3A : vector<2000x128xf32>
    %get3A_25 = arith.constant 0 : index
    %get3A_26 = arith.constant 0 : index
    %get3A_27 = vector.load %arg1[%get3A_25, %get3A_26] : memref<2000x128xf32, #tpu.memory_space<vmem>>, vector<2000x128xf32>
    %get3A_28 = arith.constant 0 : index
    %get3A_29 = arith.constant 0 : index
    %get3A_30 = vector.load %arg4[%get3A_28, %get3A_29] : memref<128x128xf32, #tpu.memory_space<vmem>>, vector<128x128xf32>
    %dot_general3A = arith.constant dense<0.000000e+00> : vector<2000x128xf32>
    %dot_general3A_31 = tpu.matmul %get3A_27, %get3A_30, %dot_general3A {dimension_numbers = #tpu.dot_dimension_numbers<[1], [0], [0], [1], [0, 0, 1, 1], [], []>, transpose_lhs_hint = false} : vector<2000x128xf32>, vector<128x128xf32>, vector<2000x128xf32> -> vector<2000x128xf32>
    %get3A_32 = arith.constant 0 : index
    %get3A_33 = arith.constant 0 : index
    %get3A_34 = vector.load %arg5[%get3A_32, %get3A_33] : memref<128x128xf32, #tpu.memory_space<vmem>>, vector<128x128xf32>
    %dot_general3A_35 = arith.constant dense<0.000000e+00> : vector<2000x128xf32>
    %dot_general3A_36 = tpu.matmul %mul3A_24, %get3A_34, %dot_general3A_35 {dimension_numbers = #tpu.dot_dimension_numbers<[1], [0], [0], [1], [0, 0, 1, 1], [], []>, transpose_lhs_hint = false} : vector<2000x128xf32>, vector<128x128xf32>, vector<2000x128xf32> -> vector<2000x128xf32>
    %add3A_37 = arith.addf %dot_general3A_31, %dot_general3A_36 : vector<2000x128xf32>
    %get3A_38 = arith.constant 0 : index
    %get3A_39 = arith.constant 0 : index
    %get3A_40 = vector.load %arg6[%get3A_38, %get3A_39] : memref<1x128xf32, #tpu.memory_space<vmem>>, vector<1x128xf32>
    %add3A_41 = vector.broadcast %get3A_40 : vector<1x128xf32> to vector<2000x128xf32>
    %add3A_42 = arith.addf %add3A_37, %add3A_41 : vector<2000x128xf32>
    %max3A_43 = arith.constant 0.000000e+00 : f32
    %max3A_44 = vector.broadcast %max3A_43 : f32 to vector<2000x128xf32>
    %max3A_45 = arith.maximumf %add3A_42, %max3A_44 : vector<2000x128xf32>
    %swap3A = arith.constant 0 : index
    %swap3A_46 = arith.constant 0 : index
    %swap3A_47 = vector.load %arg7[%swap3A, %swap3A_46] : memref<2000x128xf32, #tpu.memory_space<vmem>>, vector<2000x128xf32>
    tpu.vector_store %arg7[%swap3A, %swap3A_46], %max3A_45 {strides = array<i32>} : memref<2000x128xf32, #tpu.memory_space<vmem>>, vector<2000x128xf32>,
    return
  }
  func.func @transform_0(%arg0: i32) -> (i32, i32) {
    %c0_i32 = arith.constant 0 : i32
    %c0_i32_0 = arith.constant 0 : i32
    return %arg0, %c0_i32 : i32, i32
  }
  func.func @transform_1(%arg0: i32) -> (i32, i32, i32) {
    %c0_i32 = arith.constant 0 : i32
    %c0_i32_0 = arith.constant 0 : i32
    %c0_i32_1 = arith.constant 0 : i32
    return %c0_i32, %arg0, %c0_i32_0 : i32, i32, i32
  }
  func.func @transform_2(%arg0: i32) -> (i32, i32, i32) {
    %c0_i32 = arith.constant 0 : i32
    %c0_i32_0 = arith.constant 0 : i32
    %c0_i32_1 = arith.constant 0 : i32
    return %c0_i32, %arg0, %c0_i32_0 : i32, i32, i32
  }
  func.func @transform_3(%arg0: i32) -> (i32, i32) {
    %c0_i32 = arith.constant 0 : i32
    %c0_i32_0 = arith.constant 0 : i32
    %c0_i32_1 = arith.constant 0 : i32
    return %c0_i32, %c0_i32_0 : i32, i32
  }
  func.func @transform_4(%arg0: i32) -> (i32, i32) {
    %c0_i32 = arith.constant 0 : i32
    %c0_i32_0 = arith.constant 0 : i32
    %c0_i32_1 = arith.constant 0 : i32
    return %c0_i32, %c0_i32_0 : i32, i32
  }
  func.func @transform_5(%arg0: i32) -> (i32, i32) {
    %c0_i32 = arith.constant 0 : i32
    %c0_i32_0 = arith.constant 0 : i32
    %c0_i32_1 = arith.constant 0 : i32
    return %c0_i32, %c0_i32_0 : i32, i32
  }
  func.func @transform_6(%arg0: i32) -> (i32, i32) {
    %c0_i32 = arith.constant 0 : i32
    %c0_i32_0 = arith.constant 0 : i32
    return %arg0, %c0_i32 : i32, i32
  }
}

module attributes {stable_mosaic.version = 14 : i64} {
  func.func @body(%arg0: i32, %arg1: memref<2000x128xf32, #tpu.memory_space<vmem>>, %arg2: memref<2x2000x128xf32, #tpu.memory_space<vmem>>, %arg3: memref<2x2000x1xf32, #tpu.memory_space<vmem>>, %arg4: memref<128x128xf32, #tpu.memory_space<vmem>>, %arg5: memref<128x128xf32, #tpu.memory_space<vmem>>, %arg6: memref<1x128xf32, #tpu.memory_space<vmem>>, %arg7: memref<128x64xf32, #tpu.memory_space<vmem>>, %arg8: memref<1x64xf32, #tpu.memory_space<vmem>>, %arg9: memref<2000x64xf32, #tpu.memory_space<vmem>>) attributes {dimension_semantics = [#tpu.dimension_semantics<arbitrary>], iteration_bounds = array<i64: 5>, scalar_prefetch = 0 : i64, scratch_operands = 0 : i64, tpu.core_type = #tpu.core_type<tc>, window_params = [{transform_indices = @transform_0, window_bounds = array<i64: 2000, 128>}, {transform_indices = @transform_1, window_bounds = array<i64: 2, 2000, 128>}, {transform_indices = @transform_2, window_bounds = array<i64: 2, 2000, 1>}, {pipeline_mode = #tpu.pipeline_mode<synchronous>, transform_indices = @transform_3, window_bounds = array<i64: 128, 128>}, {pipeline_mode = #tpu.pipeline_mode<synchronous>, transform_indices = @transform_4, window_bounds = array<i64: 128, 128>}, {pipeline_mode = #tpu.pipeline_mode<synchronous>, transform_indices = @transform_5, window_bounds = array<i64: 1, 128>}, {pipeline_mode = #tpu.pipeline_mode<synchronous>, transform_indices = @transform_6, window_bounds = array<i64: 128, 64>}, {pipeline_mode = #tpu.pipeline_mode<synchronous>, transform_indices = @transform_7, window_bounds = array<i64: 1, 64>}, {transform_indices = @transform_8, window_bounds = array<i64: 2000, 64>}]} {
    %get3A = arith.constant 0 : index
    %get3A_0 = arith.constant 0 : index
    %get3A_1 = arith.constant 0 : index
    %get3A_2 = vector.load %arg3[%get3A, %get3A_0, %get3A_1] : memref<2x2000x1xf32, #tpu.memory_space<vmem>>, vector<1x2000x1xf32>
    %get3A_3 = vector.shape_cast %get3A_2 : vector<1x2000x1xf32> to vector<2000x1xf32>
    %get3A_4 = arith.constant 1 : index
    %get3A_5 = arith.constant 0 : index
    %get3A_6 = arith.constant 0 : index
    %get3A_7 = vector.load %arg3[%get3A_4, %get3A_5, %get3A_6] : memref<2x2000x1xf32, #tpu.memory_space<vmem>>, vector<1x2000x1xf32>
    %get3A_8 = vector.shape_cast %get3A_7 : vector<1x2000x1xf32> to vector<2000x1xf32>
    %add3A = arith.addf %get3A_3, %get3A_8 : vector<2000x1xf32>
    %max3A = arith.constant 1.000000e+00 : f32
    %max3A_9 = vector.broadcast %max3A : f32 to vector<2000x1xf32>
    %max3A_10 = arith.maximumf %add3A, %max3A_9 : vector<2000x1xf32>
    %div3A = arith.constant 1.000000e+00 : f32
    %div3A_11 = vector.broadcast %div3A : f32 to vector<2000x1xf32>
    %div3A_12 = arith.divf %div3A_11, %max3A_10 : vector<2000x1xf32>
    %get3A_13 = arith.constant 0 : index
    %get3A_14 = arith.constant 0 : index
    %get3A_15 = arith.constant 0 : index
    %get3A_16 = vector.load %arg2[%get3A_13, %get3A_14, %get3A_15] : memref<2x2000x128xf32, #tpu.memory_space<vmem>>, vector<1x2000x128xf32>
    %get3A_17 = vector.shape_cast %get3A_16 : vector<1x2000x128xf32> to vector<2000x128xf32>
    %get3A_18 = arith.constant 1 : index
    %get3A_19 = arith.constant 0 : index
    %get3A_20 = arith.constant 0 : index
    %get3A_21 = vector.load %arg2[%get3A_18, %get3A_19, %get3A_20] : memref<2x2000x128xf32, #tpu.memory_space<vmem>>, vector<1x2000x128xf32>
    %get3A_22 = vector.shape_cast %get3A_21 : vector<1x2000x128xf32> to vector<2000x128xf32>
    %add3A_23 = arith.addf %get3A_17, %get3A_22 : vector<2000x128xf32>
    %mul3A = vector.broadcast %div3A_12 : vector<2000x1xf32> to vector<2000x128xf32>
    %mul3A_24 = arith.mulf %add3A_23, %mul3A : vector<2000x128xf32>
    %get3A_25 = arith.constant 0 : index
    %get3A_26 = arith.constant 0 : index
    %get3A_27 = vector.load %arg1[%get3A_25, %get3A_26] : memref<2000x128xf32, #tpu.memory_space<vmem>>, vector<2000x128xf32>
    %get3A_28 = arith.constant 0 : index
    %get3A_29 = arith.constant 0 : index
    %get3A_30 = vector.load %arg4[%get3A_28, %get3A_29] : memref<128x128xf32, #tpu.memory_space<vmem>>, vector<128x128xf32>
    %dot_general3A = arith.constant dense<0.000000e+00> : vector<2000x128xf32>
    %dot_general3A_31 = tpu.matmul %get3A_27, %get3A_30, %dot_general3A {dimension_numbers = #tpu.dot_dimension_numbers<[1], [0], [0], [1], [0, 0, 1, 1], [], []>, transpose_lhs_hint = false} : vector<2000x128xf32>, vector<128x128xf32>, vector<2000x128xf32> -> vector<2000x128xf32>
    %get3A_32 = arith.constant 0 : index
    %get3A_33 = arith.constant 0 : index
    %get3A_34 = vector.load %arg5[%get3A_32, %get3A_33] : memref<128x128xf32, #tpu.memory_space<vmem>>, vector<128x128xf32>
    %dot_general3A_35 = arith.constant dense<0.000000e+00> : vector<2000x128xf32>
    %dot_general3A_36 = tpu.matmul %mul3A_24, %get3A_34, %dot_general3A_35 {dimension_numbers = #tpu.dot_dimension_numbers<[1], [0], [0], [1], [0, 0, 1, 1], [], []>, transpose_lhs_hint = false} : vector<2000x128xf32>, vector<128x128xf32>, vector<2000x128xf32> -> vector<2000x128xf32>
    %add3A_37 = arith.addf %dot_general3A_31, %dot_general3A_36 : vector<2000x128xf32>
    %get3A_38 = arith.constant 0 : index
    %get3A_39 = arith.constant 0 : index
    %get3A_40 = vector.load %arg6[%get3A_38, %get3A_39] : memref<1x128xf32, #tpu.memory_space<vmem>>, vector<1x128xf32>
    %add3A_41 = vector.broadcast %get3A_40 : vector<1x128xf32> to vector<2000x128xf32>
    %add3A_42 = arith.addf %add3A_37, %add3A_41 : vector<2000x128xf32>
    %max3A_43 = arith.constant 0.000000e+00 : f32
    %max3A_44 = vector.broadcast %max3A_43 : f32 to vector<2000x128xf32>
    %max3A_45 = arith.maximumf %add3A_42, %max3A_44 : vector<2000x128xf32>
    %get3A_46 = arith.constant 0 : index
    %get3A_47 = arith.constant 0 : index
    %get3A_48 = vector.load %arg7[%get3A_46, %get3A_47] : memref<128x64xf32, #tpu.memory_space<vmem>>, vector<128x64xf32>
    %dot_general3A_49 = arith.constant dense<0.000000e+00> : vector<2000x64xf32>
    %dot_general3A_50 = tpu.matmul %max3A_45, %get3A_48, %dot_general3A_49 {dimension_numbers = #tpu.dot_dimension_numbers<[1], [0], [0], [1], [0, 0, 1, 1], [], []>, transpose_lhs_hint = false} : vector<2000x128xf32>, vector<128x64xf32>, vector<2000x64xf32> -> vector<2000x64xf32>
    %get3A_51 = arith.constant 0 : index
    %get3A_52 = arith.constant 0 : index
    %get3A_53 = vector.load %arg8[%get3A_51, %get3A_52] : memref<1x64xf32, #tpu.memory_space<vmem>>, vector<1x64xf32>
    %add3A_54 = vector.broadcast %get3A_53 : vector<1x64xf32> to vector<2000x64xf32>
    %add3A_55 = arith.addf %dot_general3A_50, %add3A_54 : vector<2000x64xf32>
    %swap3A = arith.constant 0 : index
    %swap3A_56 = arith.constant 0 : index
    %swap3A_57 = vector.load %arg9[%swap3A, %swap3A_56] : memref<2000x64xf32, #tpu.memory_space<vmem>>, vector<2000x64xf32>
    tpu.vector_store %arg9[%swap3A, %swap3A_56], %add3A_55 {strides = array<i32>} : memref<2000x64xf32, #tpu.memory_space<vmem>>, vector<2000x64xf32>,
    return
  }
  func.func @transform_0(%arg0: i32) -> (i32, i32) {
    %c0_i32 = arith.constant 0 : i32
    %c0_i32_0 = arith.constant 0 : i32
    return %arg0, %c0_i32 : i32, i32
  }
  func.func @transform_1(%arg0: i32) -> (i32, i32, i32) {
    %c0_i32 = arith.constant 0 : i32
    %c0_i32_0 = arith.constant 0 : i32
    %c0_i32_1 = arith.constant 0 : i32
    return %c0_i32, %arg0, %c0_i32_0 : i32, i32, i32
  }
  func.func @transform_2(%arg0: i32) -> (i32, i32, i32) {
    %c0_i32 = arith.constant 0 : i32
    %c0_i32_0 = arith.constant 0 : i32
    %c0_i32_1 = arith.constant 0 : i32
    return %c0_i32, %arg0, %c0_i32_0 : i32, i32, i32
  }
  func.func @transform_3(%arg0: i32) -> (i32, i32) {
    %c0_i32 = arith.constant 0 : i32
    %c0_i32_0 = arith.constant 0 : i32
    %c0_i32_1 = arith.constant 0 : i32
    return %c0_i32, %c0_i32_0 : i32, i32
  }
  func.func @transform_4(%arg0: i32) -> (i32, i32) {
    %c0_i32 = arith.constant 0 : i32
    %c0_i32_0 = arith.constant 0 : i32
    %c0_i32_1 = arith.constant 0 : i32
    return %c0_i32, %c0_i32_0 : i32, i32
  }
  func.func @transform_5(%arg0: i32) -> (i32, i32) {
    %c0_i32 = arith.constant 0 : i32
    %c0_i32_0 = arith.constant 0 : i32
    %c0_i32_1 = arith.constant 0 : i32
    return %c0_i32, %c0_i32_0 : i32, i32
  }
  func.func @transform_6(%arg0: i32) -> (i32, i32) {
    %c0_i32 = arith.constant 0 : i32
    %c0_i32_0 = arith.constant 0 : i32
    %c0_i32_1 = arith.constant 0 : i32
    return %c0_i32, %c0_i32_0 : i32, i32
  }
  func.func @transform_7(%arg0: i32) -> (i32, i32) {
    %c0_i32 = arith.constant 0 : i32
    %c0_i32_0 = arith.constant 0 : i32
    %c0_i32_1 = arith.constant 0 : i32
    return %c0_i32, %c0_i32_0 : i32, i32
  }
  func.func @transform_8(%arg0: i32) -> (i32, i32) {
    %c0_i32 = arith.constant 0 : i32
    %c0_i32_0 = arith.constant 0 : i32
    return %arg0, %c0_i32 : i32, i32
  }
}

</mosaic_0001>

<sc_bundles>
// kernel: kernel.6.cloned.1.call-start
scs
__scs_entry_jumppad:
0x0: {  	(pc) =	sbr.rel $0x88, $3  }
0x1: {  	(tag) =	ssettag $0x0;
	lr =	simm.s32 $0x1  }
0x2: {  	[smem:$0x3F97] =	sst lr;
	_ =	strace $0xD0000000  }
0x3: {  	_ = 	snop  }
0x4: {  	_ = 	snop  }
0x5: {  	_ = 	snop  }
0x6: {  	_ = 	snop  }
0x7: {  	_ = 	snop  }
__scs_overlays_trampoline_lowered:
0x8: {  	[smem:$0x3FA6] =	sst s0  }
0x9: {  	[smem:$0x3FA7] =	sst s1  }
0xa: {  	[smem:$0x3FA8] =	sst s2  }
0xb: {  	[smem:$0x3FA9] =	sst s3  }
0xc: {  	[smem:$0x3FAA] =	sst s4  }
0xd: {  	[smem:$0x3FAB] =	sst s5  }
0xe: {  	[smem:$0x3FAC] =	sst s6  }
0xf: {  	[smem:$0x3FAD] =	sst s7  }
0x10: {  	[smem:$0x3FAE] =	sst s8  }
0x11: {  	[smem:$0x3FAF] =	sst s9;
	s0 =	simm.s32 @!p0 $0x0  }
0x12: {  	s1 =	sld [smem:$0x3F95];
	s0 =	simm.s32 @p0 $0x1  }
0x13: {  	[smem:$0x3FB0] =	sst s0;
	s0 =	simm.s32 @!p1 $0x0  }
0x14: {  	s2 =	sld [smem:$0x3F94];
	s0 =	simm.s32 @p1 $0x1  }
0x15: {  	[smem:$0x3FB1] =	sst s0;
	s0 =	simm.s32 @!p2 $0x0  }
0x16: {  	s3 =	sld [smem:$0x3FDB];
	s0 =	simm.s32 @p2 $0x1  }
0x17: {  	s4 =	simm.s32 $0x1BF5;
	[smem:$0x3FB3] =	sst s0  }
0x18: {  	s0 =	sld [smem:$0x3F96];
	_ =	swait.ge [sflag:s4], $0x0  }
0x19: {  	s7 =	sld [smem:$0x3F97]  }
0x1a: {  	s8 =	sadd.s32 $0xFFFFE003, lr  }
0x1b: {  	s9 =	sadd.s32 $0xFFFFFEF7, lr;
	s5 =	simm.s32 $0xFFFFFFFF;
	p2 =	slt.u32 s8, $0xFFFFF086  }
0x1c: {  	p1 =	slt.u32 s9, $0xF7A;
	s5 =	simm.s32 @!p2 $0x0  }
0x1d: {  	s5 =	simm.s32 @p1 $0x1;
	p0 =	seq.s32 s7, s2  }
0x1e: {  	s7 =	smul.u32 @!p0 $0xF7A, s2;
	p2 =	seq.s32 @!p0 s5, $0x0  }
0x1f: {  	s9 =	smul.u32 $0xF7A, s1;
	s8 =	simm.s32 @!p0 $0x1BF5;
	p2 =	por !p2, p0  }
0x20: {  	[sflag:s8] =	ssyncset.s32 @!p0 $0xFFFFF086;
	s6 =	sadd.s32 @!p0 s3, s7;
	s7 =	simm.s32 @!p0 $0x108  }
0x21: {  	s3 =	sadd.s32 s3, s9;
	s6 =	sadd.s32 @!p0 $0x88, s6;
	s7 =	simm.s32 @p2 $0x1082  }
0x22: {  	[simem:s7], [sflag:s8] =	dma.local @!p0 [hbm:s6], $0xF7A  }
0x23: {  	s9 =	sor.u32 $0xD0000000, s2;
	s6 =	simm.s32 $0x108;
	_ =	swait.ge @!p0 [sflag:s8], $0x0  }
0x24: {  	s3 =	sadd.s32 $0x88, s3;
	s6 =	simm.s32 @!p1 $0x1082;
	[sflag:s4] =	ssyncset.s32 $0xFFFFF086  }
0x25: {  	[simem:s6], [sflag:s4] =	dma.local [hbm:s3], $0xF7A  }
0x26: {  	[smem:$0x3F97] =	sst s1;
	(tag) =	ssettag s2;
	_ =	strace s9  }
0x27: {  	s1 =	sld [smem:$0x3FA7]  }
0x28: {  	s2 =	sld [smem:$0x3FA8]  }
0x29: {  	s4 =	sld [smem:$0x3FAA]  }
0x2a: {  	p0 =	seq.s32 s5, $0x0;
	s5 =	sld [smem:$0x3FAB]  }
0x2b: {  	s6 =	sld [smem:$0x3FAC]  }
0x2c: {  	s7 =	sld [smem:$0x3FAD]  }
0x2d: {  	s3 =	simm.s32 $0x108;
	s8 =	sld [smem:$0x3FAE]  }
0x2e: {  	s3 =	simm.s32 @!p0 $0x1082;
	s9 =	sld [smem:$0x3FAF]  }
0x2f: {  	lr =	sadd.s32 s0, s3;
	s0 =	sld [smem:$0x3FA6]  }
0x30: {  	s3 =	sld [smem:$0x3FA9]  }
0x31: {  	[smem:$0x3FB2] =	sst s10  }
0x32: {  	s10 =	sld [smem:$0x3FB0];
	_ =	sdelay $0x3  }
0x33: {  	p0 =	seq.s32 s10, $0x1;
	s10 =	sld [smem:$0x3FB2];
	_ =	sdelay $0x3  }
0x34: {  	[smem:$0x3FB2] =	sst s10  }
0x35: {  	s10 =	sld [smem:$0x3FB1];
	_ =	sdelay $0x3  }
0x36: {  	p1 =	seq.s32 s10, $0x1;
	s10 =	sld [smem:$0x3FB2];
	_ =	sdelay $0x3  }
0x37: {  	[smem:$0x3FB2] =	sst s10  }
0x38: {  	s10 =	sld [smem:$0x3FB3]  }
0x39: {  	_ = 	snop;
	(pc) =	sbr.ind lr, $3  }
0x3a: {  	_ = 	snop  }
0x3b: {  	_ = 	snop  }
0x3c: {  	p2 =	seq.s32 s10, $0x1;
	s10 =	sld [smem:$0x3FB2]  }
0x3d: {  	_ =	shalt  }
0x3e: {  	_ =	shalt  }
0x3f: {  	_ =	shalt  }
0x40: {  	_ =	shalt  }
0x41: {  	_ =	shalt  }
0x42: {  	_ =	shalt  }
0x43: {  	_ =	shalt  }
0x44: {  	_ =	shalt  }
0x45: {  	_ =	shalt  }
0x46: {  	_ =	shalt  }
0x47: {  	_ =	shalt  }
0x48: {  	_ =	shalt  }
0x49: {  	_ =	shalt  }
0x4a: {  	_ =	shalt  }
0x4b: {  	_ =	shalt  }
0x4c: {  	_ =	shalt  }
0x4d: {  	_ =	shalt  }
0x4e: {  	_ =	shalt  }
0x4f: {  	_ =	shalt  }
0x50: {  	_ =	shalt  }
0x51: {  	_ =	shalt  }
0x52: {  	_ =	shalt  }
0x53: {  	_ =	shalt  }
0x54: {  	_ =	shalt  }
0x55: {  	_ =	shalt  }
0x56: {  	_ =	shalt  }
0x57: {  	_ =	shalt  }
0x58: {  	_ =	shalt  }
0x59: {  	_ =	shalt  }
0x5a: {  	_ =	shalt  }
0x5b: {  	_ =	shalt  }
0x5c: {  	_ =	shalt  }
0x5d: {  	_ =	shalt  }
0x5e: {  	_ =	shalt  }
0x5f: {  	_ =	shalt  }
0x60: {  	_ =	shalt  }
0x61: {  	_ =	shalt  }
0x62: {  	_ =	shalt  }
0x63: {  	_ =	shalt  }
0x64: {  	_ =	shalt  }
0x65: {  	_ =	shalt  }
0x66: {  	_ =	shalt  }
0x67: {  	_ =	shalt  }
0x68: {  	_ =	shalt  }
0x69: {  	_ =	shalt  }
0x6a: {  	_ =	shalt  }
0x6b: {  	_ =	shalt  }
0x6c: {  	_ =	shalt  }
0x6d: {  	_ =	shalt  }
0x6e: {  	_ =	shalt  }
0x6f: {  	_ =	shalt  }
0x70: {  	_ =	shalt  }
0x71: {  	_ =	shalt  }
0x72: {  	_ =	shalt  }
0x73: {  	_ =	shalt  }
0x74: {  	_ =	shalt  }
0x75: {  	_ =	shalt  }
0x76: {  	_ =	shalt  }
0x77: {  	_ =	shalt  }
0x78: {  	_ =	shalt  }
0x79: {  	_ =	shalt  }
0x7a: {  	_ =	shalt  }
0x7b: {  	_ =	shalt  }
0x7c: {  	_ =	shalt  }
0x7d: {  	_ =	shalt  }
0x7e: {  	_ =	shalt  }
0x7f: {  	_ =	shalt  }
0x80: {  	_ =	shalt  }
0x81: {  	_ =	shalt  }
0x82: {  	_ =	shalt  }
0x83: {  	_ =	shalt  }
0x84: {  	_ =	shalt  }
0x85: {  	_ =	shalt  }
0x86: {  	_ =	shalt  }
0x87: {  	_ =	shalt  }
.Lfunc_end0:
.L_simem_size_0:
called_computation_lowered:
.L_overlay_start_0:
0x88: {  	s2 =	sld [smem:$0x3FD9]  }
0x89: {  	s3 =	sld [smem:$0x3FFE];
	_ =	sdelay $0x1  }
0x8a: {  	s1 =	srdreg.scid  }
0x8b: {  	s0 =	sand.u32 $0x1, s1  }
0x8c: {  	s17 =	sshll.u32 s0, $0xA;
	s2 =	sadd.s32 s3, s2  }
0x8d: {  	s2 =	sadd.s32 s2, s17  }
0x8e: {  	[smem:$0x3FBE] =	sst s2  }
0x8f: {  	_ = 	snop  }
0x90: {  	s2 =	sld [smem:$0x3FC9]  }
0x91: {  	s18 =	sld [smem:$0x3FD0];
	(tm) =	ssettm $0x1  }
0x92: {  	s4 =	sld [smem:$0x3FFB];
	_ =	sdelay $0x3  }
0x93: {  	_ =	strace s4  }
0x94: {  	s4 =	sld [smem:$0x3FFC];
	_ =	sdelay $0x3  }
0x95: {  	_ =	strace s4  }
0x96: {  	s4 =	sld [smem:$0x3FFD];
	_ =	sdelay $0x3  }
0x97: {  	_ =	strace s4  }
0x98: {  	_ =	strace $0x8FFFFFFF  }
0x99: {  	s19 =	sld [smem:$0x3FDB];
	_ =	sdelay $0x1  }
0x9a: {  	s5 =	simm.s32 $_scs_section_size  }
0x9b: {  	s6 =	simm.s32 $_size__tile_overlayer_lowered;
	s7 =	simm.s32 $_tile_overlayer_lowered  }
0x9c: {  	s22 =	simm.s32 $0x1BFF;
	s21 =	sshll.u32 s7, $0x1;
	s4 =	sadd.s32 s5, s19  }
0x9d: {  	s8 =	simm.s32 $0x0;
	s20 =	sshll.u32 s6, $0x1;
	s6 =	sadd.s32 s21, s4  }
0x9e: {  	[timem:s8], [sflag:s22] =	dma.local [hbm:s6], s20  }
0x9f: {  	_ =	swait.ge [sflag:s22], s20  }
0xa0: {  	s5 =	ssub.s32 $0x0, s20;
	[sflag:s22] =	ssyncset.done $0x0  }
0xa1: {  	[sflag:s22] =	ssyncadd.s32 s5;
	_ =	sdelay $0x1  }
0xa2: {  	s23 =	simm.s32 $0x1B8B  }
0xa3: {  	_ =	swait.ge [sflag:s23], $0x1  }
0xa4: {  	[sflag:s23] =	ssyncset.done $0x0  }
0xa5: {  	s25 =	simm.s32 $0x1B8E;
	s24 =	sld [smem:$0x3FFE];
	[sflag:s23] =	ssyncadd.s32 $0xFFFFFFFF  }
0xa6: {  	s26 =	simm.s32 $execute0_lowered;
	[smem:$0x3FD2] =	sst s25  }
0xa7: {  	s6 =	sshll.u32 s26, $0x1;
	_ =	strace $0x80000046;
	[dreg:$0x1] =	wrdreg $0xFFFFFFFF  }
0xa8: {  	s28 =	simm.s32 $_size_execute0_lowered;
	s4 =	sadd.s32 s4, s6;
	[dreg:$0x0] =	wrdreg $0x0  }
0xa9: {  	s6 =	sshll.u32 s28, $0x1;
	[dreg:$0x2] =	wrdreg s4  }
0xaa: {  	[dreg:$0x3] =	wrdreg s6  }
0xab: {  	[dreg:$0x4] =	wrdreg $0xC0  }
0xac: {  	_ =	task [dreg:s8], $0x5FFFF  }
0xad: {  	[dreg:$0x1] =	wrdreg $0xFFFFFFFF  }
0xae: {  	[dreg:$0x0] =	wrdreg $0x60  }
0xaf: {  	[dreg:$0x2] =	wrdreg s2  }
0xb0: {  	[dreg:$0x3] =	wrdreg s18  }
0xb1: {  	[dreg:$0x4] =	wrdreg s24  }
0xb2: {  	[dreg:$0x5] =	wrdreg $0x0  }
0xb3: {  	[dreg:$0x6] =	wrdreg $0x1E8000  }
0xb4: {  	[dreg:$0x7] =	wrdreg $0x9  }
0xb5: {  	_ =	task.clear_ibuf [dreg:s8], $0x8FFFF;
	_ =	strace $0x90000046  }
0xb6: {  	s29 =	simm.s32 $0x9;
	_ =	strace $0x80000048  }
0xb7: {  	_ =	swait.ge [sflag:s29], $0x1  }
0xb8: {  	[sflag:s29] =	ssyncadd.s32 $0xFFFFFFFF  }
0xb9: {  	_ =	strace $0x90000048  }
0xba: {  	_ =	sfence  }
0xbb: {  	s30 =	sld [smem:$0x0];
	_ =	sdelay $0x2  }
0xbc: {  	s31 =	sshll.u32 s1, $0xD;
	s1 =	sshrl.u32 s1, $0x2  }
0xbd: {  	s3 =	sand.u32 $0x4000, s31;
	s1 =	sadd.s32 s1, s30  }
0xbe: {  	s0 =	sor.u32 s3, s0;
	s1 =	sshll.u32 s1, $0x11  }
0xbf: {  	s0 =	sor.u32 s1, s0  }
0xc0: {  	s0 =	sadd.s32 $0x8F2B, s0  }
0xc1: {  	[sflag:s0] =	ssyncadd.remote.s32 $0x1  }
0xc2: {  	_ =	sfence.sel $0xFFFF  }
0xc3: {  	[dreg:$0x0] =	wrdreg $0xFFFFFFFF;
	(pc) =	sbr.abs _section_cstart, $3  }
0xc4: {  	[dreg:$0x1] =	wrdreg $0xFFFFFFFF  }
0xc5: {  	_ =	task.clear_ibuf [dreg:s8], $0x2FFFF;
	_ =	strace $0x9FFFFFFF  }
0xc6: {  	(tm) =	ssettm $0x7FFFFFFF  }
0xc7: {  	_ =	shalt  }
tec
execute0_lowered:
.L_overlay_start_1:
0x0: {  	(tag) =	ssettag $0x1  }
0x1: {  	s0 =	rddreg [dreg:$0x0]  }
0x2: {  	s2 =	rddreg [dreg:$0x1]  }
0x3: {  	s5 =	rddreg [dreg:$0x2]  }
0x4: {  	s1 =	srdreg.scid;
	s3 =	rddreg [dreg:$0x3]  }
0x5: {  	s16 =	stileid.u32;
	s4 =	rddreg [dreg:$0x4]  }
0x6: {  	s8 =	simm.s32 $0x0;
	s29 =	simm.s32 $0x19800;
	s31 =	simm.s32 $0x1A800  }
0x7: {  	s28 =	simm.s32 $0x2;
	s30 =	simm.s32 $0x4;
	s9 =	smul.u32 $0x280, s16  }
0x8: {  	s1 =	sand.u32 $0x1, s1;
	[smem:$0x7FF] =	sst s8;
	s12 =	smul.u32 $0x2800, s16  }
0x9: {  	s14 =	sadd.s32 $0x34800, s5;
	s18 =	smul.u32 $0x50000, s16;
	s21 =	sshll.u32 s16, $0x6  }
0xa: {  	s24 =	smul.u32 $0xA0, s16;
	s6 =	sshll.u32 s1, $0x4;
	_ =	strace $0x80000047  }
0xb: {  	s17 =	smul.u32 $0x28000, s1;
	[dreg:$0x6] =	wrdreg s14;
	s1 =	ssub.s32 $0x2, s1  }
0xc: {  	s8 =	sor.u32 $0x1C06, s21;
	s14 =	simm.s32 $0x6;
	s21 =	simm.s32 $0x80  }
0xd: {  	s7 =	sor.u32 s16, s6;
	s15 =	sshrl.u32 s9, $0x3;
	s10 =	sadd.s32 s12, s5  }
0xe: {  	s19 =	sshrl.u32 s1, $0x1;
	s20 =	sshrl.u32 s18, $0x2;
	s9 =	sadd.s32 s9, s4  }
0xf: {  	s16 =	simm.s32 $0x1EA80;
	s18 =	simm.s32 $0x1D800;
	s7 =	smul.u32 $0x500, s7  }
0x10: {  	s13 =	sadd.s32 s15, s5;
	s15 =	sadd.s32 s17, s5;
	s1 =	ssub.s32 s1, s19  }
0x11: {  	s10 =	sadd.s32 $0xC200, s10;
	s17 =	simm.s32 $0x14000;
	s19 =	simm.s32 $0x20  }
0x12: {  	[dreg:$0x7] =	wrdreg s10;
	s22 =	sadd.s32 $0x34200, s13;
	s23 =	sadd.s32 $0x34A00, s15  }
0x13: {  	s1 =	smax.u32 s1, $0x1;
	s15 =	sshrl.u32 s9, $0x3;
	s11 =	sadd.s32 s7, s5  }
0x14: {  	s5 =	sadd.s32 s6, s5;
	s6 =	sadd.s32 s20, s3;
	[dreg:$0x8] =	wrdreg s22  }
0x15: {  	s2 =	sadd.s32 s2, s7;
	[dreg:$0xa] =	wrdreg s1;
	s20 =	simm.s32 $0x16800  }
0x16: {  	s25 =	sadd.s32 s12, s23;
	s23 =	simm.s32 $0x17800;
	s1 =	simm.s32 $0x1B800  }
0x17: {  	s7 =	simm.s32 $0x1C800;
	s12 =	simm.s32 $0x1;
	s22 =	simm.s32 $0x16700  }
0x18: {  	[dreg:$0x9] =	wrdreg s2;
	s11 =	sadd.s32 $0x2200, s11;
	s5 =	sadd.s32 $0x84A00, s5  }
0x19: {  	s13 =	sshrl.u32 s6, $0x3;
	[dreg:$0xb] =	wrdreg s25;
	s25 =	simm.s32 $0x3  }
0x1a: {  	s2 =	simm.s32 $0x16780;
	s6 =	simm.s32 $0x0;
	s26 =	sadd.s32 s24, s5  }
0x1b: {  	s24 =	simm.s32 $0x5;
	[dreg:$0xc] =	wrdreg s26;
	s26 =	simm.s32 $0x18800  }
.LBB2_1:
0x1c: {  	s5 =	rddreg [dreg:$0x7]  }
0x1d: {  	[spmem:s13], [sflag:s8] =	dma.local [hbm:s5], $0x2800  }
0x1e: {  	_ =	swait.ge [sflag:s14], $0x2800  }
0x1f: {  	[sflag:s14] =	ssyncset.done $0x0  }
0x20: {  	s9 =	rddreg [dreg:$0x8];
	[sflag:s14] =	ssyncadd.s32 $0xFFFFD800  }
0x21: {  	[spmem:s15], [sflag:s8] =	dma.local [hbm:s9], $0x50  }
0x22: {  	_ =	swait.ge [sflag:s14], $0x50  }
0x23: {  	[sflag:s14] =	ssyncset.done $0x0  }
0x24: {  	s5 =	simm.s32 $0x0;
	s9 =	rddreg [dreg:$0x6];
	[sflag:s14] =	ssyncadd.s32 $0xFFFFFFB0  }
0x25: {  	[tilespmem:s16], [sflag:$0x6] =	stream.linear.gather [hbm4b:s9+s5], $0x80, $0x38;
	[tilespmem:$0x1EB00] =	vst v63  }
0x26: {  	_ =	swait.ge [sflag:s14], $0x80  }
0x27: {  	[sflag:s14] =	ssyncset.done $0x0  }
0x28: {  	[sflag:s14] =	ssyncadd.s32 $0xFFFFFF80  }
0x29: {  	[bflag:$0x0] =	sbarrier.arrive $0xFFFF  }
0x2a: {  	s10 =	rddreg [dreg:$0x9]  }
0x2b: {  	[tilespmem:s17], [sflag:$0x6] =	stream.linear.gather [hbm4b:s10+s5], $0x1400, $0x38;
	[tilespmem:$0x1EB00] =	vst v63  }
0x2c: {  	_ =	swait.ge [sflag:s14], $0x1400  }
0x2d: {  	[sflag:s14] =	ssyncset.done $0x0  }
0x2e: {  	s10 =	simm.s32 $0x15400;
	[sflag:s14] =	ssyncadd.s32 $0xFFFFEC00  }
0x2f: {  	[tilespmem:s10], [sflag:$0x6] =	stream.linear.gather [hbm4b:s11+s5], $0x1400, $0x38;
	[tilespmem:$0x1EB00] =	vst v63  }
0x30: {  	_ =	swait.ge [sflag:s14], $0x1400  }
0x31: {  	[sflag:s14] =	ssyncset.done $0x0  }
0x32: {  	[sflag:s14] =	ssyncadd.s32 $0xFFFFEC00  }
0x33: {  	[tilespmem:s20], [sflag:$0x1] =	stream.indirect.gather [hbm4b:s0+s19], $0x80, s17, s19, $0xb8;
	[tilespmem:$0x1EB00] =	vst v63  }
0x34: {  	s9 =	simm.s32 $0x14020  }
0x35: {  	[tilespmem:s23], [sflag:$0x1] =	stream.indirect.gather [hbm4b:s0+s19], $0x80, s9, s19, $0xb8;
	[tilespmem:$0x1EB00] =	vst v63  }
0x36: {  	s10 =	simm.s32 $0x14040  }
0x37: {  	[tilespmem:s26], [sflag:$0x1] =	stream.indirect.gather [hbm4b:s0+s19], $0x80, s10, s19, $0xb8;
	[tilespmem:$0x1EB00] =	vst v63  }
0x38: {  	s9 =	simm.s32 $0x14060  }
0x39: {  	[tilespmem:s29], [sflag:$0x1] =	stream.indirect.gather [hbm4b:s0+s19], $0x80, s9, s19, $0xb8;
	[tilespmem:$0x1EB00] =	vst v63  }
0x3a: {  	s10 =	simm.s32 $0x14080  }
0x3b: {  	[tilespmem:s31], [sflag:$0x2] =	stream.indirect.gather [hbm4b:s0+s19], $0x80, s10, s19, $0xb8;
	[tilespmem:$0x1EB00] =	vst v63  }
0x3c: {  	s9 =	simm.s32 $0x140A0  }
0x3d: {  	[tilespmem:s1], [sflag:$0x2] =	stream.indirect.gather [hbm4b:s0+s19], $0x80, s9, s19, $0xb8;
	[tilespmem:$0x1EB00] =	vst v63  }
0x3e: {  	s10 =	simm.s32 $0x140C0  }
0x3f: {  	[tilespmem:s7], [sflag:$0x2] =	stream.indirect.gather [hbm4b:s0+s19], $0x80, s10, s19, $0xb8;
	[tilespmem:$0x1EB00] =	vst v63  }
0x40: {  	s9 =	simm.s32 $0x140E0  }
0x41: {  	[tilespmem:s18], [sflag:$0x2] =	stream.indirect.gather [hbm4b:s0+s19], $0x80, s9, s19, $0xb8;
	[tilespmem:$0x1EB00] =	vst v63  }
0x42: {  	_ =	swait.ge [sflag:s12], $0x1000  }
0x43: {  	[sflag:s12] =	ssyncset.done $0x0  }
0x44: {  	[sflag:s12] =	ssyncadd.s32 $0xFFFFF000  }
0x45: {  	_ =	swait.ge [sflag:s12], $0x1000  }
0x46: {  	[sflag:s12] =	ssyncset.done $0x0  }
0x47: {  	[sflag:s12] =	ssyncadd.s32 $0xFFFFF000  }
0x48: {  	_ =	swait.ge [sflag:s12], $0x1000  }
0x49: {  	[sflag:s12] =	ssyncset.done $0x0  }
0x4a: {  	[sflag:s12] =	ssyncadd.s32 $0xFFFFF000  }
0x4b: {  	_ =	swait.ge [sflag:s12], $0x1000  }
0x4c: {  	[sflag:s12] =	ssyncset.done $0x0  }
0x4d: {  	s10 =	simm.s32 $0x15400;
	[sflag:s12] =	ssyncadd.s32 $0xFFFFF000  }
0x4e: {  	[spmem:s3] =	stream.indirect.scatter.add.f32 [tilespmem:s20], [sflag:$0x3], $0x80, s10, s21, $0xb8;
	[tilespmem:$0x1EB00] =	vst v63  }
0x4f: {  	_ = 	snop  }
0x50: {  	[spmem:s4] =	stream.indirect.scatter.add.f32 [tilespmem:s16], [sflag:$0x5], $0x1, s10, s21, $0xb8;
	[tilespmem:$0x1EB00] =	vst v63  }
0x51: {  	_ =	swait.ge [sflag:s25], $0x4000  }
0x52: {  	[sflag:s25] =	ssyncset.done $0x0  }
0x53: {  	s9 =	simm.s32 $0x14100;
	[sflag:s25] =	ssyncadd.s32 $0xFFFFC000  }
0x54: {  	[tilespmem:s20], [sflag:$0x1] =	stream.indirect.gather [hbm4b:s0+s19], $0x80, s9, s19, $0xb8;
	[tilespmem:$0x1EB00] =	vst v63  }
0x55: {  	s10 =	simm.s32 $0x14120  }
0x56: {  	[tilespmem:s23], [sflag:$0x1] =	stream.indirect.gather [hbm4b:s0+s19], $0x80, s10, s19, $0xb8;
	[tilespmem:$0x1EB00] =	vst v63  }
0x57: {  	s9 =	simm.s32 $0x14140  }
0x58: {  	[tilespmem:s26], [sflag:$0x1] =	stream.indirect.gather [hbm4b:s0+s19], $0x80, s9, s19, $0xb8;
	[tilespmem:$0x1EB00] =	vst v63  }
0x59: {  	s10 =	simm.s32 $0x14160  }
0x5a: {  	[tilespmem:s29], [sflag:$0x1] =	stream.indirect.gather [hbm4b:s0+s19], $0x80, s10, s19, $0xb8;
	[tilespmem:$0x1EB00] =	vst v63  }
0x5b: {  	_ =	swait.ge [sflag:s28], $0x1000  }
0x5c: {  	[sflag:s28] =	ssyncset.done $0x0  }
0x5d: {  	[sflag:s28] =	ssyncadd.s32 $0xFFFFF000  }
0x5e: {  	_ =	swait.ge [sflag:s28], $0x1000  }
0x5f: {  	[sflag:s28] =	ssyncset.done $0x0  }
0x60: {  	[sflag:s28] =	ssyncadd.s32 $0xFFFFF000  }
0x61: {  	_ =	swait.ge [sflag:s28], $0x1000  }
0x62: {  	[sflag:s28] =	ssyncset.done $0x0  }
0x63: {  	[sflag:s28] =	ssyncadd.s32 $0xFFFFF000  }
0x64: {  	_ =	swait.ge [sflag:s28], $0x1000  }
0x65: {  	[sflag:s28] =	ssyncset.done $0x0  }
0x66: {  	s9 =	simm.s32 $0x15480;
	[sflag:s28] =	ssyncadd.s32 $0xFFFFF000  }
0x67: {  	[spmem:s3] =	stream.indirect.scatter.add.f32 [tilespmem:s31], [sflag:$0x4], $0x80, s9, s21, $0xb8;
	[tilespmem:$0x1EB00] =	vst v63  }
0x68: {  	_ = 	snop  }
0x69: {  	[spmem:s4] =	stream.indirect.scatter.add.f32 [tilespmem:s16], [sflag:$0x5], $0x1, s9, s21, $0xb8;
	[tilespmem:$0x1EB00] =	vst v63  }
0x6a: {  	_ =	swait.ge [sflag:s30], $0x4000  }
0x6b: {  	[sflag:s30] =	ssyncset.done $0x0  }
0x6c: {  	s10 =	simm.s32 $0x14180;
	[sflag:s30] =	ssyncadd.s32 $0xFFFFC000  }
0x6d: {  	[tilespmem:s31], [sflag:$0x2] =	stream.indirect.gather [hbm4b:s0+s19], $0x80, s10, s19, $0xb8;
	[tilespmem:$0x1EB00] =	vst v63  }
0x6e: {  	s9 =	simm.s32 $0x141A0  }
0x6f: {  	[tilespmem:s1], [sflag:$0x2] =	stream.indirect.gather [hbm4b:s0+s19], $0x80, s9, s19, $0xb8;
	[tilespmem:$0x1EB00] =	vst v63  }
0x70: {  	s5 =	simm.s32 $0x141E0;
	s10 =	simm.s32 $0x141C0;
	s9 =	simm.s32 $0x400  }
0x71: {  	[tilespmem:s7], [sflag:$0x2] =	stream.indirect.gather [hbm4b:s0+s19], $0x80, s10, s19, $0xb8;
	[tilespmem:$0x1EB00] =	vst v63  }
.LBB2_2:
0x72: {  	[tilespmem:s18], [sflag:$0x2] =	stream.indirect.gather [hbm4b:s0+s19], $0x80, s5, s19, $0xb8;
	[tilespmem:$0x1EB00] =	vst v63  }
0x73: {  	s5 =	smov.u32 s9  }
0x74: {  	p0 =	sne.s32 s9, $0x4800;
	s9 =	sadd.s32 $0x400, s9;
	_ =	swait.ge [sflag:s12], $0x1000  }
0x75: {  	[sflag:s12] =	ssyncset.done $0x0  }
0x76: {  	[sflag:s12] =	ssyncadd.s32 $0xFFFFF000  }
0x77: {  	_ =	swait.ge [sflag:s12], $0x1000  }
0x78: {  	[sflag:s12] =	ssyncset.done $0x0  }
0x79: {  	[sflag:s12] =	ssyncadd.s32 $0xFFFFF000  }
0x7a: {  	_ =	swait.ge [sflag:s12], $0x1000  }
0x7b: {  	[sflag:s12] =	ssyncset.done $0x0  }
0x7c: {  	[sflag:s12] =	ssyncadd.s32 $0xFFFFF000  }
0x7d: {  	_ =	swait.ge [sflag:s12], $0x1000  }
0x7e: {  	s5 =	sshra.s32 s5, $0x2;
	[sflag:s12] =	ssyncset.done $0x0  }
0x7f: {  	s10 =	sadd.s32 $0x15400, s5;
	[sflag:s12] =	ssyncadd.s32 $0xFFFFF000  }
0x80: {  	[spmem:s3] =	stream.indirect.scatter.add.f32 [tilespmem:s20], [sflag:$0x3], $0x80, s10, s21, $0xb8;
	[tilespmem:$0x1EB00] =	vst v63  }
0x81: {  	_ = 	snop  }
0x82: {  	[spmem:s4] =	stream.indirect.scatter.add.f32 [tilespmem:s16], [sflag:$0x5], $0x1, s10, s21, $0xb8;
	[tilespmem:$0x1EB00] =	vst v63  }
0x83: {  	_ =	swait.ge [sflag:s25], $0x4000  }
0x84: {  	[sflag:s25] =	ssyncset.done $0x0  }
0x85: {  	s10 =	sadd.s32 $0x14100, s5;
	[sflag:s25] =	ssyncadd.s32 $0xFFFFC000  }
0x86: {  	[tilespmem:s20], [sflag:$0x1] =	stream.indirect.gather [hbm4b:s0+s19], $0x80, s10, s19, $0xb8;
	[tilespmem:$0x1EB00] =	vst v63  }
0x87: {  	s10 =	sadd.s32 $0x14120, s5  }
0x88: {  	[tilespmem:s23], [sflag:$0x1] =	stream.indirect.gather [hbm4b:s0+s19], $0x80, s10, s19, $0xb8;
	[tilespmem:$0x1EB00] =	vst v63  }
0x89: {  	s10 =	sadd.s32 $0x14140, s5  }
0x8a: {  	[tilespmem:s26], [sflag:$0x1] =	stream.indirect.gather [hbm4b:s0+s19], $0x80, s10, s19, $0xb8;
	[tilespmem:$0x1EB00] =	vst v63  }
0x8b: {  	s10 =	sadd.s32 $0x14160, s5  }
0x8c: {  	[tilespmem:s29], [sflag:$0x1] =	stream.indirect.gather [hbm4b:s0+s19], $0x80, s10, s19, $0xb8;
	[tilespmem:$0x1EB00] =	vst v63  }
0x8d: {  	_ =	swait.ge [sflag:s28], $0x1000  }
0x8e: {  	[sflag:s28] =	ssyncset.done $0x0  }
0x8f: {  	[sflag:s28] =	ssyncadd.s32 $0xFFFFF000  }
0x90: {  	_ =	swait.ge [sflag:s28], $0x1000  }
0x91: {  	[sflag:s28] =	ssyncset.done $0x0  }
0x92: {  	[sflag:s28] =	ssyncadd.s32 $0xFFFFF000  }
0x93: {  	_ =	swait.ge [sflag:s28], $0x1000  }
0x94: {  	[sflag:s28] =	ssyncset.done $0x0  }
0x95: {  	[sflag:s28] =	ssyncadd.s32 $0xFFFFF000  }
0x96: {  	_ =	swait.ge [sflag:s28], $0x1000  }
0x97: {  	[sflag:s28] =	ssyncset.done $0x0  }
0x98: {  	s10 =	sadd.s32 $0x15480, s5;
	[sflag:s28] =	ssyncadd.s32 $0xFFFFF000  }
0x99: {  	[spmem:s3] =	stream.indirect.scatter.add.f32 [tilespmem:s31], [sflag:$0x4], $0x80, s10, s21, $0xb8;
	[tilespmem:$0x1EB00] =	vst v63  }
0x9a: {  	_ = 	snop  }
0x9b: {  	[spmem:s4] =	stream.indirect.scatter.add.f32 [tilespmem:s16], [sflag:$0x5], $0x1, s10, s21, $0xb8;
	[tilespmem:$0x1EB00] =	vst v63  }
0x9c: {  	_ =	swait.ge [sflag:s30], $0x4000  }
0x9d: {  	[sflag:s30] =	ssyncset.done $0x0  }
0x9e: {  	s10 =	sadd.s32 $0x14180, s5;
	[sflag:s30] =	ssyncadd.s32 $0xFFFFC000  }
0x9f: {  	[tilespmem:s31], [sflag:$0x2] =	stream.indirect.gather [hbm4b:s0+s19], $0x80, s10, s19, $0xb8;
	[tilespmem:$0x1EB00] =	vst v63  }
.Ltmp0:
0xa0: {  	s10 =	sadd.s32 $0x141A0, s5;
	(pc) =	sbr.rel @p0 .LBB2_2-.Ltmp0, $4  }
0xa1: {  	[tilespmem:s1], [sflag:$0x2] =	stream.indirect.gather [hbm4b:s0+s19], $0x80, s10, s19, $0xb8;
	[tilespmem:$0x1EB00] =	vst v63  }
0xa2: {  	s10 =	sadd.s32 $0x141C0, s5  }
0xa3: {  	[tilespmem:s7], [sflag:$0x2] =	stream.indirect.gather [hbm4b:s0+s19], $0x80, s10, s19, $0xb8;
	[tilespmem:$0x1EB00] =	vst v63  }
0xa4: {  	s5 =	sadd.s32 $0x141E0, s5  }
0xa5: {  	[tilespmem:s18], [sflag:$0x2] =	stream.indirect.gather [hbm4b:s0+s19], $0x80, s5, s19, $0xb8;
	[tilespmem:$0x1EB00] =	vst v63  }
0xa6: {  	_ =	swait.ge [sflag:s12], $0x1000  }
0xa7: {  	[sflag:s12] =	ssyncset.done $0x0  }
0xa8: {  	[sflag:s12] =	ssyncadd.s32 $0xFFFFF000  }
0xa9: {  	_ =	swait.ge [sflag:s12], $0x1000  }
0xaa: {  	[sflag:s12] =	ssyncset.done $0x0  }
0xab: {  	[sflag:s12] =	ssyncadd.s32 $0xFFFFF000  }
0xac: {  	_ =	swait.ge [sflag:s12], $0x1000  }
0xad: {  	[sflag:s12] =	ssyncset.done $0x0  }
0xae: {  	[sflag:s12] =	ssyncadd.s32 $0xFFFFF000  }
0xaf: {  	_ =	swait.ge [sflag:s12], $0x1000  }
0xb0: {  	[sflag:s12] =	ssyncset.done $0x0  }
0xb1: {  	[sflag:s12] =	ssyncadd.s32 $0xFFFFF000  }
0xb2: {  	[spmem:s3] =	stream.indirect.scatter.add.f32 [tilespmem:s20], [sflag:$0x3], $0x80, s22, s21, $0xb8;
	[tilespmem:$0x1EB00] =	vst v63  }
0xb3: {  	_ = 	snop  }
0xb4: {  	[spmem:s4] =	stream.indirect.scatter.add.f32 [tilespmem:s16], [sflag:$0x5], $0x1, s22, s21, $0xb8;
	[tilespmem:$0x1EB00] =	vst v63  }
0xb5: {  	_ =	swait.ge [sflag:s28], $0x1000  }
0xb6: {  	[sflag:s28] =	ssyncset.done $0x0  }
0xb7: {  	[sflag:s28] =	ssyncadd.s32 $0xFFFFF000  }
0xb8: {  	_ =	swait.ge [sflag:s28], $0x1000  }
0xb9: {  	[sflag:s28] =	ssyncset.done $0x0  }
0xba: {  	[sflag:s28] =	ssyncadd.s32 $0xFFFFF000  }
0xbb: {  	_ =	swait.ge [sflag:s28], $0x1000  }
0xbc: {  	[sflag:s28] =	ssyncset.done $0x0  }
0xbd: {  	[sflag:s28] =	ssyncadd.s32 $0xFFFFF000  }
0xbe: {  	_ =	swait.ge [sflag:s28], $0x1000  }
0xbf: {  	[sflag:s28] =	ssyncset.done $0x0  }
0xc0: {  	[sflag:s28] =	ssyncadd.s32 $0xFFFFF000  }
0xc1: {  	[spmem:s3] =	stream.indirect.scatter.add.f32 [tilespmem:s31], [sflag:$0x4], $0x80, s2, s21, $0xb8;
	[tilespmem:$0x1EB00] =	vst v63  }
0xc2: {  	_ = 	snop  }
0xc3: {  	[spmem:s4] =	stream.indirect.scatter.add.f32 [tilespmem:s16], [sflag:$0x5], $0x1, s2, s21, $0xb8;
	[tilespmem:$0x1EB00] =	vst v63  }
0xc4: {  	_ =	swait.ge [sflag:s25], $0x4000  }
0xc5: {  	[sflag:s25] =	ssyncset.done $0x0  }
0xc6: {  	[sflag:s25] =	ssyncadd.s32 $0xFFFFC000  }
0xc7: {  	_ =	swait.ge [sflag:s30], $0x4000  }
0xc8: {  	[sflag:s30] =	ssyncset.done $0x0  }
0xc9: {  	[sflag:s30] =	ssyncadd.s32 $0xFFFFC000  }
0xca: {  	_ =	swait.ge [sflag:s24], $0x80  }
0xcb: {  	s5 =	simm.s32 $0x27;
	[sflag:s24] =	ssyncset.done $0x0  }
.LBB2_4:
0xcc: {  	p0 =	sne.s32 s5, $0x1;
	s5 =	sadd.s32 $0xFFFFFFFF, s5;
	[sflag:s24] =	ssyncadd.s32 $0xFFFFFF80  }
.Ltmp1:
0xcd: {  	(pc) =	sbr.rel @p0 .LBB2_4-.Ltmp1, $3  }
0xce: {  	_ =	sdelay $0x1  }
0xcf: {  	_ =	swait.ge [sflag:s24], $0x80  }
0xd0: {  	[sflag:s24] =	ssyncset.done $0x0  }
0xd1: {  	s5 =	rddreg [dreg:$0x9]  }
0xd2: {  	[sflag:s24] =	ssyncadd.s32 $0xFFFFFF80;
	s9 =	simm.s32 $0x0;
	s5 =	sadd.s32 $0x280, s5  }
0xd3: {  	[tilespmem:s17], [sflag:$0x6] =	stream.linear.gather [hbm4b:s5+s9], $0x1400, $0x38;
	[tilespmem:$0x1EB00] =	vst v63  }
0xd4: {  	_ =	swait.ge [sflag:s14], $0x1400  }
0xd5: {  	[sflag:s14] =	ssyncset.done $0x0  }
0xd6: {  	s10 =	simm.s32 $0x15400;
	s5 =	sadd.s32 $0x280, s11;
	[sflag:s14] =	ssyncadd.s32 $0xFFFFEC00  }
0xd7: {  	[tilespmem:s10], [sflag:$0x6] =	stream.linear.gather [hbm4b:s5+s9], $0x1400, $0x38;
	[tilespmem:$0x1EB00] =	vst v63  }
0xd8: {  	_ =	swait.ge [sflag:s14], $0x1400  }
0xd9: {  	[sflag:s14] =	ssyncset.done $0x0  }
0xda: {  	[sflag:s14] =	ssyncadd.s32 $0xFFFFEC00  }
0xdb: {  	[tilespmem:s20], [sflag:$0x1] =	stream.indirect.gather [hbm4b:s0+s19], $0x80, s17, s19, $0xb8;
	[tilespmem:$0x1EB00] =	vst v63  }
0xdc: {  	s9 =	simm.s32 $0x14020  }
0xdd: {  	[tilespmem:s23], [sflag:$0x1] =	stream.indirect.gather [hbm4b:s0+s19], $0x80, s9, s19, $0xb8;
	[tilespmem:$0x1EB00] =	vst v63  }
0xde: {  	s10 =	simm.s32 $0x14040  }
0xdf: {  	[tilespmem:s26], [sflag:$0x1] =	stream.indirect.gather [hbm4b:s0+s19], $0x80, s10, s19, $0xb8;
	[tilespmem:$0x1EB00] =	vst v63  }
0xe0: {  	s9 =	simm.s32 $0x14060  }
0xe1: {  	[tilespmem:s29], [sflag:$0x1] =	stream.indirect.gather [hbm4b:s0+s19], $0x80, s9, s19, $0xb8;
	[tilespmem:$0x1EB00] =	vst v63  }
0xe2: {  	s10 =	simm.s32 $0x14080  }
0xe3: {  	[tilespmem:s31], [sflag:$0x2] =	stream.indirect.gather [hbm4b:s0+s19], $0x80, s10, s19, $0xb8;
	[tilespmem:$0x1EB00] =	vst v63  }
0xe4: {  	s9 =	simm.s32 $0x140A0  }
0xe5: {  	[tilespmem:s1], [sflag:$0x2] =	stream.indirect.gather [hbm4b:s0+s19], $0x80, s9, s19, $0xb8;
	[tilespmem:$0x1EB00] =	vst v63  }
0xe6: {  	s10 =	simm.s32 $0x140C0  }
0xe7: {  	[tilespmem:s7], [sflag:$0x2] =	stream.indirect.gather [hbm4b:s0+s19], $0x80, s10, s19, $0xb8;
	[tilespmem:$0x1EB00] =	vst v63  }
0xe8: {  	s9 =	simm.s32 $0x140E0  }
0xe9: {  	[tilespmem:s18], [sflag:$0x2] =	stream.indirect.gather [hbm4b:s0+s19], $0x80, s9, s19, $0xb8;
	[tilespmem:$0x1EB00] =	vst v63  }
0xea: {  	_ =	swait.ge [sflag:s12], $0x1000  }
0xeb: {  	[sflag:s12] =	ssyncset.done $0x0  }
0xec: {  	[sflag:s12] =	ssyncadd.s32 $0xFFFFF000  }
0xed: {  	_ =	swait.ge [sflag:s12], $0x1000  }
0xee: {  	[sflag:s12] =	ssyncset.done $0x0  }
0xef: {  	[sflag:s12] =	ssyncadd.s32 $0xFFFFF000  }
0xf0: {  	_ =	swait.ge [sflag:s12], $0x1000  }
0xf1: {  	[sflag:s12] =	ssyncset.done $0x0  }
0xf2: {  	[sflag:s12] =	ssyncadd.s32 $0xFFFFF000  }
0xf3: {  	_ =	swait.ge [sflag:s12], $0x1000  }
0xf4: {  	[sflag:s12] =	ssyncset.done $0x0  }
0xf5: {  	s10 =	simm.s32 $0x15400;
	[sflag:s12] =	ssyncadd.s32 $0xFFFFF000  }
0xf6: {  	[spmem:s3] =	stream.indirect.scatter.add.f32 [tilespmem:s20], [sflag:$0x3], $0x80, s10, s21, $0xb8;
	[tilespmem:$0x1EB00] =	vst v63  }
0xf7: {  	_ = 	snop  }
0xf8: {  	[spmem:s4] =	stream.indirect.scatter.add.f32 [tilespmem:s16], [sflag:$0x5], $0x1, s10, s21, $0xb8;
	[tilespmem:$0x1EB00] =	vst v63  }
0xf9: {  	_ =	swait.ge [sflag:s25], $0x4000  }
0xfa: {  	[sflag:s25] =	ssyncset.done $0x0  }
0xfb: {  	s9 =	simm.s32 $0x14100;
	[sflag:s25] =	ssyncadd.s32 $0xFFFFC000  }
0xfc: {  	[tilespmem:s20], [sflag:$0x1] =	stream.indirect.gather [hbm4b:s0+s19], $0x80, s9, s19, $0xb8;
	[tilespmem:$0x1EB00] =	vst v63  }
0xfd: {  	s10 =	simm.s32 $0x14120  }
0xfe: {  	[tilespmem:s23], [sflag:$0x1] =	stream.indirect.gather [hbm4b:s0+s19], $0x80, s10, s19, $0xb8;
	[tilespmem:$0x1EB00] =	vst v63  }
0xff: {  	s9 =	simm.s32 $0x14140  }
0x100: {  	[tilespmem:s26], [sflag:$0x1] =	stream.indirect.gather [hbm4b:s0+s19], $0x80, s9, s19, $0xb8;
	[tilespmem:$0x1EB00] =	vst v63  }
0x101: {  	s10 =	simm.s32 $0x14160  }
0x102: {  	[tilespmem:s29], [sflag:$0x1] =	stream.indirect.gather [hbm4b:s0+s19], $0x80, s10, s19, $0xb8;
	[tilespmem:$0x1EB00] =	vst v63  }
0x103: {  	_ =	swait.ge [sflag:s28], $0x1000  }
0x104: {  	[sflag:s28] =	ssyncset.done $0x0  }
0x105: {  	[sflag:s28] =	ssyncadd.s32 $0xFFFFF000  }
0x106: {  	_ =	swait.ge [sflag:s28], $0x1000  }
0x107: {  	[sflag:s28] =	ssyncset.done $0x0  }
0x108: {  	[sflag:s28] =	ssyncadd.s32 $0xFFFFF000  }
0x109: {  	_ =	swait.ge [sflag:s28], $0x1000  }
0x10a: {  	[sflag:s28] =	ssyncset.done $0x0  }
0x10b: {  	[sflag:s28] =	ssyncadd.s32 $0xFFFFF000  }
0x10c: {  	_ =	swait.ge [sflag:s28], $0x1000  }
0x10d: {  	[sflag:s28] =	ssyncset.done $0x0  }
0x10e: {  	s9 =	simm.s32 $0x15480;
	[sflag:s28] =	ssyncadd.s32 $0xFFFFF000  }
0x10f: {  	[spmem:s3] =	stream.indirect.scatter.add.f32 [tilespmem:s31], [sflag:$0x4], $0x80, s9, s21, $0xb8;
	[tilespmem:$0x1EB00] =	vst v63  }
0x110: {  	_ = 	snop  }
0x111: {  	[spmem:s4] =	stream.indirect.scatter.add.f32 [tilespmem:s16], [sflag:$0x5], $0x1, s9, s21, $0xb8;
	[tilespmem:$0x1EB00] =	vst v63  }
0x112: {  	_ =	swait.ge [sflag:s30], $0x4000  }
0x113: {  	[sflag:s30] =	ssyncset.done $0x0  }
0x114: {  	s10 =	simm.s32 $0x14180;
	[sflag:s30] =	ssyncadd.s32 $0xFFFFC000  }
0x115: {  	[tilespmem:s31], [sflag:$0x2] =	stream.indirect.gather [hbm4b:s0+s19], $0x80, s10, s19, $0xb8;
	[tilespmem:$0x1EB00] =	vst v63  }
0x116: {  	s9 =	simm.s32 $0x141A0  }
0x117: {  	[tilespmem:s1], [sflag:$0x2] =	stream.indirect.gather [hbm4b:s0+s19], $0x80, s9, s19, $0xb8;
	[tilespmem:$0x1EB00] =	vst v63  }
0x118: {  	s5 =	simm.s32 $0x141E0;
	s10 =	simm.s32 $0x141C0;
	s9 =	simm.s32 $0x400  }
0x119: {  	[tilespmem:s7], [sflag:$0x2] =	stream.indirect.gather [hbm4b:s0+s19], $0x80, s10, s19, $0xb8;
	[tilespmem:$0x1EB00] =	vst v63  }
.LBB2_6:
0x11a: {  	[tilespmem:s18], [sflag:$0x2] =	stream.indirect.gather [hbm4b:s0+s19], $0x80, s5, s19, $0xb8;
	[tilespmem:$0x1EB00] =	vst v63  }
0x11b: {  	s5 =	smov.u32 s9  }
0x11c: {  	p0 =	sne.s32 s9, $0x4800;
	s9 =	sadd.s32 $0x400, s9;
	_ =	swait.ge [sflag:s12], $0x1000  }
0x11d: {  	[sflag:s12] =	ssyncset.done $0x0  }
0x11e: {  	[sflag:s12] =	ssyncadd.s32 $0xFFFFF000  }
0x11f: {  	_ =	swait.ge [sflag:s12], $0x1000  }
0x120: {  	[sflag:s12] =	ssyncset.done $0x0  }
0x121: {  	[sflag:s12] =	ssyncadd.s32 $0xFFFFF000  }
0x122: {  	_ =	swait.ge [sflag:s12], $0x1000  }
0x123: {  	[sflag:s12] =	ssyncset.done $0x0  }
0x124: {  	[sflag:s12] =	ssyncadd.s32 $0xFFFFF000  }
0x125: {  	_ =	swait.ge [sflag:s12], $0x1000  }
0x126: {  	s5 =	sshra.s32 s5, $0x2;
	[sflag:s12] =	ssyncset.done $0x0  }
0x127: {  	s10 =	sadd.s32 $0x15400, s5;
	[sflag:s12] =	ssyncadd.s32 $0xFFFFF000  }
0x128: {  	[spmem:s3] =	stream.indirect.scatter.add.f32 [tilespmem:s20], [sflag:$0x3], $0x80, s10, s21, $0xb8;
	[tilespmem:$0x1EB00] =	vst v63  }
0x129: {  	_ = 	snop  }
0x12a: {  	[spmem:s4] =	stream.indirect.scatter.add.f32 [tilespmem:s16], [sflag:$0x5], $0x1, s10, s21, $0xb8;
	[tilespmem:$0x1EB00] =	vst v63  }
0x12b: {  	_ =	swait.ge [sflag:s25], $0x4000  }
0x12c: {  	[sflag:s25] =	ssyncset.done $0x0  }
0x12d: {  	s10 =	sadd.s32 $0x14100, s5;
	[sflag:s25] =	ssyncadd.s32 $0xFFFFC000  }
0x12e: {  	[tilespmem:s20], [sflag:$0x1] =	stream.indirect.gather [hbm4b:s0+s19], $0x80, s10, s19, $0xb8;
	[tilespmem:$0x1EB00] =	vst v63  }
0x12f: {  	s10 =	sadd.s32 $0x14120, s5  }
0x130: {  	[tilespmem:s23], [sflag:$0x1] =	stream.indirect.gather [hbm4b:s0+s19], $0x80, s10, s19, $0xb8;
	[tilespmem:$0x1EB00] =	vst v63  }
0x131: {  	s10 =	sadd.s32 $0x14140, s5  }
0x132: {  	[tilespmem:s26], [sflag:$0x1] =	stream.indirect.gather [hbm4b:s0+s19], $0x80, s10, s19, $0xb8;
	[tilespmem:$0x1EB00] =	vst v63  }
0x133: {  	s10 =	sadd.s32 $0x14160, s5  }
0x134: {  	[tilespmem:s29], [sflag:$0x1] =	stream.indirect.gather [hbm4b:s0+s19], $0x80, s10, s19, $0xb8;
	[tilespmem:$0x1EB00] =	vst v63  }
0x135: {  	_ =	swait.ge [sflag:s28], $0x1000  }
0x136: {  	[sflag:s28] =	ssyncset.done $0x0  }
0x137: {  	[sflag:s28] =	ssyncadd.s32 $0xFFFFF000  }
0x138: {  	_ =	swait.ge [sflag:s28], $0x1000  }
0x139: {  	[sflag:s28] =	ssyncset.done $0x0  }
0x13a: {  	[sflag:s28] =	ssyncadd.s32 $0xFFFFF000  }
0x13b: {  	_ =	swait.ge [sflag:s28], $0x1000  }
0x13c: {  	[sflag:s28] =	ssyncset.done $0x0  }
0x13d: {  	[sflag:s28] =	ssyncadd.s32 $0xFFFFF000  }
0x13e: {  	_ =	swait.ge [sflag:s28], $0x1000  }
0x13f: {  	[sflag:s28] =	ssyncset.done $0x0  }
0x140: {  	s10 =	sadd.s32 $0x15480, s5;
	[sflag:s28] =	ssyncadd.s32 $0xFFFFF000  }
0x141: {  	[spmem:s3] =	stream.indirect.scatter.add.f32 [tilespmem:s31], [sflag:$0x4], $0x80, s10, s21, $0xb8;
	[tilespmem:$0x1EB00] =	vst v63  }
0x142: {  	_ = 	snop  }
0x143: {  	[spmem:s4] =	stream.indirect.scatter.add.f32 [tilespmem:s16], [sflag:$0x5], $0x1, s10, s21, $0xb8;
	[tilespmem:$0x1EB00] =	vst v63  }
0x144: {  	_ =	swait.ge [sflag:s30], $0x4000  }
0x145: {  	[sflag:s30] =	ssyncset.done $0x0  }
0x146: {  	s10 =	sadd.s32 $0x14180, s5;
	[sflag:s30] =	ssyncadd.s32 $0xFFFFC000  }
0x147: {  	[tilespmem:s31], [sflag:$0x2] =	stream.indirect.gather [hbm4b:s0+s19], $0x80, s10, s19, $0xb8;
	[tilespmem:$0x1EB00] =	vst v63  }
.Ltmp2:
0x148: {  	s10 =	sadd.s32 $0x141A0, s5;
	(pc) =	sbr.rel @p0 .LBB2_6-.Ltmp2, $4  }
0x149: {  	[tilespmem:s1], [sflag:$0x2] =	stream.indirect.gather [hbm4b:s0+s19], $0x80, s10, s19, $0xb8;
	[tilespmem:$0x1EB00] =	vst v63  }
0x14a: {  	s10 =	sadd.s32 $0x141C0, s5  }
0x14b: {  	[tilespmem:s7], [sflag:$0x2] =	stream.indirect.gather [hbm4b:s0+s19], $0x80, s10, s19, $0xb8;
	[tilespmem:$0x1EB00] =	vst v63  }
0x14c: {  	s5 =	sadd.s32 $0x141E0, s5  }
0x14d: {  	[tilespmem:s18], [sflag:$0x2] =	stream.indirect.gather [hbm4b:s0+s19], $0x80, s5, s19, $0xb8;
	[tilespmem:$0x1EB00] =	vst v63  }
0x14e: {  	_ =	swait.ge [sflag:s12], $0x1000  }
0x14f: {  	[sflag:s12] =	ssyncset.done $0x0  }
0x150: {  	[sflag:s12] =	ssyncadd.s32 $0xFFFFF000  }
0x151: {  	_ =	swait.ge [sflag:s12], $0x1000  }
0x152: {  	[sflag:s12] =	ssyncset.done $0x0  }
0x153: {  	[sflag:s12] =	ssyncadd.s32 $0xFFFFF000  }
0x154: {  	_ =	swait.ge [sflag:s12], $0x1000  }
0x155: {  	[sflag:s12] =	ssyncset.done $0x0  }
0x156: {  	[sflag:s12] =	ssyncadd.s32 $0xFFFFF000  }
0x157: {  	_ =	swait.ge [sflag:s12], $0x1000  }
0x158: {  	[sflag:s12] =	ssyncset.done $0x0  }
0x159: {  	[sflag:s12] =	ssyncadd.s32 $0xFFFFF000  }
0x15a: {  	[spmem:s3] =	stream.indirect.scatter.add.f32 [tilespmem:s20], [sflag:$0x3], $0x80, s22, s21, $0xb8;
	[tilespmem:$0x1EB00] =	vst v63  }
0x15b: {  	_ = 	snop  }
0x15c: {  	[spmem:s4] =	stream.indirect.scatter.add.f32 [tilespmem:s16], [sflag:$0x5], $0x1, s22, s21, $0xb8;
	[tilespmem:$0x1EB00] =	vst v63  }
0x15d: {  	_ =	swait.ge [sflag:s28], $0x1000  }
0x15e: {  	[sflag:s28] =	ssyncset.done $0x0  }
0x15f: {  	[sflag:s28] =	ssyncadd.s32 $0xFFFFF000  }
0x160: {  	_ =	swait.ge [sflag:s28], $0x1000  }
0x161: {  	[sflag:s28] =	ssyncset.done $0x0  }
0x162: {  	[sflag:s28] =	ssyncadd.s32 $0xFFFFF000  }
0x163: {  	_ =	swait.ge [sflag:s28], $0x1000  }
0x164: {  	[sflag:s28] =	ssyncset.done $0x0  }
0x165: {  	[sflag:s28] =	ssyncadd.s32 $0xFFFFF000  }
0x166: {  	_ =	swait.ge [sflag:s28], $0x1000  }
0x167: {  	[sflag:s28] =	ssyncset.done $0x0  }
0x168: {  	[sflag:s28] =	ssyncadd.s32 $0xFFFFF000  }
0x169: {  	[spmem:s3] =	stream.indirect.scatter.add.f32 [tilespmem:s31], [sflag:$0x4], $0x80, s2, s21, $0xb8;
	[tilespmem:$0x1EB00] =	vst v63  }
0x16a: {  	_ = 	snop  }
0x16b: {  	[spmem:s4] =	stream.indirect.scatter.add.f32 [tilespmem:s16], [sflag:$0x5], $0x1, s2, s21, $0xb8;
	[tilespmem:$0x1EB00] =	vst v63  }
0x16c: {  	_ =	swait.ge [sflag:s25], $0x4000  }
0x16d: {  	[sflag:s25] =	ssyncset.done $0x0  }
0x16e: {  	[sflag:s25] =	ssyncadd.s32 $0xFFFFC000  }
0x16f: {  	_ =	swait.ge [sflag:s30], $0x4000  }
0x170: {  	[sflag:s30] =	ssyncset.done $0x0  }
0x171: {  	[sflag:s30] =	ssyncadd.s32 $0xFFFFC000  }
0x172: {  	_ =	swait.ge [sflag:s24], $0x80  }
0x173: {  	s5 =	simm.s32 $0x27;
	[sflag:s24] =	ssyncset.done $0x0  }
.LBB2_8:
0x174: {  	p0 =	sne.s32 s5, $0x1;
	s5 =	sadd.s32 $0xFFFFFFFF, s5;
	[sflag:s24] =	ssyncadd.s32 $0xFFFFFF80  }
.Ltmp3:
0x175: {  	(pc) =	sbr.rel @p0 .LBB2_8-.Ltmp3, $3  }
0x176: {  	_ =	sdelay $0x1  }
0x177: {  	_ =	swait.ge [sflag:s24], $0x80  }
0x178: {  	[sflag:s24] =	ssyncset.done $0x0  }
0x179: {  	[sflag:s24] =	ssyncadd.s32 $0xFFFFFF80  }
0x17a: {  	[bflag:$0x0] =	sbarrier.arrive $0xFFFF  }
0x17b: {  	s5 =	rddreg [dreg:$0xb]  }
0x17c: {  	[hbm:s5], [sflag:s8] =	dma.local [spmem:s13], $0x2800  }
0x17d: {  	_ =	swait.ge [sflag:s14], $0x2800  }
0x17e: {  	[sflag:s14] =	ssyncset.done $0x0  }
0x17f: {  	s9 =	simm.s32 $0x10;
	s10 =	rddreg [dreg:$0xc];
	[sflag:s14] =	ssyncadd.s32 $0xFFFFD800  }
0x180: {  	[hbm:s10@s19], [sflag:s8] =	dma.strided [spmem:s15@s9], $0x50, s12, $0x10   }
0x181: {  	_ =	swait.ge [sflag:s14], $0x50  }
0x182: {  	s6 =	sadd.s32 $0x1, s6;
	s10 =	rddreg [dreg:$0xa]  }
0x183: {  	p0 =	sne.s32 s6, s10  }
.Ltmp4:
0x184: {  	_ = 	snop;
	(pc) =	sbr.rel @p0 .LBB2_1-.Ltmp4, $3  }
0x185: {  	_ =	sdelay $0x1  }
0x186: {  	[sflag:s14] =	ssyncset.done $0x0  }
0x187: {  	[sflag:s14] =	ssyncadd.s32 $0xFFFFFFB0  }
0x188: {  	_ =	sfence.sel $0x180000  }
0x189: {  	[bflag:$0x0] =	sbarrier.arrive $0xFFFF  }
0x18a: {  	_ =	strace $0x90000047  }
0x18b: {  	s0 =	stileid.u32;
	[bflag:$0x2] =	sbarrier.arrive $0xFFFF  }
0x18c: {  	p0 =	sne.s32 s0, $0x0;
	s0 =	rddreg [dreg:$0x5]  }
0x18d: {  	s0 =	sadd.s32 @!p0 $0x100000, s0  }
0x18e: {  	[sflag:s0] =	ssyncadd.tile.s32 @!p0 $0x1;
	_ =	shalt  }
.Lfunc_end2:
_tile_overlayer_lowered:
.L_overlay_start_2:
0x18f: {  	(tag) =	ssettag $0x2  }
0x190: {  	s0 =	rddreg [dreg:$0x0];
	s2 =	stileid.u32  }
0x191: {  	s1 =	rddreg [dreg:$0x1];
	p0 =	sne.s32 s2, $0x0  }
0x192: {  	s3 =	rddreg [dreg:$0x2];
	[bflag:$0x3] =	sbarrier.arrive $0xFFFF;
	s2 =	simm.s32 @!p0 $0x1C06  }
0x193: {  	[timem:s3], [sflag:s2] =	dma.local @!p0 [hbm:s0], s1  }
0x194: {  	s0 =	simm.s32 @!p0 $0x6  }
0x195: {  	_ =	swait.ge @!p0 [sflag:s0], s1  }
0x196: {  	s1 =	ssub.s32 @!p0 $0x0, s1;
	[sflag:s0] =	ssyncset.done @!p0 $0x0  }
0x197: {  	[sflag:s0] =	ssyncadd.s32 @!p0 s1  }
0x198: {  	[bflag:$0x3] =	sbarrier.arrive $0xFFFF  }
0x199: {  	_ =	shalt  }

// kernel: kernel.9.cloned.1.call-start
scs
__scs_entry_jumppad:
0x0: {  	(pc) =	sbr.rel $0x88, $3  }
0x1: {  	(tag) =	ssettag $0x0;
	lr =	simm.s32 $0x1  }
0x2: {  	[smem:$0x3F97] =	sst lr;
	_ =	strace $0xD0000000  }
0x3: {  	_ = 	snop  }
0x4: {  	_ = 	snop  }
0x5: {  	_ = 	snop  }
0x6: {  	_ = 	snop  }
0x7: {  	_ = 	snop  }
__scs_overlays_trampoline_lowered:
0x8: {  	[smem:$0x3FA6] =	sst s0  }
0x9: {  	[smem:$0x3FA7] =	sst s1  }
0xa: {  	[smem:$0x3FA8] =	sst s2  }
0xb: {  	[smem:$0x3FA9] =	sst s3  }
0xc: {  	[smem:$0x3FAA] =	sst s4  }
0xd: {  	[smem:$0x3FAB] =	sst s5  }
0xe: {  	[smem:$0x3FAC] =	sst s6  }
0xf: {  	[smem:$0x3FAD] =	sst s7  }
0x10: {  	[smem:$0x3FAE] =	sst s8  }
0x11: {  	[smem:$0x3FAF] =	sst s9;
	s0 =	simm.s32 @!p0 $0x0  }
0x12: {  	s1 =	sld [smem:$0x3F95];
	s0 =	simm.s32 @p0 $0x1  }
0x13: {  	[smem:$0x3FB0] =	sst s0;
	s0 =	simm.s32 @!p1 $0x0  }
0x14: {  	s2 =	sld [smem:$0x3F94];
	s0 =	simm.s32 @p1 $0x1  }
0x15: {  	[smem:$0x3FB1] =	sst s0;
	s0 =	simm.s32 @!p2 $0x0  }
0x16: {  	s3 =	sld [smem:$0x3FDB];
	s0 =	simm.s32 @p2 $0x1  }
0x17: {  	s4 =	simm.s32 $0x1BF5;
	[smem:$0x3FB3] =	sst s0  }
0x18: {  	s0 =	sld [smem:$0x3F96];
	_ =	swait.ge [sflag:s4], $0x0  }
0x19: {  	s7 =	sld [smem:$0x3F97]  }
0x1a: {  	s8 =	sadd.s32 $0xFFFFE003, lr  }
0x1b: {  	s9 =	sadd.s32 $0xFFFFFEF7, lr;
	s5 =	simm.s32 $0xFFFFFFFF;
	p2 =	slt.u32 s8, $0xFFFFF086  }
0x1c: {  	p1 =	slt.u32 s9, $0xF7A;
	s5 =	simm.s32 @!p2 $0x0  }
0x1d: {  	s5 =	simm.s32 @p1 $0x1;
	p0 =	seq.s32 s7, s2  }
0x1e: {  	s7 =	smul.u32 @!p0 $0xF7A, s2;
	p2 =	seq.s32 @!p0 s5, $0x0  }
0x1f: {  	s9 =	smul.u32 $0xF7A, s1;
	s8 =	simm.s32 @!p0 $0x1BF5;
	p2 =	por !p2, p0  }
0x20: {  	[sflag:s8] =	ssyncset.s32 @!p0 $0xFFFFF086;
	s6 =	sadd.s32 @!p0 s3, s7;
	s7 =	simm.s32 @!p0 $0x108  }
0x21: {  	s3 =	sadd.s32 s3, s9;
	s6 =	sadd.s32 @!p0 $0x88, s6;
	s7 =	simm.s32 @p2 $0x1082  }
0x22: {  	[simem:s7], [sflag:s8] =	dma.local @!p0 [hbm:s6], $0xF7A  }
0x23: {  	s9 =	sor.u32 $0xD0000000, s2;
	s6 =	simm.s32 $0x108;
	_ =	swait.ge @!p0 [sflag:s8], $0x0  }
0x24: {  	s3 =	sadd.s32 $0x88, s3;
	s6 =	simm.s32 @!p1 $0x1082;
	[sflag:s4] =	ssyncset.s32 $0xFFFFF086  }
0x25: {  	[simem:s6], [sflag:s4] =	dma.local [hbm:s3], $0xF7A  }
0x26: {  	[smem:$0x3F97] =	sst s1;
	(tag) =	ssettag s2;
	_ =	strace s9  }
0x27: {  	s1 =	sld [smem:$0x3FA7]  }
0x28: {  	s2 =	sld [smem:$0x3FA8]  }
0x29: {  	s4 =	sld [smem:$0x3FAA]  }
0x2a: {  	p0 =	seq.s32 s5, $0x0;
	s5 =	sld [smem:$0x3FAB]  }
0x2b: {  	s6 =	sld [smem:$0x3FAC]  }
0x2c: {  	s7 =	sld [smem:$0x3FAD]  }
0x2d: {  	s3 =	simm.s32 $0x108;
	s8 =	sld [smem:$0x3FAE]  }
0x2e: {  	s3 =	simm.s32 @!p0 $0x1082;
	s9 =	sld [smem:$0x3FAF]  }
0x2f: {  	lr =	sadd.s32 s0, s3;
	s0 =	sld [smem:$0x3FA6]  }
0x30: {  	s3 =	sld [smem:$0x3FA9]  }
0x31: {  	[smem:$0x3FB2] =	sst s10  }
0x32: {  	s10 =	sld [smem:$0x3FB0];
	_ =	sdelay $0x3  }
0x33: {  	p0 =	seq.s32 s10, $0x1;
	s10 =	sld [smem:$0x3FB2];
	_ =	sdelay $0x3  }
0x34: {  	[smem:$0x3FB2] =	sst s10  }
0x35: {  	s10 =	sld [smem:$0x3FB1];
	_ =	sdelay $0x3  }
0x36: {  	p1 =	seq.s32 s10, $0x1;
	s10 =	sld [smem:$0x3FB2];
	_ =	sdelay $0x3  }
0x37: {  	[smem:$0x3FB2] =	sst s10  }
0x38: {  	s10 =	sld [smem:$0x3FB3]  }
0x39: {  	_ = 	snop;
	(pc) =	sbr.ind lr, $3  }
0x3a: {  	_ = 	snop  }
0x3b: {  	_ = 	snop  }
0x3c: {  	p2 =	seq.s32 s10, $0x1;
	s10 =	sld [smem:$0x3FB2]  }
0x3d: {  	_ =	shalt  }
0x3e: {  	_ =	shalt  }
0x3f: {  	_ =	shalt  }
0x40: {  	_ =	shalt  }
0x41: {  	_ =	shalt  }
0x42: {  	_ =	shalt  }
0x43: {  	_ =	shalt  }
0x44: {  	_ =	shalt  }
0x45: {  	_ =	shalt  }
0x46: {  	_ =	shalt  }
0x47: {  	_ =	shalt  }
0x48: {  	_ =	shalt  }
0x49: {  	_ =	shalt  }
0x4a: {  	_ =	shalt  }
0x4b: {  	_ =	shalt  }
0x4c: {  	_ =	shalt  }
0x4d: {  	_ =	shalt  }
0x4e: {  	_ =	shalt  }
0x4f: {  	_ =	shalt  }
0x50: {  	_ =	shalt  }
0x51: {  	_ =	shalt  }
0x52: {  	_ =	shalt  }
0x53: {  	_ =	shalt  }
0x54: {  	_ =	shalt  }
0x55: {  	_ =	shalt  }
0x56: {  	_ =	shalt  }
0x57: {  	_ =	shalt  }
0x58: {  	_ =	shalt  }
0x59: {  	_ =	shalt  }
0x5a: {  	_ =	shalt  }
0x5b: {  	_ =	shalt  }
0x5c: {  	_ =	shalt  }
0x5d: {  	_ =	shalt  }
0x5e: {  	_ =	shalt  }
0x5f: {  	_ =	shalt  }
0x60: {  	_ =	shalt  }
0x61: {  	_ =	shalt  }
0x62: {  	_ =	shalt  }
0x63: {  	_ =	shalt  }
0x64: {  	_ =	shalt  }
0x65: {  	_ =	shalt  }
0x66: {  	_ =	shalt  }
0x67: {  	_ =	shalt  }
0x68: {  	_ =	shalt  }
0x69: {  	_ =	shalt  }
0x6a: {  	_ =	shalt  }
0x6b: {  	_ =	shalt  }
0x6c: {  	_ =	shalt  }
0x6d: {  	_ =	shalt  }
0x6e: {  	_ =	shalt  }
0x6f: {  	_ =	shalt  }
0x70: {  	_ =	shalt  }
0x71: {  	_ =	shalt  }
0x72: {  	_ =	shalt  }
0x73: {  	_ =	shalt  }
0x74: {  	_ =	shalt  }
0x75: {  	_ =	shalt  }
0x76: {  	_ =	shalt  }
0x77: {  	_ =	shalt  }
0x78: {  	_ =	shalt  }
0x79: {  	_ =	shalt  }
0x7a: {  	_ =	shalt  }
0x7b: {  	_ =	shalt  }
0x7c: {  	_ =	shalt  }
0x7d: {  	_ =	shalt  }
0x7e: {  	_ =	shalt  }
0x7f: {  	_ =	shalt  }
0x80: {  	_ =	shalt  }
0x81: {  	_ =	shalt  }
0x82: {  	_ =	shalt  }
0x83: {  	_ =	shalt  }
0x84: {  	_ =	shalt  }
0x85: {  	_ =	shalt  }
0x86: {  	_ =	shalt  }
0x87: {  	_ =	shalt  }
.Lfunc_end0:
.L_simem_size_0:
called_computation.1_lowered:
.L_overlay_start_0:
0x88: {  	s2 =	sld [smem:$0x3FD9]  }
0x89: {  	s3 =	sld [smem:$0x3FFE];
	_ =	sdelay $0x1  }
0x8a: {  	s1 =	srdreg.scid  }
0x8b: {  	s0 =	sand.u32 $0x1, s1  }
0x8c: {  	s17 =	sshll.u32 s0, $0xA;
	s2 =	sadd.s32 s3, s2  }
0x8d: {  	s2 =	sadd.s32 s2, s17  }
0x8e: {  	[smem:$0x3FBE] =	sst s2  }
0x8f: {  	_ = 	snop  }
0x90: {  	s2 =	sld [smem:$0x3FD0];
	(tm) =	ssettm $0x1  }
0x91: {  	s18 =	sld [smem:$0x3FFB];
	_ =	sdelay $0x3  }
0x92: {  	_ =	strace s18  }
0x93: {  	s3 =	sld [smem:$0x3FFC];
	_ =	sdelay $0x3  }
0x94: {  	_ =	strace s3  }
0x95: {  	s3 =	sld [smem:$0x3FFD];
	_ =	sdelay $0x3  }
0x96: {  	_ =	strace s3  }
0x97: {  	_ =	strace $0x8FFFFFFF  }
0x98: {  	s19 =	sld [smem:$0x3FDB];
	_ =	sdelay $0x1  }
0x99: {  	s4 =	simm.s32 $_scs_section_size  }
0x9a: {  	s5 =	simm.s32 $_size__tile_overlayer_lowered;
	s6 =	simm.s32 $_tile_overlayer_lowered  }
0x9b: {  	s22 =	simm.s32 $0x1BFF;
	s21 =	sshll.u32 s6, $0x1;
	s3 =	sadd.s32 s4, s19  }
0x9c: {  	s7 =	simm.s32 $0x0;
	s20 =	sshll.u32 s5, $0x1;
	s5 =	sadd.s32 s21, s3  }
0x9d: {  	[timem:s7], [sflag:s22] =	dma.local [hbm:s5], s20  }
0x9e: {  	_ =	swait.ge [sflag:s22], s20  }
0x9f: {  	s4 =	ssub.s32 $0x0, s20;
	[sflag:s22] =	ssyncset.done $0x0  }
0xa0: {  	[sflag:s22] =	ssyncadd.s32 s4;
	_ =	sdelay $0x1  }
0xa1: {  	s23 =	simm.s32 $0x1B8B  }
0xa2: {  	_ =	swait.ge [sflag:s23], $0x1  }
0xa3: {  	[sflag:s23] =	ssyncset.done $0x0  }
0xa4: {  	s25 =	simm.s32 $0x1B8E;
	s24 =	sld [smem:$0x3FFE];
	[sflag:s23] =	ssyncadd.s32 $0xFFFFFFFF  }
0xa5: {  	s26 =	simm.s32 $execute0_lowered;
	[smem:$0x3FD2] =	sst s25  }
0xa6: {  	s5 =	sshll.u32 s26, $0x1;
	_ =	strace $0x80000049;
	[dreg:$0x1] =	wrdreg $0xFFFFFFFF  }
0xa7: {  	s28 =	simm.s32 $_size_execute0_lowered;
	s3 =	sadd.s32 s3, s5;
	[dreg:$0x0] =	wrdreg $0x0  }
0xa8: {  	s5 =	sshll.u32 s28, $0x1;
	[dreg:$0x2] =	wrdreg s3  }
0xa9: {  	[dreg:$0x3] =	wrdreg s5  }
0xaa: {  	[dreg:$0x4] =	wrdreg $0xC0  }
0xab: {  	_ =	task [dreg:s7], $0x5FFFF  }
0xac: {  	[dreg:$0x1] =	wrdreg $0xFFFFFFFF  }
0xad: {  	[dreg:$0x0] =	wrdreg $0x60  }
0xae: {  	[dreg:$0x2] =	wrdreg s24  }
0xaf: {  	[dreg:$0x3] =	wrdreg s2  }
0xb0: {  	[dreg:$0x4] =	wrdreg $0x0  }
0xb1: {  	[dreg:$0x5] =	wrdreg $0x9  }
0xb2: {  	_ =	task.clear_ibuf [dreg:s7], $0x6FFFF;
	_ =	strace $0x90000049  }
0xb3: {  	s29 =	simm.s32 $0x9;
	_ =	strace $0x8000004B  }
0xb4: {  	_ =	swait.ge [sflag:s29], $0x1  }
0xb5: {  	[sflag:s29] =	ssyncadd.s32 $0xFFFFFFFF  }
0xb6: {  	_ =	strace $0x9000004B  }
0xb7: {  	_ =	sfence  }
0xb8: {  	s30 =	sld [smem:$0x0];
	_ =	sdelay $0x2  }
0xb9: {  	s31 =	sshll.u32 s1, $0xD;
	s1 =	sshrl.u32 s1, $0x2  }
0xba: {  	s3 =	sand.u32 $0x4000, s31;
	s1 =	sadd.s32 s1, s30  }
0xbb: {  	s0 =	sor.u32 s3, s0;
	s1 =	sshll.u32 s1, $0x11  }
0xbc: {  	s0 =	sor.u32 s1, s0  }
0xbd: {  	s0 =	sadd.s32 $0x8F2B, s0  }
0xbe: {  	[sflag:s0] =	ssyncadd.remote.s32 $0x1  }
0xbf: {  	_ =	sfence.sel $0xFFFF  }
0xc0: {  	[dreg:$0x0] =	wrdreg $0xFFFFFFFF;
	(pc) =	sbr.abs _section_cstart, $3  }
0xc1: {  	[dreg:$0x1] =	wrdreg $0xFFFFFFFF  }
0xc2: {  	_ =	task.clear_ibuf [dreg:s7], $0x2FFFF;
	_ =	strace $0x9FFFFFFF  }
0xc3: {  	(tm) =	ssettm $0x7FFFFFFF  }
tec
execute0_lowered:
.L_overlay_start_1:
0x0: {  	(tag) =	ssettag $0x1  }
0x1: {  	s1 =	rddreg [dreg:$0x0]  }
0x2: {  	s0 =	srdreg.scid;
	s3 =	rddreg [dreg:$0x1]  }
0x3: {  	s11 =	stileid.u32;
	s2 =	rddreg [dreg:$0x2]  }
0x4: {  	s6 =	simm.s32 $0x0;
	s12 =	simm.s32 $0x14000;
	s14 =	simm.s32 $0x20  }
0x5: {  	s15 =	simm.s32 $0x16800;
	s17 =	simm.s32 $0x17800;
	s19 =	simm.s32 $0x18800  }
0x6: {  	s28 =	simm.s32 $0x140C0;
	s29 =	simm.s32 $0x1C800;
	s30 =	simm.s32 $0x140E0  }
0x7: {  	s31 =	simm.s32 $0x1D800;
	s13 =	simm.s32 $0x4;
	s16 =	simm.s32 $0x16700  }
0x8: {  	s18 =	simm.s32 $0x0;
	s0 =	sand.u32 $0x1, s0;
	s9 =	smul.u32 $0x2800, s11  }
0x9: {  	[smem:$0x7FF] =	sst s6;
	s7 =	smul.u32 $0x50000, s11;
	s24 =	sshll.u32 s11, $0x6  }
0xa: {  	s4 =	sshll.u32 s0, $0x4;
	_ =	strace $0x8000004A;
	s21 =	smul.u32 $0x28000, s0  }
0xb: {  	s0 =	ssub.s32 $0x2, s0;
	s6 =	sor.u32 $0x1C05, s24;
	s4 =	sor.u32 s11, s4  }
0xc: {  	s10 =	sadd.s32 s9, s1;
	s22 =	sshrl.u32 s0, $0x1;
	s23 =	sshrl.u32 s7, $0x2  }
0xd: {  	s11 =	simm.s32 $0x5;
	s5 =	smul.u32 $0x500, s4;
	s4 =	sadd.s32 $0x82C00, s1  }
0xe: {  	s0 =	ssub.s32 s0, s22;
	s25 =	sadd.s32 s23, s2;
	s26 =	sadd.s32 $0xC200, s10  }
0xf: {  	s23 =	simm.s32 $0x1A800;
	[dreg:$0x4] =	wrdreg s26;
	s0 =	smax.u32 s0, $0x1  }
0x10: {  	s10 =	sshrl.u32 s25, $0x3;
	s26 =	simm.s32 $0x1B800;
	s8 =	sadd.s32 s5, s1  }
0x11: {  	s1 =	sadd.s32 s21, s1;
	s7 =	sadd.s32 s3, s5;
	[dreg:$0x5] =	wrdreg s0  }
0x12: {  	s21 =	simm.s32 $0x19800;
	s0 =	simm.s32 $0x80;
	s3 =	simm.s32 $0x3  }
0x13: {  	s5 =	simm.s32 $0x2;
	s8 =	sadd.s32 $0x2200, s8;
	s1 =	sadd.s32 $0xA9E00, s1  }
0x14: {  	s24 =	sadd.s32 s9, s1;
	s1 =	simm.s32 $0x1;
	s9 =	simm.s32 $0x16780  }
.LBB2_1:
0x15: {  	s20 =	rddreg [dreg:$0x4]  }
0x16: {  	[spmem:s10], [sflag:s6] =	dma.local [hbm:s20], $0x2800  }
0x17: {  	_ =	swait.ge [sflag:s11], $0x2800  }
0x18: {  	[sflag:s11] =	ssyncset.done $0x0  }
0x19: {  	[sflag:s11] =	ssyncadd.s32 $0xFFFFD800  }
0x1a: {  	s25 =	simm.s32 $0x0;
	[bflag:$0x0] =	sbarrier.arrive $0xFFFF  }
0x1b: {  	[tilespmem:s12], [sflag:$0x5] =	stream.linear.gather [hbm4b:s7+s25], $0x1400, $0x38;
	[tilespmem:$0x1E800] =	vst v63  }
0x1c: {  	_ =	swait.ge [sflag:s11], $0x1400  }
0x1d: {  	[sflag:s11] =	ssyncset.done $0x0  }
0x1e: {  	s22 =	simm.s32 $0x15400;
	[sflag:s11] =	ssyncadd.s32 $0xFFFFEC00  }
0x1f: {  	[tilespmem:s22], [sflag:$0x5] =	stream.linear.gather [hbm4b:s8+s25], $0x1400, $0x38;
	[tilespmem:$0x1E800] =	vst v63  }
0x20: {  	_ =	swait.ge [sflag:s11], $0x1400  }
0x21: {  	[sflag:s11] =	ssyncset.done $0x0  }
0x22: {  	[sflag:s11] =	ssyncadd.s32 $0xFFFFEC00  }
0x23: {  	[tilespmem:s15], [sflag:$0x1] =	stream.indirect.gather [hbm4b:s4+s14], $0x80, s12, s14, $0xb8;
	[tilespmem:$0x1E800] =	vst v63  }
0x24: {  	s22 =	simm.s32 $0x14020  }
0x25: {  	[tilespmem:s17], [sflag:$0x1] =	stream.indirect.gather [hbm4b:s4+s14], $0x80, s22, s14, $0xb8;
	[tilespmem:$0x1E800] =	vst v63  }
0x26: {  	s25 =	simm.s32 $0x14040  }
0x27: {  	[tilespmem:s19], [sflag:$0x1] =	stream.indirect.gather [hbm4b:s4+s14], $0x80, s25, s14, $0xb8;
	[tilespmem:$0x1E800] =	vst v63  }
0x28: {  	s22 =	simm.s32 $0x14060  }
0x29: {  	[tilespmem:s21], [sflag:$0x1] =	stream.indirect.gather [hbm4b:s4+s14], $0x80, s22, s14, $0xb8;
	[tilespmem:$0x1E800] =	vst v63  }
0x2a: {  	s25 =	simm.s32 $0x14080  }
0x2b: {  	[tilespmem:s23], [sflag:$0x2] =	stream.indirect.gather [hbm4b:s4+s14], $0x80, s25, s14, $0xb8;
	[tilespmem:$0x1E800] =	vst v63  }
0x2c: {  	s22 =	simm.s32 $0x140A0  }
0x2d: {  	[tilespmem:s26], [sflag:$0x2] =	stream.indirect.gather [hbm4b:s4+s14], $0x80, s22, s14, $0xb8;
	[tilespmem:$0x1E800] =	vst v63  }
0x2e: {  	_ = 	snop  }
0x2f: {  	[tilespmem:s29], [sflag:$0x2] =	stream.indirect.gather [hbm4b:s4+s14], $0x80, s28, s14, $0xb8;
	[tilespmem:$0x1E800] =	vst v63  }
0x30: {  	_ = 	snop  }
0x31: {  	[tilespmem:s31], [sflag:$0x2] =	stream.indirect.gather [hbm4b:s4+s14], $0x80, s30, s14, $0xb8;
	[tilespmem:$0x1E800] =	vst v63  }
0x32: {  	_ =	swait.ge [sflag:s1], $0x1000  }
0x33: {  	[sflag:s1] =	ssyncset.done $0x0  }
0x34: {  	[sflag:s1] =	ssyncadd.s32 $0xFFFFF000  }
0x35: {  	_ =	swait.ge [sflag:s1], $0x1000  }
0x36: {  	[sflag:s1] =	ssyncset.done $0x0  }
0x37: {  	[sflag:s1] =	ssyncadd.s32 $0xFFFFF000  }
0x38: {  	_ =	swait.ge [sflag:s1], $0x1000  }
0x39: {  	[sflag:s1] =	ssyncset.done $0x0  }
0x3a: {  	[sflag:s1] =	ssyncadd.s32 $0xFFFFF000  }
0x3b: {  	_ =	swait.ge [sflag:s1], $0x1000  }
0x3c: {  	[sflag:s1] =	ssyncset.done $0x0  }
0x3d: {  	s25 =	simm.s32 $0x15400;
	[sflag:s1] =	ssyncadd.s32 $0xFFFFF000  }
0x3e: {  	[spmem:s2] =	stream.indirect.scatter.add.f32 [tilespmem:s15], [sflag:$0x3], $0x80, s25, s0, $0xb8;
	[tilespmem:$0x1E800] =	vst v63  }
0x3f: {  	_ =	swait.ge [sflag:s3], $0x4000  }
0x40: {  	[sflag:s3] =	ssyncset.done $0x0  }
0x41: {  	s22 =	simm.s32 $0x14100;
	[sflag:s3] =	ssyncadd.s32 $0xFFFFC000  }
0x42: {  	[tilespmem:s15], [sflag:$0x1] =	stream.indirect.gather [hbm4b:s4+s14], $0x80, s22, s14, $0xb8;
	[tilespmem:$0x1E800] =	vst v63  }
0x43: {  	s25 =	simm.s32 $0x14120  }
0x44: {  	[tilespmem:s17], [sflag:$0x1] =	stream.indirect.gather [hbm4b:s4+s14], $0x80, s25, s14, $0xb8;
	[tilespmem:$0x1E800] =	vst v63  }
0x45: {  	s22 =	simm.s32 $0x14140  }
0x46: {  	[tilespmem:s19], [sflag:$0x1] =	stream.indirect.gather [hbm4b:s4+s14], $0x80, s22, s14, $0xb8;
	[tilespmem:$0x1E800] =	vst v63  }
0x47: {  	s25 =	simm.s32 $0x14160  }
0x48: {  	[tilespmem:s21], [sflag:$0x1] =	stream.indirect.gather [hbm4b:s4+s14], $0x80, s25, s14, $0xb8;
	[tilespmem:$0x1E800] =	vst v63  }
0x49: {  	_ =	swait.ge [sflag:s5], $0x1000  }
0x4a: {  	[sflag:s5] =	ssyncset.done $0x0  }
0x4b: {  	[sflag:s5] =	ssyncadd.s32 $0xFFFFF000  }
0x4c: {  	_ =	swait.ge [sflag:s5], $0x1000  }
0x4d: {  	[sflag:s5] =	ssyncset.done $0x0  }
0x4e: {  	[sflag:s5] =	ssyncadd.s32 $0xFFFFF000  }
0x4f: {  	_ =	swait.ge [sflag:s5], $0x1000  }
0x50: {  	[sflag:s5] =	ssyncset.done $0x0  }
0x51: {  	[sflag:s5] =	ssyncadd.s32 $0xFFFFF000  }
0x52: {  	_ =	swait.ge [sflag:s5], $0x1000  }
0x53: {  	[sflag:s5] =	ssyncset.done $0x0  }
0x54: {  	s22 =	simm.s32 $0x15480;
	[sflag:s5] =	ssyncadd.s32 $0xFFFFF000  }
0x55: {  	[spmem:s2] =	stream.indirect.scatter.add.f32 [tilespmem:s23], [sflag:$0x4], $0x80, s22, s0, $0xb8;
	[tilespmem:$0x1E800] =	vst v63  }
0x56: {  	_ =	swait.ge [sflag:s13], $0x4000  }
0x57: {  	[sflag:s13] =	ssyncset.done $0x0  }
0x58: {  	s25 =	simm.s32 $0x14180;
	[sflag:s13] =	ssyncadd.s32 $0xFFFFC000  }
0x59: {  	[tilespmem:s23], [sflag:$0x2] =	stream.indirect.gather [hbm4b:s4+s14], $0x80, s25, s14, $0xb8;
	[tilespmem:$0x1E800] =	vst v63  }
0x5a: {  	s22 =	simm.s32 $0x141A0  }
0x5b: {  	[tilespmem:s26], [sflag:$0x2] =	stream.indirect.gather [hbm4b:s4+s14], $0x80, s22, s14, $0xb8;
	[tilespmem:$0x1E800] =	vst v63  }
0x5c: {  	s20 =	simm.s32 $0x400;
	s25 =	simm.s32 $0x141C0;
	s22 =	simm.s32 $0x141E0  }
0x5d: {  	[tilespmem:s29], [sflag:$0x2] =	stream.indirect.gather [hbm4b:s4+s14], $0x80, s25, s14, $0xb8;
	[tilespmem:$0x1E800] =	vst v63  }
.LBB2_2:
0x5e: {  	[tilespmem:s31], [sflag:$0x2] =	stream.indirect.gather [hbm4b:s4+s14], $0x80, s22, s14, $0xb8;
	[tilespmem:$0x1E800] =	vst v63  }
0x5f: {  	s22 =	smov.u32 s20  }
0x60: {  	p0 =	sne.s32 s20, $0x4800;
	s20 =	sadd.s32 $0x400, s20;
	_ =	swait.ge [sflag:s1], $0x1000  }
0x61: {  	[sflag:s1] =	ssyncset.done $0x0  }
0x62: {  	[sflag:s1] =	ssyncadd.s32 $0xFFFFF000  }
0x63: {  	_ =	swait.ge [sflag:s1], $0x1000  }
0x64: {  	[sflag:s1] =	ssyncset.done $0x0  }
0x65: {  	[sflag:s1] =	ssyncadd.s32 $0xFFFFF000  }
0x66: {  	_ =	swait.ge [sflag:s1], $0x1000  }
0x67: {  	[sflag:s1] =	ssyncset.done $0x0  }
0x68: {  	[sflag:s1] =	ssyncadd.s32 $0xFFFFF000  }
0x69: {  	_ =	swait.ge [sflag:s1], $0x1000  }
0x6a: {  	s22 =	sshra.s32 s22, $0x2;
	[sflag:s1] =	ssyncset.done $0x0  }
0x6b: {  	s25 =	sadd.s32 $0x15400, s22;
	[sflag:s1] =	ssyncadd.s32 $0xFFFFF000  }
0x6c: {  	[spmem:s2] =	stream.indirect.scatter.add.f32 [tilespmem:s15], [sflag:$0x3], $0x80, s25, s0, $0xb8;
	[tilespmem:$0x1E800] =	vst v63  }
0x6d: {  	_ =	swait.ge [sflag:s3], $0x4000  }
0x6e: {  	[sflag:s3] =	ssyncset.done $0x0  }
0x6f: {  	s25 =	sadd.s32 $0x14100, s22;
	[sflag:s3] =	ssyncadd.s32 $0xFFFFC000  }
0x70: {  	[tilespmem:s15], [sflag:$0x1] =	stream.indirect.gather [hbm4b:s4+s14], $0x80, s25, s14, $0xb8;
	[tilespmem:$0x1E800] =	vst v63  }
0x71: {  	s25 =	sadd.s32 $0x14120, s22  }
0x72: {  	[tilespmem:s17], [sflag:$0x1] =	stream.indirect.gather [hbm4b:s4+s14], $0x80, s25, s14, $0xb8;
	[tilespmem:$0x1E800] =	vst v63  }
0x73: {  	s25 =	sadd.s32 $0x14140, s22  }
0x74: {  	[tilespmem:s19], [sflag:$0x1] =	stream.indirect.gather [hbm4b:s4+s14], $0x80, s25, s14, $0xb8;
	[tilespmem:$0x1E800] =	vst v63  }
0x75: {  	s25 =	sadd.s32 $0x14160, s22  }
0x76: {  	[tilespmem:s21], [sflag:$0x1] =	stream.indirect.gather [hbm4b:s4+s14], $0x80, s25, s14, $0xb8;
	[tilespmem:$0x1E800] =	vst v63  }
0x77: {  	_ =	swait.ge [sflag:s5], $0x1000  }
0x78: {  	[sflag:s5] =	ssyncset.done $0x0  }
0x79: {  	[sflag:s5] =	ssyncadd.s32 $0xFFFFF000  }
0x7a: {  	_ =	swait.ge [sflag:s5], $0x1000  }
0x7b: {  	[sflag:s5] =	ssyncset.done $0x0  }
0x7c: {  	[sflag:s5] =	ssyncadd.s32 $0xFFFFF000  }
0x7d: {  	_ =	swait.ge [sflag:s5], $0x1000  }
0x7e: {  	[sflag:s5] =	ssyncset.done $0x0  }
0x7f: {  	[sflag:s5] =	ssyncadd.s32 $0xFFFFF000  }
0x80: {  	_ =	swait.ge [sflag:s5], $0x1000  }
0x81: {  	[sflag:s5] =	ssyncset.done $0x0  }
0x82: {  	s25 =	sadd.s32 $0x15480, s22;
	[sflag:s5] =	ssyncadd.s32 $0xFFFFF000  }
0x83: {  	[spmem:s2] =	stream.indirect.scatter.add.f32 [tilespmem:s23], [sflag:$0x4], $0x80, s25, s0, $0xb8;
	[tilespmem:$0x1E800] =	vst v63  }
0x84: {  	_ =	swait.ge [sflag:s13], $0x4000  }
0x85: {  	[sflag:s13] =	ssyncset.done $0x0  }
0x86: {  	s25 =	sadd.s32 $0x14180, s22;
	[sflag:s13] =	ssyncadd.s32 $0xFFFFC000  }
0x87: {  	[tilespmem:s23], [sflag:$0x2] =	stream.indirect.gather [hbm4b:s4+s14], $0x80, s25, s14, $0xb8;
	[tilespmem:$0x1E800] =	vst v63  }
.Ltmp0:
0x88: {  	s25 =	sadd.s32 $0x141A0, s22;
	(pc) =	sbr.rel @p0 .LBB2_2-.Ltmp0, $4  }
0x89: {  	[tilespmem:s26], [sflag:$0x2] =	stream.indirect.gather [hbm4b:s4+s14], $0x80, s25, s14, $0xb8;
	[tilespmem:$0x1E800] =	vst v63  }
0x8a: {  	s25 =	sadd.s32 $0x141C0, s22  }
0x8b: {  	[tilespmem:s29], [sflag:$0x2] =	stream.indirect.gather [hbm4b:s4+s14], $0x80, s25, s14, $0xb8;
	[tilespmem:$0x1E800] =	vst v63  }
0x8c: {  	s22 =	sadd.s32 $0x141E0, s22  }
0x8d: {  	[tilespmem:s31], [sflag:$0x2] =	stream.indirect.gather [hbm4b:s4+s14], $0x80, s22, s14, $0xb8;
	[tilespmem:$0x1E800] =	vst v63  }
0x8e: {  	_ =	swait.ge [sflag:s1], $0x1000  }
0x8f: {  	[sflag:s1] =	ssyncset.done $0x0  }
0x90: {  	[sflag:s1] =	ssyncadd.s32 $0xFFFFF000  }
0x91: {  	_ =	swait.ge [sflag:s1], $0x1000  }
0x92: {  	[sflag:s1] =	ssyncset.done $0x0  }
0x93: {  	[sflag:s1] =	ssyncadd.s32 $0xFFFFF000  }
0x94: {  	_ =	swait.ge [sflag:s1], $0x1000  }
0x95: {  	[sflag:s1] =	ssyncset.done $0x0  }
0x96: {  	[sflag:s1] =	ssyncadd.s32 $0xFFFFF000  }
0x97: {  	_ =	swait.ge [sflag:s1], $0x1000  }
0x98: {  	[sflag:s1] =	ssyncset.done $0x0  }
0x99: {  	[sflag:s1] =	ssyncadd.s32 $0xFFFFF000  }
0x9a: {  	[spmem:s2] =	stream.indirect.scatter.add.f32 [tilespmem:s15], [sflag:$0x3], $0x80, s16, s0, $0xb8;
	[tilespmem:$0x1E800] =	vst v63  }
0x9b: {  	_ =	swait.ge [sflag:s5], $0x1000  }
0x9c: {  	[sflag:s5] =	ssyncset.done $0x0  }
0x9d: {  	[sflag:s5] =	ssyncadd.s32 $0xFFFFF000  }
0x9e: {  	_ =	swait.ge [sflag:s5], $0x1000  }
0x9f: {  	[sflag:s5] =	ssyncset.done $0x0  }
0xa0: {  	[sflag:s5] =	ssyncadd.s32 $0xFFFFF000  }
0xa1: {  	_ =	swait.ge [sflag:s5], $0x1000  }
0xa2: {  	[sflag:s5] =	ssyncset.done $0x0  }
0xa3: {  	[sflag:s5] =	ssyncadd.s32 $0xFFFFF000  }
0xa4: {  	_ =	swait.ge [sflag:s5], $0x1000  }
0xa5: {  	[sflag:s5] =	ssyncset.done $0x0  }
0xa6: {  	[sflag:s5] =	ssyncadd.s32 $0xFFFFF000  }
0xa7: {  	[spmem:s2] =	stream.indirect.scatter.add.f32 [tilespmem:s23], [sflag:$0x4], $0x80, s9, s0, $0xb8;
	[tilespmem:$0x1E800] =	vst v63  }
0xa8: {  	_ =	swait.ge [sflag:s3], $0x4000  }
0xa9: {  	[sflag:s3] =	ssyncset.done $0x0  }
0xaa: {  	[sflag:s3] =	ssyncadd.s32 $0xFFFFC000  }
0xab: {  	_ =	swait.ge [sflag:s13], $0x4000  }
0xac: {  	[sflag:s13] =	ssyncset.done $0x0  }
0xad: {  	s20 =	sadd.s32 $0x280, s7;
	s22 =	simm.s32 $0x0;
	[sflag:s13] =	ssyncadd.s32 $0xFFFFC000  }
0xae: {  	[tilespmem:s12], [sflag:$0x5] =	stream.linear.gather [hbm4b:s20+s22], $0x1400, $0x38;
	[tilespmem:$0x1E800] =	vst v63  }
0xaf: {  	_ =	swait.ge [sflag:s11], $0x1400  }
0xb0: {  	[sflag:s11] =	ssyncset.done $0x0  }
0xb1: {  	s25 =	simm.s32 $0x15400;
	s20 =	sadd.s32 $0x280, s8;
	[sflag:s11] =	ssyncadd.s32 $0xFFFFEC00  }
0xb2: {  	[tilespmem:s25], [sflag:$0x5] =	stream.linear.gather [hbm4b:s20+s22], $0x1400, $0x38;
	[tilespmem:$0x1E800] =	vst v63  }
0xb3: {  	_ =	swait.ge [sflag:s11], $0x1400  }
0xb4: {  	[sflag:s11] =	ssyncset.done $0x0  }
0xb5: {  	[sflag:s11] =	ssyncadd.s32 $0xFFFFEC00  }
0xb6: {  	[tilespmem:s15], [sflag:$0x1] =	stream.indirect.gather [hbm4b:s4+s14], $0x80, s12, s14, $0xb8;
	[tilespmem:$0x1E800] =	vst v63  }
0xb7: {  	s22 =	simm.s32 $0x14020  }
0xb8: {  	[tilespmem:s17], [sflag:$0x1] =	stream.indirect.gather [hbm4b:s4+s14], $0x80, s22, s14, $0xb8;
	[tilespmem:$0x1E800] =	vst v63  }
0xb9: {  	s25 =	simm.s32 $0x14040  }
0xba: {  	[tilespmem:s19], [sflag:$0x1] =	stream.indirect.gather [hbm4b:s4+s14], $0x80, s25, s14, $0xb8;
	[tilespmem:$0x1E800] =	vst v63  }
0xbb: {  	s22 =	simm.s32 $0x14060  }
0xbc: {  	[tilespmem:s21], [sflag:$0x1] =	stream.indirect.gather [hbm4b:s4+s14], $0x80, s22, s14, $0xb8;
	[tilespmem:$0x1E800] =	vst v63  }
0xbd: {  	s25 =	simm.s32 $0x14080  }
0xbe: {  	[tilespmem:s23], [sflag:$0x2] =	stream.indirect.gather [hbm4b:s4+s14], $0x80, s25, s14, $0xb8;
	[tilespmem:$0x1E800] =	vst v63  }
0xbf: {  	s22 =	simm.s32 $0x140A0  }
0xc0: {  	[tilespmem:s26], [sflag:$0x2] =	stream.indirect.gather [hbm4b:s4+s14], $0x80, s22, s14, $0xb8;
	[tilespmem:$0x1E800] =	vst v63  }
0xc1: {  	_ = 	snop  }
0xc2: {  	[tilespmem:s29], [sflag:$0x2] =	stream.indirect.gather [hbm4b:s4+s14], $0x80, s28, s14, $0xb8;
	[tilespmem:$0x1E800] =	vst v63  }
0xc3: {  	_ = 	snop  }
0xc4: {  	[tilespmem:s31], [sflag:$0x2] =	stream.indirect.gather [hbm4b:s4+s14], $0x80, s30, s14, $0xb8;
	[tilespmem:$0x1E800] =	vst v63  }
0xc5: {  	_ =	swait.ge [sflag:s1], $0x1000  }
0xc6: {  	[sflag:s1] =	ssyncset.done $0x0  }
0xc7: {  	[sflag:s1] =	ssyncadd.s32 $0xFFFFF000  }
0xc8: {  	_ =	swait.ge [sflag:s1], $0x1000  }
0xc9: {  	[sflag:s1] =	ssyncset.done $0x0  }
0xca: {  	[sflag:s1] =	ssyncadd.s32 $0xFFFFF000  }
0xcb: {  	_ =	swait.ge [sflag:s1], $0x1000  }
0xcc: {  	[sflag:s1] =	ssyncset.done $0x0  }
0xcd: {  	[sflag:s1] =	ssyncadd.s32 $0xFFFFF000  }
0xce: {  	_ =	swait.ge [sflag:s1], $0x1000  }
0xcf: {  	[sflag:s1] =	ssyncset.done $0x0  }
0xd0: {  	s25 =	simm.s32 $0x15400;
	[sflag:s1] =	ssyncadd.s32 $0xFFFFF000  }
0xd1: {  	[spmem:s2] =	stream.indirect.scatter.add.f32 [tilespmem:s15], [sflag:$0x3], $0x80, s25, s0, $0xb8;
	[tilespmem:$0x1E800] =	vst v63  }
0xd2: {  	_ =	swait.ge [sflag:s3], $0x4000  }
0xd3: {  	[sflag:s3] =	ssyncset.done $0x0  }
0xd4: {  	s22 =	simm.s32 $0x14100;
	[sflag:s3] =	ssyncadd.s32 $0xFFFFC000  }
0xd5: {  	[tilespmem:s15], [sflag:$0x1] =	stream.indirect.gather [hbm4b:s4+s14], $0x80, s22, s14, $0xb8;
	[tilespmem:$0x1E800] =	vst v63  }
0xd6: {  	s25 =	simm.s32 $0x14120  }
0xd7: {  	[tilespmem:s17], [sflag:$0x1] =	stream.indirect.gather [hbm4b:s4+s14], $0x80, s25, s14, $0xb8;
	[tilespmem:$0x1E800] =	vst v63  }
0xd8: {  	s22 =	simm.s32 $0x14140  }
0xd9: {  	[tilespmem:s19], [sflag:$0x1] =	stream.indirect.gather [hbm4b:s4+s14], $0x80, s22, s14, $0xb8;
	[tilespmem:$0x1E800] =	vst v63  }
0xda: {  	s25 =	simm.s32 $0x14160  }
0xdb: {  	[tilespmem:s21], [sflag:$0x1] =	stream.indirect.gather [hbm4b:s4+s14], $0x80, s25, s14, $0xb8;
	[tilespmem:$0x1E800] =	vst v63  }
0xdc: {  	_ =	swait.ge [sflag:s5], $0x1000  }
0xdd: {  	[sflag:s5] =	ssyncset.done $0x0  }
0xde: {  	[sflag:s5] =	ssyncadd.s32 $0xFFFFF000  }
0xdf: {  	_ =	swait.ge [sflag:s5], $0x1000  }
0xe0: {  	[sflag:s5] =	ssyncset.done $0x0  }
0xe1: {  	[sflag:s5] =	ssyncadd.s32 $0xFFFFF000  }
0xe2: {  	_ =	swait.ge [sflag:s5], $0x1000  }
0xe3: {  	[sflag:s5] =	ssyncset.done $0x0  }
0xe4: {  	[sflag:s5] =	ssyncadd.s32 $0xFFFFF000  }
0xe5: {  	_ =	swait.ge [sflag:s5], $0x1000  }
0xe6: {  	[sflag:s5] =	ssyncset.done $0x0  }
0xe7: {  	s22 =	simm.s32 $0x15480;
	[sflag:s5] =	ssyncadd.s32 $0xFFFFF000  }
0xe8: {  	[spmem:s2] =	stream.indirect.scatter.add.f32 [tilespmem:s23], [sflag:$0x4], $0x80, s22, s0, $0xb8;
	[tilespmem:$0x1E800] =	vst v63  }
0xe9: {  	_ =	swait.ge [sflag:s13], $0x4000  }
0xea: {  	[sflag:s13] =	ssyncset.done $0x0  }
0xeb: {  	s25 =	simm.s32 $0x14180;
	[sflag:s13] =	ssyncadd.s32 $0xFFFFC000  }
0xec: {  	[tilespmem:s23], [sflag:$0x2] =	stream.indirect.gather [hbm4b:s4+s14], $0x80, s25, s14, $0xb8;
	[tilespmem:$0x1E800] =	vst v63  }
0xed: {  	s22 =	simm.s32 $0x141A0  }
0xee: {  	[tilespmem:s26], [sflag:$0x2] =	stream.indirect.gather [hbm4b:s4+s14], $0x80, s22, s14, $0xb8;
	[tilespmem:$0x1E800] =	vst v63  }
0xef: {  	s20 =	simm.s32 $0x400;
	s25 =	simm.s32 $0x141C0;
	s22 =	simm.s32 $0x141E0  }
0xf0: {  	[tilespmem:s29], [sflag:$0x2] =	stream.indirect.gather [hbm4b:s4+s14], $0x80, s25, s14, $0xb8;
	[tilespmem:$0x1E800] =	vst v63  }
.LBB2_4:
0xf1: {  	[tilespmem:s31], [sflag:$0x2] =	stream.indirect.gather [hbm4b:s4+s14], $0x80, s22, s14, $0xb8;
	[tilespmem:$0x1E800] =	vst v63  }
0xf2: {  	s22 =	smov.u32 s20  }
0xf3: {  	p0 =	sne.s32 s20, $0x4800;
	s20 =	sadd.s32 $0x400, s20;
	_ =	swait.ge [sflag:s1], $0x1000  }
0xf4: {  	[sflag:s1] =	ssyncset.done $0x0  }
0xf5: {  	[sflag:s1] =	ssyncadd.s32 $0xFFFFF000  }
0xf6: {  	_ =	swait.ge [sflag:s1], $0x1000  }
0xf7: {  	[sflag:s1] =	ssyncset.done $0x0  }
0xf8: {  	[sflag:s1] =	ssyncadd.s32 $0xFFFFF000  }
0xf9: {  	_ =	swait.ge [sflag:s1], $0x1000  }
0xfa: {  	[sflag:s1] =	ssyncset.done $0x0  }
0xfb: {  	[sflag:s1] =	ssyncadd.s32 $0xFFFFF000  }
0xfc: {  	_ =	swait.ge [sflag:s1], $0x1000  }
0xfd: {  	s22 =	sshra.s32 s22, $0x2;
	[sflag:s1] =	ssyncset.done $0x0  }
0xfe: {  	s25 =	sadd.s32 $0x15400, s22;
	[sflag:s1] =	ssyncadd.s32 $0xFFFFF000  }
0xff: {  	[spmem:s2] =	stream.indirect.scatter.add.f32 [tilespmem:s15], [sflag:$0x3], $0x80, s25, s0, $0xb8;
	[tilespmem:$0x1E800] =	vst v63  }
0x100: {  	_ =	swait.ge [sflag:s3], $0x4000  }
0x101: {  	[sflag:s3] =	ssyncset.done $0x0  }
0x102: {  	s25 =	sadd.s32 $0x14100, s22;
	[sflag:s3] =	ssyncadd.s32 $0xFFFFC000  }
0x103: {  	[tilespmem:s15], [sflag:$0x1] =	stream.indirect.gather [hbm4b:s4+s14], $0x80, s25, s14, $0xb8;
	[tilespmem:$0x1E800] =	vst v63  }
0x104: {  	s25 =	sadd.s32 $0x14120, s22  }
0x105: {  	[tilespmem:s17], [sflag:$0x1] =	stream.indirect.gather [hbm4b:s4+s14], $0x80, s25, s14, $0xb8;
	[tilespmem:$0x1E800] =	vst v63  }
0x106: {  	s25 =	sadd.s32 $0x14140, s22  }
0x107: {  	[tilespmem:s19], [sflag:$0x1] =	stream.indirect.gather [hbm4b:s4+s14], $0x80, s25, s14, $0xb8;
	[tilespmem:$0x1E800] =	vst v63  }
0x108: {  	s25 =	sadd.s32 $0x14160, s22  }
0x109: {  	[tilespmem:s21], [sflag:$0x1] =	stream.indirect.gather [hbm4b:s4+s14], $0x80, s25, s14, $0xb8;
	[tilespmem:$0x1E800] =	vst v63  }
0x10a: {  	_ =	swait.ge [sflag:s5], $0x1000  }
0x10b: {  	[sflag:s5] =	ssyncset.done $0x0  }
0x10c: {  	[sflag:s5] =	ssyncadd.s32 $0xFFFFF000  }
0x10d: {  	_ =	swait.ge [sflag:s5], $0x1000  }
0x10e: {  	[sflag:s5] =	ssyncset.done $0x0  }
0x10f: {  	[sflag:s5] =	ssyncadd.s32 $0xFFFFF000  }
0x110: {  	_ =	swait.ge [sflag:s5], $0x1000  }
0x111: {  	[sflag:s5] =	ssyncset.done $0x0  }
0x112: {  	[sflag:s5] =	ssyncadd.s32 $0xFFFFF000  }
0x113: {  	_ =	swait.ge [sflag:s5], $0x1000  }
0x114: {  	[sflag:s5] =	ssyncset.done $0x0  }
0x115: {  	s25 =	sadd.s32 $0x15480, s22;
	[sflag:s5] =	ssyncadd.s32 $0xFFFFF000  }
0x116: {  	[spmem:s2] =	stream.indirect.scatter.add.f32 [tilespmem:s23], [sflag:$0x4], $0x80, s25, s0, $0xb8;
	[tilespmem:$0x1E800] =	vst v63  }
0x117: {  	_ =	swait.ge [sflag:s13], $0x4000  }
0x118: {  	[sflag:s13] =	ssyncset.done $0x0  }
0x119: {  	s25 =	sadd.s32 $0x14180, s22;
	[sflag:s13] =	ssyncadd.s32 $0xFFFFC000  }
0x11a: {  	[tilespmem:s23], [sflag:$0x2] =	stream.indirect.gather [hbm4b:s4+s14], $0x80, s25, s14, $0xb8;
	[tilespmem:$0x1E800] =	vst v63  }
.Ltmp1:
0x11b: {  	s25 =	sadd.s32 $0x141A0, s22;
	(pc) =	sbr.rel @p0 .LBB2_4-.Ltmp1, $4  }
0x11c: {  	[tilespmem:s26], [sflag:$0x2] =	stream.indirect.gather [hbm4b:s4+s14], $0x80, s25, s14, $0xb8;
	[tilespmem:$0x1E800] =	vst v63  }
0x11d: {  	s25 =	sadd.s32 $0x141C0, s22  }
0x11e: {  	[tilespmem:s29], [sflag:$0x2] =	stream.indirect.gather [hbm4b:s4+s14], $0x80, s25, s14, $0xb8;
	[tilespmem:$0x1E800] =	vst v63  }
0x11f: {  	s22 =	sadd.s32 $0x141E0, s22  }
0x120: {  	[tilespmem:s31], [sflag:$0x2] =	stream.indirect.gather [hbm4b:s4+s14], $0x80, s22, s14, $0xb8;
	[tilespmem:$0x1E800] =	vst v63  }
0x121: {  	_ =	swait.ge [sflag:s1], $0x1000  }
0x122: {  	[sflag:s1] =	ssyncset.done $0x0  }
0x123: {  	[sflag:s1] =	ssyncadd.s32 $0xFFFFF000  }
0x124: {  	_ =	swait.ge [sflag:s1], $0x1000  }
0x125: {  	[sflag:s1] =	ssyncset.done $0x0  }
0x126: {  	[sflag:s1] =	ssyncadd.s32 $0xFFFFF000  }
0x127: {  	_ =	swait.ge [sflag:s1], $0x1000  }
0x128: {  	[sflag:s1] =	ssyncset.done $0x0  }
0x129: {  	[sflag:s1] =	ssyncadd.s32 $0xFFFFF000  }
0x12a: {  	_ =	swait.ge [sflag:s1], $0x1000  }
0x12b: {  	[sflag:s1] =	ssyncset.done $0x0  }
0x12c: {  	[sflag:s1] =	ssyncadd.s32 $0xFFFFF000  }
0x12d: {  	[spmem:s2] =	stream.indirect.scatter.add.f32 [tilespmem:s15], [sflag:$0x3], $0x80, s16, s0, $0xb8;
	[tilespmem:$0x1E800] =	vst v63  }
0x12e: {  	_ =	swait.ge [sflag:s5], $0x1000  }
0x12f: {  	[sflag:s5] =	ssyncset.done $0x0  }
0x130: {  	[sflag:s5] =	ssyncadd.s32 $0xFFFFF000  }
0x131: {  	_ =	swait.ge [sflag:s5], $0x1000  }
0x132: {  	[sflag:s5] =	ssyncset.done $0x0  }
0x133: {  	[sflag:s5] =	ssyncadd.s32 $0xFFFFF000  }
0x134: {  	_ =	swait.ge [sflag:s5], $0x1000  }
0x135: {  	[sflag:s5] =	ssyncset.done $0x0  }
0x136: {  	[sflag:s5] =	ssyncadd.s32 $0xFFFFF000  }
0x137: {  	_ =	swait.ge [sflag:s5], $0x1000  }
0x138: {  	[sflag:s5] =	ssyncset.done $0x0  }
0x139: {  	[sflag:s5] =	ssyncadd.s32 $0xFFFFF000  }
0x13a: {  	[spmem:s2] =	stream.indirect.scatter.add.f32 [tilespmem:s23], [sflag:$0x4], $0x80, s9, s0, $0xb8;
	[tilespmem:$0x1E800] =	vst v63  }
0x13b: {  	_ =	swait.ge [sflag:s3], $0x4000  }
0x13c: {  	[sflag:s3] =	ssyncset.done $0x0  }
0x13d: {  	[sflag:s3] =	ssyncadd.s32 $0xFFFFC000  }
0x13e: {  	_ =	swait.ge [sflag:s13], $0x4000  }
0x13f: {  	[sflag:s13] =	ssyncset.done $0x0  }
0x140: {  	[sflag:s13] =	ssyncadd.s32 $0xFFFFC000  }
0x141: {  	[bflag:$0x0] =	sbarrier.arrive $0xFFFF  }
0x142: {  	[hbm:s24], [sflag:s6] =	dma.local [spmem:s10], $0x2800  }
0x143: {  	_ =	swait.ge [sflag:s11], $0x2800  }
0x144: {  	s18 =	sadd.s32 $0x1, s18;
	s20 =	rddreg [dreg:$0x5]  }
0x145: {  	p0 =	sne.s32 s18, s20  }
.Ltmp2:
0x146: {  	_ = 	snop;
	(pc) =	sbr.rel @p0 .LBB2_1-.Ltmp2, $3  }
0x147: {  	_ =	sdelay $0x1  }
0x148: {  	[sflag:s11] =	ssyncset.done $0x0  }
0x149: {  	[sflag:s11] =	ssyncadd.s32 $0xFFFFD800  }
0x14a: {  	_ =	sfence.sel $0x180000  }
0x14b: {  	[bflag:$0x0] =	sbarrier.arrive $0xFFFF  }
0x14c: {  	_ =	strace $0x9000004A  }
0x14d: {  	s0 =	stileid.u32;
	[bflag:$0x2] =	sbarrier.arrive $0xFFFF  }
0x14e: {  	p0 =	sne.s32 s0, $0x0;
	s0 =	rddreg [dreg:$0x3]  }
0x14f: {  	s0 =	sadd.s32 @!p0 $0x100000, s0  }
0x150: {  	[sflag:s0] =	ssyncadd.tile.s32 @!p0 $0x1;
	_ =	shalt  }
.Lfunc_end2:
_tile_overlayer_lowered:
.L_overlay_start_2:
0x151: {  	(tag) =	ssettag $0x2  }
0x152: {  	s0 =	rddreg [dreg:$0x0];
	s2 =	stileid.u32  }
0x153: {  	s1 =	rddreg [dreg:$0x1];
	p0 =	sne.s32 s2, $0x0  }
0x154: {  	s3 =	rddreg [dreg:$0x2];
	[bflag:$0x3] =	sbarrier.arrive $0xFFFF;
	s2 =	simm.s32 @!p0 $0x1C05  }
0x155: {  	[timem:s3], [sflag:s2] =	dma.local @!p0 [hbm:s0], s1  }
0x156: {  	s0 =	simm.s32 @!p0 $0x5  }
0x157: {  	_ =	swait.ge @!p0 [sflag:s0], s1  }
0x158: {  	s1 =	ssub.s32 @!p0 $0x0, s1;
	[sflag:s0] =	ssyncset.done @!p0 $0x0  }
0x159: {  	[sflag:s0] =	ssyncadd.s32 @!p0 s1  }
0x15a: {  	[bflag:$0x3] =	sbarrier.arrive $0xFFFF  }
0x15b: {  	_ =	shalt  }

</sc_bundles>
